<compile_context>
chip_gen: v7x
topology: tpu7x:2x2x1
jax: 0.10.2.dev20260603
libtpu: 0.0.44.dev20260713+nightly
codegen_flags: <defaults>
</compile_context>

<pallas_src>
import functools

import jax
import jax.numpy as jnp
from jax import lax
from jax.experimental import pallas as pl
from jax.experimental.pallas import tpu as pltpu
from jax.experimental.pallas import tpu_sc as plsc

N = 10000
D = 128
E = 320000

NC, NS = 2, 16
NW = NC * NS
B = 128
CH = 8

ETOT = E + N
NB = -(-ETOT // (NW * B * CH)) * CH
NCH = NB // CH
TILE_E = NB * B
EPAD = TILE_E * NW
TOTB = EPAD // B
NB16 = 2 * NB

NPAD = 10240
NSLICE = NPAD // NS

_mesh = plsc.VectorSubcoreMesh(
    core_axis_name="c", subcore_axis_name="s", num_cores=NC, num_subcores=NS)


@functools.partial(
    pl.kernel,
    out_type=jax.ShapeDtypeStruct((NW, NB, B), jnp.float32),
    mesh=_mesh,
    compiler_params=pltpu.CompilerParams(needs_layout_passes=False),
    scratch_types=[
        pltpu.VMEM_SHARED((NS, NPAD), jnp.float32),
        pltpu.VMEM_SHARED((NPAD,), jnp.float32),
        pltpu.VMEM((NPAD,), jnp.float32),
        pltpu.VMEM((NB16, B), jnp.int32),
        pltpu.VMEM((NB16, B), jnp.float32),
        pltpu.VMEM((NB, B), jnp.int32),
        pltpu.VMEM((NB, B), jnp.float32),
        pltpu.VMEM((NSLICE,), jnp.float32),
        pltpu.VMEM((NSLICE,), jnp.float32),
        pltpu.VMEM((NPAD,), jnp.float32),
    ],
)
def _norm_kernel(rows_h, cols_h, ew_h, norm_h, degs_sh, dis_sh, degacc,
                 c16, w16, r32, nst, dv, tv, disf):
    c = lax.axis_index("c")
    s = lax.axis_index("s")
    z16 = jnp.zeros((16,), jnp.float32)

    w = s * NC + c
    pltpu.sync_copy(cols_h.at[s], c16)
    pltpu.sync_copy(ew_h.at[s], w16)
    pltpu.sync_copy(rows_h.at[w], r32)

    def zb(i, _):
        degacc[pl.ds(pl.multiple_of(i * 16, 16), 16)] = z16
        return 0
    lax.fori_loop(0, NPAD // 16, zb, 0)

    def dblk(i, _):
        for k in range(B // 16):
            ksl = pl.ds(k * 16, 16)
            plsc.addupdate_scatter(degacc, [c16[i, ksl]], w16[i, ksl])
        return 0
    lax.fori_loop(0, NB16, dblk, 0)

    pltpu.sync_copy(degacc, degs_sh.at[s])
    plsc.subcore_barrier()

    pltpu.sync_copy(degs_sh.at[0, pl.ds(s * NSLICE, NSLICE)], dv)
    for t in range(1, NS):
        pltpu.sync_copy(degs_sh.at[t, pl.ds(s * NSLICE, NSLICE)], tv)

        def radd(i, _):
            ksl = pl.ds(pl.multiple_of(i * 16, 16), 16)
            dv[ksl] = dv[ksl] + tv[ksl]
            return 0
        lax.fori_loop(0, NSLICE // 16, radd, 0)

    half = jnp.full((16,), 0.5, jnp.float32)
    th = jnp.full((16,), 1.5, jnp.float32)
    one = jnp.full((16,), 1.0, jnp.float32)

    def rs(i, _):
        ksl = pl.ds(pl.multiple_of(i * 16, 16), 16)
        d = jnp.maximum(dv[ksl], one)
        y = one / d
        hd = half * d
        for _ in range(24):
            y = y * (th - hd * y * y)
        dv[ksl] = y
        return 0
    lax.fori_loop(0, NSLICE // 16, rs, 0)
    pltpu.sync_copy(dv, dis_sh.at[pl.ds(s * NSLICE, NSLICE)])
    plsc.subcore_barrier()

    pltpu.sync_copy(dis_sh, disf)

    def nblk(i, _):
        for k in range(B // 16):
            ksl = pl.ds(k * 16, 16)
            a = plsc.load_gather(disf, [r32[i, ksl]])
            b = plsc.load_gather(disf, [c16[c * NB + i, ksl]])
            nst[i, ksl] = a * w16[c * NB + i, ksl] * b
        return 0
    lax.fori_loop(0, NB, nblk, 0)
    pltpu.sync_copy(nst, norm_h.at[w])


@functools.partial(
    pl.kernel,
    out_type=jax.ShapeDtypeStruct((NC, N, D), jnp.float32),
    mesh=_mesh,
    compiler_params=pltpu.CompilerParams(needs_layout_passes=False,
                                         use_tc_tiling_on_sc=False),
    scratch_types=[
        pltpu.VMEM_SHARED((N, D), jnp.float32),
        pltpu.VMEM((2, CH, B), jnp.int32),
        pltpu.VMEM((2, CH, B), jnp.int32),
        pltpu.VMEM((2, CH, B), jnp.float32),
        pltpu.VMEM((3, B, D // 2), jnp.int32),
        pltpu.VMEM((B, D), jnp.float32),
        pltpu.SemaphoreType.DMA((2,)),
        pltpu.SemaphoreType.DMA,
        pltpu.SemaphoreType.DMA,
    ],
)
def _mp_kernel(h_h, rows_h, cols_h, norm_h, out_h, acc_sh, ridx, cidx, nv,
               rbuf, sbuf, semi, semg, sems):
    c = lax.axis_index("c")
    s = lax.axis_index("s")
    z16 = jnp.zeros((16,), jnp.float32)

    def zb(i, _):
        r = i // (D // 16)
        k = i % (D // 16)
        sbuf[r, pl.ds(pl.multiple_of(k * 16, 16), 16)] = z16
        return 0
    lax.fori_loop(0, B * D // 16, zb, 0)

    @pl.when(s < NS - 1)
    def _():
        for j in range(4):
            pltpu.sync_copy(sbuf, acc_sh.at[pl.ds(s * 624 + j * B, B)])
        pltpu.sync_copy(sbuf.at[pl.ds(0, 112)],
                        acc_sh.at[pl.ds(s * 624 + 4 * B, 112)])

    @pl.when(s == NS - 1)
    def _():
        for j in range(5):
            pltpu.sync_copy(sbuf, acc_sh.at[pl.ds(15 * 624 + j * B, B)])

    plsc.subcore_barrier()

    w = s * NC + c
    b0 = w * NB

    def chunk_load(cn):
        slot = cn % 2
        pltpu.async_copy(rows_h.at[pl.ds(b0 + cn * CH, CH)], ridx.at[slot],
                         semi.at[slot])
        pltpu.async_copy(cols_h.at[pl.ds(b0 + cn * CH, CH)], cidx.at[slot],
                         semi.at[slot])
        pltpu.async_copy(norm_h.at[pl.ds(b0 + cn * CH, CH)], nv.at[slot],
                         semi.at[slot])

    def chunk_wait(cn):
        slot = cn % 2
        pltpu.make_async_copy(rows_h.at[pl.ds(0, CH)], ridx.at[slot],
                              semi.at[slot]).wait()
        pltpu.make_async_copy(cols_h.at[pl.ds(0, CH)], cidx.at[slot],
                              semi.at[slot]).wait()
        pltpu.make_async_copy(norm_h.at[pl.ds(0, CH)], nv.at[slot],
                              semi.at[slot]).wait()

    pltpu.sync_copy(rows_h.at[pl.ds(b0, CH)], ridx.at[0])
    pltpu.sync_copy(cols_h.at[pl.ds(b0, CH)], cidx.at[0])
    pltpu.sync_copy(norm_h.at[pl.ds(b0, CH)], nv.at[0])
    pltpu.async_copy(h_h.at[ridx.at[0, 0]], rbuf.at[0], semg)
    pltpu.async_copy(h_h.at[ridx.at[0, 1]], rbuf.at[1], semg)

    def blk(i, _):
        sub = i % CH
        cn = i // CH
        j = i % 3

        pltpu.make_async_copy(h_h.at[ridx.at[0, 0]], rbuf.at[j], semg).wait()

        @pl.when(jnp.logical_and(i + 2 < NB, sub == CH - 2))
        def _():
            chunk_wait(cn + 1)

        @pl.when(i + 2 < NB)
        def _():
            pltpu.async_copy(
                h_h.at[ridx.at[((i + 2) // CH) % 2, (i + 2) % CH]],
                rbuf.at[(i + 2) % 3], semg)

        @pl.when(i >= 1)
        def _():
            pltpu.make_async_copy(sbuf, acc_sh.at[cidx.at[0, 0]],
                                  sems).wait()

        @pl.when(jnp.logical_and(sub == 0, cn + 1 < NCH))
        def _():
            chunk_load(cn + 1)

        @plsc.parallel_loop(0, B, step=1, unroll=8)
        def scale(e):
            ns = plsc.load_gather(nv.at[cn % 2, sub],
                                  [jnp.full((16,), e, jnp.int32)])
            for g in range(D // 32):
                v = plsc.bitcast(rbuf[j, e, pl.ds(g * 16, 16)], jnp.bfloat16)
                a, b = plsc.unpack(v, format=plsc.PackFormat.INTERLEAVED)
                sbuf[e, pl.ds(g * 32, 16)] = a * ns
                sbuf[e, pl.ds(g * 32 + 16, 16)] = b * ns

        pltpu.async_copy(sbuf, acc_sh.at[cidx.at[cn % 2, sub]],
                         sems, add=True)
        return 0
    lax.fori_loop(0, NB, blk, 0)

    pltpu.make_async_copy(sbuf, acc_sh.at[cidx.at[0, 0]], sems).wait()
    plsc.subcore_barrier()

    @pl.when(s < NS - 1)
    def _():
        pltpu.sync_copy(acc_sh.at[pl.ds(s * 624, 624)],
                        out_h.at[c, pl.ds(s * 624, 624)])

    @pl.when(s == NS - 1)
    def _():
        pltpu.sync_copy(acc_sh.at[pl.ds(15 * 624, 640)],
                        out_h.at[c, pl.ds(15 * 624, 640)])


def _mm_body(x_ref, w_ref, o_ref):
    o_ref[...] = lax.dot_general(
        x_ref[...], w_ref[...], (((1,), (1,)), ((), ())),
        preferred_element_type=jnp.float32).astype(jnp.bfloat16)


def _tc_matmul(x, W):
    return pl.pallas_call(
        _mm_body,
        grid=(10,),
        in_specs=[pl.BlockSpec((N // 10, D), lambda i: (i, 0)),
                  pl.BlockSpec((D, D), lambda i: (0, 0))],
        out_specs=pl.BlockSpec((N // 10, D), lambda i: (i, 0)),
        out_shape=jax.ShapeDtypeStruct((N, D), jnp.bfloat16),
    )(x, W)


def _mm2_body(p_ref, b_ref, w_ref, o_ref):
    t = jnp.maximum(p_ref[0] + p_ref[1] + b_ref[...], 0.0)
    o_ref[...] = lax.dot_general(
        t, w_ref[...], (((1,), (1,)), ((), ())),
        preferred_element_type=jnp.float32).astype(jnp.bfloat16)


def _tc_combine_matmul(p, b, W):
    return pl.pallas_call(
        _mm2_body,
        grid=(10,),
        in_specs=[pl.BlockSpec((NC, N // 10, D), lambda i: (0, i, 0)),
                  pl.BlockSpec((1, D), lambda i: (0, 0)),
                  pl.BlockSpec((D, D), lambda i: (0, 0))],
        out_specs=pl.BlockSpec((N // 10, D), lambda i: (i, 0)),
        out_shape=jax.ShapeDtypeStruct((N, D), jnp.bfloat16),
    )(p, b, W)


def _fin_body(p_ref, b_ref, o_ref):
    o_ref[...] = jnp.maximum(p_ref[0] + p_ref[1] + b_ref[...], 0.0)


def _tc_combine_relu(p, b):
    return pl.pallas_call(
        _fin_body,
        grid=(10,),
        in_specs=[pl.BlockSpec((NC, N // 10, D), lambda i: (0, i, 0)),
                  pl.BlockSpec((1, D), lambda i: (0, 0))],
        out_specs=pl.BlockSpec((N // 10, D), lambda i: (i, 0)),
        out_shape=jax.ShapeDtypeStruct((N, D), jnp.float32),
    )(p, b)


def kernel(x, edge_index, edge_weights, W1, b1, W2, b2):
    row = edge_index[0]
    col = edge_index[1]
    loop = jnp.arange(N, dtype=row.dtype)
    npad = EPAD - ETOT
    pad_idx = jnp.arange(npad, dtype=row.dtype) % N
    rows_flat = jnp.concatenate([row, loop, pad_idx])
    cols_flat = jnp.concatenate([col, loop, pad_idx])
    ew_flat = jnp.concatenate([edge_weights, jnp.ones((N,), jnp.float32),
                               jnp.zeros((npad,), jnp.float32)])
    rows3 = rows_flat.reshape(NW, NB, B)
    cols16 = cols_flat.reshape(NS, NB16, B)
    ew16 = ew_flat.reshape(NS, NB16, B)
    rows2 = rows_flat.reshape(TOTB, B)
    cols2 = cols_flat.reshape(TOTB, B)

    norm2 = _norm_kernel(rows3, cols16, ew16).reshape(TOTB, B)

    perm = []
    for g in range(D // 32):
        for m in range(16):
            perm.extend([32 * g + m, 32 * g + 16 + m])
    perm = jnp.array(perm, dtype=jnp.int32)

    def as_words(h):
        return lax.bitcast_convert_type(h.reshape(N, D // 2, 2), jnp.int32)

    h1 = as_words(_tc_matmul(x, W1[perm]))
    p1 = _mp_kernel(h1, rows2, cols2, norm2)
    h2 = as_words(_tc_combine_matmul(p1, b1.reshape(1, D), W2[perm]))
    p2 = _mp_kernel(h2, rows2, cols2, norm2)
    return _tc_combine_relu(p2, b2.reshape(1, D))

# --- scband reference (transcript-rebuilt; emitter-appended) ---
"""Pipeline reference for scband-hybrid-model-11295763988685 (READ-ONLY COPY).

The authoritative reference and input builder live on the scoring server;
editing this copy changes nothing except your own understanding.
"""

import jax, jax.numpy as jnp
import numpy as np

N = 10000
E = 320000
D = 128


def setup_inputs(seed: int = 0) -> dict:
    key = jax.random.key(seed)
    ks = jax.random.split(key, 8)
    x = jax.random.normal(ks[0], (N, D), dtype=jnp.float32)
    edge_index = jax.random.randint(ks[1], (2, E), 0, N, dtype=jnp.int32)
    edge_weights = jax.random.uniform(ks[2], (E,), dtype=jnp.float32)
    # GCNConv learned params (glorot-style init), layer1: D->128, layer2: 128->128
    std1 = (2.0 / (D + 128)) ** 0.5
    W1 = jax.random.normal(ks[3], (128, D), dtype=jnp.float32) * std1
    b1 = jnp.zeros((128,), dtype=jnp.float32)
    std2 = (2.0 / (128 + 128)) ** 0.5
    W2 = jax.random.normal(ks[4], (128, 128), dtype=jnp.float32) * std2
    b2 = jnp.zeros((128,), dtype=jnp.float32)
    return {"x": x, "edge_index": edge_index, "edge_weights": edge_weights,
            "W1": W1, "b1": b1, "W2": W2, "b2": b2}


def _gcn_conv(x, edge_index, edge_weight, W, b):
    # Faithful torch_geometric GCNConv: add self-loops (fill=1.0),
    # symmetric normalization D^{-1/2} A D^{-1/2}, linear transform, scatter-add, bias.
    n = x.shape[0]
    row = edge_index[0]
    col = edge_index[1]
    loop = jnp.arange(n, dtype=row.dtype)
    row = jnp.concatenate([row, loop])
    col = jnp.concatenate([col, loop])
    ew = jnp.concatenate([edge_weight, jnp.ones((n,), dtype=edge_weight.dtype)])
    deg = jnp.zeros((n,), dtype=ew.dtype).at[col].add(ew)
    deg_inv_sqrt = jnp.where(deg > 0, jax.lax.rsqrt(jnp.where(deg > 0, deg, 1.0)), 0.0)
    norm = deg_inv_sqrt[row] * ew * deg_inv_sqrt[col]
    h = x @ W.T
    msg = norm[:, None] * jnp.take(h, row, axis=0)
    out = jnp.zeros((n, h.shape[1]), dtype=h.dtype).at[col].add(msg)
    return out + b


def reference(x, edge_index, edge_weights, W1, b1, W2, b2):
    # BasicGcn.forward: two GCNConv layers, dropout p=0.0 (identity), relu activations
    h = _gcn_conv(x, edge_index, edge_weights, W1, b1)
    h = jax.nn.relu(h)
    h = _gcn_conv(h, edge_index, edge_weights, W2, b2)
    h = jax.nn.relu(h)
    return h

if __name__ == "__main__":
    import jax
    _d = setup_inputs()
    print(jax.jit(kernel)(*tuple(_d.values())))

</pallas_src>

<mosaic_0001>
#map = affine_map<(d0, d1) -> (0, 0, 0)>
module attributes {stable_mosaic.version = 14 : i64} {
  func.func @_norm_kernel(%arg0: i32, %arg1: i32, %arg2: memref<32x88x128xi32, #tpu.memory_space<hbm>>, %arg3: memref<16x176x128xi32, #tpu.memory_space<hbm>>, %arg4: memref<16x176x128xf32, #tpu.memory_space<hbm>>, %arg5: memref<32x88x128xf32, #tpu.memory_space<hbm>>, %arg6: memref<16x10240xf32, #tpu.memory_space<vmem_shared>>, %arg7: memref<10240xf32, #tpu.memory_space<vmem_shared>>, %arg8: memref<10240xf32, #tpu.memory_space<vmem>>, %arg9: memref<176x128xi32, #tpu.memory_space<vmem>>, %arg10: memref<176x128xf32, #tpu.memory_space<vmem>>, %arg11: memref<88x128xi32, #tpu.memory_space<vmem>>, %arg12: memref<88x128xf32, #tpu.memory_space<vmem>>, %arg13: memref<640xf32, #tpu.memory_space<vmem>>, %arg14: memref<640xf32, #tpu.memory_space<vmem>>, %arg15: memref<10240xf32, #tpu.memory_space<vmem>>) attributes {dimension_semantics = [#tpu.dimension_semantics<core_parallel>, #tpu.dimension_semantics<subcore_parallel>], iteration_bounds = array<i64: 2, 16>, scalar_prefetch = 0 : i64, scratch_operands = 10 : i64, tpu.core_type = #tpu.core_type<sc_vector_subcore>, window_params = [{transform_indices = #map}, {transform_indices = #map}, {transform_indices = #map}, {transform_indices = #map}]} {
    %broadcast_in_dim3A = arith.constant 0.000000e+00 : f32
    %broadcast_in_dim3A_0 = vector.broadcast %broadcast_in_dim3A : f32 to vector<16xf32>
    %mul3A = arith.constant 2 : i32
    %mul3A_1 = arith.muli %arg1, %mul3A : i32
    %add3A = arith.addi %mul3A_1, %arg0 : i32
    "tpu.region"() ({
      %run_scoped3A_190 = tpu.sem_alloc : memref<!tpu.dma_semaphore, #tpu.memory_space<semaphore_mem>>
      %dma_start3A = arith.constant 0 : i32
      %dma_start3A_191 = arith.constant 0 : i32
      %dma_start3A_192 = tpu.memref_slice %arg3[%arg1, %dma_start3A, %dma_start3A_191] : memref<16x176x128xi32, #tpu.memory_space<hbm>> -> memref<1x176x128xi32, #tpu.memory_space<hbm>>
      %dma_start3A_193 = tpu.memref_squeeze %dma_start3A_192 : memref<1x176x128xi32, #tpu.memory_space<hbm>> -> memref<176x128xi32, #tpu.memory_space<hbm>>
      %dma_start3A_194 = arith.constant 0 : i32
      %dma_start3A_195 = arith.constant 0 : i32
      %dma_start3A_196 = tpu.memref_slice %arg3[%arg1, %dma_start3A_194, %dma_start3A_195] : memref<16x176x128xi32, #tpu.memory_space<hbm>> -> memref<1x176x128xi32, #tpu.memory_space<hbm>>
      %dma_start3A_197 = tpu.memref_squeeze %dma_start3A_196 : memref<1x176x128xi32, #tpu.memory_space<hbm>> -> memref<176x128xi32, #tpu.memory_space<hbm>>
      tpu.enqueue_dma source(%dma_start3A_197 : memref<176x128xi32, #tpu.memory_space<hbm>>) target(%arg9 : memref<176x128xi32, #tpu.memory_space<vmem>>) target_semaphore(%run_scoped3A_190 : memref<!tpu.dma_semaphore, #tpu.memory_space<semaphore_mem>>)
      %dma_wait3A = arith.constant 0 : i32
      %dma_wait3A_198 = arith.constant 0 : i32
      %dma_wait3A_199 = tpu.memref_slice %arg3[%arg1, %dma_wait3A, %dma_wait3A_198] : memref<16x176x128xi32, #tpu.memory_space<hbm>> -> memref<1x176x128xi32, #tpu.memory_space<hbm>>
      %dma_wait3A_200 = tpu.memref_squeeze %dma_wait3A_199 : memref<1x176x128xi32, #tpu.memory_space<hbm>> -> memref<176x128xi32, #tpu.memory_space<hbm>>
      %dma_wait3A_201 = arith.constant 0 : i32
      %dma_wait3A_202 = arith.constant 0 : i32
      %dma_wait3A_203 = tpu.memref_slice %arg3[%arg1, %dma_wait3A_201, %dma_wait3A_202] : memref<16x176x128xi32, #tpu.memory_space<hbm>> -> memref<1x176x128xi32, #tpu.memory_space<hbm>>
      %dma_wait3A_204 = tpu.memref_squeeze %dma_wait3A_203 : memref<1x176x128xi32, #tpu.memory_space<hbm>> -> memref<176x128xi32, #tpu.memory_space<hbm>>
      tpu.wait_dma2 semaphore(%run_scoped3A_190 : memref<!tpu.dma_semaphore, #tpu.memory_space<semaphore_mem>>) src(%dma_wait3A_204 : memref<176x128xi32, #tpu.memory_space<hbm>>) dst(%arg9 : memref<176x128xi32, #tpu.memory_space<vmem>>)
      tpu.yield
    }) : () -> ()
    "tpu.region"() ({
      %run_scoped3A_190 = tpu.sem_alloc : memref<!tpu.dma_semaphore, #tpu.memory_space<semaphore_mem>>
      %dma_start3A = arith.constant 0 : i32
      %dma_start3A_191 = arith.constant 0 : i32
      %dma_start3A_192 = tpu.memref_slice %arg4[%arg1, %dma_start3A, %dma_start3A_191] : memref<16x176x128xf32, #tpu.memory_space<hbm>> -> memref<1x176x128xf32, #tpu.memory_space<hbm>>
      %dma_start3A_193 = tpu.memref_squeeze %dma_start3A_192 : memref<1x176x128xf32, #tpu.memory_space<hbm>> -> memref<176x128xf32, #tpu.memory_space<hbm>>
      %dma_start3A_194 = arith.constant 0 : i32
      %dma_start3A_195 = arith.constant 0 : i32
      %dma_start3A_196 = tpu.memref_slice %arg4[%arg1, %dma_start3A_194, %dma_start3A_195] : memref<16x176x128xf32, #tpu.memory_space<hbm>> -> memref<1x176x128xf32, #tpu.memory_space<hbm>>
      %dma_start3A_197 = tpu.memref_squeeze %dma_start3A_196 : memref<1x176x128xf32, #tpu.memory_space<hbm>> -> memref<176x128xf32, #tpu.memory_space<hbm>>
      tpu.enqueue_dma source(%dma_start3A_197 : memref<176x128xf32, #tpu.memory_space<hbm>>) target(%arg10 : memref<176x128xf32, #tpu.memory_space<vmem>>) target_semaphore(%run_scoped3A_190 : memref<!tpu.dma_semaphore, #tpu.memory_space<semaphore_mem>>)
      %dma_wait3A = arith.constant 0 : i32
      %dma_wait3A_198 = arith.constant 0 : i32
      %dma_wait3A_199 = tpu.memref_slice %arg4[%arg1, %dma_wait3A, %dma_wait3A_198] : memref<16x176x128xf32, #tpu.memory_space<hbm>> -> memref<1x176x128xf32, #tpu.memory_space<hbm>>
      %dma_wait3A_200 = tpu.memref_squeeze %dma_wait3A_199 : memref<1x176x128xf32, #tpu.memory_space<hbm>> -> memref<176x128xf32, #tpu.memory_space<hbm>>
      %dma_wait3A_201 = arith.constant 0 : i32
      %dma_wait3A_202 = arith.constant 0 : i32
      %dma_wait3A_203 = tpu.memref_slice %arg4[%arg1, %dma_wait3A_201, %dma_wait3A_202] : memref<16x176x128xf32, #tpu.memory_space<hbm>> -> memref<1x176x128xf32, #tpu.memory_space<hbm>>
      %dma_wait3A_204 = tpu.memref_squeeze %dma_wait3A_203 : memref<1x176x128xf32, #tpu.memory_space<hbm>> -> memref<176x128xf32, #tpu.memory_space<hbm>>
      tpu.wait_dma2 semaphore(%run_scoped3A_190 : memref<!tpu.dma_semaphore, #tpu.memory_space<semaphore_mem>>) src(%dma_wait3A_204 : memref<176x128xf32, #tpu.memory_space<hbm>>) dst(%arg10 : memref<176x128xf32, #tpu.memory_space<vmem>>)
      tpu.yield
    }) : () -> ()
    "tpu.region"() ({
      %run_scoped3A_190 = tpu.sem_alloc : memref<!tpu.dma_semaphore, #tpu.memory_space<semaphore_mem>>
      %dma_start3A = arith.constant 0 : i32
      %dma_start3A_191 = arith.constant 0 : i32
      %dma_start3A_192 = tpu.memref_slice %arg2[%add3A, %dma_start3A, %dma_start3A_191] : memref<32x88x128xi32, #tpu.memory_space<hbm>> -> memref<1x88x128xi32, #tpu.memory_space<hbm>>
      %dma_start3A_193 = tpu.memref_squeeze %dma_start3A_192 : memref<1x88x128xi32, #tpu.memory_space<hbm>> -> memref<88x128xi32, #tpu.memory_space<hbm>>
      %dma_start3A_194 = arith.constant 0 : i32
      %dma_start3A_195 = arith.constant 0 : i32
      %dma_start3A_196 = tpu.memref_slice %arg2[%add3A, %dma_start3A_194, %dma_start3A_195] : memref<32x88x128xi32, #tpu.memory_space<hbm>> -> memref<1x88x128xi32, #tpu.memory_space<hbm>>
      %dma_start3A_197 = tpu.memref_squeeze %dma_start3A_196 : memref<1x88x128xi32, #tpu.memory_space<hbm>> -> memref<88x128xi32, #tpu.memory_space<hbm>>
      tpu.enqueue_dma source(%dma_start3A_197 : memref<88x128xi32, #tpu.memory_space<hbm>>) target(%arg11 : memref<88x128xi32, #tpu.memory_space<vmem>>) target_semaphore(%run_scoped3A_190 : memref<!tpu.dma_semaphore, #tpu.memory_space<semaphore_mem>>)
      %dma_wait3A = arith.constant 0 : i32
      %dma_wait3A_198 = arith.constant 0 : i32
      %dma_wait3A_199 = tpu.memref_slice %arg2[%add3A, %dma_wait3A, %dma_wait3A_198] : memref<32x88x128xi32, #tpu.memory_space<hbm>> -> memref<1x88x128xi32, #tpu.memory_space<hbm>>
      %dma_wait3A_200 = tpu.memref_squeeze %dma_wait3A_199 : memref<1x88x128xi32, #tpu.memory_space<hbm>> -> memref<88x128xi32, #tpu.memory_space<hbm>>
      %dma_wait3A_201 = arith.constant 0 : i32
      %dma_wait3A_202 = arith.constant 0 : i32
      %dma_wait3A_203 = tpu.memref_slice %arg2[%add3A, %dma_wait3A_201, %dma_wait3A_202] : memref<32x88x128xi32, #tpu.memory_space<hbm>> -> memref<1x88x128xi32, #tpu.memory_space<hbm>>
      %dma_wait3A_204 = tpu.memref_squeeze %dma_wait3A_203 : memref<1x88x128xi32, #tpu.memory_space<hbm>> -> memref<88x128xi32, #tpu.memory_space<hbm>>
      tpu.wait_dma2 semaphore(%run_scoped3A_190 : memref<!tpu.dma_semaphore, #tpu.memory_space<semaphore_mem>>) src(%dma_wait3A_204 : memref<88x128xi32, #tpu.memory_space<hbm>>) dst(%arg11 : memref<88x128xi32, #tpu.memory_space<vmem>>)
      tpu.yield
    }) : () -> ()
    %scan3A = arith.constant 0 : i32
    %scan3A_2 = arith.constant 0 : i32
    %scan3A_3 = arith.constant 640 : i32
    %scan3A_4 = arith.addi %scan3A_2, %scan3A_3 : i32
    %scan3A_5 = arith.constant 1 : i32
    %scan3A_6 = scf.for %scan3A_190 = %scan3A_2 to %scan3A_4 step %scan3A_5 iter_args(%scan3A_191 = %scan3A) -> (i32)  : i32 {
      %mul3A_192 = arith.constant 16 : i32
      %mul3A_193 = arith.muli %scan3A_190, %mul3A_192 : i32
      %multiple_of3A = tpu.assume_multiple %mul3A_193, 16 : i32
      %swap3A = arith.index_cast %multiple_of3A : i32 to index
      %swap3A_194 = tpu.vector_load %arg8[%swap3A] {strides = array<i32>} : memref<10240xf32, #tpu.memory_space<vmem>>, vector<16xf32>,
      tpu.vector_store %arg8[%swap3A], %broadcast_in_dim3A_0 {strides = array<i32>} : memref<10240xf32, #tpu.memory_space<vmem>>, vector<16xf32>,
      %scan3A_195 = arith.constant 0 : i32
      scf.yield %scan3A_195 : i32
    }
    %scan3A_7 = arith.constant 640 : i32
    %scan3A_8 = arith.constant 0 : i32
    %scan3A_9 = arith.constant 0 : i32
    %scan3A_10 = arith.constant 176 : i32
    %scan3A_11 = arith.addi %scan3A_9, %scan3A_10 : i32
    %scan3A_12 = arith.constant 1 : i32
    %scan3A_13 = scf.for %scan3A_190 = %scan3A_9 to %scan3A_11 step %scan3A_12 iter_args(%scan3A_191 = %scan3A_8) -> (i32)  : i32 {
      %get3A = arith.index_cast %scan3A_190 : i32 to index
      %get3A_192 = arith.constant 0 : index
      %get3A_193 = tpu.vector_load %arg9[%get3A, %get3A_192] {strides = array<i32>} : memref<176x128xi32, #tpu.memory_space<vmem>>, vector<16xi32>,
      %get3A_194 = arith.index_cast %scan3A_190 : i32 to index
      %get3A_195 = arith.constant 0 : index
      %get3A_196 = tpu.vector_load %arg10[%get3A_194, %get3A_195] {strides = array<i32>} : memref<176x128xf32, #tpu.memory_space<vmem>>, vector<16xf32>,
      tpu.vector_store_idx %arg8[%get3A_193], %get3A_196 {add = true} : memref<10240xf32, #tpu.memory_space<vmem>>[vector<16xi32>], vector<16xf32>,
      %get3A_197 = arith.index_cast %scan3A_190 : i32 to index
      %get3A_198 = arith.constant 16 : index
      %get3A_199 = tpu.vector_load %arg9[%get3A_197, %get3A_198] {strides = array<i32>} : memref<176x128xi32, #tpu.memory_space<vmem>>, vector<16xi32>,
      %get3A_200 = arith.index_cast %scan3A_190 : i32 to index
      %get3A_201 = arith.constant 16 : index
      %get3A_202 = tpu.vector_load %arg10[%get3A_200, %get3A_201] {strides = array<i32>} : memref<176x128xf32, #tpu.memory_space<vmem>>, vector<16xf32>,
      tpu.vector_store_idx %arg8[%get3A_199], %get3A_202 {add = true} : memref<10240xf32, #tpu.memory_space<vmem>>[vector<16xi32>], vector<16xf32>,
      %get3A_203 = arith.index_cast %scan3A_190 : i32 to index
      %get3A_204 = arith.constant 32 : index
      %get3A_205 = tpu.vector_load %arg9[%get3A_203, %get3A_204] {strides = array<i32>} : memref<176x128xi32, #tpu.memory_space<vmem>>, vector<16xi32>,
      %get3A_206 = arith.index_cast %scan3A_190 : i32 to index
      %get3A_207 = arith.constant 32 : index
      %get3A_208 = tpu.vector_load %arg10[%get3A_206, %get3A_207] {strides = array<i32>} : memref<176x128xf32, #tpu.memory_space<vmem>>, vector<16xf32>,
      tpu.vector_store_idx %arg8[%get3A_205], %get3A_208 {add = true} : memref<10240xf32, #tpu.memory_space<vmem>>[vector<16xi32>], vector<16xf32>,
      %get3A_209 = arith.index_cast %scan3A_190 : i32 to index
      %get3A_210 = arith.constant 48 : index
      %get3A_211 = tpu.vector_load %arg9[%get3A_209, %get3A_210] {strides = array<i32>} : memref<176x128xi32, #tpu.memory_space<vmem>>, vector<16xi32>,
      %get3A_212 = arith.index_cast %scan3A_190 : i32 to index
      %get3A_213 = arith.constant 48 : index
      %get3A_214 = tpu.vector_load %arg10[%get3A_212, %get3A_213] {strides = array<i32>} : memref<176x128xf32, #tpu.memory_space<vmem>>, vector<16xf32>,
      tpu.vector_store_idx %arg8[%get3A_211], %get3A_214 {add = true} : memref<10240xf32, #tpu.memory_space<vmem>>[vector<16xi32>], vector<16xf32>,
      %get3A_215 = arith.index_cast %scan3A_190 : i32 to index
      %get3A_216 = arith.constant 64 : index
      %get3A_217 = tpu.vector_load %arg9[%get3A_215, %get3A_216] {strides = array<i32>} : memref<176x128xi32, #tpu.memory_space<vmem>>, vector<16xi32>,
      %get3A_218 = arith.index_cast %scan3A_190 : i32 to index
      %get3A_219 = arith.constant 64 : index
      %get3A_220 = tpu.vector_load %arg10[%get3A_218, %get3A_219] {strides = array<i32>} : memref<176x128xf32, #tpu.memory_space<vmem>>, vector<16xf32>,
      tpu.vector_store_idx %arg8[%get3A_217], %get3A_220 {add = true} : memref<10240xf32, #tpu.memory_space<vmem>>[vector<16xi32>], vector<16xf32>,
      %get3A_221 = arith.index_cast %scan3A_190 : i32 to index
      %get3A_222 = arith.constant 80 : index
      %get3A_223 = tpu.vector_load %arg9[%get3A_221, %get3A_222] {strides = array<i32>} : memref<176x128xi32, #tpu.memory_space<vmem>>, vector<16xi32>,
      %get3A_224 = arith.index_cast %scan3A_190 : i32 to index
      %get3A_225 = arith.constant 80 : index
      %get3A_226 = tpu.vector_load %arg10[%get3A_224, %get3A_225] {strides = array<i32>} : memref<176x128xf32, #tpu.memory_space<vmem>>, vector<16xf32>,
      tpu.vector_store_idx %arg8[%get3A_223], %get3A_226 {add = true} : memref<10240xf32, #tpu.memory_space<vmem>>[vector<16xi32>], vector<16xf32>,
      %get3A_227 = arith.index_cast %scan3A_190 : i32 to index
      %get3A_228 = arith.constant 96 : index
      %get3A_229 = tpu.vector_load %arg9[%get3A_227, %get3A_228] {strides = array<i32>} : memref<176x128xi32, #tpu.memory_space<vmem>>, vector<16xi32>,
      %get3A_230 = arith.index_cast %scan3A_190 : i32 to index
      %get3A_231 = arith.constant 96 : index
      %get3A_232 = tpu.vector_load %arg10[%get3A_230, %get3A_231] {strides = array<i32>} : memref<176x128xf32, #tpu.memory_space<vmem>>, vector<16xf32>,
      tpu.vector_store_idx %arg8[%get3A_229], %get3A_232 {add = true} : memref<10240xf32, #tpu.memory_space<vmem>>[vector<16xi32>], vector<16xf32>,
      %get3A_233 = arith.index_cast %scan3A_190 : i32 to index
      %get3A_234 = arith.constant 112 : index
      %get3A_235 = tpu.vector_load %arg9[%get3A_233, %get3A_234] {strides = array<i32>} : memref<176x128xi32, #tpu.memory_space<vmem>>, vector<16xi32>,
      %get3A_236 = arith.index_cast %scan3A_190 : i32 to index
      %get3A_237 = arith.constant 112 : index
      %get3A_238 = tpu.vector_load %arg10[%get3A_236, %get3A_237] {strides = array<i32>} : memref<176x128xf32, #tpu.memory_space<vmem>>, vector<16xf32>,
      tpu.vector_store_idx %arg8[%get3A_235], %get3A_238 {add = true} : memref<10240xf32, #tpu.memory_space<vmem>>[vector<16xi32>], vector<16xf32>,
      %scan3A_239 = arith.constant 0 : i32
      scf.yield %scan3A_239 : i32
    }
    %scan3A_14 = arith.constant 176 : i32
    "tpu.region"() ({
      %run_scoped3A_190 = tpu.sem_alloc : memref<!tpu.dma_semaphore, #tpu.memory_space<semaphore_mem>>
      %dma_start3A = arith.constant 0 : i32
      %dma_start3A_191 = tpu.memref_slice %arg6[%arg1, %dma_start3A] : memref<16x10240xf32, #tpu.memory_space<vmem_shared>> -> memref<1x10240xf32, #tpu.memory_space<vmem_shared>>
      %dma_start3A_192 = tpu.memref_squeeze %dma_start3A_191 : memref<1x10240xf32, #tpu.memory_space<vmem_shared>> -> memref<10240xf32, #tpu.memory_space<vmem_shared>>
      %dma_start3A_193 = arith.constant 0 : i32
      %dma_start3A_194 = tpu.memref_slice %arg6[%arg1, %dma_start3A_193] : memref<16x10240xf32, #tpu.memory_space<vmem_shared>> -> memref<1x10240xf32, #tpu.memory_space<vmem_shared>>
      %dma_start3A_195 = tpu.memref_squeeze %dma_start3A_194 : memref<1x10240xf32, #tpu.memory_space<vmem_shared>> -> memref<10240xf32, #tpu.memory_space<vmem_shared>>
      tpu.enqueue_dma source(%arg8 : memref<10240xf32, #tpu.memory_space<vmem>>) target(%dma_start3A_195 : memref<10240xf32, #tpu.memory_space<vmem_shared>>) target_semaphore(%run_scoped3A_190 : memref<!tpu.dma_semaphore, #tpu.memory_space<semaphore_mem>>)
      %dma_wait3A = arith.constant 0 : i32
      %dma_wait3A_196 = tpu.memref_slice %arg6[%arg1, %dma_wait3A] : memref<16x10240xf32, #tpu.memory_space<vmem_shared>> -> memref<1x10240xf32, #tpu.memory_space<vmem_shared>>
      %dma_wait3A_197 = tpu.memref_squeeze %dma_wait3A_196 : memref<1x10240xf32, #tpu.memory_space<vmem_shared>> -> memref<10240xf32, #tpu.memory_space<vmem_shared>>
      %dma_wait3A_198 = arith.constant 0 : i32
      %dma_wait3A_199 = tpu.memref_slice %arg6[%arg1, %dma_wait3A_198] : memref<16x10240xf32, #tpu.memory_space<vmem_shared>> -> memref<1x10240xf32, #tpu.memory_space<vmem_shared>>
      %dma_wait3A_200 = tpu.memref_squeeze %dma_wait3A_199 : memref<1x10240xf32, #tpu.memory_space<vmem_shared>> -> memref<10240xf32, #tpu.memory_space<vmem_shared>>
      tpu.wait_dma2 semaphore(%run_scoped3A_190 : memref<!tpu.dma_semaphore, #tpu.memory_space<semaphore_mem>>) src(%arg8 : memref<10240xf32, #tpu.memory_space<vmem>>) dst(%dma_wait3A_200 : memref<10240xf32, #tpu.memory_space<vmem_shared>>)
      tpu.yield
    }) : () -> ()
    %barrier3A = arith.constant 0 : index
    tpu.barrier barrier_id(%barrier3A)
    %mul3A_15 = arith.constant 640 : i32
    %mul3A_16 = arith.muli %arg1, %mul3A_15 : i32
    %run_scoped3A = arith.constant 0 : i32
    "tpu.region"() ({
      %run_scoped3A_190 = tpu.sem_alloc : memref<!tpu.dma_semaphore, #tpu.memory_space<semaphore_mem>>
      %dma_start3A = tpu.memref_slice %arg6[%run_scoped3A, %mul3A_16] : memref<16x10240xf32, #tpu.memory_space<vmem_shared>> -> memref<1x640xf32, #tpu.memory_space<vmem_shared>>
      %dma_start3A_191 = tpu.memref_squeeze %dma_start3A : memref<1x640xf32, #tpu.memory_space<vmem_shared>> -> memref<640xf32, #tpu.memory_space<vmem_shared>>
      %dma_start3A_192 = tpu.memref_slice %arg6[%run_scoped3A, %mul3A_16] : memref<16x10240xf32, #tpu.memory_space<vmem_shared>> -> memref<1x640xf32, #tpu.memory_space<vmem_shared>>
      %dma_start3A_193 = tpu.memref_squeeze %dma_start3A_192 : memref<1x640xf32, #tpu.memory_space<vmem_shared>> -> memref<640xf32, #tpu.memory_space<vmem_shared>>
      tpu.enqueue_dma source(%dma_start3A_193 : memref<640xf32, #tpu.memory_space<vmem_shared>>) target(%arg13 : memref<640xf32, #tpu.memory_space<vmem>>) target_semaphore(%run_scoped3A_190 : memref<!tpu.dma_semaphore, #tpu.memory_space<semaphore_mem>>)
      %dma_wait3A = tpu.memref_slice %arg6[%run_scoped3A, %mul3A_16] : memref<16x10240xf32, #tpu.memory_space<vmem_shared>> -> memref<1x640xf32, #tpu.memory_space<vmem_shared>>
      %dma_wait3A_194 = tpu.memref_squeeze %dma_wait3A : memref<1x640xf32, #tpu.memory_space<vmem_shared>> -> memref<640xf32, #tpu.memory_space<vmem_shared>>
      %dma_wait3A_195 = tpu.memref_slice %arg6[%run_scoped3A, %mul3A_16] : memref<16x10240xf32, #tpu.memory_space<vmem_shared>> -> memref<1x640xf32, #tpu.memory_space<vmem_shared>>
      %dma_wait3A_196 = tpu.memref_squeeze %dma_wait3A_195 : memref<1x640xf32, #tpu.memory_space<vmem_shared>> -> memref<640xf32, #tpu.memory_space<vmem_shared>>
      tpu.wait_dma2 semaphore(%run_scoped3A_190 : memref<!tpu.dma_semaphore, #tpu.memory_space<semaphore_mem>>) src(%dma_wait3A_196 : memref<640xf32, #tpu.memory_space<vmem_shared>>) dst(%arg13 : memref<640xf32, #tpu.memory_space<vmem>>)
      tpu.yield
    }) : () -> ()
    %mul3A_17 = arith.constant 640 : i32
    %mul3A_18 = arith.muli %arg1, %mul3A_17 : i32
    %run_scoped3A_19 = arith.constant 1 : i32
    "tpu.region"() ({
      %run_scoped3A_190 = tpu.sem_alloc : memref<!tpu.dma_semaphore, #tpu.memory_space<semaphore_mem>>
      %dma_start3A = tpu.memref_slice %arg6[%run_scoped3A_19, %mul3A_18] : memref<16x10240xf32, #tpu.memory_space<vmem_shared>> -> memref<1x640xf32, #tpu.memory_space<vmem_shared>>
      %dma_start3A_191 = tpu.memref_squeeze %dma_start3A : memref<1x640xf32, #tpu.memory_space<vmem_shared>> -> memref<640xf32, #tpu.memory_space<vmem_shared>>
      %dma_start3A_192 = tpu.memref_slice %arg6[%run_scoped3A_19, %mul3A_18] : memref<16x10240xf32, #tpu.memory_space<vmem_shared>> -> memref<1x640xf32, #tpu.memory_space<vmem_shared>>
      %dma_start3A_193 = tpu.memref_squeeze %dma_start3A_192 : memref<1x640xf32, #tpu.memory_space<vmem_shared>> -> memref<640xf32, #tpu.memory_space<vmem_shared>>
      tpu.enqueue_dma source(%dma_start3A_193 : memref<640xf32, #tpu.memory_space<vmem_shared>>) target(%arg14 : memref<640xf32, #tpu.memory_space<vmem>>) target_semaphore(%run_scoped3A_190 : memref<!tpu.dma_semaphore, #tpu.memory_space<semaphore_mem>>)
      %dma_wait3A = tpu.memref_slice %arg6[%run_scoped3A_19, %mul3A_18] : memref<16x10240xf32, #tpu.memory_space<vmem_shared>> -> memref<1x640xf32, #tpu.memory_space<vmem_shared>>
      %dma_wait3A_194 = tpu.memref_squeeze %dma_wait3A : memref<1x640xf32, #tpu.memory_space<vmem_shared>> -> memref<640xf32, #tpu.memory_space<vmem_shared>>
      %dma_wait3A_195 = tpu.memref_slice %arg6[%run_scoped3A_19, %mul3A_18] : memref<16x10240xf32, #tpu.memory_space<vmem_shared>> -> memref<1x640xf32, #tpu.memory_space<vmem_shared>>
      %dma_wait3A_196 = tpu.memref_squeeze %dma_wait3A_195 : memref<1x640xf32, #tpu.memory_space<vmem_shared>> -> memref<640xf32, #tpu.memory_space<vmem_shared>>
      tpu.wait_dma2 semaphore(%run_scoped3A_190 : memref<!tpu.dma_semaphore, #tpu.memory_space<semaphore_mem>>) src(%dma_wait3A_196 : memref<640xf32, #tpu.memory_space<vmem_shared>>) dst(%arg14 : memref<640xf32, #tpu.memory_space<vmem>>)
      tpu.yield
    }) : () -> ()
    %scan3A_20 = arith.constant 0 : i32
    %scan3A_21 = arith.constant 0 : i32
    %scan3A_22 = arith.constant 40 : i32
    %scan3A_23 = arith.addi %scan3A_21, %scan3A_22 : i32
    %scan3A_24 = arith.constant 1 : i32
    %scan3A_25 = scf.for %scan3A_190 = %scan3A_21 to %scan3A_23 step %scan3A_24 iter_args(%scan3A_191 = %scan3A_20) -> (i32)  : i32 {
      %mul3A_192 = arith.constant 16 : i32
      %mul3A_193 = arith.muli %scan3A_190, %mul3A_192 : i32
      %multiple_of3A = tpu.assume_multiple %mul3A_193, 16 : i32
      %get3A = arith.index_cast %multiple_of3A : i32 to index
      %get3A_194 = tpu.vector_load %arg13[%get3A] {strides = array<i32>} : memref<640xf32, #tpu.memory_space<vmem>>, vector<16xf32>,
      %get3A_195 = arith.index_cast %multiple_of3A : i32 to index
      %get3A_196 = tpu.vector_load %arg14[%get3A_195] {strides = array<i32>} : memref<640xf32, #tpu.memory_space<vmem>>, vector<16xf32>,
      %add3A_197 = arith.addf %get3A_194, %get3A_196 : vector<16xf32>
      %swap3A = arith.index_cast %multiple_of3A : i32 to index
      %swap3A_198 = tpu.vector_load %arg13[%swap3A] {strides = array<i32>} : memref<640xf32, #tpu.memory_space<vmem>>, vector<16xf32>,
      tpu.vector_store %arg13[%swap3A], %add3A_197 {strides = array<i32>} : memref<640xf32, #tpu.memory_space<vmem>>, vector<16xf32>,
      %scan3A_199 = arith.constant 0 : i32
      scf.yield %scan3A_199 : i32
    }
    %scan3A_26 = arith.constant 40 : i32
    %mul3A_27 = arith.constant 640 : i32
    %mul3A_28 = arith.muli %arg1, %mul3A_27 : i32
    %run_scoped3A_29 = arith.constant 2 : i32
    "tpu.region"() ({
      %run_scoped3A_190 = tpu.sem_alloc : memref<!tpu.dma_semaphore, #tpu.memory_space<semaphore_mem>>
      %dma_start3A = tpu.memref_slice %arg6[%run_scoped3A_29, %mul3A_28] : memref<16x10240xf32, #tpu.memory_space<vmem_shared>> -> memref<1x640xf32, #tpu.memory_space<vmem_shared>>
      %dma_start3A_191 = tpu.memref_squeeze %dma_start3A : memref<1x640xf32, #tpu.memory_space<vmem_shared>> -> memref<640xf32, #tpu.memory_space<vmem_shared>>
      %dma_start3A_192 = tpu.memref_slice %arg6[%run_scoped3A_29, %mul3A_28] : memref<16x10240xf32, #tpu.memory_space<vmem_shared>> -> memref<1x640xf32, #tpu.memory_space<vmem_shared>>
      %dma_start3A_193 = tpu.memref_squeeze %dma_start3A_192 : memref<1x640xf32, #tpu.memory_space<vmem_shared>> -> memref<640xf32, #tpu.memory_space<vmem_shared>>
      tpu.enqueue_dma source(%dma_start3A_193 : memref<640xf32, #tpu.memory_space<vmem_shared>>) target(%arg14 : memref<640xf32, #tpu.memory_space<vmem>>) target_semaphore(%run_scoped3A_190 : memref<!tpu.dma_semaphore, #tpu.memory_space<semaphore_mem>>)
      %dma_wait3A = tpu.memref_slice %arg6[%run_scoped3A_29, %mul3A_28] : memref<16x10240xf32, #tpu.memory_space<vmem_shared>> -> memref<1x640xf32, #tpu.memory_space<vmem_shared>>
      %dma_wait3A_194 = tpu.memref_squeeze %dma_wait3A : memref<1x640xf32, #tpu.memory_space<vmem_shared>> -> memref<640xf32, #tpu.memory_space<vmem_shared>>
      %dma_wait3A_195 = tpu.memref_slice %arg6[%run_scoped3A_29, %mul3A_28] : memref<16x10240xf32, #tpu.memory_space<vmem_shared>> -> memref<1x640xf32, #tpu.memory_space<vmem_shared>>
      %dma_wait3A_196 = tpu.memref_squeeze %dma_wait3A_195 : memref<1x640xf32, #tpu.memory_space<vmem_shared>> -> memref<640xf32, #tpu.memory_space<vmem_shared>>
      tpu.wait_dma2 semaphore(%run_scoped3A_190 : memref<!tpu.dma_semaphore, #tpu.memory_space<semaphore_mem>>) src(%dma_wait3A_196 : memref<640xf32, #tpu.memory_space<vmem_shared>>) dst(%arg14 : memref<640xf32, #tpu.memory_space<vmem>>)
      tpu.yield
    }) : () -> ()
    %scan3A_30 = arith.constant 0 : i32
    %scan3A_31 = arith.constant 0 : i32
    %scan3A_32 = arith.constant 40 : i32
    %scan3A_33 = arith.addi %scan3A_31, %scan3A_32 : i32
    %scan3A_34 = arith.constant 1 : i32
    %scan3A_35 = scf.for %scan3A_190 = %scan3A_31 to %scan3A_33 step %scan3A_34 iter_args(%scan3A_191 = %scan3A_30) -> (i32)  : i32 {
      %mul3A_192 = arith.constant 16 : i32
      %mul3A_193 = arith.muli %scan3A_190, %mul3A_192 : i32
      %multiple_of3A = tpu.assume_multiple %mul3A_193, 16 : i32
      %get3A = arith.index_cast %multiple_of3A : i32 to index
      %get3A_194 = tpu.vector_load %arg13[%get3A] {strides = array<i32>} : memref<640xf32, #tpu.memory_space<vmem>>, vector<16xf32>,
      %get3A_195 = arith.index_cast %multiple_of3A : i32 to index
      %get3A_196 = tpu.vector_load %arg14[%get3A_195] {strides = array<i32>} : memref<640xf32, #tpu.memory_space<vmem>>, vector<16xf32>,
      %add3A_197 = arith.addf %get3A_194, %get3A_196 : vector<16xf32>
      %swap3A = arith.index_cast %multiple_of3A : i32 to index
      %swap3A_198 = tpu.vector_load %arg13[%swap3A] {strides = array<i32>} : memref<640xf32, #tpu.memory_space<vmem>>, vector<16xf32>,
      tpu.vector_store %arg13[%swap3A], %add3A_197 {strides = array<i32>} : memref<640xf32, #tpu.memory_space<vmem>>, vector<16xf32>,
      %scan3A_199 = arith.constant 0 : i32
      scf.yield %scan3A_199 : i32
    }
    %scan3A_36 = arith.constant 40 : i32
    %mul3A_37 = arith.constant 640 : i32
    %mul3A_38 = arith.muli %arg1, %mul3A_37 : i32
    %run_scoped3A_39 = arith.constant 3 : i32
    "tpu.region"() ({
      %run_scoped3A_190 = tpu.sem_alloc : memref<!tpu.dma_semaphore, #tpu.memory_space<semaphore_mem>>
      %dma_start3A = tpu.memref_slice %arg6[%run_scoped3A_39, %mul3A_38] : memref<16x10240xf32, #tpu.memory_space<vmem_shared>> -> memref<1x640xf32, #tpu.memory_space<vmem_shared>>
      %dma_start3A_191 = tpu.memref_squeeze %dma_start3A : memref<1x640xf32, #tpu.memory_space<vmem_shared>> -> memref<640xf32, #tpu.memory_space<vmem_shared>>
      %dma_start3A_192 = tpu.memref_slice %arg6[%run_scoped3A_39, %mul3A_38] : memref<16x10240xf32, #tpu.memory_space<vmem_shared>> -> memref<1x640xf32, #tpu.memory_space<vmem_shared>>
      %dma_start3A_193 = tpu.memref_squeeze %dma_start3A_192 : memref<1x640xf32, #tpu.memory_space<vmem_shared>> -> memref<640xf32, #tpu.memory_space<vmem_shared>>
      tpu.enqueue_dma source(%dma_start3A_193 : memref<640xf32, #tpu.memory_space<vmem_shared>>) target(%arg14 : memref<640xf32, #tpu.memory_space<vmem>>) target_semaphore(%run_scoped3A_190 : memref<!tpu.dma_semaphore, #tpu.memory_space<semaphore_mem>>)
      %dma_wait3A = tpu.memref_slice %arg6[%run_scoped3A_39, %mul3A_38] : memref<16x10240xf32, #tpu.memory_space<vmem_shared>> -> memref<1x640xf32, #tpu.memory_space<vmem_shared>>
      %dma_wait3A_194 = tpu.memref_squeeze %dma_wait3A : memref<1x640xf32, #tpu.memory_space<vmem_shared>> -> memref<640xf32, #tpu.memory_space<vmem_shared>>
      %dma_wait3A_195 = tpu.memref_slice %arg6[%run_scoped3A_39, %mul3A_38] : memref<16x10240xf32, #tpu.memory_space<vmem_shared>> -> memref<1x640xf32, #tpu.memory_space<vmem_shared>>
      %dma_wait3A_196 = tpu.memref_squeeze %dma_wait3A_195 : memref<1x640xf32, #tpu.memory_space<vmem_shared>> -> memref<640xf32, #tpu.memory_space<vmem_shared>>
      tpu.wait_dma2 semaphore(%run_scoped3A_190 : memref<!tpu.dma_semaphore, #tpu.memory_space<semaphore_mem>>) src(%dma_wait3A_196 : memref<640xf32, #tpu.memory_space<vmem_shared>>) dst(%arg14 : memref<640xf32, #tpu.memory_space<vmem>>)
      tpu.yield
    }) : () -> ()
    %scan3A_40 = arith.constant 0 : i32
    %scan3A_41 = arith.constant 0 : i32
    %scan3A_42 = arith.constant 40 : i32
    %scan3A_43 = arith.addi %scan3A_41, %scan3A_42 : i32
    %scan3A_44 = arith.constant 1 : i32
    %scan3A_45 = scf.for %scan3A_190 = %scan3A_41 to %scan3A_43 step %scan3A_44 iter_args(%scan3A_191 = %scan3A_40) -> (i32)  : i32 {
      %mul3A_192 = arith.constant 16 : i32
      %mul3A_193 = arith.muli %scan3A_190, %mul3A_192 : i32
      %multiple_of3A = tpu.assume_multiple %mul3A_193, 16 : i32
      %get3A = arith.index_cast %multiple_of3A : i32 to index
      %get3A_194 = tpu.vector_load %arg13[%get3A] {strides = array<i32>} : memref<640xf32, #tpu.memory_space<vmem>>, vector<16xf32>,
      %get3A_195 = arith.index_cast %multiple_of3A : i32 to index
      %get3A_196 = tpu.vector_load %arg14[%get3A_195] {strides = array<i32>} : memref<640xf32, #tpu.memory_space<vmem>>, vector<16xf32>,
      %add3A_197 = arith.addf %get3A_194, %get3A_196 : vector<16xf32>
      %swap3A = arith.index_cast %multiple_of3A : i32 to index
      %swap3A_198 = tpu.vector_load %arg13[%swap3A] {strides = array<i32>} : memref<640xf32, #tpu.memory_space<vmem>>, vector<16xf32>,
      tpu.vector_store %arg13[%swap3A], %add3A_197 {strides = array<i32>} : memref<640xf32, #tpu.memory_space<vmem>>, vector<16xf32>,
      %scan3A_199 = arith.constant 0 : i32
      scf.yield %scan3A_199 : i32
    }
    %scan3A_46 = arith.constant 40 : i32
    %mul3A_47 = arith.constant 640 : i32
    %mul3A_48 = arith.muli %arg1, %mul3A_47 : i32
    %run_scoped3A_49 = arith.constant 4 : i32
    "tpu.region"() ({
      %run_scoped3A_190 = tpu.sem_alloc : memref<!tpu.dma_semaphore, #tpu.memory_space<semaphore_mem>>
      %dma_start3A = tpu.memref_slice %arg6[%run_scoped3A_49, %mul3A_48] : memref<16x10240xf32, #tpu.memory_space<vmem_shared>> -> memref<1x640xf32, #tpu.memory_space<vmem_shared>>
      %dma_start3A_191 = tpu.memref_squeeze %dma_start3A : memref<1x640xf32, #tpu.memory_space<vmem_shared>> -> memref<640xf32, #tpu.memory_space<vmem_shared>>
      %dma_start3A_192 = tpu.memref_slice %arg6[%run_scoped3A_49, %mul3A_48] : memref<16x10240xf32, #tpu.memory_space<vmem_shared>> -> memref<1x640xf32, #tpu.memory_space<vmem_shared>>
      %dma_start3A_193 = tpu.memref_squeeze %dma_start3A_192 : memref<1x640xf32, #tpu.memory_space<vmem_shared>> -> memref<640xf32, #tpu.memory_space<vmem_shared>>
      tpu.enqueue_dma source(%dma_start3A_193 : memref<640xf32, #tpu.memory_space<vmem_shared>>) target(%arg14 : memref<640xf32, #tpu.memory_space<vmem>>) target_semaphore(%run_scoped3A_190 : memref<!tpu.dma_semaphore, #tpu.memory_space<semaphore_mem>>)
      %dma_wait3A = tpu.memref_slice %arg6[%run_scoped3A_49, %mul3A_48] : memref<16x10240xf32, #tpu.memory_space<vmem_shared>> -> memref<1x640xf32, #tpu.memory_space<vmem_shared>>
      %dma_wait3A_194 = tpu.memref_squeeze %dma_wait3A : memref<1x640xf32, #tpu.memory_space<vmem_shared>> -> memref<640xf32, #tpu.memory_space<vmem_shared>>
      %dma_wait3A_195 = tpu.memref_slice %arg6[%run_scoped3A_49, %mul3A_48] : memref<16x10240xf32, #tpu.memory_space<vmem_shared>> -> memref<1x640xf32, #tpu.memory_space<vmem_shared>>
      %dma_wait3A_196 = tpu.memref_squeeze %dma_wait3A_195 : memref<1x640xf32, #tpu.memory_space<vmem_shared>> -> memref<640xf32, #tpu.memory_space<vmem_shared>>
      tpu.wait_dma2 semaphore(%run_scoped3A_190 : memref<!tpu.dma_semaphore, #tpu.memory_space<semaphore_mem>>) src(%dma_wait3A_196 : memref<640xf32, #tpu.memory_space<vmem_shared>>) dst(%arg14 : memref<640xf32, #tpu.memory_space<vmem>>)
      tpu.yield
    }) : () -> ()
    %scan3A_50 = arith.constant 0 : i32
    %scan3A_51 = arith.constant 0 : i32
    %scan3A_52 = arith.constant 40 : i32
    %scan3A_53 = arith.addi %scan3A_51, %scan3A_52 : i32
    %scan3A_54 = arith.constant 1 : i32
    %scan3A_55 = scf.for %scan3A_190 = %scan3A_51 to %scan3A_53 step %scan3A_54 iter_args(%scan3A_191 = %scan3A_50) -> (i32)  : i32 {
      %mul3A_192 = arith.constant 16 : i32
      %mul3A_193 = arith.muli %scan3A_190, %mul3A_192 : i32
      %multiple_of3A = tpu.assume_multiple %mul3A_193, 16 : i32
      %get3A = arith.index_cast %multiple_of3A : i32 to index
      %get3A_194 = tpu.vector_load %arg13[%get3A] {strides = array<i32>} : memref<640xf32, #tpu.memory_space<vmem>>, vector<16xf32>,
      %get3A_195 = arith.index_cast %multiple_of3A : i32 to index
      %get3A_196 = tpu.vector_load %arg14[%get3A_195] {strides = array<i32>} : memref<640xf32, #tpu.memory_space<vmem>>, vector<16xf32>,
      %add3A_197 = arith.addf %get3A_194, %get3A_196 : vector<16xf32>
      %swap3A = arith.index_cast %multiple_of3A : i32 to index
      %swap3A_198 = tpu.vector_load %arg13[%swap3A] {strides = array<i32>} : memref<640xf32, #tpu.memory_space<vmem>>, vector<16xf32>,
      tpu.vector_store %arg13[%swap3A], %add3A_197 {strides = array<i32>} : memref<640xf32, #tpu.memory_space<vmem>>, vector<16xf32>,
      %scan3A_199 = arith.constant 0 : i32
      scf.yield %scan3A_199 : i32
    }
    %scan3A_56 = arith.constant 40 : i32
    %mul3A_57 = arith.constant 640 : i32
    %mul3A_58 = arith.muli %arg1, %mul3A_57 : i32
    %run_scoped3A_59 = arith.constant 5 : i32
    "tpu.region"() ({
      %run_scoped3A_190 = tpu.sem_alloc : memref<!tpu.dma_semaphore, #tpu.memory_space<semaphore_mem>>
      %dma_start3A = tpu.memref_slice %arg6[%run_scoped3A_59, %mul3A_58] : memref<16x10240xf32, #tpu.memory_space<vmem_shared>> -> memref<1x640xf32, #tpu.memory_space<vmem_shared>>
      %dma_start3A_191 = tpu.memref_squeeze %dma_start3A : memref<1x640xf32, #tpu.memory_space<vmem_shared>> -> memref<640xf32, #tpu.memory_space<vmem_shared>>
      %dma_start3A_192 = tpu.memref_slice %arg6[%run_scoped3A_59, %mul3A_58] : memref<16x10240xf32, #tpu.memory_space<vmem_shared>> -> memref<1x640xf32, #tpu.memory_space<vmem_shared>>
      %dma_start3A_193 = tpu.memref_squeeze %dma_start3A_192 : memref<1x640xf32, #tpu.memory_space<vmem_shared>> -> memref<640xf32, #tpu.memory_space<vmem_shared>>
      tpu.enqueue_dma source(%dma_start3A_193 : memref<640xf32, #tpu.memory_space<vmem_shared>>) target(%arg14 : memref<640xf32, #tpu.memory_space<vmem>>) target_semaphore(%run_scoped3A_190 : memref<!tpu.dma_semaphore, #tpu.memory_space<semaphore_mem>>)
      %dma_wait3A = tpu.memref_slice %arg6[%run_scoped3A_59, %mul3A_58] : memref<16x10240xf32, #tpu.memory_space<vmem_shared>> -> memref<1x640xf32, #tpu.memory_space<vmem_shared>>
      %dma_wait3A_194 = tpu.memref_squeeze %dma_wait3A : memref<1x640xf32, #tpu.memory_space<vmem_shared>> -> memref<640xf32, #tpu.memory_space<vmem_shared>>
      %dma_wait3A_195 = tpu.memref_slice %arg6[%run_scoped3A_59, %mul3A_58] : memref<16x10240xf32, #tpu.memory_space<vmem_shared>> -> memref<1x640xf32, #tpu.memory_space<vmem_shared>>
      %dma_wait3A_196 = tpu.memref_squeeze %dma_wait3A_195 : memref<1x640xf32, #tpu.memory_space<vmem_shared>> -> memref<640xf32, #tpu.memory_space<vmem_shared>>
      tpu.wait_dma2 semaphore(%run_scoped3A_190 : memref<!tpu.dma_semaphore, #tpu.memory_space<semaphore_mem>>) src(%dma_wait3A_196 : memref<640xf32, #tpu.memory_space<vmem_shared>>) dst(%arg14 : memref<640xf32, #tpu.memory_space<vmem>>)
      tpu.yield
    }) : () -> ()
    %scan3A_60 = arith.constant 0 : i32
    %scan3A_61 = arith.constant 0 : i32
    %scan3A_62 = arith.constant 40 : i32
    %scan3A_63 = arith.addi %scan3A_61, %scan3A_62 : i32
    %scan3A_64 = arith.constant 1 : i32
    %scan3A_65 = scf.for %scan3A_190 = %scan3A_61 to %scan3A_63 step %scan3A_64 iter_args(%scan3A_191 = %scan3A_60) -> (i32)  : i32 {
      %mul3A_192 = arith.constant 16 : i32
      %mul3A_193 = arith.muli %scan3A_190, %mul3A_192 : i32
      %multiple_of3A = tpu.assume_multiple %mul3A_193, 16 : i32
      %get3A = arith.index_cast %multiple_of3A : i32 to index
      %get3A_194 = tpu.vector_load %arg13[%get3A] {strides = array<i32>} : memref<640xf32, #tpu.memory_space<vmem>>, vector<16xf32>,
      %get3A_195 = arith.index_cast %multiple_of3A : i32 to index
      %get3A_196 = tpu.vector_load %arg14[%get3A_195] {strides = array<i32>} : memref<640xf32, #tpu.memory_space<vmem>>, vector<16xf32>,
      %add3A_197 = arith.addf %get3A_194, %get3A_196 : vector<16xf32>
      %swap3A = arith.index_cast %multiple_of3A : i32 to index
      %swap3A_198 = tpu.vector_load %arg13[%swap3A] {strides = array<i32>} : memref<640xf32, #tpu.memory_space<vmem>>, vector<16xf32>,
      tpu.vector_store %arg13[%swap3A], %add3A_197 {strides = array<i32>} : memref<640xf32, #tpu.memory_space<vmem>>, vector<16xf32>,
      %scan3A_199 = arith.constant 0 : i32
      scf.yield %scan3A_199 : i32
    }
    %scan3A_66 = arith.constant 40 : i32
    %mul3A_67 = arith.constant 640 : i32
    %mul3A_68 = arith.muli %arg1, %mul3A_67 : i32
    %run_scoped3A_69 = arith.constant 6 : i32
    "tpu.region"() ({
      %run_scoped3A_190 = tpu.sem_alloc : memref<!tpu.dma_semaphore, #tpu.memory_space<semaphore_mem>>
      %dma_start3A = tpu.memref_slice %arg6[%run_scoped3A_69, %mul3A_68] : memref<16x10240xf32, #tpu.memory_space<vmem_shared>> -> memref<1x640xf32, #tpu.memory_space<vmem_shared>>
      %dma_start3A_191 = tpu.memref_squeeze %dma_start3A : memref<1x640xf32, #tpu.memory_space<vmem_shared>> -> memref<640xf32, #tpu.memory_space<vmem_shared>>
      %dma_start3A_192 = tpu.memref_slice %arg6[%run_scoped3A_69, %mul3A_68] : memref<16x10240xf32, #tpu.memory_space<vmem_shared>> -> memref<1x640xf32, #tpu.memory_space<vmem_shared>>
      %dma_start3A_193 = tpu.memref_squeeze %dma_start3A_192 : memref<1x640xf32, #tpu.memory_space<vmem_shared>> -> memref<640xf32, #tpu.memory_space<vmem_shared>>
      tpu.enqueue_dma source(%dma_start3A_193 : memref<640xf32, #tpu.memory_space<vmem_shared>>) target(%arg14 : memref<640xf32, #tpu.memory_space<vmem>>) target_semaphore(%run_scoped3A_190 : memref<!tpu.dma_semaphore, #tpu.memory_space<semaphore_mem>>)
      %dma_wait3A = tpu.memref_slice %arg6[%run_scoped3A_69, %mul3A_68] : memref<16x10240xf32, #tpu.memory_space<vmem_shared>> -> memref<1x640xf32, #tpu.memory_space<vmem_shared>>
      %dma_wait3A_194 = tpu.memref_squeeze %dma_wait3A : memref<1x640xf32, #tpu.memory_space<vmem_shared>> -> memref<640xf32, #tpu.memory_space<vmem_shared>>
      %dma_wait3A_195 = tpu.memref_slice %arg6[%run_scoped3A_69, %mul3A_68] : memref<16x10240xf32, #tpu.memory_space<vmem_shared>> -> memref<1x640xf32, #tpu.memory_space<vmem_shared>>
      %dma_wait3A_196 = tpu.memref_squeeze %dma_wait3A_195 : memref<1x640xf32, #tpu.memory_space<vmem_shared>> -> memref<640xf32, #tpu.memory_space<vmem_shared>>
      tpu.wait_dma2 semaphore(%run_scoped3A_190 : memref<!tpu.dma_semaphore, #tpu.memory_space<semaphore_mem>>) src(%dma_wait3A_196 : memref<640xf32, #tpu.memory_space<vmem_shared>>) dst(%arg14 : memref<640xf32, #tpu.memory_space<vmem>>)
      tpu.yield
    }) : () -> ()
    %scan3A_70 = arith.constant 0 : i32
    %scan3A_71 = arith.constant 0 : i32
    %scan3A_72 = arith.constant 40 : i32
    %scan3A_73 = arith.addi %scan3A_71, %scan3A_72 : i32
    %scan3A_74 = arith.constant 1 : i32
    %scan3A_75 = scf.for %scan3A_190 = %scan3A_71 to %scan3A_73 step %scan3A_74 iter_args(%scan3A_191 = %scan3A_70) -> (i32)  : i32 {
      %mul3A_192 = arith.constant 16 : i32
      %mul3A_193 = arith.muli %scan3A_190, %mul3A_192 : i32
      %multiple_of3A = tpu.assume_multiple %mul3A_193, 16 : i32
      %get3A = arith.index_cast %multiple_of3A : i32 to index
      %get3A_194 = tpu.vector_load %arg13[%get3A] {strides = array<i32>} : memref<640xf32, #tpu.memory_space<vmem>>, vector<16xf32>,
      %get3A_195 = arith.index_cast %multiple_of3A : i32 to index
      %get3A_196 = tpu.vector_load %arg14[%get3A_195] {strides = array<i32>} : memref<640xf32, #tpu.memory_space<vmem>>, vector<16xf32>,
      %add3A_197 = arith.addf %get3A_194, %get3A_196 : vector<16xf32>
      %swap3A = arith.index_cast %multiple_of3A : i32 to index
      %swap3A_198 = tpu.vector_load %arg13[%swap3A] {strides = array<i32>} : memref<640xf32, #tpu.memory_space<vmem>>, vector<16xf32>,
      tpu.vector_store %arg13[%swap3A], %add3A_197 {strides = array<i32>} : memref<640xf32, #tpu.memory_space<vmem>>, vector<16xf32>,
      %scan3A_199 = arith.constant 0 : i32
      scf.yield %scan3A_199 : i32
    }
    %scan3A_76 = arith.constant 40 : i32
    %mul3A_77 = arith.constant 640 : i32
    %mul3A_78 = arith.muli %arg1, %mul3A_77 : i32
    %run_scoped3A_79 = arith.constant 7 : i32
    "tpu.region"() ({
      %run_scoped3A_190 = tpu.sem_alloc : memref<!tpu.dma_semaphore, #tpu.memory_space<semaphore_mem>>
      %dma_start3A = tpu.memref_slice %arg6[%run_scoped3A_79, %mul3A_78] : memref<16x10240xf32, #tpu.memory_space<vmem_shared>> -> memref<1x640xf32, #tpu.memory_space<vmem_shared>>
      %dma_start3A_191 = tpu.memref_squeeze %dma_start3A : memref<1x640xf32, #tpu.memory_space<vmem_shared>> -> memref<640xf32, #tpu.memory_space<vmem_shared>>
      %dma_start3A_192 = tpu.memref_slice %arg6[%run_scoped3A_79, %mul3A_78] : memref<16x10240xf32, #tpu.memory_space<vmem_shared>> -> memref<1x640xf32, #tpu.memory_space<vmem_shared>>
      %dma_start3A_193 = tpu.memref_squeeze %dma_start3A_192 : memref<1x640xf32, #tpu.memory_space<vmem_shared>> -> memref<640xf32, #tpu.memory_space<vmem_shared>>
      tpu.enqueue_dma source(%dma_start3A_193 : memref<640xf32, #tpu.memory_space<vmem_shared>>) target(%arg14 : memref<640xf32, #tpu.memory_space<vmem>>) target_semaphore(%run_scoped3A_190 : memref<!tpu.dma_semaphore, #tpu.memory_space<semaphore_mem>>)
      %dma_wait3A = tpu.memref_slice %arg6[%run_scoped3A_79, %mul3A_78] : memref<16x10240xf32, #tpu.memory_space<vmem_shared>> -> memref<1x640xf32, #tpu.memory_space<vmem_shared>>
      %dma_wait3A_194 = tpu.memref_squeeze %dma_wait3A : memref<1x640xf32, #tpu.memory_space<vmem_shared>> -> memref<640xf32, #tpu.memory_space<vmem_shared>>
      %dma_wait3A_195 = tpu.memref_slice %arg6[%run_scoped3A_79, %mul3A_78] : memref<16x10240xf32, #tpu.memory_space<vmem_shared>> -> memref<1x640xf32, #tpu.memory_space<vmem_shared>>
      %dma_wait3A_196 = tpu.memref_squeeze %dma_wait3A_195 : memref<1x640xf32, #tpu.memory_space<vmem_shared>> -> memref<640xf32, #tpu.memory_space<vmem_shared>>
      tpu.wait_dma2 semaphore(%run_scoped3A_190 : memref<!tpu.dma_semaphore, #tpu.memory_space<semaphore_mem>>) src(%dma_wait3A_196 : memref<640xf32, #tpu.memory_space<vmem_shared>>) dst(%arg14 : memref<640xf32, #tpu.memory_space<vmem>>)
      tpu.yield
    }) : () -> ()
    %scan3A_80 = arith.constant 0 : i32
    %scan3A_81 = arith.constant 0 : i32
    %scan3A_82 = arith.constant 40 : i32
    %scan3A_83 = arith.addi %scan3A_81, %scan3A_82 : i32
    %scan3A_84 = arith.constant 1 : i32
    %scan3A_85 = scf.for %scan3A_190 = %scan3A_81 to %scan3A_83 step %scan3A_84 iter_args(%scan3A_191 = %scan3A_80) -> (i32)  : i32 {
      %mul3A_192 = arith.constant 16 : i32
      %mul3A_193 = arith.muli %scan3A_190, %mul3A_192 : i32
      %multiple_of3A = tpu.assume_multiple %mul3A_193, 16 : i32
      %get3A = arith.index_cast %multiple_of3A : i32 to index
      %get3A_194 = tpu.vector_load %arg13[%get3A] {strides = array<i32>} : memref<640xf32, #tpu.memory_space<vmem>>, vector<16xf32>,
      %get3A_195 = arith.index_cast %multiple_of3A : i32 to index
      %get3A_196 = tpu.vector_load %arg14[%get3A_195] {strides = array<i32>} : memref<640xf32, #tpu.memory_space<vmem>>, vector<16xf32>,
      %add3A_197 = arith.addf %get3A_194, %get3A_196 : vector<16xf32>
      %swap3A = arith.index_cast %multiple_of3A : i32 to index
      %swap3A_198 = tpu.vector_load %arg13[%swap3A] {strides = array<i32>} : memref<640xf32, #tpu.memory_space<vmem>>, vector<16xf32>,
      tpu.vector_store %arg13[%swap3A], %add3A_197 {strides = array<i32>} : memref<640xf32, #tpu.memory_space<vmem>>, vector<16xf32>,
      %scan3A_199 = arith.constant 0 : i32
      scf.yield %scan3A_199 : i32
    }
    %scan3A_86 = arith.constant 40 : i32
    %mul3A_87 = arith.constant 640 : i32
    %mul3A_88 = arith.muli %arg1, %mul3A_87 : i32
    %run_scoped3A_89 = arith.constant 8 : i32
    "tpu.region"() ({
      %run_scoped3A_190 = tpu.sem_alloc : memref<!tpu.dma_semaphore, #tpu.memory_space<semaphore_mem>>
      %dma_start3A = tpu.memref_slice %arg6[%run_scoped3A_89, %mul3A_88] : memref<16x10240xf32, #tpu.memory_space<vmem_shared>> -> memref<1x640xf32, #tpu.memory_space<vmem_shared>>
      %dma_start3A_191 = tpu.memref_squeeze %dma_start3A : memref<1x640xf32, #tpu.memory_space<vmem_shared>> -> memref<640xf32, #tpu.memory_space<vmem_shared>>
      %dma_start3A_192 = tpu.memref_slice %arg6[%run_scoped3A_89, %mul3A_88] : memref<16x10240xf32, #tpu.memory_space<vmem_shared>> -> memref<1x640xf32, #tpu.memory_space<vmem_shared>>
      %dma_start3A_193 = tpu.memref_squeeze %dma_start3A_192 : memref<1x640xf32, #tpu.memory_space<vmem_shared>> -> memref<640xf32, #tpu.memory_space<vmem_shared>>
      tpu.enqueue_dma source(%dma_start3A_193 : memref<640xf32, #tpu.memory_space<vmem_shared>>) target(%arg14 : memref<640xf32, #tpu.memory_space<vmem>>) target_semaphore(%run_scoped3A_190 : memref<!tpu.dma_semaphore, #tpu.memory_space<semaphore_mem>>)
      %dma_wait3A = tpu.memref_slice %arg6[%run_scoped3A_89, %mul3A_88] : memref<16x10240xf32, #tpu.memory_space<vmem_shared>> -> memref<1x640xf32, #tpu.memory_space<vmem_shared>>
      %dma_wait3A_194 = tpu.memref_squeeze %dma_wait3A : memref<1x640xf32, #tpu.memory_space<vmem_shared>> -> memref<640xf32, #tpu.memory_space<vmem_shared>>
      %dma_wait3A_195 = tpu.memref_slice %arg6[%run_scoped3A_89, %mul3A_88] : memref<16x10240xf32, #tpu.memory_space<vmem_shared>> -> memref<1x640xf32, #tpu.memory_space<vmem_shared>>
      %dma_wait3A_196 = tpu.memref_squeeze %dma_wait3A_195 : memref<1x640xf32, #tpu.memory_space<vmem_shared>> -> memref<640xf32, #tpu.memory_space<vmem_shared>>
      tpu.wait_dma2 semaphore(%run_scoped3A_190 : memref<!tpu.dma_semaphore, #tpu.memory_space<semaphore_mem>>) src(%dma_wait3A_196 : memref<640xf32, #tpu.memory_space<vmem_shared>>) dst(%arg14 : memref<640xf32, #tpu.memory_space<vmem>>)
      tpu.yield
    }) : () -> ()
    %scan3A_90 = arith.constant 0 : i32
    %scan3A_91 = arith.constant 0 : i32
    %scan3A_92 = arith.constant 40 : i32
    %scan3A_93 = arith.addi %scan3A_91, %scan3A_92 : i32
    %scan3A_94 = arith.constant 1 : i32
    %scan3A_95 = scf.for %scan3A_190 = %scan3A_91 to %scan3A_93 step %scan3A_94 iter_args(%scan3A_191 = %scan3A_90) -> (i32)  : i32 {
      %mul3A_192 = arith.constant 16 : i32
      %mul3A_193 = arith.muli %scan3A_190, %mul3A_192 : i32
      %multiple_of3A = tpu.assume_multiple %mul3A_193, 16 : i32
      %get3A = arith.index_cast %multiple_of3A : i32 to index
      %get3A_194 = tpu.vector_load %arg13[%get3A] {strides = array<i32>} : memref<640xf32, #tpu.memory_space<vmem>>, vector<16xf32>,
      %get3A_195 = arith.index_cast %multiple_of3A : i32 to index
      %get3A_196 = tpu.vector_load %arg14[%get3A_195] {strides = array<i32>} : memref<640xf32, #tpu.memory_space<vmem>>, vector<16xf32>,
      %add3A_197 = arith.addf %get3A_194, %get3A_196 : vector<16xf32>
      %swap3A = arith.index_cast %multiple_of3A : i32 to index
      %swap3A_198 = tpu.vector_load %arg13[%swap3A] {strides = array<i32>} : memref<640xf32, #tpu.memory_space<vmem>>, vector<16xf32>,
      tpu.vector_store %arg13[%swap3A], %add3A_197 {strides = array<i32>} : memref<640xf32, #tpu.memory_space<vmem>>, vector<16xf32>,
      %scan3A_199 = arith.constant 0 : i32
      scf.yield %scan3A_199 : i32
    }
    %scan3A_96 = arith.constant 40 : i32
    %mul3A_97 = arith.constant 640 : i32
    %mul3A_98 = arith.muli %arg1, %mul3A_97 : i32
    %run_scoped3A_99 = arith.constant 9 : i32
    "tpu.region"() ({
      %run_scoped3A_190 = tpu.sem_alloc : memref<!tpu.dma_semaphore, #tpu.memory_space<semaphore_mem>>
      %dma_start3A = tpu.memref_slice %arg6[%run_scoped3A_99, %mul3A_98] : memref<16x10240xf32, #tpu.memory_space<vmem_shared>> -> memref<1x640xf32, #tpu.memory_space<vmem_shared>>
      %dma_start3A_191 = tpu.memref_squeeze %dma_start3A : memref<1x640xf32, #tpu.memory_space<vmem_shared>> -> memref<640xf32, #tpu.memory_space<vmem_shared>>
      %dma_start3A_192 = tpu.memref_slice %arg6[%run_scoped3A_99, %mul3A_98] : memref<16x10240xf32, #tpu.memory_space<vmem_shared>> -> memref<1x640xf32, #tpu.memory_space<vmem_shared>>
      %dma_start3A_193 = tpu.memref_squeeze %dma_start3A_192 : memref<1x640xf32, #tpu.memory_space<vmem_shared>> -> memref<640xf32, #tpu.memory_space<vmem_shared>>
      tpu.enqueue_dma source(%dma_start3A_193 : memref<640xf32, #tpu.memory_space<vmem_shared>>) target(%arg14 : memref<640xf32, #tpu.memory_space<vmem>>) target_semaphore(%run_scoped3A_190 : memref<!tpu.dma_semaphore, #tpu.memory_space<semaphore_mem>>)
      %dma_wait3A = tpu.memref_slice %arg6[%run_scoped3A_99, %mul3A_98] : memref<16x10240xf32, #tpu.memory_space<vmem_shared>> -> memref<1x640xf32, #tpu.memory_space<vmem_shared>>
      %dma_wait3A_194 = tpu.memref_squeeze %dma_wait3A : memref<1x640xf32, #tpu.memory_space<vmem_shared>> -> memref<640xf32, #tpu.memory_space<vmem_shared>>
      %dma_wait3A_195 = tpu.memref_slice %arg6[%run_scoped3A_99, %mul3A_98] : memref<16x10240xf32, #tpu.memory_space<vmem_shared>> -> memref<1x640xf32, #tpu.memory_space<vmem_shared>>
      %dma_wait3A_196 = tpu.memref_squeeze %dma_wait3A_195 : memref<1x640xf32, #tpu.memory_space<vmem_shared>> -> memref<640xf32, #tpu.memory_space<vmem_shared>>
      tpu.wait_dma2 semaphore(%run_scoped3A_190 : memref<!tpu.dma_semaphore, #tpu.memory_space<semaphore_mem>>) src(%dma_wait3A_196 : memref<640xf32, #tpu.memory_space<vmem_shared>>) dst(%arg14 : memref<640xf32, #tpu.memory_space<vmem>>)
      tpu.yield
    }) : () -> ()
    %scan3A_100 = arith.constant 0 : i32
    %scan3A_101 = arith.constant 0 : i32
    %scan3A_102 = arith.constant 40 : i32
    %scan3A_103 = arith.addi %scan3A_101, %scan3A_102 : i32
    %scan3A_104 = arith.constant 1 : i32
    %scan3A_105 = scf.for %scan3A_190 = %scan3A_101 to %scan3A_103 step %scan3A_104 iter_args(%scan3A_191 = %scan3A_100) -> (i32)  : i32 {
      %mul3A_192 = arith.constant 16 : i32
      %mul3A_193 = arith.muli %scan3A_190, %mul3A_192 : i32
      %multiple_of3A = tpu.assume_multiple %mul3A_193, 16 : i32
      %get3A = arith.index_cast %multiple_of3A : i32 to index
      %get3A_194 = tpu.vector_load %arg13[%get3A] {strides = array<i32>} : memref<640xf32, #tpu.memory_space<vmem>>, vector<16xf32>,
      %get3A_195 = arith.index_cast %multiple_of3A : i32 to index
      %get3A_196 = tpu.vector_load %arg14[%get3A_195] {strides = array<i32>} : memref<640xf32, #tpu.memory_space<vmem>>, vector<16xf32>,
      %add3A_197 = arith.addf %get3A_194, %get3A_196 : vector<16xf32>
      %swap3A = arith.index_cast %multiple_of3A : i32 to index
      %swap3A_198 = tpu.vector_load %arg13[%swap3A] {strides = array<i32>} : memref<640xf32, #tpu.memory_space<vmem>>, vector<16xf32>,
      tpu.vector_store %arg13[%swap3A], %add3A_197 {strides = array<i32>} : memref<640xf32, #tpu.memory_space<vmem>>, vector<16xf32>,
      %scan3A_199 = arith.constant 0 : i32
      scf.yield %scan3A_199 : i32
    }
    %scan3A_106 = arith.constant 40 : i32
    %mul3A_107 = arith.constant 640 : i32
    %mul3A_108 = arith.muli %arg1, %mul3A_107 : i32
    %run_scoped3A_109 = arith.constant 10 : i32
    "tpu.region"() ({
      %run_scoped3A_190 = tpu.sem_alloc : memref<!tpu.dma_semaphore, #tpu.memory_space<semaphore_mem>>
      %dma_start3A = tpu.memref_slice %arg6[%run_scoped3A_109, %mul3A_108] : memref<16x10240xf32, #tpu.memory_space<vmem_shared>> -> memref<1x640xf32, #tpu.memory_space<vmem_shared>>
      %dma_start3A_191 = tpu.memref_squeeze %dma_start3A : memref<1x640xf32, #tpu.memory_space<vmem_shared>> -> memref<640xf32, #tpu.memory_space<vmem_shared>>
      %dma_start3A_192 = tpu.memref_slice %arg6[%run_scoped3A_109, %mul3A_108] : memref<16x10240xf32, #tpu.memory_space<vmem_shared>> -> memref<1x640xf32, #tpu.memory_space<vmem_shared>>
      %dma_start3A_193 = tpu.memref_squeeze %dma_start3A_192 : memref<1x640xf32, #tpu.memory_space<vmem_shared>> -> memref<640xf32, #tpu.memory_space<vmem_shared>>
      tpu.enqueue_dma source(%dma_start3A_193 : memref<640xf32, #tpu.memory_space<vmem_shared>>) target(%arg14 : memref<640xf32, #tpu.memory_space<vmem>>) target_semaphore(%run_scoped3A_190 : memref<!tpu.dma_semaphore, #tpu.memory_space<semaphore_mem>>)
      %dma_wait3A = tpu.memref_slice %arg6[%run_scoped3A_109, %mul3A_108] : memref<16x10240xf32, #tpu.memory_space<vmem_shared>> -> memref<1x640xf32, #tpu.memory_space<vmem_shared>>
      %dma_wait3A_194 = tpu.memref_squeeze %dma_wait3A : memref<1x640xf32, #tpu.memory_space<vmem_shared>> -> memref<640xf32, #tpu.memory_space<vmem_shared>>
      %dma_wait3A_195 = tpu.memref_slice %arg6[%run_scoped3A_109, %mul3A_108] : memref<16x10240xf32, #tpu.memory_space<vmem_shared>> -> memref<1x640xf32, #tpu.memory_space<vmem_shared>>
      %dma_wait3A_196 = tpu.memref_squeeze %dma_wait3A_195 : memref<1x640xf32, #tpu.memory_space<vmem_shared>> -> memref<640xf32, #tpu.memory_space<vmem_shared>>
      tpu.wait_dma2 semaphore(%run_scoped3A_190 : memref<!tpu.dma_semaphore, #tpu.memory_space<semaphore_mem>>) src(%dma_wait3A_196 : memref<640xf32, #tpu.memory_space<vmem_shared>>) dst(%arg14 : memref<640xf32, #tpu.memory_space<vmem>>)
      tpu.yield
    }) : () -> ()
    %scan3A_110 = arith.constant 0 : i32
    %scan3A_111 = arith.constant 0 : i32
    %scan3A_112 = arith.constant 40 : i32
    %scan3A_113 = arith.addi %scan3A_111, %scan3A_112 : i32
    %scan3A_114 = arith.constant 1 : i32
    %scan3A_115 = scf.for %scan3A_190 = %scan3A_111 to %scan3A_113 step %scan3A_114 iter_args(%scan3A_191 = %scan3A_110) -> (i32)  : i32 {
      %mul3A_192 = arith.constant 16 : i32
      %mul3A_193 = arith.muli %scan3A_190, %mul3A_192 : i32
      %multiple_of3A = tpu.assume_multiple %mul3A_193, 16 : i32
      %get3A = arith.index_cast %multiple_of3A : i32 to index
      %get3A_194 = tpu.vector_load %arg13[%get3A] {strides = array<i32>} : memref<640xf32, #tpu.memory_space<vmem>>, vector<16xf32>,
      %get3A_195 = arith.index_cast %multiple_of3A : i32 to index
      %get3A_196 = tpu.vector_load %arg14[%get3A_195] {strides = array<i32>} : memref<640xf32, #tpu.memory_space<vmem>>, vector<16xf32>,
      %add3A_197 = arith.addf %get3A_194, %get3A_196 : vector<16xf32>
      %swap3A = arith.index_cast %multiple_of3A : i32 to index
      %swap3A_198 = tpu.vector_load %arg13[%swap3A] {strides = array<i32>} : memref<640xf32, #tpu.memory_space<vmem>>, vector<16xf32>,
      tpu.vector_store %arg13[%swap3A], %add3A_197 {strides = array<i32>} : memref<640xf32, #tpu.memory_space<vmem>>, vector<16xf32>,
      %scan3A_199 = arith.constant 0 : i32
      scf.yield %scan3A_199 : i32
    }
    %scan3A_116 = arith.constant 40 : i32
    %mul3A_117 = arith.constant 640 : i32
    %mul3A_118 = arith.muli %arg1, %mul3A_117 : i32
    %run_scoped3A_119 = arith.constant 11 : i32
    "tpu.region"() ({
      %run_scoped3A_190 = tpu.sem_alloc : memref<!tpu.dma_semaphore, #tpu.memory_space<semaphore_mem>>
      %dma_start3A = tpu.memref_slice %arg6[%run_scoped3A_119, %mul3A_118] : memref<16x10240xf32, #tpu.memory_space<vmem_shared>> -> memref<1x640xf32, #tpu.memory_space<vmem_shared>>
      %dma_start3A_191 = tpu.memref_squeeze %dma_start3A : memref<1x640xf32, #tpu.memory_space<vmem_shared>> -> memref<640xf32, #tpu.memory_space<vmem_shared>>
      %dma_start3A_192 = tpu.memref_slice %arg6[%run_scoped3A_119, %mul3A_118] : memref<16x10240xf32, #tpu.memory_space<vmem_shared>> -> memref<1x640xf32, #tpu.memory_space<vmem_shared>>
      %dma_start3A_193 = tpu.memref_squeeze %dma_start3A_192 : memref<1x640xf32, #tpu.memory_space<vmem_shared>> -> memref<640xf32, #tpu.memory_space<vmem_shared>>
      tpu.enqueue_dma source(%dma_start3A_193 : memref<640xf32, #tpu.memory_space<vmem_shared>>) target(%arg14 : memref<640xf32, #tpu.memory_space<vmem>>) target_semaphore(%run_scoped3A_190 : memref<!tpu.dma_semaphore, #tpu.memory_space<semaphore_mem>>)
      %dma_wait3A = tpu.memref_slice %arg6[%run_scoped3A_119, %mul3A_118] : memref<16x10240xf32, #tpu.memory_space<vmem_shared>> -> memref<1x640xf32, #tpu.memory_space<vmem_shared>>
      %dma_wait3A_194 = tpu.memref_squeeze %dma_wait3A : memref<1x640xf32, #tpu.memory_space<vmem_shared>> -> memref<640xf32, #tpu.memory_space<vmem_shared>>
      %dma_wait3A_195 = tpu.memref_slice %arg6[%run_scoped3A_119, %mul3A_118] : memref<16x10240xf32, #tpu.memory_space<vmem_shared>> -> memref<1x640xf32, #tpu.memory_space<vmem_shared>>
      %dma_wait3A_196 = tpu.memref_squeeze %dma_wait3A_195 : memref<1x640xf32, #tpu.memory_space<vmem_shared>> -> memref<640xf32, #tpu.memory_space<vmem_shared>>
      tpu.wait_dma2 semaphore(%run_scoped3A_190 : memref<!tpu.dma_semaphore, #tpu.memory_space<semaphore_mem>>) src(%dma_wait3A_196 : memref<640xf32, #tpu.memory_space<vmem_shared>>) dst(%arg14 : memref<640xf32, #tpu.memory_space<vmem>>)
      tpu.yield
    }) : () -> ()
    %scan3A_120 = arith.constant 0 : i32
    %scan3A_121 = arith.constant 0 : i32
    %scan3A_122 = arith.constant 40 : i32
    %scan3A_123 = arith.addi %scan3A_121, %scan3A_122 : i32
    %scan3A_124 = arith.constant 1 : i32
    %scan3A_125 = scf.for %scan3A_190 = %scan3A_121 to %scan3A_123 step %scan3A_124 iter_args(%scan3A_191 = %scan3A_120) -> (i32)  : i32 {
      %mul3A_192 = arith.constant 16 : i32
      %mul3A_193 = arith.muli %scan3A_190, %mul3A_192 : i32
      %multiple_of3A = tpu.assume_multiple %mul3A_193, 16 : i32
      %get3A = arith.index_cast %multiple_of3A : i32 to index
      %get3A_194 = tpu.vector_load %arg13[%get3A] {strides = array<i32>} : memref<640xf32, #tpu.memory_space<vmem>>, vector<16xf32>,
      %get3A_195 = arith.index_cast %multiple_of3A : i32 to index
      %get3A_196 = tpu.vector_load %arg14[%get3A_195] {strides = array<i32>} : memref<640xf32, #tpu.memory_space<vmem>>, vector<16xf32>,
      %add3A_197 = arith.addf %get3A_194, %get3A_196 : vector<16xf32>
      %swap3A = arith.index_cast %multiple_of3A : i32 to index
      %swap3A_198 = tpu.vector_load %arg13[%swap3A] {strides = array<i32>} : memref<640xf32, #tpu.memory_space<vmem>>, vector<16xf32>,
      tpu.vector_store %arg13[%swap3A], %add3A_197 {strides = array<i32>} : memref<640xf32, #tpu.memory_space<vmem>>, vector<16xf32>,
      %scan3A_199 = arith.constant 0 : i32
      scf.yield %scan3A_199 : i32
    }
    %scan3A_126 = arith.constant 40 : i32
    %mul3A_127 = arith.constant 640 : i32
    %mul3A_128 = arith.muli %arg1, %mul3A_127 : i32
    %run_scoped3A_129 = arith.constant 12 : i32
    "tpu.region"() ({
      %run_scoped3A_190 = tpu.sem_alloc : memref<!tpu.dma_semaphore, #tpu.memory_space<semaphore_mem>>
      %dma_start3A = tpu.memref_slice %arg6[%run_scoped3A_129, %mul3A_128] : memref<16x10240xf32, #tpu.memory_space<vmem_shared>> -> memref<1x640xf32, #tpu.memory_space<vmem_shared>>
      %dma_start3A_191 = tpu.memref_squeeze %dma_start3A : memref<1x640xf32, #tpu.memory_space<vmem_shared>> -> memref<640xf32, #tpu.memory_space<vmem_shared>>
      %dma_start3A_192 = tpu.memref_slice %arg6[%run_scoped3A_129, %mul3A_128] : memref<16x10240xf32, #tpu.memory_space<vmem_shared>> -> memref<1x640xf32, #tpu.memory_space<vmem_shared>>
      %dma_start3A_193 = tpu.memref_squeeze %dma_start3A_192 : memref<1x640xf32, #tpu.memory_space<vmem_shared>> -> memref<640xf32, #tpu.memory_space<vmem_shared>>
      tpu.enqueue_dma source(%dma_start3A_193 : memref<640xf32, #tpu.memory_space<vmem_shared>>) target(%arg14 : memref<640xf32, #tpu.memory_space<vmem>>) target_semaphore(%run_scoped3A_190 : memref<!tpu.dma_semaphore, #tpu.memory_space<semaphore_mem>>)
      %dma_wait3A = tpu.memref_slice %arg6[%run_scoped3A_129, %mul3A_128] : memref<16x10240xf32, #tpu.memory_space<vmem_shared>> -> memref<1x640xf32, #tpu.memory_space<vmem_shared>>
      %dma_wait3A_194 = tpu.memref_squeeze %dma_wait3A : memref<1x640xf32, #tpu.memory_space<vmem_shared>> -> memref<640xf32, #tpu.memory_space<vmem_shared>>
      %dma_wait3A_195 = tpu.memref_slice %arg6[%run_scoped3A_129, %mul3A_128] : memref<16x10240xf32, #tpu.memory_space<vmem_shared>> -> memref<1x640xf32, #tpu.memory_space<vmem_shared>>
      %dma_wait3A_196 = tpu.memref_squeeze %dma_wait3A_195 : memref<1x640xf32, #tpu.memory_space<vmem_shared>> -> memref<640xf32, #tpu.memory_space<vmem_shared>>
      tpu.wait_dma2 semaphore(%run_scoped3A_190 : memref<!tpu.dma_semaphore, #tpu.memory_space<semaphore_mem>>) src(%dma_wait3A_196 : memref<640xf32, #tpu.memory_space<vmem_shared>>) dst(%arg14 : memref<640xf32, #tpu.memory_space<vmem>>)
      tpu.yield
    }) : () -> ()
    %scan3A_130 = arith.constant 0 : i32
    %scan3A_131 = arith.constant 0 : i32
    %scan3A_132 = arith.constant 40 : i32
    %scan3A_133 = arith.addi %scan3A_131, %scan3A_132 : i32
    %scan3A_134 = arith.constant 1 : i32
    %scan3A_135 = scf.for %scan3A_190 = %scan3A_131 to %scan3A_133 step %scan3A_134 iter_args(%scan3A_191 = %scan3A_130) -> (i32)  : i32 {
      %mul3A_192 = arith.constant 16 : i32
      %mul3A_193 = arith.muli %scan3A_190, %mul3A_192 : i32
      %multiple_of3A = tpu.assume_multiple %mul3A_193, 16 : i32
      %get3A = arith.index_cast %multiple_of3A : i32 to index
      %get3A_194 = tpu.vector_load %arg13[%get3A] {strides = array<i32>} : memref<640xf32, #tpu.memory_space<vmem>>, vector<16xf32>,
      %get3A_195 = arith.index_cast %multiple_of3A : i32 to index
      %get3A_196 = tpu.vector_load %arg14[%get3A_195] {strides = array<i32>} : memref<640xf32, #tpu.memory_space<vmem>>, vector<16xf32>,
      %add3A_197 = arith.addf %get3A_194, %get3A_196 : vector<16xf32>
      %swap3A = arith.index_cast %multiple_of3A : i32 to index
      %swap3A_198 = tpu.vector_load %arg13[%swap3A] {strides = array<i32>} : memref<640xf32, #tpu.memory_space<vmem>>, vector<16xf32>,
      tpu.vector_store %arg13[%swap3A], %add3A_197 {strides = array<i32>} : memref<640xf32, #tpu.memory_space<vmem>>, vector<16xf32>,
      %scan3A_199 = arith.constant 0 : i32
      scf.yield %scan3A_199 : i32
    }
    %scan3A_136 = arith.constant 40 : i32
    %mul3A_137 = arith.constant 640 : i32
    %mul3A_138 = arith.muli %arg1, %mul3A_137 : i32
    %run_scoped3A_139 = arith.constant 13 : i32
    "tpu.region"() ({
      %run_scoped3A_190 = tpu.sem_alloc : memref<!tpu.dma_semaphore, #tpu.memory_space<semaphore_mem>>
      %dma_start3A = tpu.memref_slice %arg6[%run_scoped3A_139, %mul3A_138] : memref<16x10240xf32, #tpu.memory_space<vmem_shared>> -> memref<1x640xf32, #tpu.memory_space<vmem_shared>>
      %dma_start3A_191 = tpu.memref_squeeze %dma_start3A : memref<1x640xf32, #tpu.memory_space<vmem_shared>> -> memref<640xf32, #tpu.memory_space<vmem_shared>>
      %dma_start3A_192 = tpu.memref_slice %arg6[%run_scoped3A_139, %mul3A_138] : memref<16x10240xf32, #tpu.memory_space<vmem_shared>> -> memref<1x640xf32, #tpu.memory_space<vmem_shared>>
      %dma_start3A_193 = tpu.memref_squeeze %dma_start3A_192 : memref<1x640xf32, #tpu.memory_space<vmem_shared>> -> memref<640xf32, #tpu.memory_space<vmem_shared>>
      tpu.enqueue_dma source(%dma_start3A_193 : memref<640xf32, #tpu.memory_space<vmem_shared>>) target(%arg14 : memref<640xf32, #tpu.memory_space<vmem>>) target_semaphore(%run_scoped3A_190 : memref<!tpu.dma_semaphore, #tpu.memory_space<semaphore_mem>>)
      %dma_wait3A = tpu.memref_slice %arg6[%run_scoped3A_139, %mul3A_138] : memref<16x10240xf32, #tpu.memory_space<vmem_shared>> -> memref<1x640xf32, #tpu.memory_space<vmem_shared>>
      %dma_wait3A_194 = tpu.memref_squeeze %dma_wait3A : memref<1x640xf32, #tpu.memory_space<vmem_shared>> -> memref<640xf32, #tpu.memory_space<vmem_shared>>
      %dma_wait3A_195 = tpu.memref_slice %arg6[%run_scoped3A_139, %mul3A_138] : memref<16x10240xf32, #tpu.memory_space<vmem_shared>> -> memref<1x640xf32, #tpu.memory_space<vmem_shared>>
      %dma_wait3A_196 = tpu.memref_squeeze %dma_wait3A_195 : memref<1x640xf32, #tpu.memory_space<vmem_shared>> -> memref<640xf32, #tpu.memory_space<vmem_shared>>
      tpu.wait_dma2 semaphore(%run_scoped3A_190 : memref<!tpu.dma_semaphore, #tpu.memory_space<semaphore_mem>>) src(%dma_wait3A_196 : memref<640xf32, #tpu.memory_space<vmem_shared>>) dst(%arg14 : memref<640xf32, #tpu.memory_space<vmem>>)
      tpu.yield
    }) : () -> ()
    %scan3A_140 = arith.constant 0 : i32
    %scan3A_141 = arith.constant 0 : i32
    %scan3A_142 = arith.constant 40 : i32
    %scan3A_143 = arith.addi %scan3A_141, %scan3A_142 : i32
    %scan3A_144 = arith.constant 1 : i32
    %scan3A_145 = scf.for %scan3A_190 = %scan3A_141 to %scan3A_143 step %scan3A_144 iter_args(%scan3A_191 = %scan3A_140) -> (i32)  : i32 {
      %mul3A_192 = arith.constant 16 : i32
      %mul3A_193 = arith.muli %scan3A_190, %mul3A_192 : i32
      %multiple_of3A = tpu.assume_multiple %mul3A_193, 16 : i32
      %get3A = arith.index_cast %multiple_of3A : i32 to index
      %get3A_194 = tpu.vector_load %arg13[%get3A] {strides = array<i32>} : memref<640xf32, #tpu.memory_space<vmem>>, vector<16xf32>,
      %get3A_195 = arith.index_cast %multiple_of3A : i32 to index
      %get3A_196 = tpu.vector_load %arg14[%get3A_195] {strides = array<i32>} : memref<640xf32, #tpu.memory_space<vmem>>, vector<16xf32>,
      %add3A_197 = arith.addf %get3A_194, %get3A_196 : vector<16xf32>
      %swap3A = arith.index_cast %multiple_of3A : i32 to index
      %swap3A_198 = tpu.vector_load %arg13[%swap3A] {strides = array<i32>} : memref<640xf32, #tpu.memory_space<vmem>>, vector<16xf32>,
      tpu.vector_store %arg13[%swap3A], %add3A_197 {strides = array<i32>} : memref<640xf32, #tpu.memory_space<vmem>>, vector<16xf32>,
      %scan3A_199 = arith.constant 0 : i32
      scf.yield %scan3A_199 : i32
    }
    %scan3A_146 = arith.constant 40 : i32
    %mul3A_147 = arith.constant 640 : i32
    %mul3A_148 = arith.muli %arg1, %mul3A_147 : i32
    %run_scoped3A_149 = arith.constant 14 : i32
    "tpu.region"() ({
      %run_scoped3A_190 = tpu.sem_alloc : memref<!tpu.dma_semaphore, #tpu.memory_space<semaphore_mem>>
      %dma_start3A = tpu.memref_slice %arg6[%run_scoped3A_149, %mul3A_148] : memref<16x10240xf32, #tpu.memory_space<vmem_shared>> -> memref<1x640xf32, #tpu.memory_space<vmem_shared>>
      %dma_start3A_191 = tpu.memref_squeeze %dma_start3A : memref<1x640xf32, #tpu.memory_space<vmem_shared>> -> memref<640xf32, #tpu.memory_space<vmem_shared>>
      %dma_start3A_192 = tpu.memref_slice %arg6[%run_scoped3A_149, %mul3A_148] : memref<16x10240xf32, #tpu.memory_space<vmem_shared>> -> memref<1x640xf32, #tpu.memory_space<vmem_shared>>
      %dma_start3A_193 = tpu.memref_squeeze %dma_start3A_192 : memref<1x640xf32, #tpu.memory_space<vmem_shared>> -> memref<640xf32, #tpu.memory_space<vmem_shared>>
      tpu.enqueue_dma source(%dma_start3A_193 : memref<640xf32, #tpu.memory_space<vmem_shared>>) target(%arg14 : memref<640xf32, #tpu.memory_space<vmem>>) target_semaphore(%run_scoped3A_190 : memref<!tpu.dma_semaphore, #tpu.memory_space<semaphore_mem>>)
      %dma_wait3A = tpu.memref_slice %arg6[%run_scoped3A_149, %mul3A_148] : memref<16x10240xf32, #tpu.memory_space<vmem_shared>> -> memref<1x640xf32, #tpu.memory_space<vmem_shared>>
      %dma_wait3A_194 = tpu.memref_squeeze %dma_wait3A : memref<1x640xf32, #tpu.memory_space<vmem_shared>> -> memref<640xf32, #tpu.memory_space<vmem_shared>>
      %dma_wait3A_195 = tpu.memref_slice %arg6[%run_scoped3A_149, %mul3A_148] : memref<16x10240xf32, #tpu.memory_space<vmem_shared>> -> memref<1x640xf32, #tpu.memory_space<vmem_shared>>
      %dma_wait3A_196 = tpu.memref_squeeze %dma_wait3A_195 : memref<1x640xf32, #tpu.memory_space<vmem_shared>> -> memref<640xf32, #tpu.memory_space<vmem_shared>>
      tpu.wait_dma2 semaphore(%run_scoped3A_190 : memref<!tpu.dma_semaphore, #tpu.memory_space<semaphore_mem>>) src(%dma_wait3A_196 : memref<640xf32, #tpu.memory_space<vmem_shared>>) dst(%arg14 : memref<640xf32, #tpu.memory_space<vmem>>)
      tpu.yield
    }) : () -> ()
    %scan3A_150 = arith.constant 0 : i32
    %scan3A_151 = arith.constant 0 : i32
    %scan3A_152 = arith.constant 40 : i32
    %scan3A_153 = arith.addi %scan3A_151, %scan3A_152 : i32
    %scan3A_154 = arith.constant 1 : i32
    %scan3A_155 = scf.for %scan3A_190 = %scan3A_151 to %scan3A_153 step %scan3A_154 iter_args(%scan3A_191 = %scan3A_150) -> (i32)  : i32 {
      %mul3A_192 = arith.constant 16 : i32
      %mul3A_193 = arith.muli %scan3A_190, %mul3A_192 : i32
      %multiple_of3A = tpu.assume_multiple %mul3A_193, 16 : i32
      %get3A = arith.index_cast %multiple_of3A : i32 to index
      %get3A_194 = tpu.vector_load %arg13[%get3A] {strides = array<i32>} : memref<640xf32, #tpu.memory_space<vmem>>, vector<16xf32>,
      %get3A_195 = arith.index_cast %multiple_of3A : i32 to index
      %get3A_196 = tpu.vector_load %arg14[%get3A_195] {strides = array<i32>} : memref<640xf32, #tpu.memory_space<vmem>>, vector<16xf32>,
      %add3A_197 = arith.addf %get3A_194, %get3A_196 : vector<16xf32>
      %swap3A = arith.index_cast %multiple_of3A : i32 to index
      %swap3A_198 = tpu.vector_load %arg13[%swap3A] {strides = array<i32>} : memref<640xf32, #tpu.memory_space<vmem>>, vector<16xf32>,
      tpu.vector_store %arg13[%swap3A], %add3A_197 {strides = array<i32>} : memref<640xf32, #tpu.memory_space<vmem>>, vector<16xf32>,
      %scan3A_199 = arith.constant 0 : i32
      scf.yield %scan3A_199 : i32
    }
    %scan3A_156 = arith.constant 40 : i32
    %mul3A_157 = arith.constant 640 : i32
    %mul3A_158 = arith.muli %arg1, %mul3A_157 : i32
    %run_scoped3A_159 = arith.constant 15 : i32
    "tpu.region"() ({
      %run_scoped3A_190 = tpu.sem_alloc : memref<!tpu.dma_semaphore, #tpu.memory_space<semaphore_mem>>
      %dma_start3A = tpu.memref_slice %arg6[%run_scoped3A_159, %mul3A_158] : memref<16x10240xf32, #tpu.memory_space<vmem_shared>> -> memref<1x640xf32, #tpu.memory_space<vmem_shared>>
      %dma_start3A_191 = tpu.memref_squeeze %dma_start3A : memref<1x640xf32, #tpu.memory_space<vmem_shared>> -> memref<640xf32, #tpu.memory_space<vmem_shared>>
      %dma_start3A_192 = tpu.memref_slice %arg6[%run_scoped3A_159, %mul3A_158] : memref<16x10240xf32, #tpu.memory_space<vmem_shared>> -> memref<1x640xf32, #tpu.memory_space<vmem_shared>>
      %dma_start3A_193 = tpu.memref_squeeze %dma_start3A_192 : memref<1x640xf32, #tpu.memory_space<vmem_shared>> -> memref<640xf32, #tpu.memory_space<vmem_shared>>
      tpu.enqueue_dma source(%dma_start3A_193 : memref<640xf32, #tpu.memory_space<vmem_shared>>) target(%arg14 : memref<640xf32, #tpu.memory_space<vmem>>) target_semaphore(%run_scoped3A_190 : memref<!tpu.dma_semaphore, #tpu.memory_space<semaphore_mem>>)
      %dma_wait3A = tpu.memref_slice %arg6[%run_scoped3A_159, %mul3A_158] : memref<16x10240xf32, #tpu.memory_space<vmem_shared>> -> memref<1x640xf32, #tpu.memory_space<vmem_shared>>
      %dma_wait3A_194 = tpu.memref_squeeze %dma_wait3A : memref<1x640xf32, #tpu.memory_space<vmem_shared>> -> memref<640xf32, #tpu.memory_space<vmem_shared>>
      %dma_wait3A_195 = tpu.memref_slice %arg6[%run_scoped3A_159, %mul3A_158] : memref<16x10240xf32, #tpu.memory_space<vmem_shared>> -> memref<1x640xf32, #tpu.memory_space<vmem_shared>>
      %dma_wait3A_196 = tpu.memref_squeeze %dma_wait3A_195 : memref<1x640xf32, #tpu.memory_space<vmem_shared>> -> memref<640xf32, #tpu.memory_space<vmem_shared>>
      tpu.wait_dma2 semaphore(%run_scoped3A_190 : memref<!tpu.dma_semaphore, #tpu.memory_space<semaphore_mem>>) src(%dma_wait3A_196 : memref<640xf32, #tpu.memory_space<vmem_shared>>) dst(%arg14 : memref<640xf32, #tpu.memory_space<vmem>>)
      tpu.yield
    }) : () -> ()
    %scan3A_160 = arith.constant 0 : i32
    %scan3A_161 = arith.constant 0 : i32
    %scan3A_162 = arith.constant 40 : i32
    %scan3A_163 = arith.addi %scan3A_161, %scan3A_162 : i32
    %scan3A_164 = arith.constant 1 : i32
    %scan3A_165 = scf.for %scan3A_190 = %scan3A_161 to %scan3A_163 step %scan3A_164 iter_args(%scan3A_191 = %scan3A_160) -> (i32)  : i32 {
      %mul3A_192 = arith.constant 16 : i32
      %mul3A_193 = arith.muli %scan3A_190, %mul3A_192 : i32
      %multiple_of3A = tpu.assume_multiple %mul3A_193, 16 : i32
      %get3A = arith.index_cast %multiple_of3A : i32 to index
      %get3A_194 = tpu.vector_load %arg13[%get3A] {strides = array<i32>} : memref<640xf32, #tpu.memory_space<vmem>>, vector<16xf32>,
      %get3A_195 = arith.index_cast %multiple_of3A : i32 to index
      %get3A_196 = tpu.vector_load %arg14[%get3A_195] {strides = array<i32>} : memref<640xf32, #tpu.memory_space<vmem>>, vector<16xf32>,
      %add3A_197 = arith.addf %get3A_194, %get3A_196 : vector<16xf32>
      %swap3A = arith.index_cast %multiple_of3A : i32 to index
      %swap3A_198 = tpu.vector_load %arg13[%swap3A] {strides = array<i32>} : memref<640xf32, #tpu.memory_space<vmem>>, vector<16xf32>,
      tpu.vector_store %arg13[%swap3A], %add3A_197 {strides = array<i32>} : memref<640xf32, #tpu.memory_space<vmem>>, vector<16xf32>,
      %scan3A_199 = arith.constant 0 : i32
      scf.yield %scan3A_199 : i32
    }
    %scan3A_166 = arith.constant 40 : i32
    %broadcast_in_dim3A_167 = arith.constant 5.000000e-01 : f32
    %broadcast_in_dim3A_168 = vector.broadcast %broadcast_in_dim3A_167 : f32 to vector<16xf32>
    %broadcast_in_dim3A_169 = arith.constant 1.500000e+00 : f32
    %broadcast_in_dim3A_170 = vector.broadcast %broadcast_in_dim3A_169 : f32 to vector<16xf32>
    %broadcast_in_dim3A_171 = arith.constant 1.000000e+00 : f32
    %broadcast_in_dim3A_172 = vector.broadcast %broadcast_in_dim3A_171 : f32 to vector<16xf32>
    %scan3A_173 = arith.constant 0 : i32
    %scan3A_174 = arith.constant 0 : i32
    %scan3A_175 = arith.constant 40 : i32
    %scan3A_176 = arith.addi %scan3A_174, %scan3A_175 : i32
    %scan3A_177 = arith.constant 1 : i32
    %scan3A_178 = scf.for %scan3A_190 = %scan3A_174 to %scan3A_176 step %scan3A_177 iter_args(%scan3A_191 = %scan3A_173) -> (i32)  : i32 {
      %mul3A_192 = arith.constant 16 : i32
      %mul3A_193 = arith.muli %scan3A_190, %mul3A_192 : i32
      %multiple_of3A = tpu.assume_multiple %mul3A_193, 16 : i32
      %get3A = arith.index_cast %multiple_of3A : i32 to index
      %get3A_194 = tpu.vector_load %arg13[%get3A] {strides = array<i32>} : memref<640xf32, #tpu.memory_space<vmem>>, vector<16xf32>,
      %max3A = arith.maximumf %get3A_194, %broadcast_in_dim3A_172 : vector<16xf32>
      %div3A = arith.divf %broadcast_in_dim3A_172, %max3A : vector<16xf32>
      %mul3A_195 = arith.mulf %broadcast_in_dim3A_168, %max3A : vector<16xf32>
      %mul3A_196 = arith.mulf %mul3A_195, %div3A : vector<16xf32>
      %mul3A_197 = arith.mulf %mul3A_196, %div3A : vector<16xf32>
      %sub3A = arith.subf %broadcast_in_dim3A_170, %mul3A_197 : vector<16xf32>
      %mul3A_198 = arith.mulf %div3A, %sub3A : vector<16xf32>
      %mul3A_199 = arith.mulf %mul3A_195, %mul3A_198 : vector<16xf32>
      %mul3A_200 = arith.mulf %mul3A_199, %mul3A_198 : vector<16xf32>
      %sub3A_201 = arith.subf %broadcast_in_dim3A_170, %mul3A_200 : vector<16xf32>
      %mul3A_202 = arith.mulf %mul3A_198, %sub3A_201 : vector<16xf32>
      %mul3A_203 = arith.mulf %mul3A_195, %mul3A_202 : vector<16xf32>
      %mul3A_204 = arith.mulf %mul3A_203, %mul3A_202 : vector<16xf32>
      %sub3A_205 = arith.subf %broadcast_in_dim3A_170, %mul3A_204 : vector<16xf32>
      %mul3A_206 = arith.mulf %mul3A_202, %sub3A_205 : vector<16xf32>
      %mul3A_207 = arith.mulf %mul3A_195, %mul3A_206 : vector<16xf32>
      %mul3A_208 = arith.mulf %mul3A_207, %mul3A_206 : vector<16xf32>
      %sub3A_209 = arith.subf %broadcast_in_dim3A_170, %mul3A_208 : vector<16xf32>
      %mul3A_210 = arith.mulf %mul3A_206, %sub3A_209 : vector<16xf32>
      %mul3A_211 = arith.mulf %mul3A_195, %mul3A_210 : vector<16xf32>
      %mul3A_212 = arith.mulf %mul3A_211, %mul3A_210 : vector<16xf32>
      %sub3A_213 = arith.subf %broadcast_in_dim3A_170, %mul3A_212 : vector<16xf32>
      %mul3A_214 = arith.mulf %mul3A_210, %sub3A_213 : vector<16xf32>
      %mul3A_215 = arith.mulf %mul3A_195, %mul3A_214 : vector<16xf32>
      %mul3A_216 = arith.mulf %mul3A_215, %mul3A_214 : vector<16xf32>
      %sub3A_217 = arith.subf %broadcast_in_dim3A_170, %mul3A_216 : vector<16xf32>
      %mul3A_218 = arith.mulf %mul3A_214, %sub3A_217 : vector<16xf32>
      %mul3A_219 = arith.mulf %mul3A_195, %mul3A_218 : vector<16xf32>
      %mul3A_220 = arith.mulf %mul3A_219, %mul3A_218 : vector<16xf32>
      %sub3A_221 = arith.subf %broadcast_in_dim3A_170, %mul3A_220 : vector<16xf32>
      %mul3A_222 = arith.mulf %mul3A_218, %sub3A_221 : vector<16xf32>
      %mul3A_223 = arith.mulf %mul3A_195, %mul3A_222 : vector<16xf32>
      %mul3A_224 = arith.mulf %mul3A_223, %mul3A_222 : vector<16xf32>
      %sub3A_225 = arith.subf %broadcast_in_dim3A_170, %mul3A_224 : vector<16xf32>
      %mul3A_226 = arith.mulf %mul3A_222, %sub3A_225 : vector<16xf32>
      %mul3A_227 = arith.mulf %mul3A_195, %mul3A_226 : vector<16xf32>
      %mul3A_228 = arith.mulf %mul3A_227, %mul3A_226 : vector<16xf32>
      %sub3A_229 = arith.subf %broadcast_in_dim3A_170, %mul3A_228 : vector<16xf32>
      %mul3A_230 = arith.mulf %mul3A_226, %sub3A_229 : vector<16xf32>
      %mul3A_231 = arith.mulf %mul3A_195, %mul3A_230 : vector<16xf32>
      %mul3A_232 = arith.mulf %mul3A_231, %mul3A_230 : vector<16xf32>
      %sub3A_233 = arith.subf %broadcast_in_dim3A_170, %mul3A_232 : vector<16xf32>
      %mul3A_234 = arith.mulf %mul3A_230, %sub3A_233 : vector<16xf32>
      %mul3A_235 = arith.mulf %mul3A_195, %mul3A_234 : vector<16xf32>
      %mul3A_236 = arith.mulf %mul3A_235, %mul3A_234 : vector<16xf32>
      %sub3A_237 = arith.subf %broadcast_in_dim3A_170, %mul3A_236 : vector<16xf32>
      %mul3A_238 = arith.mulf %mul3A_234, %sub3A_237 : vector<16xf32>
      %mul3A_239 = arith.mulf %mul3A_195, %mul3A_238 : vector<16xf32>
      %mul3A_240 = arith.mulf %mul3A_239, %mul3A_238 : vector<16xf32>
      %sub3A_241 = arith.subf %broadcast_in_dim3A_170, %mul3A_240 : vector<16xf32>
      %mul3A_242 = arith.mulf %mul3A_238, %sub3A_241 : vector<16xf32>
      %mul3A_243 = arith.mulf %mul3A_195, %mul3A_242 : vector<16xf32>
      %mul3A_244 = arith.mulf %mul3A_243, %mul3A_242 : vector<16xf32>
      %sub3A_245 = arith.subf %broadcast_in_dim3A_170, %mul3A_244 : vector<16xf32>
      %mul3A_246 = arith.mulf %mul3A_242, %sub3A_245 : vector<16xf32>
      %mul3A_247 = arith.mulf %mul3A_195, %mul3A_246 : vector<16xf32>
      %mul3A_248 = arith.mulf %mul3A_247, %mul3A_246 : vector<16xf32>
      %sub3A_249 = arith.subf %broadcast_in_dim3A_170, %mul3A_248 : vector<16xf32>
      %mul3A_250 = arith.mulf %mul3A_246, %sub3A_249 : vector<16xf32>
      %mul3A_251 = arith.mulf %mul3A_195, %mul3A_250 : vector<16xf32>
      %mul3A_252 = arith.mulf %mul3A_251, %mul3A_250 : vector<16xf32>
      %sub3A_253 = arith.subf %broadcast_in_dim3A_170, %mul3A_252 : vector<16xf32>
      %mul3A_254 = arith.mulf %mul3A_250, %sub3A_253 : vector<16xf32>
      %mul3A_255 = arith.mulf %mul3A_195, %mul3A_254 : vector<16xf32>
      %mul3A_256 = arith.mulf %mul3A_255, %mul3A_254 : vector<16xf32>
      %sub3A_257 = arith.subf %broadcast_in_dim3A_170, %mul3A_256 : vector<16xf32>
      %mul3A_258 = arith.mulf %mul3A_254, %sub3A_257 : vector<16xf32>
      %mul3A_259 = arith.mulf %mul3A_195, %mul3A_258 : vector<16xf32>
      %mul3A_260 = arith.mulf %mul3A_259, %mul3A_258 : vector<16xf32>
      %sub3A_261 = arith.subf %broadcast_in_dim3A_170, %mul3A_260 : vector<16xf32>
      %mul3A_262 = arith.mulf %mul3A_258, %sub3A_261 : vector<16xf32>
      %mul3A_263 = arith.mulf %mul3A_195, %mul3A_262 : vector<16xf32>
      %mul3A_264 = arith.mulf %mul3A_263, %mul3A_262 : vector<16xf32>
      %sub3A_265 = arith.subf %broadcast_in_dim3A_170, %mul3A_264 : vector<16xf32>
      %mul3A_266 = arith.mulf %mul3A_262, %sub3A_265 : vector<16xf32>
      %mul3A_267 = arith.mulf %mul3A_195, %mul3A_266 : vector<16xf32>
      %mul3A_268 = arith.mulf %mul3A_267, %mul3A_266 : vector<16xf32>
      %sub3A_269 = arith.subf %broadcast_in_dim3A_170, %mul3A_268 : vector<16xf32>
      %mul3A_270 = arith.mulf %mul3A_266, %sub3A_269 : vector<16xf32>
      %mul3A_271 = arith.mulf %mul3A_195, %mul3A_270 : vector<16xf32>
      %mul3A_272 = arith.mulf %mul3A_271, %mul3A_270 : vector<16xf32>
      %sub3A_273 = arith.subf %broadcast_in_dim3A_170, %mul3A_272 : vector<16xf32>
      %mul3A_274 = arith.mulf %mul3A_270, %sub3A_273 : vector<16xf32>
      %mul3A_275 = arith.mulf %mul3A_195, %mul3A_274 : vector<16xf32>
      %mul3A_276 = arith.mulf %mul3A_275, %mul3A_274 : vector<16xf32>
      %sub3A_277 = arith.subf %broadcast_in_dim3A_170, %mul3A_276 : vector<16xf32>
      %mul3A_278 = arith.mulf %mul3A_274, %sub3A_277 : vector<16xf32>
      %mul3A_279 = arith.mulf %mul3A_195, %mul3A_278 : vector<16xf32>
      %mul3A_280 = arith.mulf %mul3A_279, %mul3A_278 : vector<16xf32>
      %sub3A_281 = arith.subf %broadcast_in_dim3A_170, %mul3A_280 : vector<16xf32>
      %mul3A_282 = arith.mulf %mul3A_278, %sub3A_281 : vector<16xf32>
      %mul3A_283 = arith.mulf %mul3A_195, %mul3A_282 : vector<16xf32>
      %mul3A_284 = arith.mulf %mul3A_283, %mul3A_282 : vector<16xf32>
      %sub3A_285 = arith.subf %broadcast_in_dim3A_170, %mul3A_284 : vector<16xf32>
      %mul3A_286 = arith.mulf %mul3A_282, %sub3A_285 : vector<16xf32>
      %mul3A_287 = arith.mulf %mul3A_195, %mul3A_286 : vector<16xf32>
      %mul3A_288 = arith.mulf %mul3A_287, %mul3A_286 : vector<16xf32>
      %sub3A_289 = arith.subf %broadcast_in_dim3A_170, %mul3A_288 : vector<16xf32>
      %mul3A_290 = arith.mulf %mul3A_286, %sub3A_289 : vector<16xf32>
      %swap3A = arith.index_cast %multiple_of3A : i32 to index
      %swap3A_291 = tpu.vector_load %arg13[%swap3A] {strides = array<i32>} : memref<640xf32, #tpu.memory_space<vmem>>, vector<16xf32>,
      tpu.vector_store %arg13[%swap3A], %mul3A_290 {strides = array<i32>} : memref<640xf32, #tpu.memory_space<vmem>>, vector<16xf32>,
      %scan3A_292 = arith.constant 0 : i32
      scf.yield %scan3A_292 : i32
    }
    %scan3A_179 = arith.constant 40 : i32
    %mul3A_180 = arith.constant 640 : i32
    %mul3A_181 = arith.muli %arg1, %mul3A_180 : i32
    "tpu.region"() ({
      %run_scoped3A_190 = tpu.sem_alloc : memref<!tpu.dma_semaphore, #tpu.memory_space<semaphore_mem>>
      %dma_start3A = tpu.memref_slice %arg7[%mul3A_181] : memref<10240xf32, #tpu.memory_space<vmem_shared>> -> memref<640xf32, #tpu.memory_space<vmem_shared>>
      %dma_start3A_191 = tpu.memref_slice %arg7[%mul3A_181] : memref<10240xf32, #tpu.memory_space<vmem_shared>> -> memref<640xf32, #tpu.memory_space<vmem_shared>>
      tpu.enqueue_dma source(%arg13 : memref<640xf32, #tpu.memory_space<vmem>>) target(%dma_start3A_191 : memref<640xf32, #tpu.memory_space<vmem_shared>>) target_semaphore(%run_scoped3A_190 : memref<!tpu.dma_semaphore, #tpu.memory_space<semaphore_mem>>)
      %dma_wait3A = tpu.memref_slice %arg7[%mul3A_181] : memref<10240xf32, #tpu.memory_space<vmem_shared>> -> memref<640xf32, #tpu.memory_space<vmem_shared>>
      %dma_wait3A_192 = tpu.memref_slice %arg7[%mul3A_181] : memref<10240xf32, #tpu.memory_space<vmem_shared>> -> memref<640xf32, #tpu.memory_space<vmem_shared>>
      tpu.wait_dma2 semaphore(%run_scoped3A_190 : memref<!tpu.dma_semaphore, #tpu.memory_space<semaphore_mem>>) src(%arg13 : memref<640xf32, #tpu.memory_space<vmem>>) dst(%dma_wait3A_192 : memref<640xf32, #tpu.memory_space<vmem_shared>>)
      tpu.yield
    }) : () -> ()
    %barrier3A_182 = arith.constant 0 : index
    tpu.barrier barrier_id(%barrier3A_182)
    "tpu.region"() ({
      %run_scoped3A_190 = tpu.sem_alloc : memref<!tpu.dma_semaphore, #tpu.memory_space<semaphore_mem>>
      tpu.enqueue_dma source(%arg7 : memref<10240xf32, #tpu.memory_space<vmem_shared>>) target(%arg15 : memref<10240xf32, #tpu.memory_space<vmem>>) target_semaphore(%run_scoped3A_190 : memref<!tpu.dma_semaphore, #tpu.memory_space<semaphore_mem>>)
      tpu.wait_dma2 semaphore(%run_scoped3A_190 : memref<!tpu.dma_semaphore, #tpu.memory_space<semaphore_mem>>) src(%arg7 : memref<10240xf32, #tpu.memory_space<vmem_shared>>) dst(%arg15 : memref<10240xf32, #tpu.memory_space<vmem>>)
      tpu.yield
    }) : () -> ()
    %scan3A_183 = arith.constant 0 : i32
    %scan3A_184 = arith.constant 0 : i32
    %scan3A_185 = arith.constant 88 : i32
    %scan3A_186 = arith.addi %scan3A_184, %scan3A_185 : i32
    %scan3A_187 = arith.constant 1 : i32
    %scan3A_188 = scf.for %scan3A_190 = %scan3A_184 to %scan3A_186 step %scan3A_187 iter_args(%scan3A_191 = %scan3A_183) -> (i32)  : i32 {
      %get3A = arith.index_cast %scan3A_190 : i32 to index
      %get3A_192 = arith.constant 0 : index
      %get3A_193 = tpu.vector_load %arg11[%get3A, %get3A_192] {strides = array<i32>} : memref<88x128xi32, #tpu.memory_space<vmem>>, vector<16xi32>,
      %gather3A = tpu.vector_load_idx %arg15[%get3A_193] : memref<10240xf32, #tpu.memory_space<vmem>>[vector<16xi32>], vector<16xf32>,
      %mul3A_194 = arith.constant 88 : i32
      %mul3A_195 = arith.muli %arg0, %mul3A_194 : i32
      %add3A_196 = arith.addi %mul3A_195, %scan3A_190 : i32
      %get3A_197 = arith.index_cast %add3A_196 : i32 to index
      %get3A_198 = arith.constant 0 : index
      %get3A_199 = tpu.vector_load %arg9[%get3A_197, %get3A_198] {strides = array<i32>} : memref<176x128xi32, #tpu.memory_space<vmem>>, vector<16xi32>,
      %gather3A_200 = tpu.vector_load_idx %arg15[%get3A_199] : memref<10240xf32, #tpu.memory_space<vmem>>[vector<16xi32>], vector<16xf32>,
      %mul3A_201 = arith.constant 88 : i32
      %mul3A_202 = arith.muli %arg0, %mul3A_201 : i32
      %add3A_203 = arith.addi %mul3A_202, %scan3A_190 : i32
      %get3A_204 = arith.index_cast %add3A_203 : i32 to index
      %get3A_205 = arith.constant 0 : index
      %get3A_206 = tpu.vector_load %arg10[%get3A_204, %get3A_205] {strides = array<i32>} : memref<176x128xf32, #tpu.memory_space<vmem>>, vector<16xf32>,
      %mul3A_207 = arith.mulf %gather3A, %get3A_206 : vector<16xf32>
      %mul3A_208 = arith.mulf %mul3A_207, %gather3A_200 : vector<16xf32>
      %swap3A = arith.index_cast %scan3A_190 : i32 to index
      %swap3A_209 = arith.constant 0 : index
      %swap3A_210 = tpu.vector_load %arg12[%swap3A, %swap3A_209] {strides = array<i32>} : memref<88x128xf32, #tpu.memory_space<vmem>>, vector<16xf32>,
      tpu.vector_store %arg12[%swap3A, %swap3A_209], %mul3A_208 {strides = array<i32>} : memref<88x128xf32, #tpu.memory_space<vmem>>, vector<16xf32>,
      %get3A_211 = arith.index_cast %scan3A_190 : i32 to index
      %get3A_212 = arith.constant 16 : index
      %get3A_213 = tpu.vector_load %arg11[%get3A_211, %get3A_212] {strides = array<i32>} : memref<88x128xi32, #tpu.memory_space<vmem>>, vector<16xi32>,
      %gather3A_214 = tpu.vector_load_idx %arg15[%get3A_213] : memref<10240xf32, #tpu.memory_space<vmem>>[vector<16xi32>], vector<16xf32>,
      %mul3A_215 = arith.constant 88 : i32
      %mul3A_216 = arith.muli %arg0, %mul3A_215 : i32
      %add3A_217 = arith.addi %mul3A_216, %scan3A_190 : i32
      %get3A_218 = arith.index_cast %add3A_217 : i32 to index
      %get3A_219 = arith.constant 16 : index
      %get3A_220 = tpu.vector_load %arg9[%get3A_218, %get3A_219] {strides = array<i32>} : memref<176x128xi32, #tpu.memory_space<vmem>>, vector<16xi32>,
      %gather3A_221 = tpu.vector_load_idx %arg15[%get3A_220] : memref<10240xf32, #tpu.memory_space<vmem>>[vector<16xi32>], vector<16xf32>,
      %mul3A_222 = arith.constant 88 : i32
      %mul3A_223 = arith.muli %arg0, %mul3A_222 : i32
      %add3A_224 = arith.addi %mul3A_223, %scan3A_190 : i32
      %get3A_225 = arith.index_cast %add3A_224 : i32 to index
      %get3A_226 = arith.constant 16 : index
      %get3A_227 = tpu.vector_load %arg10[%get3A_225, %get3A_226] {strides = array<i32>} : memref<176x128xf32, #tpu.memory_space<vmem>>, vector<16xf32>,
      %mul3A_228 = arith.mulf %gather3A_214, %get3A_227 : vector<16xf32>
      %mul3A_229 = arith.mulf %mul3A_228, %gather3A_221 : vector<16xf32>
      %swap3A_230 = arith.index_cast %scan3A_190 : i32 to index
      %swap3A_231 = arith.constant 16 : index
      %swap3A_232 = tpu.vector_load %arg12[%swap3A_230, %swap3A_231] {strides = array<i32>} : memref<88x128xf32, #tpu.memory_space<vmem>>, vector<16xf32>,
      tpu.vector_store %arg12[%swap3A_230, %swap3A_231], %mul3A_229 {strides = array<i32>} : memref<88x128xf32, #tpu.memory_space<vmem>>, vector<16xf32>,
      %get3A_233 = arith.index_cast %scan3A_190 : i32 to index
      %get3A_234 = arith.constant 32 : index
      %get3A_235 = tpu.vector_load %arg11[%get3A_233, %get3A_234] {strides = array<i32>} : memref<88x128xi32, #tpu.memory_space<vmem>>, vector<16xi32>,
      %gather3A_236 = tpu.vector_load_idx %arg15[%get3A_235] : memref<10240xf32, #tpu.memory_space<vmem>>[vector<16xi32>], vector<16xf32>,
      %mul3A_237 = arith.constant 88 : i32
      %mul3A_238 = arith.muli %arg0, %mul3A_237 : i32
      %add3A_239 = arith.addi %mul3A_238, %scan3A_190 : i32
      %get3A_240 = arith.index_cast %add3A_239 : i32 to index
      %get3A_241 = arith.constant 32 : index
      %get3A_242 = tpu.vector_load %arg9[%get3A_240, %get3A_241] {strides = array<i32>} : memref<176x128xi32, #tpu.memory_space<vmem>>, vector<16xi32>,
      %gather3A_243 = tpu.vector_load_idx %arg15[%get3A_242] : memref<10240xf32, #tpu.memory_space<vmem>>[vector<16xi32>], vector<16xf32>,
      %mul3A_244 = arith.constant 88 : i32
      %mul3A_245 = arith.muli %arg0, %mul3A_244 : i32
      %add3A_246 = arith.addi %mul3A_245, %scan3A_190 : i32
      %get3A_247 = arith.index_cast %add3A_246 : i32 to index
      %get3A_248 = arith.constant 32 : index
      %get3A_249 = tpu.vector_load %arg10[%get3A_247, %get3A_248] {strides = array<i32>} : memref<176x128xf32, #tpu.memory_space<vmem>>, vector<16xf32>,
      %mul3A_250 = arith.mulf %gather3A_236, %get3A_249 : vector<16xf32>
      %mul3A_251 = arith.mulf %mul3A_250, %gather3A_243 : vector<16xf32>
      %swap3A_252 = arith.index_cast %scan3A_190 : i32 to index
      %swap3A_253 = arith.constant 32 : index
      %swap3A_254 = tpu.vector_load %arg12[%swap3A_252, %swap3A_253] {strides = array<i32>} : memref<88x128xf32, #tpu.memory_space<vmem>>, vector<16xf32>,
      tpu.vector_store %arg12[%swap3A_252, %swap3A_253], %mul3A_251 {strides = array<i32>} : memref<88x128xf32, #tpu.memory_space<vmem>>, vector<16xf32>,
      %get3A_255 = arith.index_cast %scan3A_190 : i32 to index
      %get3A_256 = arith.constant 48 : index
      %get3A_257 = tpu.vector_load %arg11[%get3A_255, %get3A_256] {strides = array<i32>} : memref<88x128xi32, #tpu.memory_space<vmem>>, vector<16xi32>,
      %gather3A_258 = tpu.vector_load_idx %arg15[%get3A_257] : memref<10240xf32, #tpu.memory_space<vmem>>[vector<16xi32>], vector<16xf32>,
      %mul3A_259 = arith.constant 88 : i32
      %mul3A_260 = arith.muli %arg0, %mul3A_259 : i32
      %add3A_261 = arith.addi %mul3A_260, %scan3A_190 : i32
      %get3A_262 = arith.index_cast %add3A_261 : i32 to index
      %get3A_263 = arith.constant 48 : index
      %get3A_264 = tpu.vector_load %arg9[%get3A_262, %get3A_263] {strides = array<i32>} : memref<176x128xi32, #tpu.memory_space<vmem>>, vector<16xi32>,
      %gather3A_265 = tpu.vector_load_idx %arg15[%get3A_264] : memref<10240xf32, #tpu.memory_space<vmem>>[vector<16xi32>], vector<16xf32>,
      %mul3A_266 = arith.constant 88 : i32
      %mul3A_267 = arith.muli %arg0, %mul3A_266 : i32
      %add3A_268 = arith.addi %mul3A_267, %scan3A_190 : i32
      %get3A_269 = arith.index_cast %add3A_268 : i32 to index
      %get3A_270 = arith.constant 48 : index
      %get3A_271 = tpu.vector_load %arg10[%get3A_269, %get3A_270] {strides = array<i32>} : memref<176x128xf32, #tpu.memory_space<vmem>>, vector<16xf32>,
      %mul3A_272 = arith.mulf %gather3A_258, %get3A_271 : vector<16xf32>
      %mul3A_273 = arith.mulf %mul3A_272, %gather3A_265 : vector<16xf32>
      %swap3A_274 = arith.index_cast %scan3A_190 : i32 to index
      %swap3A_275 = arith.constant 48 : index
      %swap3A_276 = tpu.vector_load %arg12[%swap3A_274, %swap3A_275] {strides = array<i32>} : memref<88x128xf32, #tpu.memory_space<vmem>>, vector<16xf32>,
      tpu.vector_store %arg12[%swap3A_274, %swap3A_275], %mul3A_273 {strides = array<i32>} : memref<88x128xf32, #tpu.memory_space<vmem>>, vector<16xf32>,
      %get3A_277 = arith.index_cast %scan3A_190 : i32 to index
      %get3A_278 = arith.constant 64 : index
      %get3A_279 = tpu.vector_load %arg11[%get3A_277, %get3A_278] {strides = array<i32>} : memref<88x128xi32, #tpu.memory_space<vmem>>, vector<16xi32>,
      %gather3A_280 = tpu.vector_load_idx %arg15[%get3A_279] : memref<10240xf32, #tpu.memory_space<vmem>>[vector<16xi32>], vector<16xf32>,
      %mul3A_281 = arith.constant 88 : i32
      %mul3A_282 = arith.muli %arg0, %mul3A_281 : i32
      %add3A_283 = arith.addi %mul3A_282, %scan3A_190 : i32
      %get3A_284 = arith.index_cast %add3A_283 : i32 to index
      %get3A_285 = arith.constant 64 : index
      %get3A_286 = tpu.vector_load %arg9[%get3A_284, %get3A_285] {strides = array<i32>} : memref<176x128xi32, #tpu.memory_space<vmem>>, vector<16xi32>,
      %gather3A_287 = tpu.vector_load_idx %arg15[%get3A_286] : memref<10240xf32, #tpu.memory_space<vmem>>[vector<16xi32>], vector<16xf32>,
      %mul3A_288 = arith.constant 88 : i32
      %mul3A_289 = arith.muli %arg0, %mul3A_288 : i32
      %add3A_290 = arith.addi %mul3A_289, %scan3A_190 : i32
      %get3A_291 = arith.index_cast %add3A_290 : i32 to index
      %get3A_292 = arith.constant 64 : index
      %get3A_293 = tpu.vector_load %arg10[%get3A_291, %get3A_292] {strides = array<i32>} : memref<176x128xf32, #tpu.memory_space<vmem>>, vector<16xf32>,
      %mul3A_294 = arith.mulf %gather3A_280, %get3A_293 : vector<16xf32>
      %mul3A_295 = arith.mulf %mul3A_294, %gather3A_287 : vector<16xf32>
      %swap3A_296 = arith.index_cast %scan3A_190 : i32 to index
      %swap3A_297 = arith.constant 64 : index
      %swap3A_298 = tpu.vector_load %arg12[%swap3A_296, %swap3A_297] {strides = array<i32>} : memref<88x128xf32, #tpu.memory_space<vmem>>, vector<16xf32>,
      tpu.vector_store %arg12[%swap3A_296, %swap3A_297], %mul3A_295 {strides = array<i32>} : memref<88x128xf32, #tpu.memory_space<vmem>>, vector<16xf32>,
      %get3A_299 = arith.index_cast %scan3A_190 : i32 to index
      %get3A_300 = arith.constant 80 : index
      %get3A_301 = tpu.vector_load %arg11[%get3A_299, %get3A_300] {strides = array<i32>} : memref<88x128xi32, #tpu.memory_space<vmem>>, vector<16xi32>,
      %gather3A_302 = tpu.vector_load_idx %arg15[%get3A_301] : memref<10240xf32, #tpu.memory_space<vmem>>[vector<16xi32>], vector<16xf32>,
      %mul3A_303 = arith.constant 88 : i32
      %mul3A_304 = arith.muli %arg0, %mul3A_303 : i32
      %add3A_305 = arith.addi %mul3A_304, %scan3A_190 : i32
      %get3A_306 = arith.index_cast %add3A_305 : i32 to index
      %get3A_307 = arith.constant 80 : index
      %get3A_308 = tpu.vector_load %arg9[%get3A_306, %get3A_307] {strides = array<i32>} : memref<176x128xi32, #tpu.memory_space<vmem>>, vector<16xi32>,
      %gather3A_309 = tpu.vector_load_idx %arg15[%get3A_308] : memref<10240xf32, #tpu.memory_space<vmem>>[vector<16xi32>], vector<16xf32>,
      %mul3A_310 = arith.constant 88 : i32
      %mul3A_311 = arith.muli %arg0, %mul3A_310 : i32
      %add3A_312 = arith.addi %mul3A_311, %scan3A_190 : i32
      %get3A_313 = arith.index_cast %add3A_312 : i32 to index
      %get3A_314 = arith.constant 80 : index
      %get3A_315 = tpu.vector_load %arg10[%get3A_313, %get3A_314] {strides = array<i32>} : memref<176x128xf32, #tpu.memory_space<vmem>>, vector<16xf32>,
      %mul3A_316 = arith.mulf %gather3A_302, %get3A_315 : vector<16xf32>
      %mul3A_317 = arith.mulf %mul3A_316, %gather3A_309 : vector<16xf32>
      %swap3A_318 = arith.index_cast %scan3A_190 : i32 to index
      %swap3A_319 = arith.constant 80 : index
      %swap3A_320 = tpu.vector_load %arg12[%swap3A_318, %swap3A_319] {strides = array<i32>} : memref<88x128xf32, #tpu.memory_space<vmem>>, vector<16xf32>,
      tpu.vector_store %arg12[%swap3A_318, %swap3A_319], %mul3A_317 {strides = array<i32>} : memref<88x128xf32, #tpu.memory_space<vmem>>, vector<16xf32>,
      %get3A_321 = arith.index_cast %scan3A_190 : i32 to index
      %get3A_322 = arith.constant 96 : index
      %get3A_323 = tpu.vector_load %arg11[%get3A_321, %get3A_322] {strides = array<i32>} : memref<88x128xi32, #tpu.memory_space<vmem>>, vector<16xi32>,
      %gather3A_324 = tpu.vector_load_idx %arg15[%get3A_323] : memref<10240xf32, #tpu.memory_space<vmem>>[vector<16xi32>], vector<16xf32>,
      %mul3A_325 = arith.constant 88 : i32
      %mul3A_326 = arith.muli %arg0, %mul3A_325 : i32
      %add3A_327 = arith.addi %mul3A_326, %scan3A_190 : i32
      %get3A_328 = arith.index_cast %add3A_327 : i32 to index
      %get3A_329 = arith.constant 96 : index
      %get3A_330 = tpu.vector_load %arg9[%get3A_328, %get3A_329] {strides = array<i32>} : memref<176x128xi32, #tpu.memory_space<vmem>>, vector<16xi32>,
      %gather3A_331 = tpu.vector_load_idx %arg15[%get3A_330] : memref<10240xf32, #tpu.memory_space<vmem>>[vector<16xi32>], vector<16xf32>,
      %mul3A_332 = arith.constant 88 : i32
      %mul3A_333 = arith.muli %arg0, %mul3A_332 : i32
      %add3A_334 = arith.addi %mul3A_333, %scan3A_190 : i32
      %get3A_335 = arith.index_cast %add3A_334 : i32 to index
      %get3A_336 = arith.constant 96 : index
      %get3A_337 = tpu.vector_load %arg10[%get3A_335, %get3A_336] {strides = array<i32>} : memref<176x128xf32, #tpu.memory_space<vmem>>, vector<16xf32>,
      %mul3A_338 = arith.mulf %gather3A_324, %get3A_337 : vector<16xf32>
      %mul3A_339 = arith.mulf %mul3A_338, %gather3A_331 : vector<16xf32>
      %swap3A_340 = arith.index_cast %scan3A_190 : i32 to index
      %swap3A_341 = arith.constant 96 : index
      %swap3A_342 = tpu.vector_load %arg12[%swap3A_340, %swap3A_341] {strides = array<i32>} : memref<88x128xf32, #tpu.memory_space<vmem>>, vector<16xf32>,
      tpu.vector_store %arg12[%swap3A_340, %swap3A_341], %mul3A_339 {strides = array<i32>} : memref<88x128xf32, #tpu.memory_space<vmem>>, vector<16xf32>,
      %get3A_343 = arith.index_cast %scan3A_190 : i32 to index
      %get3A_344 = arith.constant 112 : index
      %get3A_345 = tpu.vector_load %arg11[%get3A_343, %get3A_344] {strides = array<i32>} : memref<88x128xi32, #tpu.memory_space<vmem>>, vector<16xi32>,
      %gather3A_346 = tpu.vector_load_idx %arg15[%get3A_345] : memref<10240xf32, #tpu.memory_space<vmem>>[vector<16xi32>], vector<16xf32>,
      %mul3A_347 = arith.constant 88 : i32
      %mul3A_348 = arith.muli %arg0, %mul3A_347 : i32
      %add3A_349 = arith.addi %mul3A_348, %scan3A_190 : i32
      %get3A_350 = arith.index_cast %add3A_349 : i32 to index
      %get3A_351 = arith.constant 112 : index
      %get3A_352 = tpu.vector_load %arg9[%get3A_350, %get3A_351] {strides = array<i32>} : memref<176x128xi32, #tpu.memory_space<vmem>>, vector<16xi32>,
      %gather3A_353 = tpu.vector_load_idx %arg15[%get3A_352] : memref<10240xf32, #tpu.memory_space<vmem>>[vector<16xi32>], vector<16xf32>,
      %mul3A_354 = arith.constant 88 : i32
      %mul3A_355 = arith.muli %arg0, %mul3A_354 : i32
      %add3A_356 = arith.addi %mul3A_355, %scan3A_190 : i32
      %get3A_357 = arith.index_cast %add3A_356 : i32 to index
      %get3A_358 = arith.constant 112 : index
      %get3A_359 = tpu.vector_load %arg10[%get3A_357, %get3A_358] {strides = array<i32>} : memref<176x128xf32, #tpu.memory_space<vmem>>, vector<16xf32>,
      %mul3A_360 = arith.mulf %gather3A_346, %get3A_359 : vector<16xf32>
      %mul3A_361 = arith.mulf %mul3A_360, %gather3A_353 : vector<16xf32>
      %swap3A_362 = arith.index_cast %scan3A_190 : i32 to index
      %swap3A_363 = arith.constant 112 : index
      %swap3A_364 = tpu.vector_load %arg12[%swap3A_362, %swap3A_363] {strides = array<i32>} : memref<88x128xf32, #tpu.memory_space<vmem>>, vector<16xf32>,
      tpu.vector_store %arg12[%swap3A_362, %swap3A_363], %mul3A_361 {strides = array<i32>} : memref<88x128xf32, #tpu.memory_space<vmem>>, vector<16xf32>,
      %scan3A_365 = arith.constant 0 : i32
      scf.yield %scan3A_365 : i32
    }
    %scan3A_189 = arith.constant 88 : i32
    "tpu.region"() ({
      %run_scoped3A_190 = tpu.sem_alloc : memref<!tpu.dma_semaphore, #tpu.memory_space<semaphore_mem>>
      %dma_start3A = arith.constant 0 : i32
      %dma_start3A_191 = arith.constant 0 : i32
      %dma_start3A_192 = tpu.memref_slice %arg5[%add3A, %dma_start3A, %dma_start3A_191] : memref<32x88x128xf32, #tpu.memory_space<hbm>> -> memref<1x88x128xf32, #tpu.memory_space<hbm>>
      %dma_start3A_193 = tpu.memref_squeeze %dma_start3A_192 : memref<1x88x128xf32, #tpu.memory_space<hbm>> -> memref<88x128xf32, #tpu.memory_space<hbm>>
      %dma_start3A_194 = arith.constant 0 : i32
      %dma_start3A_195 = arith.constant 0 : i32
      %dma_start3A_196 = tpu.memref_slice %arg5[%add3A, %dma_start3A_194, %dma_start3A_195] : memref<32x88x128xf32, #tpu.memory_space<hbm>> -> memref<1x88x128xf32, #tpu.memory_space<hbm>>
      %dma_start3A_197 = tpu.memref_squeeze %dma_start3A_196 : memref<1x88x128xf32, #tpu.memory_space<hbm>> -> memref<88x128xf32, #tpu.memory_space<hbm>>
      tpu.enqueue_dma source(%arg12 : memref<88x128xf32, #tpu.memory_space<vmem>>) target(%dma_start3A_197 : memref<88x128xf32, #tpu.memory_space<hbm>>) target_semaphore(%run_scoped3A_190 : memref<!tpu.dma_semaphore, #tpu.memory_space<semaphore_mem>>)
      %dma_wait3A = arith.constant 0 : i32
      %dma_wait3A_198 = arith.constant 0 : i32
      %dma_wait3A_199 = tpu.memref_slice %arg5[%add3A, %dma_wait3A, %dma_wait3A_198] : memref<32x88x128xf32, #tpu.memory_space<hbm>> -> memref<1x88x128xf32, #tpu.memory_space<hbm>>
      %dma_wait3A_200 = tpu.memref_squeeze %dma_wait3A_199 : memref<1x88x128xf32, #tpu.memory_space<hbm>> -> memref<88x128xf32, #tpu.memory_space<hbm>>
      %dma_wait3A_201 = arith.constant 0 : i32
      %dma_wait3A_202 = arith.constant 0 : i32
      %dma_wait3A_203 = tpu.memref_slice %arg5[%add3A, %dma_wait3A_201, %dma_wait3A_202] : memref<32x88x128xf32, #tpu.memory_space<hbm>> -> memref<1x88x128xf32, #tpu.memory_space<hbm>>
      %dma_wait3A_204 = tpu.memref_squeeze %dma_wait3A_203 : memref<1x88x128xf32, #tpu.memory_space<hbm>> -> memref<88x128xf32, #tpu.memory_space<hbm>>
      tpu.wait_dma2 semaphore(%run_scoped3A_190 : memref<!tpu.dma_semaphore, #tpu.memory_space<semaphore_mem>>) src(%arg12 : memref<88x128xf32, #tpu.memory_space<vmem>>) dst(%dma_wait3A_204 : memref<88x128xf32, #tpu.memory_space<hbm>>)
      tpu.yield
    }) : () -> ()
    return
  }
}

#map = affine_map<(d0, d1) -> (0, 0)>
#map1 = affine_map<(d0, d1) -> (0, 0, 0)>
module attributes {stable_mosaic.version = 14 : i64} {
  func.func @_mp_kernel(%arg0: i32, %arg1: i32, %arg2: memref<10000x64xi32, #tpu.memory_space<hbm>>, %arg3: memref<2816x128xi32, #tpu.memory_space<hbm>>, %arg4: memref<2816x128xi32, #tpu.memory_space<hbm>>, %arg5: memref<2816x128xf32, #tpu.memory_space<hbm>>, %arg6: memref<2x10000x128xf32, #tpu.memory_space<hbm>>, %arg7: memref<10000x128xf32, #tpu.memory_space<vmem_shared>>, %arg8: memref<2x8x128xi32, #tpu.memory_space<vmem>>, %arg9: memref<2x8x128xi32, #tpu.memory_space<vmem>>, %arg10: memref<2x8x128xf32, #tpu.memory_space<vmem>>, %arg11: memref<3x128x64xi32, #tpu.memory_space<vmem>>, %arg12: memref<128x128xf32, #tpu.memory_space<vmem>>, %arg13: memref<2x!tpu.dma_semaphore, #tpu.memory_space<semaphore_mem>>, %arg14: memref<!tpu.dma_semaphore, #tpu.memory_space<semaphore_mem>>, %arg15: memref<!tpu.dma_semaphore, #tpu.memory_space<semaphore_mem>>) attributes {dimension_semantics = [#tpu.dimension_semantics<core_parallel>, #tpu.dimension_semantics<subcore_parallel>], iteration_bounds = array<i64: 2, 16>, scalar_prefetch = 0 : i64, scratch_operands = 9 : i64, tpu.core_type = #tpu.core_type<sc_vector_subcore>, window_params = [{transform_indices = #map}, {transform_indices = #map}, {transform_indices = #map}, {transform_indices = #map}, {transform_indices = #map1}]} {
    %broadcast_in_dim3A = arith.constant 0.000000e+00 : f32
    %broadcast_in_dim3A_0 = vector.broadcast %broadcast_in_dim3A : f32 to vector<16xf32>
    %scan3A = arith.constant 0 : i32
    %scan3A_1 = arith.constant 0 : i32
    %scan3A_2 = arith.constant 1024 : i32
    %scan3A_3 = arith.addi %scan3A_1, %scan3A_2 : i32
    %scan3A_4 = arith.constant 1 : i32
    %scan3A_5 = scf.for %scan3A_68 = %scan3A_1 to %scan3A_3 step %scan3A_4 iter_args(%scan3A_69 = %scan3A) -> (i32)  : i32 {
      %jit3A = arith.constant 8 : i32
      %div3A = arith.divsi %scan3A_68, %jit3A : i32
      %sign3A = arith.constant 0 : i32
      %sign3A_70 = arith.cmpi sgt, %scan3A_68, %sign3A : i32
      %sign3A_71 = arith.extui %sign3A_70 : i1 to i32
      %sign3A_72 = arith.constant 0 : i32
      %sign3A_73 = arith.cmpi slt, %scan3A_68, %sign3A_72 : i32
      %sign3A_74 = arith.extui %sign3A_73 : i1 to i32
      %sign3A_75 = arith.subi %sign3A_71, %sign3A_74 : i32
      %sign3A_76 = arith.constant 0 : i32
      %sign3A_77 = arith.cmpi sgt, %jit3A, %sign3A_76 : i32
      %sign3A_78 = arith.extui %sign3A_77 : i1 to i32
      %sign3A_79 = arith.constant 0 : i32
      %sign3A_80 = arith.cmpi slt, %jit3A, %sign3A_79 : i32
      %sign3A_81 = arith.extui %sign3A_80 : i1 to i32
      %sign3A_82 = arith.subi %sign3A_78, %sign3A_81 : i32
      %ne3A = arith.cmpi ne, %sign3A_75, %sign3A_82 : i32
      %rem3A = arith.remsi %scan3A_68, %jit3A : i32
      %ne3A_83 = arith.constant 0 : i32
      %ne3A_84 = arith.cmpi ne, %rem3A, %ne3A_83 : i32
      %and3A = arith.andi %ne3A, %ne3A_84 : i1
      %sub3A = arith.constant 1 : i32
      %sub3A_85 = arith.subi %div3A, %sub3A : i32
      %select_n3A = arith.select %and3A, %sub3A_85, %div3A : i32
      %jit3A_86 = arith.constant 8 : i32
      %eq3A_87 = arith.constant 0 : i32
      %eq3A_88 = arith.cmpi eq, %jit3A_86, %eq3A_87 : i32
      %jit3A_89 = arith.constant 1 : i32
      %select_n3A_90 = arith.select %eq3A_88, %jit3A_89, %jit3A_86 : i32
      %rem3A_91 = arith.remsi %scan3A_68, %select_n3A_90 : i32
      %ne3A_92 = arith.constant 0 : i32
      %ne3A_93 = arith.cmpi ne, %rem3A_91, %ne3A_92 : i32
      %lt3A_94 = arith.constant 0 : i32
      %lt3A_95 = arith.cmpi slt, %rem3A_91, %lt3A_94 : i32
      %lt3A_96 = arith.constant 0 : i32
      %lt3A_97 = arith.cmpi slt, %select_n3A_90, %lt3A_96 : i32
      %ne3A_98 = arith.xori %lt3A_95, %lt3A_97 : i1
      %and3A_99 = arith.andi %ne3A_98, %ne3A_93 : i1
      %add3A_100 = arith.addi %rem3A_91, %select_n3A_90 : i32
      %select_n3A_101 = arith.select %and3A_99, %add3A_100, %rem3A_91 : i32
      %mul3A_102 = arith.constant 16 : i32
      %mul3A_103 = arith.muli %select_n3A_101, %mul3A_102 : i32
      %multiple_of3A = tpu.assume_multiple %mul3A_103, 16 : i32
      %swap3A = arith.index_cast %select_n3A : i32 to index
      %swap3A_104 = arith.index_cast %multiple_of3A : i32 to index
      %swap3A_105 = tpu.vector_load %arg12[%swap3A, %swap3A_104] {strides = array<i32>} : memref<128x128xf32, #tpu.memory_space<vmem>>, vector<16xf32>,
      tpu.vector_store %arg12[%swap3A, %swap3A_104], %broadcast_in_dim3A_0 {strides = array<i32>} : memref<128x128xf32, #tpu.memory_space<vmem>>, vector<16xf32>,
      %scan3A_106 = arith.constant 0 : i32
      scf.yield %scan3A_106 : i32
    }
    %scan3A_6 = arith.constant 1024 : i32
    %lt3A = arith.constant 15 : i32
    %lt3A_7 = arith.cmpi slt, %arg1, %lt3A : i32
    %convert_element_type3A = arith.extui %lt3A_7 : i1 to i32
    %cond3A = arith.constant 0 : i32
    %cond3A_8 = arith.cmpi ne, %convert_element_type3A, %cond3A : i32
    scf.if %cond3A_8 {
      %mul3A_68 = arith.constant 624 : i32
      %mul3A_69 = arith.muli %arg1, %mul3A_68 : i32
      %add3A_70 = arith.constant 0 : i32
      %add3A_71 = arith.addi %mul3A_69, %add3A_70 : i32
      "tpu.region"() ({
        %run_scoped3A_88 = tpu.sem_alloc : memref<!tpu.dma_semaphore, #tpu.memory_space<semaphore_mem>>
        %dma_start3A_89 = arith.constant 0 : i32
        %dma_start3A_90 = tpu.memref_slice %arg7[%add3A_71, %dma_start3A_89] : memref<10000x128xf32, #tpu.memory_space<vmem_shared>> -> memref<128x128xf32, #tpu.memory_space<vmem_shared>>
        %dma_start3A_91 = arith.constant 0 : i32
        %dma_start3A_92 = tpu.memref_slice %arg7[%add3A_71, %dma_start3A_91] : memref<10000x128xf32, #tpu.memory_space<vmem_shared>> -> memref<128x128xf32, #tpu.memory_space<vmem_shared>>
        tpu.enqueue_dma source(%arg12 : memref<128x128xf32, #tpu.memory_space<vmem>>) target(%dma_start3A_92 : memref<128x128xf32, #tpu.memory_space<vmem_shared>>) target_semaphore(%run_scoped3A_88 : memref<!tpu.dma_semaphore, #tpu.memory_space<semaphore_mem>>)
        %dma_wait3A_93 = arith.constant 0 : i32
        %dma_wait3A_94 = tpu.memref_slice %arg7[%add3A_71, %dma_wait3A_93] : memref<10000x128xf32, #tpu.memory_space<vmem_shared>> -> memref<128x128xf32, #tpu.memory_space<vmem_shared>>
        %dma_wait3A_95 = arith.constant 0 : i32
        %dma_wait3A_96 = tpu.memref_slice %arg7[%add3A_71, %dma_wait3A_95] : memref<10000x128xf32, #tpu.memory_space<vmem_shared>> -> memref<128x128xf32, #tpu.memory_space<vmem_shared>>
        tpu.wait_dma2 semaphore(%run_scoped3A_88 : memref<!tpu.dma_semaphore, #tpu.memory_space<semaphore_mem>>) src(%arg12 : memref<128x128xf32, #tpu.memory_space<vmem>>) dst(%dma_wait3A_96 : memref<128x128xf32, #tpu.memory_space<vmem_shared>>)
        tpu.yield
      }) : () -> ()
      %mul3A_72 = arith.constant 624 : i32
      %mul3A_73 = arith.muli %arg1, %mul3A_72 : i32
      %add3A_74 = arith.constant 128 : i32
      %add3A_75 = arith.addi %mul3A_73, %add3A_74 : i32
      "tpu.region"() ({
        %run_scoped3A_88 = tpu.sem_alloc : memref<!tpu.dma_semaphore, #tpu.memory_space<semaphore_mem>>
        %dma_start3A_89 = arith.constant 0 : i32
        %dma_start3A_90 = tpu.memref_slice %arg7[%add3A_75, %dma_start3A_89] : memref<10000x128xf32, #tpu.memory_space<vmem_shared>> -> memref<128x128xf32, #tpu.memory_space<vmem_shared>>
        %dma_start3A_91 = arith.constant 0 : i32
        %dma_start3A_92 = tpu.memref_slice %arg7[%add3A_75, %dma_start3A_91] : memref<10000x128xf32, #tpu.memory_space<vmem_shared>> -> memref<128x128xf32, #tpu.memory_space<vmem_shared>>
        tpu.enqueue_dma source(%arg12 : memref<128x128xf32, #tpu.memory_space<vmem>>) target(%dma_start3A_92 : memref<128x128xf32, #tpu.memory_space<vmem_shared>>) target_semaphore(%run_scoped3A_88 : memref<!tpu.dma_semaphore, #tpu.memory_space<semaphore_mem>>)
        %dma_wait3A_93 = arith.constant 0 : i32
        %dma_wait3A_94 = tpu.memref_slice %arg7[%add3A_75, %dma_wait3A_93] : memref<10000x128xf32, #tpu.memory_space<vmem_shared>> -> memref<128x128xf32, #tpu.memory_space<vmem_shared>>
        %dma_wait3A_95 = arith.constant 0 : i32
        %dma_wait3A_96 = tpu.memref_slice %arg7[%add3A_75, %dma_wait3A_95] : memref<10000x128xf32, #tpu.memory_space<vmem_shared>> -> memref<128x128xf32, #tpu.memory_space<vmem_shared>>
        tpu.wait_dma2 semaphore(%run_scoped3A_88 : memref<!tpu.dma_semaphore, #tpu.memory_space<semaphore_mem>>) src(%arg12 : memref<128x128xf32, #tpu.memory_space<vmem>>) dst(%dma_wait3A_96 : memref<128x128xf32, #tpu.memory_space<vmem_shared>>)
        tpu.yield
      }) : () -> ()
      %mul3A_76 = arith.constant 624 : i32
      %mul3A_77 = arith.muli %arg1, %mul3A_76 : i32
      %add3A_78 = arith.constant 256 : i32
      %add3A_79 = arith.addi %mul3A_77, %add3A_78 : i32
      "tpu.region"() ({
        %run_scoped3A_88 = tpu.sem_alloc : memref<!tpu.dma_semaphore, #tpu.memory_space<semaphore_mem>>
        %dma_start3A_89 = arith.constant 0 : i32
        %dma_start3A_90 = tpu.memref_slice %arg7[%add3A_79, %dma_start3A_89] : memref<10000x128xf32, #tpu.memory_space<vmem_shared>> -> memref<128x128xf32, #tpu.memory_space<vmem_shared>>
        %dma_start3A_91 = arith.constant 0 : i32
        %dma_start3A_92 = tpu.memref_slice %arg7[%add3A_79, %dma_start3A_91] : memref<10000x128xf32, #tpu.memory_space<vmem_shared>> -> memref<128x128xf32, #tpu.memory_space<vmem_shared>>
        tpu.enqueue_dma source(%arg12 : memref<128x128xf32, #tpu.memory_space<vmem>>) target(%dma_start3A_92 : memref<128x128xf32, #tpu.memory_space<vmem_shared>>) target_semaphore(%run_scoped3A_88 : memref<!tpu.dma_semaphore, #tpu.memory_space<semaphore_mem>>)
        %dma_wait3A_93 = arith.constant 0 : i32
        %dma_wait3A_94 = tpu.memref_slice %arg7[%add3A_79, %dma_wait3A_93] : memref<10000x128xf32, #tpu.memory_space<vmem_shared>> -> memref<128x128xf32, #tpu.memory_space<vmem_shared>>
        %dma_wait3A_95 = arith.constant 0 : i32
        %dma_wait3A_96 = tpu.memref_slice %arg7[%add3A_79, %dma_wait3A_95] : memref<10000x128xf32, #tpu.memory_space<vmem_shared>> -> memref<128x128xf32, #tpu.memory_space<vmem_shared>>
        tpu.wait_dma2 semaphore(%run_scoped3A_88 : memref<!tpu.dma_semaphore, #tpu.memory_space<semaphore_mem>>) src(%arg12 : memref<128x128xf32, #tpu.memory_space<vmem>>) dst(%dma_wait3A_96 : memref<128x128xf32, #tpu.memory_space<vmem_shared>>)
        tpu.yield
      }) : () -> ()
      %mul3A_80 = arith.constant 624 : i32
      %mul3A_81 = arith.muli %arg1, %mul3A_80 : i32
      %add3A_82 = arith.constant 384 : i32
      %add3A_83 = arith.addi %mul3A_81, %add3A_82 : i32
      "tpu.region"() ({
        %run_scoped3A_88 = tpu.sem_alloc : memref<!tpu.dma_semaphore, #tpu.memory_space<semaphore_mem>>
        %dma_start3A_89 = arith.constant 0 : i32
        %dma_start3A_90 = tpu.memref_slice %arg7[%add3A_83, %dma_start3A_89] : memref<10000x128xf32, #tpu.memory_space<vmem_shared>> -> memref<128x128xf32, #tpu.memory_space<vmem_shared>>
        %dma_start3A_91 = arith.constant 0 : i32
        %dma_start3A_92 = tpu.memref_slice %arg7[%add3A_83, %dma_start3A_91] : memref<10000x128xf32, #tpu.memory_space<vmem_shared>> -> memref<128x128xf32, #tpu.memory_space<vmem_shared>>
        tpu.enqueue_dma source(%arg12 : memref<128x128xf32, #tpu.memory_space<vmem>>) target(%dma_start3A_92 : memref<128x128xf32, #tpu.memory_space<vmem_shared>>) target_semaphore(%run_scoped3A_88 : memref<!tpu.dma_semaphore, #tpu.memory_space<semaphore_mem>>)
        %dma_wait3A_93 = arith.constant 0 : i32
        %dma_wait3A_94 = tpu.memref_slice %arg7[%add3A_83, %dma_wait3A_93] : memref<10000x128xf32, #tpu.memory_space<vmem_shared>> -> memref<128x128xf32, #tpu.memory_space<vmem_shared>>
        %dma_wait3A_95 = arith.constant 0 : i32
        %dma_wait3A_96 = tpu.memref_slice %arg7[%add3A_83, %dma_wait3A_95] : memref<10000x128xf32, #tpu.memory_space<vmem_shared>> -> memref<128x128xf32, #tpu.memory_space<vmem_shared>>
        tpu.wait_dma2 semaphore(%run_scoped3A_88 : memref<!tpu.dma_semaphore, #tpu.memory_space<semaphore_mem>>) src(%arg12 : memref<128x128xf32, #tpu.memory_space<vmem>>) dst(%dma_wait3A_96 : memref<128x128xf32, #tpu.memory_space<vmem_shared>>)
        tpu.yield
      }) : () -> ()
      %mul3A_84 = arith.constant 624 : i32
      %mul3A_85 = arith.muli %arg1, %mul3A_84 : i32
      %add3A_86 = arith.constant 512 : i32
      %add3A_87 = arith.addi %mul3A_85, %add3A_86 : i32
      "tpu.region"() ({
        %run_scoped3A_88 = tpu.sem_alloc : memref<!tpu.dma_semaphore, #tpu.memory_space<semaphore_mem>>
        %dma_start3A_89 = arith.constant 0 : i32
        %dma_start3A_90 = arith.constant 0 : i32
        %dma_start3A_91 = tpu.memref_slice %arg12[%dma_start3A_89, %dma_start3A_90] : memref<128x128xf32, #tpu.memory_space<vmem>> -> memref<112x128xf32, #tpu.memory_space<vmem>>
        %dma_start3A_92 = arith.constant 0 : i32
        %dma_start3A_93 = tpu.memref_slice %arg7[%add3A_87, %dma_start3A_92] : memref<10000x128xf32, #tpu.memory_space<vmem_shared>> -> memref<112x128xf32, #tpu.memory_space<vmem_shared>>
        %dma_start3A_94 = arith.constant 0 : i32
        %dma_start3A_95 = tpu.memref_slice %arg7[%add3A_87, %dma_start3A_94] : memref<10000x128xf32, #tpu.memory_space<vmem_shared>> -> memref<112x128xf32, #tpu.memory_space<vmem_shared>>
        %dma_start3A_96 = arith.constant 0 : i32
        %dma_start3A_97 = arith.constant 0 : i32
        %dma_start3A_98 = tpu.memref_slice %arg12[%dma_start3A_96, %dma_start3A_97] : memref<128x128xf32, #tpu.memory_space<vmem>> -> memref<112x128xf32, #tpu.memory_space<vmem>>
        tpu.enqueue_dma source(%dma_start3A_98 : memref<112x128xf32, #tpu.memory_space<vmem>>) target(%dma_start3A_95 : memref<112x128xf32, #tpu.memory_space<vmem_shared>>) target_semaphore(%run_scoped3A_88 : memref<!tpu.dma_semaphore, #tpu.memory_space<semaphore_mem>>)
        %dma_wait3A_99 = arith.constant 0 : i32
        %dma_wait3A_100 = arith.constant 0 : i32
        %dma_wait3A_101 = tpu.memref_slice %arg12[%dma_wait3A_99, %dma_wait3A_100] : memref<128x128xf32, #tpu.memory_space<vmem>> -> memref<112x128xf32, #tpu.memory_space<vmem>>
        %dma_wait3A_102 = arith.constant 0 : i32
        %dma_wait3A_103 = tpu.memref_slice %arg7[%add3A_87, %dma_wait3A_102] : memref<10000x128xf32, #tpu.memory_space<vmem_shared>> -> memref<112x128xf32, #tpu.memory_space<vmem_shared>>
        %dma_wait3A_104 = arith.constant 0 : i32
        %dma_wait3A_105 = tpu.memref_slice %arg7[%add3A_87, %dma_wait3A_104] : memref<10000x128xf32, #tpu.memory_space<vmem_shared>> -> memref<112x128xf32, #tpu.memory_space<vmem_shared>>
        %dma_wait3A_106 = arith.constant 0 : i32
        %dma_wait3A_107 = arith.constant 0 : i32
        %dma_wait3A_108 = tpu.memref_slice %arg12[%dma_wait3A_106, %dma_wait3A_107] : memref<128x128xf32, #tpu.memory_space<vmem>> -> memref<112x128xf32, #tpu.memory_space<vmem>>
        tpu.wait_dma2 semaphore(%run_scoped3A_88 : memref<!tpu.dma_semaphore, #tpu.memory_space<semaphore_mem>>) src(%dma_wait3A_108 : memref<112x128xf32, #tpu.memory_space<vmem>>) dst(%dma_wait3A_105 : memref<112x128xf32, #tpu.memory_space<vmem_shared>>)
        tpu.yield
      }) : () -> ()
    } else {
    }
    %eq3A = arith.constant 15 : i32
    %eq3A_9 = arith.cmpi eq, %arg1, %eq3A : i32
    %convert_element_type3A_10 = arith.extui %eq3A_9 : i1 to i32
    %cond3A_11 = arith.constant 0 : i32
    %cond3A_12 = arith.cmpi ne, %convert_element_type3A_10, %cond3A_11 : i32
    scf.if %cond3A_12 {
      "tpu.region"() ({
        %run_scoped3A_68 = tpu.sem_alloc : memref<!tpu.dma_semaphore, #tpu.memory_space<semaphore_mem>>
        %dma_start3A_69 = arith.constant 9360 : i32
        %dma_start3A_70 = arith.constant 0 : i32
        %dma_start3A_71 = tpu.memref_slice %arg7[%dma_start3A_69, %dma_start3A_70] : memref<10000x128xf32, #tpu.memory_space<vmem_shared>> -> memref<128x128xf32, #tpu.memory_space<vmem_shared>>
        %dma_start3A_72 = arith.constant 9360 : i32
        %dma_start3A_73 = arith.constant 0 : i32
        %dma_start3A_74 = tpu.memref_slice %arg7[%dma_start3A_72, %dma_start3A_73] : memref<10000x128xf32, #tpu.memory_space<vmem_shared>> -> memref<128x128xf32, #tpu.memory_space<vmem_shared>>
        tpu.enqueue_dma source(%arg12 : memref<128x128xf32, #tpu.memory_space<vmem>>) target(%dma_start3A_74 : memref<128x128xf32, #tpu.memory_space<vmem_shared>>) target_semaphore(%run_scoped3A_68 : memref<!tpu.dma_semaphore, #tpu.memory_space<semaphore_mem>>)
        %dma_wait3A_75 = arith.constant 9360 : i32
        %dma_wait3A_76 = arith.constant 0 : i32
        %dma_wait3A_77 = tpu.memref_slice %arg7[%dma_wait3A_75, %dma_wait3A_76] : memref<10000x128xf32, #tpu.memory_space<vmem_shared>> -> memref<128x128xf32, #tpu.memory_space<vmem_shared>>
        %dma_wait3A_78 = arith.constant 9360 : i32
        %dma_wait3A_79 = arith.constant 0 : i32
        %dma_wait3A_80 = tpu.memref_slice %arg7[%dma_wait3A_78, %dma_wait3A_79] : memref<10000x128xf32, #tpu.memory_space<vmem_shared>> -> memref<128x128xf32, #tpu.memory_space<vmem_shared>>
        tpu.wait_dma2 semaphore(%run_scoped3A_68 : memref<!tpu.dma_semaphore, #tpu.memory_space<semaphore_mem>>) src(%arg12 : memref<128x128xf32, #tpu.memory_space<vmem>>) dst(%dma_wait3A_80 : memref<128x128xf32, #tpu.memory_space<vmem_shared>>)
        tpu.yield
      }) : () -> ()
      "tpu.region"() ({
        %run_scoped3A_68 = tpu.sem_alloc : memref<!tpu.dma_semaphore, #tpu.memory_space<semaphore_mem>>
        %dma_start3A_69 = arith.constant 9488 : i32
        %dma_start3A_70 = arith.constant 0 : i32
        %dma_start3A_71 = tpu.memref_slice %arg7[%dma_start3A_69, %dma_start3A_70] : memref<10000x128xf32, #tpu.memory_space<vmem_shared>> -> memref<128x128xf32, #tpu.memory_space<vmem_shared>>
        %dma_start3A_72 = arith.constant 9488 : i32
        %dma_start3A_73 = arith.constant 0 : i32
        %dma_start3A_74 = tpu.memref_slice %arg7[%dma_start3A_72, %dma_start3A_73] : memref<10000x128xf32, #tpu.memory_space<vmem_shared>> -> memref<128x128xf32, #tpu.memory_space<vmem_shared>>
        tpu.enqueue_dma source(%arg12 : memref<128x128xf32, #tpu.memory_space<vmem>>) target(%dma_start3A_74 : memref<128x128xf32, #tpu.memory_space<vmem_shared>>) target_semaphore(%run_scoped3A_68 : memref<!tpu.dma_semaphore, #tpu.memory_space<semaphore_mem>>)
        %dma_wait3A_75 = arith.constant 9488 : i32
        %dma_wait3A_76 = arith.constant 0 : i32
        %dma_wait3A_77 = tpu.memref_slice %arg7[%dma_wait3A_75, %dma_wait3A_76] : memref<10000x128xf32, #tpu.memory_space<vmem_shared>> -> memref<128x128xf32, #tpu.memory_space<vmem_shared>>
        %dma_wait3A_78 = arith.constant 9488 : i32
        %dma_wait3A_79 = arith.constant 0 : i32
        %dma_wait3A_80 = tpu.memref_slice %arg7[%dma_wait3A_78, %dma_wait3A_79] : memref<10000x128xf32, #tpu.memory_space<vmem_shared>> -> memref<128x128xf32, #tpu.memory_space<vmem_shared>>
        tpu.wait_dma2 semaphore(%run_scoped3A_68 : memref<!tpu.dma_semaphore, #tpu.memory_space<semaphore_mem>>) src(%arg12 : memref<128x128xf32, #tpu.memory_space<vmem>>) dst(%dma_wait3A_80 : memref<128x128xf32, #tpu.memory_space<vmem_shared>>)
        tpu.yield
      }) : () -> ()
      "tpu.region"() ({
        %run_scoped3A_68 = tpu.sem_alloc : memref<!tpu.dma_semaphore, #tpu.memory_space<semaphore_mem>>
        %dma_start3A_69 = arith.constant 9616 : i32
        %dma_start3A_70 = arith.constant 0 : i32
        %dma_start3A_71 = tpu.memref_slice %arg7[%dma_start3A_69, %dma_start3A_70] : memref<10000x128xf32, #tpu.memory_space<vmem_shared>> -> memref<128x128xf32, #tpu.memory_space<vmem_shared>>
        %dma_start3A_72 = arith.constant 9616 : i32
        %dma_start3A_73 = arith.constant 0 : i32
        %dma_start3A_74 = tpu.memref_slice %arg7[%dma_start3A_72, %dma_start3A_73] : memref<10000x128xf32, #tpu.memory_space<vmem_shared>> -> memref<128x128xf32, #tpu.memory_space<vmem_shared>>
        tpu.enqueue_dma source(%arg12 : memref<128x128xf32, #tpu.memory_space<vmem>>) target(%dma_start3A_74 : memref<128x128xf32, #tpu.memory_space<vmem_shared>>) target_semaphore(%run_scoped3A_68 : memref<!tpu.dma_semaphore, #tpu.memory_space<semaphore_mem>>)
        %dma_wait3A_75 = arith.constant 9616 : i32
        %dma_wait3A_76 = arith.constant 0 : i32
        %dma_wait3A_77 = tpu.memref_slice %arg7[%dma_wait3A_75, %dma_wait3A_76] : memref<10000x128xf32, #tpu.memory_space<vmem_shared>> -> memref<128x128xf32, #tpu.memory_space<vmem_shared>>
        %dma_wait3A_78 = arith.constant 9616 : i32
        %dma_wait3A_79 = arith.constant 0 : i32
        %dma_wait3A_80 = tpu.memref_slice %arg7[%dma_wait3A_78, %dma_wait3A_79] : memref<10000x128xf32, #tpu.memory_space<vmem_shared>> -> memref<128x128xf32, #tpu.memory_space<vmem_shared>>
        tpu.wait_dma2 semaphore(%run_scoped3A_68 : memref<!tpu.dma_semaphore, #tpu.memory_space<semaphore_mem>>) src(%arg12 : memref<128x128xf32, #tpu.memory_space<vmem>>) dst(%dma_wait3A_80 : memref<128x128xf32, #tpu.memory_space<vmem_shared>>)
        tpu.yield
      }) : () -> ()
      "tpu.region"() ({
        %run_scoped3A_68 = tpu.sem_alloc : memref<!tpu.dma_semaphore, #tpu.memory_space<semaphore_mem>>
        %dma_start3A_69 = arith.constant 9744 : i32
        %dma_start3A_70 = arith.constant 0 : i32
        %dma_start3A_71 = tpu.memref_slice %arg7[%dma_start3A_69, %dma_start3A_70] : memref<10000x128xf32, #tpu.memory_space<vmem_shared>> -> memref<128x128xf32, #tpu.memory_space<vmem_shared>>
        %dma_start3A_72 = arith.constant 9744 : i32
        %dma_start3A_73 = arith.constant 0 : i32
        %dma_start3A_74 = tpu.memref_slice %arg7[%dma_start3A_72, %dma_start3A_73] : memref<10000x128xf32, #tpu.memory_space<vmem_shared>> -> memref<128x128xf32, #tpu.memory_space<vmem_shared>>
        tpu.enqueue_dma source(%arg12 : memref<128x128xf32, #tpu.memory_space<vmem>>) target(%dma_start3A_74 : memref<128x128xf32, #tpu.memory_space<vmem_shared>>) target_semaphore(%run_scoped3A_68 : memref<!tpu.dma_semaphore, #tpu.memory_space<semaphore_mem>>)
        %dma_wait3A_75 = arith.constant 9744 : i32
        %dma_wait3A_76 = arith.constant 0 : i32
        %dma_wait3A_77 = tpu.memref_slice %arg7[%dma_wait3A_75, %dma_wait3A_76] : memref<10000x128xf32, #tpu.memory_space<vmem_shared>> -> memref<128x128xf32, #tpu.memory_space<vmem_shared>>
        %dma_wait3A_78 = arith.constant 9744 : i32
        %dma_wait3A_79 = arith.constant 0 : i32
        %dma_wait3A_80 = tpu.memref_slice %arg7[%dma_wait3A_78, %dma_wait3A_79] : memref<10000x128xf32, #tpu.memory_space<vmem_shared>> -> memref<128x128xf32, #tpu.memory_space<vmem_shared>>
        tpu.wait_dma2 semaphore(%run_scoped3A_68 : memref<!tpu.dma_semaphore, #tpu.memory_space<semaphore_mem>>) src(%arg12 : memref<128x128xf32, #tpu.memory_space<vmem>>) dst(%dma_wait3A_80 : memref<128x128xf32, #tpu.memory_space<vmem_shared>>)
        tpu.yield
      }) : () -> ()
      "tpu.region"() ({
        %run_scoped3A_68 = tpu.sem_alloc : memref<!tpu.dma_semaphore, #tpu.memory_space<semaphore_mem>>
        %dma_start3A_69 = arith.constant 9872 : i32
        %dma_start3A_70 = arith.constant 0 : i32
        %dma_start3A_71 = tpu.memref_slice %arg7[%dma_start3A_69, %dma_start3A_70] : memref<10000x128xf32, #tpu.memory_space<vmem_shared>> -> memref<128x128xf32, #tpu.memory_space<vmem_shared>>
        %dma_start3A_72 = arith.constant 9872 : i32
        %dma_start3A_73 = arith.constant 0 : i32
        %dma_start3A_74 = tpu.memref_slice %arg7[%dma_start3A_72, %dma_start3A_73] : memref<10000x128xf32, #tpu.memory_space<vmem_shared>> -> memref<128x128xf32, #tpu.memory_space<vmem_shared>>
        tpu.enqueue_dma source(%arg12 : memref<128x128xf32, #tpu.memory_space<vmem>>) target(%dma_start3A_74 : memref<128x128xf32, #tpu.memory_space<vmem_shared>>) target_semaphore(%run_scoped3A_68 : memref<!tpu.dma_semaphore, #tpu.memory_space<semaphore_mem>>)
        %dma_wait3A_75 = arith.constant 9872 : i32
        %dma_wait3A_76 = arith.constant 0 : i32
        %dma_wait3A_77 = tpu.memref_slice %arg7[%dma_wait3A_75, %dma_wait3A_76] : memref<10000x128xf32, #tpu.memory_space<vmem_shared>> -> memref<128x128xf32, #tpu.memory_space<vmem_shared>>
        %dma_wait3A_78 = arith.constant 9872 : i32
        %dma_wait3A_79 = arith.constant 0 : i32
        %dma_wait3A_80 = tpu.memref_slice %arg7[%dma_wait3A_78, %dma_wait3A_79] : memref<10000x128xf32, #tpu.memory_space<vmem_shared>> -> memref<128x128xf32, #tpu.memory_space<vmem_shared>>
        tpu.wait_dma2 semaphore(%run_scoped3A_68 : memref<!tpu.dma_semaphore, #tpu.memory_space<semaphore_mem>>) src(%arg12 : memref<128x128xf32, #tpu.memory_space<vmem>>) dst(%dma_wait3A_80 : memref<128x128xf32, #tpu.memory_space<vmem_shared>>)
        tpu.yield
      }) : () -> ()
    } else {
    }
    %barrier3A = arith.constant 0 : index
    tpu.barrier barrier_id(%barrier3A)
    %mul3A = arith.constant 2 : i32
    %mul3A_13 = arith.muli %arg1, %mul3A : i32
    %add3A = arith.addi %mul3A_13, %arg0 : i32
    %mul3A_14 = arith.constant 88 : i32
    %mul3A_15 = arith.muli %add3A, %mul3A_14 : i32
    %run_scoped3A = arith.constant 0 : i32
    "tpu.region"() ({
      %run_scoped3A_68 = tpu.sem_alloc : memref<!tpu.dma_semaphore, #tpu.memory_space<semaphore_mem>>
      %dma_start3A_69 = arith.constant 0 : i32
      %dma_start3A_70 = arith.constant 0 : i32
      %dma_start3A_71 = tpu.memref_slice %arg8[%run_scoped3A, %dma_start3A_69, %dma_start3A_70] : memref<2x8x128xi32, #tpu.memory_space<vmem>> -> memref<1x8x128xi32, #tpu.memory_space<vmem>>
      %dma_start3A_72 = tpu.memref_squeeze %dma_start3A_71 : memref<1x8x128xi32, #tpu.memory_space<vmem>> -> memref<8x128xi32, #tpu.memory_space<vmem>>
      %dma_start3A_73 = arith.constant 0 : i32
      %dma_start3A_74 = tpu.memref_slice %arg3[%mul3A_15, %dma_start3A_73] : memref<2816x128xi32, #tpu.memory_space<hbm>> -> memref<8x128xi32, #tpu.memory_space<hbm>>
      %dma_start3A_75 = arith.constant 0 : i32
      %dma_start3A_76 = arith.constant 0 : i32
      %dma_start3A_77 = tpu.memref_slice %arg8[%run_scoped3A, %dma_start3A_75, %dma_start3A_76] : memref<2x8x128xi32, #tpu.memory_space<vmem>> -> memref<1x8x128xi32, #tpu.memory_space<vmem>>
      %dma_start3A_78 = tpu.memref_squeeze %dma_start3A_77 : memref<1x8x128xi32, #tpu.memory_space<vmem>> -> memref<8x128xi32, #tpu.memory_space<vmem>>
      %dma_start3A_79 = arith.constant 0 : i32
      %dma_start3A_80 = tpu.memref_slice %arg3[%mul3A_15, %dma_start3A_79] : memref<2816x128xi32, #tpu.memory_space<hbm>> -> memref<8x128xi32, #tpu.memory_space<hbm>>
      tpu.enqueue_dma source(%dma_start3A_80 : memref<8x128xi32, #tpu.memory_space<hbm>>) target(%dma_start3A_78 : memref<8x128xi32, #tpu.memory_space<vmem>>) target_semaphore(%run_scoped3A_68 : memref<!tpu.dma_semaphore, #tpu.memory_space<semaphore_mem>>)
      %dma_wait3A_81 = arith.constant 0 : i32
      %dma_wait3A_82 = arith.constant 0 : i32
      %dma_wait3A_83 = tpu.memref_slice %arg8[%run_scoped3A, %dma_wait3A_81, %dma_wait3A_82] : memref<2x8x128xi32, #tpu.memory_space<vmem>> -> memref<1x8x128xi32, #tpu.memory_space<vmem>>
      %dma_wait3A_84 = tpu.memref_squeeze %dma_wait3A_83 : memref<1x8x128xi32, #tpu.memory_space<vmem>> -> memref<8x128xi32, #tpu.memory_space<vmem>>
      %dma_wait3A_85 = arith.constant 0 : i32
      %dma_wait3A_86 = tpu.memref_slice %arg3[%mul3A_15, %dma_wait3A_85] : memref<2816x128xi32, #tpu.memory_space<hbm>> -> memref<8x128xi32, #tpu.memory_space<hbm>>
      %dma_wait3A_87 = arith.constant 0 : i32
      %dma_wait3A_88 = arith.constant 0 : i32
      %dma_wait3A_89 = tpu.memref_slice %arg8[%run_scoped3A, %dma_wait3A_87, %dma_wait3A_88] : memref<2x8x128xi32, #tpu.memory_space<vmem>> -> memref<1x8x128xi32, #tpu.memory_space<vmem>>
      %dma_wait3A_90 = tpu.memref_squeeze %dma_wait3A_89 : memref<1x8x128xi32, #tpu.memory_space<vmem>> -> memref<8x128xi32, #tpu.memory_space<vmem>>
      %dma_wait3A_91 = arith.constant 0 : i32
      %dma_wait3A_92 = tpu.memref_slice %arg3[%mul3A_15, %dma_wait3A_91] : memref<2816x128xi32, #tpu.memory_space<hbm>> -> memref<8x128xi32, #tpu.memory_space<hbm>>
      tpu.wait_dma2 semaphore(%run_scoped3A_68 : memref<!tpu.dma_semaphore, #tpu.memory_space<semaphore_mem>>) src(%dma_wait3A_92 : memref<8x128xi32, #tpu.memory_space<hbm>>) dst(%dma_wait3A_90 : memref<8x128xi32, #tpu.memory_space<vmem>>)
      tpu.yield
    }) : () -> ()
    %run_scoped3A_16 = arith.constant 0 : i32
    "tpu.region"() ({
      %run_scoped3A_68 = tpu.sem_alloc : memref<!tpu.dma_semaphore, #tpu.memory_space<semaphore_mem>>
      %dma_start3A_69 = arith.constant 0 : i32
      %dma_start3A_70 = arith.constant 0 : i32
      %dma_start3A_71 = tpu.memref_slice %arg9[%run_scoped3A_16, %dma_start3A_69, %dma_start3A_70] : memref<2x8x128xi32, #tpu.memory_space<vmem>> -> memref<1x8x128xi32, #tpu.memory_space<vmem>>
      %dma_start3A_72 = tpu.memref_squeeze %dma_start3A_71 : memref<1x8x128xi32, #tpu.memory_space<vmem>> -> memref<8x128xi32, #tpu.memory_space<vmem>>
      %dma_start3A_73 = arith.constant 0 : i32
      %dma_start3A_74 = tpu.memref_slice %arg4[%mul3A_15, %dma_start3A_73] : memref<2816x128xi32, #tpu.memory_space<hbm>> -> memref<8x128xi32, #tpu.memory_space<hbm>>
      %dma_start3A_75 = arith.constant 0 : i32
      %dma_start3A_76 = arith.constant 0 : i32
      %dma_start3A_77 = tpu.memref_slice %arg9[%run_scoped3A_16, %dma_start3A_75, %dma_start3A_76] : memref<2x8x128xi32, #tpu.memory_space<vmem>> -> memref<1x8x128xi32, #tpu.memory_space<vmem>>
      %dma_start3A_78 = tpu.memref_squeeze %dma_start3A_77 : memref<1x8x128xi32, #tpu.memory_space<vmem>> -> memref<8x128xi32, #tpu.memory_space<vmem>>
      %dma_start3A_79 = arith.constant 0 : i32
      %dma_start3A_80 = tpu.memref_slice %arg4[%mul3A_15, %dma_start3A_79] : memref<2816x128xi32, #tpu.memory_space<hbm>> -> memref<8x128xi32, #tpu.memory_space<hbm>>
      tpu.enqueue_dma source(%dma_start3A_80 : memref<8x128xi32, #tpu.memory_space<hbm>>) target(%dma_start3A_78 : memref<8x128xi32, #tpu.memory_space<vmem>>) target_semaphore(%run_scoped3A_68 : memref<!tpu.dma_semaphore, #tpu.memory_space<semaphore_mem>>)
      %dma_wait3A_81 = arith.constant 0 : i32
      %dma_wait3A_82 = arith.constant 0 : i32
      %dma_wait3A_83 = tpu.memref_slice %arg9[%run_scoped3A_16, %dma_wait3A_81, %dma_wait3A_82] : memref<2x8x128xi32, #tpu.memory_space<vmem>> -> memref<1x8x128xi32, #tpu.memory_space<vmem>>
      %dma_wait3A_84 = tpu.memref_squeeze %dma_wait3A_83 : memref<1x8x128xi32, #tpu.memory_space<vmem>> -> memref<8x128xi32, #tpu.memory_space<vmem>>
      %dma_wait3A_85 = arith.constant 0 : i32
      %dma_wait3A_86 = tpu.memref_slice %arg4[%mul3A_15, %dma_wait3A_85] : memref<2816x128xi32, #tpu.memory_space<hbm>> -> memref<8x128xi32, #tpu.memory_space<hbm>>
      %dma_wait3A_87 = arith.constant 0 : i32
      %dma_wait3A_88 = arith.constant 0 : i32
      %dma_wait3A_89 = tpu.memref_slice %arg9[%run_scoped3A_16, %dma_wait3A_87, %dma_wait3A_88] : memref<2x8x128xi32, #tpu.memory_space<vmem>> -> memref<1x8x128xi32, #tpu.memory_space<vmem>>
      %dma_wait3A_90 = tpu.memref_squeeze %dma_wait3A_89 : memref<1x8x128xi32, #tpu.memory_space<vmem>> -> memref<8x128xi32, #tpu.memory_space<vmem>>
      %dma_wait3A_91 = arith.constant 0 : i32
      %dma_wait3A_92 = tpu.memref_slice %arg4[%mul3A_15, %dma_wait3A_91] : memref<2816x128xi32, #tpu.memory_space<hbm>> -> memref<8x128xi32, #tpu.memory_space<hbm>>
      tpu.wait_dma2 semaphore(%run_scoped3A_68 : memref<!tpu.dma_semaphore, #tpu.memory_space<semaphore_mem>>) src(%dma_wait3A_92 : memref<8x128xi32, #tpu.memory_space<hbm>>) dst(%dma_wait3A_90 : memref<8x128xi32, #tpu.memory_space<vmem>>)
      tpu.yield
    }) : () -> ()
    %run_scoped3A_17 = arith.constant 0 : i32
    "tpu.region"() ({
      %run_scoped3A_68 = tpu.sem_alloc : memref<!tpu.dma_semaphore, #tpu.memory_space<semaphore_mem>>
      %dma_start3A_69 = arith.constant 0 : i32
      %dma_start3A_70 = arith.constant 0 : i32
      %dma_start3A_71 = tpu.memref_slice %arg10[%run_scoped3A_17, %dma_start3A_69, %dma_start3A_70] : memref<2x8x128xf32, #tpu.memory_space<vmem>> -> memref<1x8x128xf32, #tpu.memory_space<vmem>>
      %dma_start3A_72 = tpu.memref_squeeze %dma_start3A_71 : memref<1x8x128xf32, #tpu.memory_space<vmem>> -> memref<8x128xf32, #tpu.memory_space<vmem>>
      %dma_start3A_73 = arith.constant 0 : i32
      %dma_start3A_74 = tpu.memref_slice %arg5[%mul3A_15, %dma_start3A_73] : memref<2816x128xf32, #tpu.memory_space<hbm>> -> memref<8x128xf32, #tpu.memory_space<hbm>>
      %dma_start3A_75 = arith.constant 0 : i32
      %dma_start3A_76 = arith.constant 0 : i32
      %dma_start3A_77 = tpu.memref_slice %arg10[%run_scoped3A_17, %dma_start3A_75, %dma_start3A_76] : memref<2x8x128xf32, #tpu.memory_space<vmem>> -> memref<1x8x128xf32, #tpu.memory_space<vmem>>
      %dma_start3A_78 = tpu.memref_squeeze %dma_start3A_77 : memref<1x8x128xf32, #tpu.memory_space<vmem>> -> memref<8x128xf32, #tpu.memory_space<vmem>>
      %dma_start3A_79 = arith.constant 0 : i32
      %dma_start3A_80 = tpu.memref_slice %arg5[%mul3A_15, %dma_start3A_79] : memref<2816x128xf32, #tpu.memory_space<hbm>> -> memref<8x128xf32, #tpu.memory_space<hbm>>
      tpu.enqueue_dma source(%dma_start3A_80 : memref<8x128xf32, #tpu.memory_space<hbm>>) target(%dma_start3A_78 : memref<8x128xf32, #tpu.memory_space<vmem>>) target_semaphore(%run_scoped3A_68 : memref<!tpu.dma_semaphore, #tpu.memory_space<semaphore_mem>>)
      %dma_wait3A_81 = arith.constant 0 : i32
      %dma_wait3A_82 = arith.constant 0 : i32
      %dma_wait3A_83 = tpu.memref_slice %arg10[%run_scoped3A_17, %dma_wait3A_81, %dma_wait3A_82] : memref<2x8x128xf32, #tpu.memory_space<vmem>> -> memref<1x8x128xf32, #tpu.memory_space<vmem>>
      %dma_wait3A_84 = tpu.memref_squeeze %dma_wait3A_83 : memref<1x8x128xf32, #tpu.memory_space<vmem>> -> memref<8x128xf32, #tpu.memory_space<vmem>>
      %dma_wait3A_85 = arith.constant 0 : i32
      %dma_wait3A_86 = tpu.memref_slice %arg5[%mul3A_15, %dma_wait3A_85] : memref<2816x128xf32, #tpu.memory_space<hbm>> -> memref<8x128xf32, #tpu.memory_space<hbm>>
      %dma_wait3A_87 = arith.constant 0 : i32
      %dma_wait3A_88 = arith.constant 0 : i32
      %dma_wait3A_89 = tpu.memref_slice %arg10[%run_scoped3A_17, %dma_wait3A_87, %dma_wait3A_88] : memref<2x8x128xf32, #tpu.memory_space<vmem>> -> memref<1x8x128xf32, #tpu.memory_space<vmem>>
      %dma_wait3A_90 = tpu.memref_squeeze %dma_wait3A_89 : memref<1x8x128xf32, #tpu.memory_space<vmem>> -> memref<8x128xf32, #tpu.memory_space<vmem>>
      %dma_wait3A_91 = arith.constant 0 : i32
      %dma_wait3A_92 = tpu.memref_slice %arg5[%mul3A_15, %dma_wait3A_91] : memref<2816x128xf32, #tpu.memory_space<hbm>> -> memref<8x128xf32, #tpu.memory_space<hbm>>
      tpu.wait_dma2 semaphore(%run_scoped3A_68 : memref<!tpu.dma_semaphore, #tpu.memory_space<semaphore_mem>>) src(%dma_wait3A_92 : memref<8x128xf32, #tpu.memory_space<hbm>>) dst(%dma_wait3A_90 : memref<8x128xf32, #tpu.memory_space<vmem>>)
      tpu.yield
    }) : () -> ()
    %dma_start3A = arith.constant 0 : i32
    %dma_start3A_18 = arith.constant 0 : i32
    %dma_start3A_19 = arith.constant 0 : i32
    %dma_start3A_20 = arith.constant 0 : i32
    %dma_start3A_21 = arith.constant 0 : i32
    %dma_start3A_22 = tpu.memref_slice %arg11[%dma_start3A_19, %dma_start3A_20, %dma_start3A_21] : memref<3x128x64xi32, #tpu.memory_space<vmem>> -> memref<1x128x64xi32, #tpu.memory_space<vmem>>
    %dma_start3A_23 = tpu.memref_squeeze %dma_start3A_22 : memref<1x128x64xi32, #tpu.memory_space<vmem>> -> memref<128x64xi32, #tpu.memory_space<vmem>>
    %dma_start3A_24 = arith.constant 0 : i32
    %dma_start3A_25 = tpu.memref_slice %arg8[%dma_start3A, %dma_start3A_18, %dma_start3A_24] : memref<2x8x128xi32, #tpu.memory_space<vmem>> -> memref<1x1x128xi32, #tpu.memory_space<vmem>>
    %dma_start3A_26 = tpu.memref_squeeze %dma_start3A_25 : memref<1x1x128xi32, #tpu.memory_space<vmem>> -> memref<128xi32, #tpu.memory_space<vmem>>
    %dma_start3A_27 = arith.constant 0 : i32
    %dma_start3A_28 = arith.constant 0 : i32
    %dma_start3A_29 = tpu.memref_slice %arg2[%dma_start3A_27, %dma_start3A_28] : memref<10000x64xi32, #tpu.memory_space<hbm>> -> memref<10000x64xi32, #tpu.memory_space<hbm>>
    tpu.enqueue_indirect_dma source(%dma_start3A_29 : memref<10000x64xi32, #tpu.memory_space<hbm>>) target(%dma_start3A_23 : memref<128x64xi32, #tpu.memory_space<vmem>>) offsets(%dma_start3A_26 : memref<128xi32, #tpu.memory_space<vmem>>) semaphore(%arg14 : memref<!tpu.dma_semaphore, #tpu.memory_space<semaphore_mem>>)
    %dma_start3A_30 = arith.constant 0 : i32
    %dma_start3A_31 = arith.constant 1 : i32
    %dma_start3A_32 = arith.constant 1 : i32
    %dma_start3A_33 = arith.constant 0 : i32
    %dma_start3A_34 = arith.constant 0 : i32
    %dma_start3A_35 = tpu.memref_slice %arg11[%dma_start3A_32, %dma_start3A_33, %dma_start3A_34] : memref<3x128x64xi32, #tpu.memory_space<vmem>> -> memref<1x128x64xi32, #tpu.memory_space<vmem>>
    %dma_start3A_36 = tpu.memref_squeeze %dma_start3A_35 : memref<1x128x64xi32, #tpu.memory_space<vmem>> -> memref<128x64xi32, #tpu.memory_space<vmem>>
    %dma_start3A_37 = arith.constant 0 : i32
    %dma_start3A_38 = tpu.memref_slice %arg8[%dma_start3A_30, %dma_start3A_31, %dma_start3A_37] : memref<2x8x128xi32, #tpu.memory_space<vmem>> -> memref<1x1x128xi32, #tpu.memory_space<vmem>>
    %dma_start3A_39 = tpu.memref_squeeze %dma_start3A_38 : memref<1x1x128xi32, #tpu.memory_space<vmem>> -> memref<128xi32, #tpu.memory_space<vmem>>
    %dma_start3A_40 = arith.constant 0 : i32
    %dma_start3A_41 = arith.constant 0 : i32
    %dma_start3A_42 = tpu.memref_slice %arg2[%dma_start3A_40, %dma_start3A_41] : memref<10000x64xi32, #tpu.memory_space<hbm>> -> memref<10000x64xi32, #tpu.memory_space<hbm>>
    tpu.enqueue_indirect_dma source(%dma_start3A_42 : memref<10000x64xi32, #tpu.memory_space<hbm>>) target(%dma_start3A_36 : memref<128x64xi32, #tpu.memory_space<vmem>>) offsets(%dma_start3A_39 : memref<128xi32, #tpu.memory_space<vmem>>) semaphore(%arg14 : memref<!tpu.dma_semaphore, #tpu.memory_space<semaphore_mem>>)
    %scan3A_43 = arith.constant 0 : i32
    %scan3A_44 = arith.constant 0 : i32
    %scan3A_45 = arith.constant 88 : i32
    %scan3A_46 = arith.addi %scan3A_44, %scan3A_45 : i32
    %scan3A_47 = arith.constant 1 : i32
    %scan3A_48 = scf.for %scan3A_68 = %scan3A_44 to %scan3A_46 step %scan3A_47 iter_args(%scan3A_69 = %scan3A_43) -> (i32)  : i32 {
      %jit3A = arith.constant 8 : i32
      %eq3A_70 = arith.constant 0 : i32
      %eq3A_71 = arith.cmpi eq, %jit3A, %eq3A_70 : i32
      %jit3A_72 = arith.constant 1 : i32
      %select_n3A = arith.select %eq3A_71, %jit3A_72, %jit3A : i32
      %rem3A = arith.remsi %scan3A_68, %select_n3A : i32
      %ne3A = arith.constant 0 : i32
      %ne3A_73 = arith.cmpi ne, %rem3A, %ne3A : i32
      %lt3A_74 = arith.constant 0 : i32
      %lt3A_75 = arith.cmpi slt, %rem3A, %lt3A_74 : i32
      %lt3A_76 = arith.constant 0 : i32
      %lt3A_77 = arith.cmpi slt, %select_n3A, %lt3A_76 : i32
      %ne3A_78 = arith.xori %lt3A_75, %lt3A_77 : i1
      %and3A = arith.andi %ne3A_78, %ne3A_73 : i1
      %add3A_79 = arith.addi %rem3A, %select_n3A : i32
      %select_n3A_80 = arith.select %and3A, %add3A_79, %rem3A : i32
      %jit3A_81 = arith.constant 8 : i32
      %div3A = arith.divsi %scan3A_68, %jit3A_81 : i32
      %sign3A = arith.constant 0 : i32
      %sign3A_82 = arith.cmpi sgt, %scan3A_68, %sign3A : i32
      %sign3A_83 = arith.extui %sign3A_82 : i1 to i32
      %sign3A_84 = arith.constant 0 : i32
      %sign3A_85 = arith.cmpi slt, %scan3A_68, %sign3A_84 : i32
      %sign3A_86 = arith.extui %sign3A_85 : i1 to i32
      %sign3A_87 = arith.subi %sign3A_83, %sign3A_86 : i32
      %sign3A_88 = arith.constant 0 : i32
      %sign3A_89 = arith.cmpi sgt, %jit3A_81, %sign3A_88 : i32
      %sign3A_90 = arith.extui %sign3A_89 : i1 to i32
      %sign3A_91 = arith.constant 0 : i32
      %sign3A_92 = arith.cmpi slt, %jit3A_81, %sign3A_91 : i32
      %sign3A_93 = arith.extui %sign3A_92 : i1 to i32
      %sign3A_94 = arith.subi %sign3A_90, %sign3A_93 : i32
      %ne3A_95 = arith.cmpi ne, %sign3A_87, %sign3A_94 : i32
      %rem3A_96 = arith.remsi %scan3A_68, %jit3A_81 : i32
      %ne3A_97 = arith.constant 0 : i32
      %ne3A_98 = arith.cmpi ne, %rem3A_96, %ne3A_97 : i32
      %and3A_99 = arith.andi %ne3A_95, %ne3A_98 : i1
      %sub3A = arith.constant 1 : i32
      %sub3A_100 = arith.subi %div3A, %sub3A : i32
      %select_n3A_101 = arith.select %and3A_99, %sub3A_100, %div3A : i32
      %jit3A_102 = arith.constant 3 : i32
      %eq3A_103 = arith.constant 0 : i32
      %eq3A_104 = arith.cmpi eq, %jit3A_102, %eq3A_103 : i32
      %jit3A_105 = arith.constant 1 : i32
      %select_n3A_106 = arith.select %eq3A_104, %jit3A_105, %jit3A_102 : i32
      %rem3A_107 = arith.remsi %scan3A_68, %select_n3A_106 : i32
      %ne3A_108 = arith.constant 0 : i32
      %ne3A_109 = arith.cmpi ne, %rem3A_107, %ne3A_108 : i32
      %lt3A_110 = arith.constant 0 : i32
      %lt3A_111 = arith.cmpi slt, %rem3A_107, %lt3A_110 : i32
      %lt3A_112 = arith.constant 0 : i32
      %lt3A_113 = arith.cmpi slt, %select_n3A_106, %lt3A_112 : i32
      %ne3A_114 = arith.xori %lt3A_111, %lt3A_113 : i1
      %and3A_115 = arith.andi %ne3A_114, %ne3A_109 : i1
      %add3A_116 = arith.addi %rem3A_107, %select_n3A_106 : i32
      %select_n3A_117 = arith.select %and3A_115, %add3A_116, %rem3A_107 : i32
      %dma_wait3A_118 = arith.constant 0 : i32
      %dma_wait3A_119 = arith.constant 0 : i32
      %dma_wait3A_120 = arith.constant 0 : i32
      %dma_wait3A_121 = arith.constant 0 : i32
      %dma_wait3A_122 = tpu.memref_slice %arg11[%select_n3A_117, %dma_wait3A_120, %dma_wait3A_121] : memref<3x128x64xi32, #tpu.memory_space<vmem>> -> memref<1x128x64xi32, #tpu.memory_space<vmem>>
      %dma_wait3A_123 = tpu.memref_squeeze %dma_wait3A_122 : memref<1x128x64xi32, #tpu.memory_space<vmem>> -> memref<128x64xi32, #tpu.memory_space<vmem>>
      %dma_wait3A_124 = arith.constant 0 : i32
      %dma_wait3A_125 = tpu.memref_slice %arg8[%dma_wait3A_118, %dma_wait3A_119, %dma_wait3A_124] : memref<2x8x128xi32, #tpu.memory_space<vmem>> -> memref<1x1x128xi32, #tpu.memory_space<vmem>>
      %dma_wait3A_126 = tpu.memref_squeeze %dma_wait3A_125 : memref<1x1x128xi32, #tpu.memory_space<vmem>> -> memref<128xi32, #tpu.memory_space<vmem>>
      %dma_wait3A_127 = arith.constant 0 : i32
      %dma_wait3A_128 = arith.constant 0 : i32
      %dma_wait3A_129 = tpu.memref_slice %arg2[%dma_wait3A_127, %dma_wait3A_128] : memref<10000x64xi32, #tpu.memory_space<hbm>> -> memref<10000x64xi32, #tpu.memory_space<hbm>>
      tpu.wait_indirect_dma semaphore(%arg14 : memref<!tpu.dma_semaphore, #tpu.memory_space<semaphore_mem>>) src(%dma_wait3A_129 : memref<10000x64xi32, #tpu.memory_space<hbm>>) dst(%dma_wait3A_123 : memref<128x64xi32, #tpu.memory_space<vmem>>)
      %add3A_130 = arith.constant 2 : i32
      %add3A_131 = arith.addi %scan3A_68, %add3A_130 : i32
      %lt3A_132 = arith.constant 88 : i32
      %lt3A_133 = arith.cmpi slt, %add3A_131, %lt3A_132 : i32
      %eq3A_134 = arith.constant 6 : i32
      %eq3A_135 = arith.cmpi eq, %select_n3A_80, %eq3A_134 : i32
      %and3A_136 = arith.andi %lt3A_133, %eq3A_135 : i1
      %convert_element_type3A_137 = arith.extui %and3A_136 : i1 to i32
      %cond3A_138 = arith.constant 0 : i32
      %cond3A_139 = arith.cmpi ne, %convert_element_type3A_137, %cond3A_138 : i32
      scf.if %cond3A_139 {
        %add3A_186 = arith.constant 1 : i32
        %add3A_187 = arith.addi %select_n3A_101, %add3A_186 : i32
        %jit3A_188 = arith.constant 2 : i32
        %eq3A_189 = arith.constant 0 : i32
        %eq3A_190 = arith.cmpi eq, %jit3A_188, %eq3A_189 : i32
        %jit3A_191 = arith.constant 1 : i32
        %select_n3A_192 = arith.select %eq3A_190, %jit3A_191, %jit3A_188 : i32
        %rem3A_193 = arith.remsi %add3A_187, %select_n3A_192 : i32
        %ne3A_194 = arith.constant 0 : i32
        %ne3A_195 = arith.cmpi ne, %rem3A_193, %ne3A_194 : i32
        %lt3A_196 = arith.constant 0 : i32
        %lt3A_197 = arith.cmpi slt, %rem3A_193, %lt3A_196 : i32
        %lt3A_198 = arith.constant 0 : i32
        %lt3A_199 = arith.cmpi slt, %select_n3A_192, %lt3A_198 : i32
        %ne3A_200 = arith.xori %lt3A_197, %lt3A_199 : i1
        %and3A_201 = arith.andi %ne3A_200, %ne3A_195 : i1
        %add3A_202 = arith.addi %rem3A_193, %select_n3A_192 : i32
        %select_n3A_203 = arith.select %and3A_201, %add3A_202, %rem3A_193 : i32
        %dma_wait3A_204 = arith.constant 0 : i32
        %dma_wait3A_205 = arith.constant 0 : i32
        %dma_wait3A_206 = tpu.memref_slice %arg8[%select_n3A_203, %dma_wait3A_204, %dma_wait3A_205] : memref<2x8x128xi32, #tpu.memory_space<vmem>> -> memref<1x8x128xi32, #tpu.memory_space<vmem>>
        %dma_wait3A_207 = tpu.memref_squeeze %dma_wait3A_206 : memref<1x8x128xi32, #tpu.memory_space<vmem>> -> memref<8x128xi32, #tpu.memory_space<vmem>>
        %dma_wait3A_208 = arith.constant 0 : i32
        %dma_wait3A_209 = arith.constant 0 : i32
        %dma_wait3A_210 = tpu.memref_slice %arg3[%dma_wait3A_208, %dma_wait3A_209] : memref<2816x128xi32, #tpu.memory_space<hbm>> -> memref<8x128xi32, #tpu.memory_space<hbm>>
        %dma_wait3A_211 = tpu.memref_slice %arg13[%select_n3A_203] : memref<2x!tpu.dma_semaphore, #tpu.memory_space<semaphore_mem>> -> memref<1x!tpu.dma_semaphore, #tpu.memory_space<semaphore_mem>>
        %dma_wait3A_212 = tpu.memref_squeeze %dma_wait3A_211 : memref<1x!tpu.dma_semaphore, #tpu.memory_space<semaphore_mem>> -> memref<!tpu.dma_semaphore, #tpu.memory_space<semaphore_mem>>
        %dma_wait3A_213 = arith.constant 0 : i32
        %dma_wait3A_214 = arith.constant 0 : i32
        %dma_wait3A_215 = tpu.memref_slice %arg8[%select_n3A_203, %dma_wait3A_213, %dma_wait3A_214] : memref<2x8x128xi32, #tpu.memory_space<vmem>> -> memref<1x8x128xi32, #tpu.memory_space<vmem>>
        %dma_wait3A_216 = tpu.memref_squeeze %dma_wait3A_215 : memref<1x8x128xi32, #tpu.memory_space<vmem>> -> memref<8x128xi32, #tpu.memory_space<vmem>>
        %dma_wait3A_217 = arith.constant 0 : i32
        %dma_wait3A_218 = arith.constant 0 : i32
        %dma_wait3A_219 = tpu.memref_slice %arg3[%dma_wait3A_217, %dma_wait3A_218] : memref<2816x128xi32, #tpu.memory_space<hbm>> -> memref<8x128xi32, #tpu.memory_space<hbm>>
        tpu.wait_dma2 semaphore(%dma_wait3A_212 : memref<!tpu.dma_semaphore, #tpu.memory_space<semaphore_mem>>) src(%dma_wait3A_219 : memref<8x128xi32, #tpu.memory_space<hbm>>) dst(%dma_wait3A_216 : memref<8x128xi32, #tpu.memory_space<vmem>>)
        %dma_wait3A_220 = arith.constant 0 : i32
        %dma_wait3A_221 = arith.constant 0 : i32
        %dma_wait3A_222 = tpu.memref_slice %arg9[%select_n3A_203, %dma_wait3A_220, %dma_wait3A_221] : memref<2x8x128xi32, #tpu.memory_space<vmem>> -> memref<1x8x128xi32, #tpu.memory_space<vmem>>
        %dma_wait3A_223 = tpu.memref_squeeze %dma_wait3A_222 : memref<1x8x128xi32, #tpu.memory_space<vmem>> -> memref<8x128xi32, #tpu.memory_space<vmem>>
        %dma_wait3A_224 = arith.constant 0 : i32
        %dma_wait3A_225 = arith.constant 0 : i32
        %dma_wait3A_226 = tpu.memref_slice %arg4[%dma_wait3A_224, %dma_wait3A_225] : memref<2816x128xi32, #tpu.memory_space<hbm>> -> memref<8x128xi32, #tpu.memory_space<hbm>>
        %dma_wait3A_227 = tpu.memref_slice %arg13[%select_n3A_203] : memref<2x!tpu.dma_semaphore, #tpu.memory_space<semaphore_mem>> -> memref<1x!tpu.dma_semaphore, #tpu.memory_space<semaphore_mem>>
        %dma_wait3A_228 = tpu.memref_squeeze %dma_wait3A_227 : memref<1x!tpu.dma_semaphore, #tpu.memory_space<semaphore_mem>> -> memref<!tpu.dma_semaphore, #tpu.memory_space<semaphore_mem>>
        %dma_wait3A_229 = arith.constant 0 : i32
        %dma_wait3A_230 = arith.constant 0 : i32
        %dma_wait3A_231 = tpu.memref_slice %arg9[%select_n3A_203, %dma_wait3A_229, %dma_wait3A_230] : memref<2x8x128xi32, #tpu.memory_space<vmem>> -> memref<1x8x128xi32, #tpu.memory_space<vmem>>
        %dma_wait3A_232 = tpu.memref_squeeze %dma_wait3A_231 : memref<1x8x128xi32, #tpu.memory_space<vmem>> -> memref<8x128xi32, #tpu.memory_space<vmem>>
        %dma_wait3A_233 = arith.constant 0 : i32
        %dma_wait3A_234 = arith.constant 0 : i32
        %dma_wait3A_235 = tpu.memref_slice %arg4[%dma_wait3A_233, %dma_wait3A_234] : memref<2816x128xi32, #tpu.memory_space<hbm>> -> memref<8x128xi32, #tpu.memory_space<hbm>>
        tpu.wait_dma2 semaphore(%dma_wait3A_228 : memref<!tpu.dma_semaphore, #tpu.memory_space<semaphore_mem>>) src(%dma_wait3A_235 : memref<8x128xi32, #tpu.memory_space<hbm>>) dst(%dma_wait3A_232 : memref<8x128xi32, #tpu.memory_space<vmem>>)
        %dma_wait3A_236 = arith.constant 0 : i32
        %dma_wait3A_237 = arith.constant 0 : i32
        %dma_wait3A_238 = tpu.memref_slice %arg10[%select_n3A_203, %dma_wait3A_236, %dma_wait3A_237] : memref<2x8x128xf32, #tpu.memory_space<vmem>> -> memref<1x8x128xf32, #tpu.memory_space<vmem>>
        %dma_wait3A_239 = tpu.memref_squeeze %dma_wait3A_238 : memref<1x8x128xf32, #tpu.memory_space<vmem>> -> memref<8x128xf32, #tpu.memory_space<vmem>>
        %dma_wait3A_240 = arith.constant 0 : i32
        %dma_wait3A_241 = arith.constant 0 : i32
        %dma_wait3A_242 = tpu.memref_slice %arg5[%dma_wait3A_240, %dma_wait3A_241] : memref<2816x128xf32, #tpu.memory_space<hbm>> -> memref<8x128xf32, #tpu.memory_space<hbm>>
        %dma_wait3A_243 = tpu.memref_slice %arg13[%select_n3A_203] : memref<2x!tpu.dma_semaphore, #tpu.memory_space<semaphore_mem>> -> memref<1x!tpu.dma_semaphore, #tpu.memory_space<semaphore_mem>>
        %dma_wait3A_244 = tpu.memref_squeeze %dma_wait3A_243 : memref<1x!tpu.dma_semaphore, #tpu.memory_space<semaphore_mem>> -> memref<!tpu.dma_semaphore, #tpu.memory_space<semaphore_mem>>
        %dma_wait3A_245 = arith.constant 0 : i32
        %dma_wait3A_246 = arith.constant 0 : i32
        %dma_wait3A_247 = tpu.memref_slice %arg10[%select_n3A_203, %dma_wait3A_245, %dma_wait3A_246] : memref<2x8x128xf32, #tpu.memory_space<vmem>> -> memref<1x8x128xf32, #tpu.memory_space<vmem>>
        %dma_wait3A_248 = tpu.memref_squeeze %dma_wait3A_247 : memref<1x8x128xf32, #tpu.memory_space<vmem>> -> memref<8x128xf32, #tpu.memory_space<vmem>>
        %dma_wait3A_249 = arith.constant 0 : i32
        %dma_wait3A_250 = arith.constant 0 : i32
        %dma_wait3A_251 = tpu.memref_slice %arg5[%dma_wait3A_249, %dma_wait3A_250] : memref<2816x128xf32, #tpu.memory_space<hbm>> -> memref<8x128xf32, #tpu.memory_space<hbm>>
        tpu.wait_dma2 semaphore(%dma_wait3A_244 : memref<!tpu.dma_semaphore, #tpu.memory_space<semaphore_mem>>) src(%dma_wait3A_251 : memref<8x128xf32, #tpu.memory_space<hbm>>) dst(%dma_wait3A_248 : memref<8x128xf32, #tpu.memory_space<vmem>>)
      } else {
      }
      %add3A_140 = arith.constant 2 : i32
      %add3A_141 = arith.addi %scan3A_68, %add3A_140 : i32
      %lt3A_142 = arith.constant 88 : i32
      %lt3A_143 = arith.cmpi slt, %add3A_141, %lt3A_142 : i32
      %convert_element_type3A_144 = arith.extui %lt3A_143 : i1 to i32
      %cond3A_145 = arith.constant 0 : i32
      %cond3A_146 = arith.cmpi ne, %convert_element_type3A_144, %cond3A_145 : i32
      scf.if %cond3A_146 {
        %add3A_186 = arith.constant 2 : i32
        %add3A_187 = arith.addi %scan3A_68, %add3A_186 : i32
        %jit3A_188 = arith.constant 8 : i32
        %div3A_189 = arith.divsi %add3A_187, %jit3A_188 : i32
        %sign3A_190 = arith.constant 0 : i32
        %sign3A_191 = arith.cmpi sgt, %add3A_187, %sign3A_190 : i32
        %sign3A_192 = arith.extui %sign3A_191 : i1 to i32
        %sign3A_193 = arith.constant 0 : i32
        %sign3A_194 = arith.cmpi slt, %add3A_187, %sign3A_193 : i32
        %sign3A_195 = arith.extui %sign3A_194 : i1 to i32
        %sign3A_196 = arith.subi %sign3A_192, %sign3A_195 : i32
        %sign3A_197 = arith.constant 0 : i32
        %sign3A_198 = arith.cmpi sgt, %jit3A_188, %sign3A_197 : i32
        %sign3A_199 = arith.extui %sign3A_198 : i1 to i32
        %sign3A_200 = arith.constant 0 : i32
        %sign3A_201 = arith.cmpi slt, %jit3A_188, %sign3A_200 : i32
        %sign3A_202 = arith.extui %sign3A_201 : i1 to i32
        %sign3A_203 = arith.subi %sign3A_199, %sign3A_202 : i32
        %ne3A_204 = arith.cmpi ne, %sign3A_196, %sign3A_203 : i32
        %rem3A_205 = arith.remsi %add3A_187, %jit3A_188 : i32
        %ne3A_206 = arith.constant 0 : i32
        %ne3A_207 = arith.cmpi ne, %rem3A_205, %ne3A_206 : i32
        %and3A_208 = arith.andi %ne3A_204, %ne3A_207 : i1
        %sub3A_209 = arith.constant 1 : i32
        %sub3A_210 = arith.subi %div3A_189, %sub3A_209 : i32
        %select_n3A_211 = arith.select %and3A_208, %sub3A_210, %div3A_189 : i32
        %jit3A_212 = arith.constant 2 : i32
        %eq3A_213 = arith.constant 0 : i32
        %eq3A_214 = arith.cmpi eq, %jit3A_212, %eq3A_213 : i32
        %jit3A_215 = arith.constant 1 : i32
        %select_n3A_216 = arith.select %eq3A_214, %jit3A_215, %jit3A_212 : i32
        %rem3A_217 = arith.remsi %select_n3A_211, %select_n3A_216 : i32
        %ne3A_218 = arith.constant 0 : i32
        %ne3A_219 = arith.cmpi ne, %rem3A_217, %ne3A_218 : i32
        %lt3A_220 = arith.constant 0 : i32
        %lt3A_221 = arith.cmpi slt, %rem3A_217, %lt3A_220 : i32
        %lt3A_222 = arith.constant 0 : i32
        %lt3A_223 = arith.cmpi slt, %select_n3A_216, %lt3A_222 : i32
        %ne3A_224 = arith.xori %lt3A_221, %lt3A_223 : i1
        %and3A_225 = arith.andi %ne3A_224, %ne3A_219 : i1
        %add3A_226 = arith.addi %rem3A_217, %select_n3A_216 : i32
        %select_n3A_227 = arith.select %and3A_225, %add3A_226, %rem3A_217 : i32
        %add3A_228 = arith.constant 2 : i32
        %add3A_229 = arith.addi %scan3A_68, %add3A_228 : i32
        %jit3A_230 = arith.constant 8 : i32
        %eq3A_231 = arith.constant 0 : i32
        %eq3A_232 = arith.cmpi eq, %jit3A_230, %eq3A_231 : i32
        %jit3A_233 = arith.constant 1 : i32
        %select_n3A_234 = arith.select %eq3A_232, %jit3A_233, %jit3A_230 : i32
        %rem3A_235 = arith.remsi %add3A_229, %select_n3A_234 : i32
        %ne3A_236 = arith.constant 0 : i32
        %ne3A_237 = arith.cmpi ne, %rem3A_235, %ne3A_236 : i32
        %lt3A_238 = arith.constant 0 : i32
        %lt3A_239 = arith.cmpi slt, %rem3A_235, %lt3A_238 : i32
        %lt3A_240 = arith.constant 0 : i32
        %lt3A_241 = arith.cmpi slt, %select_n3A_234, %lt3A_240 : i32
        %ne3A_242 = arith.xori %lt3A_239, %lt3A_241 : i1
        %and3A_243 = arith.andi %ne3A_242, %ne3A_237 : i1
        %add3A_244 = arith.addi %rem3A_235, %select_n3A_234 : i32
        %select_n3A_245 = arith.select %and3A_243, %add3A_244, %rem3A_235 : i32
        %add3A_246 = arith.constant 2 : i32
        %add3A_247 = arith.addi %scan3A_68, %add3A_246 : i32
        %jit3A_248 = arith.constant 3 : i32
        %eq3A_249 = arith.constant 0 : i32
        %eq3A_250 = arith.cmpi eq, %jit3A_248, %eq3A_249 : i32
        %jit3A_251 = arith.constant 1 : i32
        %select_n3A_252 = arith.select %eq3A_250, %jit3A_251, %jit3A_248 : i32
        %rem3A_253 = arith.remsi %add3A_247, %select_n3A_252 : i32
        %ne3A_254 = arith.constant 0 : i32
        %ne3A_255 = arith.cmpi ne, %rem3A_253, %ne3A_254 : i32
        %lt3A_256 = arith.constant 0 : i32
        %lt3A_257 = arith.cmpi slt, %rem3A_253, %lt3A_256 : i32
        %lt3A_258 = arith.constant 0 : i32
        %lt3A_259 = arith.cmpi slt, %select_n3A_252, %lt3A_258 : i32
        %ne3A_260 = arith.xori %lt3A_257, %lt3A_259 : i1
        %and3A_261 = arith.andi %ne3A_260, %ne3A_255 : i1
        %add3A_262 = arith.addi %rem3A_253, %select_n3A_252 : i32
        %select_n3A_263 = arith.select %and3A_261, %add3A_262, %rem3A_253 : i32
        %dma_start3A_264 = arith.constant 0 : i32
        %dma_start3A_265 = arith.constant 0 : i32
        %dma_start3A_266 = tpu.memref_slice %arg11[%select_n3A_263, %dma_start3A_264, %dma_start3A_265] : memref<3x128x64xi32, #tpu.memory_space<vmem>> -> memref<1x128x64xi32, #tpu.memory_space<vmem>>
        %dma_start3A_267 = tpu.memref_squeeze %dma_start3A_266 : memref<1x128x64xi32, #tpu.memory_space<vmem>> -> memref<128x64xi32, #tpu.memory_space<vmem>>
        %dma_start3A_268 = arith.constant 0 : i32
        %dma_start3A_269 = tpu.memref_slice %arg8[%select_n3A_227, %select_n3A_245, %dma_start3A_268] : memref<2x8x128xi32, #tpu.memory_space<vmem>> -> memref<1x1x128xi32, #tpu.memory_space<vmem>>
        %dma_start3A_270 = tpu.memref_squeeze %dma_start3A_269 : memref<1x1x128xi32, #tpu.memory_space<vmem>> -> memref<128xi32, #tpu.memory_space<vmem>>
        %dma_start3A_271 = arith.constant 0 : i32
        %dma_start3A_272 = arith.constant 0 : i32
        %dma_start3A_273 = tpu.memref_slice %arg2[%dma_start3A_271, %dma_start3A_272] : memref<10000x64xi32, #tpu.memory_space<hbm>> -> memref<10000x64xi32, #tpu.memory_space<hbm>>
        tpu.enqueue_indirect_dma source(%dma_start3A_273 : memref<10000x64xi32, #tpu.memory_space<hbm>>) target(%dma_start3A_267 : memref<128x64xi32, #tpu.memory_space<vmem>>) offsets(%dma_start3A_270 : memref<128xi32, #tpu.memory_space<vmem>>) semaphore(%arg14 : memref<!tpu.dma_semaphore, #tpu.memory_space<semaphore_mem>>)
      } else {
      }
      %ge3A = arith.constant 1 : i32
      %ge3A_147 = arith.cmpi sge, %scan3A_68, %ge3A : i32
      %convert_element_type3A_148 = arith.extui %ge3A_147 : i1 to i32
      %cond3A_149 = arith.constant 0 : i32
      %cond3A_150 = arith.cmpi ne, %convert_element_type3A_148, %cond3A_149 : i32
      scf.if %cond3A_150 {
        %dma_wait3A_186 = arith.constant 0 : i32
        %dma_wait3A_187 = arith.constant 0 : i32
        %dma_wait3A_188 = arith.constant 0 : i32
        %dma_wait3A_189 = tpu.memref_slice %arg9[%dma_wait3A_186, %dma_wait3A_187, %dma_wait3A_188] : memref<2x8x128xi32, #tpu.memory_space<vmem>> -> memref<1x1x128xi32, #tpu.memory_space<vmem>>
        %dma_wait3A_190 = tpu.memref_squeeze %dma_wait3A_189 : memref<1x1x128xi32, #tpu.memory_space<vmem>> -> memref<128xi32, #tpu.memory_space<vmem>>
        %dma_wait3A_191 = arith.constant 0 : i32
        %dma_wait3A_192 = arith.constant 0 : i32
        %dma_wait3A_193 = tpu.memref_slice %arg7[%dma_wait3A_191, %dma_wait3A_192] : memref<10000x128xf32, #tpu.memory_space<vmem_shared>> -> memref<10000x128xf32, #tpu.memory_space<vmem_shared>>
        tpu.wait_indirect_dma semaphore(%arg15 : memref<!tpu.dma_semaphore, #tpu.memory_space<semaphore_mem>>) src(%arg12 : memref<128x128xf32, #tpu.memory_space<vmem>>) dst(%dma_wait3A_193 : memref<10000x128xf32, #tpu.memory_space<vmem_shared>>)
      } else {
      }
      %eq3A_151 = arith.constant 0 : i32
      %eq3A_152 = arith.cmpi eq, %select_n3A_80, %eq3A_151 : i32
      %add3A_153 = arith.constant 1 : i32
      %add3A_154 = arith.addi %select_n3A_101, %add3A_153 : i32
      %lt3A_155 = arith.constant 11 : i32
      %lt3A_156 = arith.cmpi slt, %add3A_154, %lt3A_155 : i32
      %and3A_157 = arith.andi %eq3A_152, %lt3A_156 : i1
      %convert_element_type3A_158 = arith.extui %and3A_157 : i1 to i32
      %cond3A_159 = arith.constant 0 : i32
      %cond3A_160 = arith.cmpi ne, %convert_element_type3A_158, %cond3A_159 : i32
      scf.if %cond3A_160 {
        %add3A_186 = arith.constant 1 : i32
        %add3A_187 = arith.addi %select_n3A_101, %add3A_186 : i32
        %jit3A_188 = arith.constant 2 : i32
        %eq3A_189 = arith.constant 0 : i32
        %eq3A_190 = arith.cmpi eq, %jit3A_188, %eq3A_189 : i32
        %jit3A_191 = arith.constant 1 : i32
        %select_n3A_192 = arith.select %eq3A_190, %jit3A_191, %jit3A_188 : i32
        %rem3A_193 = arith.remsi %add3A_187, %select_n3A_192 : i32
        %ne3A_194 = arith.constant 0 : i32
        %ne3A_195 = arith.cmpi ne, %rem3A_193, %ne3A_194 : i32
        %lt3A_196 = arith.constant 0 : i32
        %lt3A_197 = arith.cmpi slt, %rem3A_193, %lt3A_196 : i32
        %lt3A_198 = arith.constant 0 : i32
        %lt3A_199 = arith.cmpi slt, %select_n3A_192, %lt3A_198 : i32
        %ne3A_200 = arith.xori %lt3A_197, %lt3A_199 : i1
        %and3A_201 = arith.andi %ne3A_200, %ne3A_195 : i1
        %add3A_202 = arith.addi %rem3A_193, %select_n3A_192 : i32
        %select_n3A_203 = arith.select %and3A_201, %add3A_202, %rem3A_193 : i32
        %mul3A_204 = arith.constant 8 : i32
        %mul3A_205 = arith.muli %add3A_187, %mul3A_204 : i32
        %add3A_206 = arith.addi %mul3A_15, %mul3A_205 : i32
        %dma_start3A_207 = arith.constant 0 : i32
        %dma_start3A_208 = arith.constant 0 : i32
        %dma_start3A_209 = tpu.memref_slice %arg8[%select_n3A_203, %dma_start3A_207, %dma_start3A_208] : memref<2x8x128xi32, #tpu.memory_space<vmem>> -> memref<1x8x128xi32, #tpu.memory_space<vmem>>
        %dma_start3A_210 = tpu.memref_squeeze %dma_start3A_209 : memref<1x8x128xi32, #tpu.memory_space<vmem>> -> memref<8x128xi32, #tpu.memory_space<vmem>>
        %dma_start3A_211 = arith.constant 0 : i32
        %dma_start3A_212 = tpu.memref_slice %arg3[%add3A_206, %dma_start3A_211] : memref<2816x128xi32, #tpu.memory_space<hbm>> -> memref<8x128xi32, #tpu.memory_space<hbm>>
        %dma_start3A_213 = tpu.memref_slice %arg13[%select_n3A_203] : memref<2x!tpu.dma_semaphore, #tpu.memory_space<semaphore_mem>> -> memref<1x!tpu.dma_semaphore, #tpu.memory_space<semaphore_mem>>
        %dma_start3A_214 = tpu.memref_squeeze %dma_start3A_213 : memref<1x!tpu.dma_semaphore, #tpu.memory_space<semaphore_mem>> -> memref<!tpu.dma_semaphore, #tpu.memory_space<semaphore_mem>>
        %dma_start3A_215 = arith.constant 0 : i32
        %dma_start3A_216 = arith.constant 0 : i32
        %dma_start3A_217 = tpu.memref_slice %arg8[%select_n3A_203, %dma_start3A_215, %dma_start3A_216] : memref<2x8x128xi32, #tpu.memory_space<vmem>> -> memref<1x8x128xi32, #tpu.memory_space<vmem>>
        %dma_start3A_218 = tpu.memref_squeeze %dma_start3A_217 : memref<1x8x128xi32, #tpu.memory_space<vmem>> -> memref<8x128xi32, #tpu.memory_space<vmem>>
        %dma_start3A_219 = arith.constant 0 : i32
        %dma_start3A_220 = tpu.memref_slice %arg3[%add3A_206, %dma_start3A_219] : memref<2816x128xi32, #tpu.memory_space<hbm>> -> memref<8x128xi32, #tpu.memory_space<hbm>>
        tpu.enqueue_dma source(%dma_start3A_220 : memref<8x128xi32, #tpu.memory_space<hbm>>) target(%dma_start3A_218 : memref<8x128xi32, #tpu.memory_space<vmem>>) target_semaphore(%dma_start3A_214 : memref<!tpu.dma_semaphore, #tpu.memory_space<semaphore_mem>>)
        %mul3A_221 = arith.constant 8 : i32
        %mul3A_222 = arith.muli %add3A_187, %mul3A_221 : i32
        %add3A_223 = arith.addi %mul3A_15, %mul3A_222 : i32
        %dma_start3A_224 = arith.constant 0 : i32
        %dma_start3A_225 = arith.constant 0 : i32
        %dma_start3A_226 = tpu.memref_slice %arg9[%select_n3A_203, %dma_start3A_224, %dma_start3A_225] : memref<2x8x128xi32, #tpu.memory_space<vmem>> -> memref<1x8x128xi32, #tpu.memory_space<vmem>>
        %dma_start3A_227 = tpu.memref_squeeze %dma_start3A_226 : memref<1x8x128xi32, #tpu.memory_space<vmem>> -> memref<8x128xi32, #tpu.memory_space<vmem>>
        %dma_start3A_228 = arith.constant 0 : i32
        %dma_start3A_229 = tpu.memref_slice %arg4[%add3A_223, %dma_start3A_228] : memref<2816x128xi32, #tpu.memory_space<hbm>> -> memref<8x128xi32, #tpu.memory_space<hbm>>
        %dma_start3A_230 = tpu.memref_slice %arg13[%select_n3A_203] : memref<2x!tpu.dma_semaphore, #tpu.memory_space<semaphore_mem>> -> memref<1x!tpu.dma_semaphore, #tpu.memory_space<semaphore_mem>>
        %dma_start3A_231 = tpu.memref_squeeze %dma_start3A_230 : memref<1x!tpu.dma_semaphore, #tpu.memory_space<semaphore_mem>> -> memref<!tpu.dma_semaphore, #tpu.memory_space<semaphore_mem>>
        %dma_start3A_232 = arith.constant 0 : i32
        %dma_start3A_233 = arith.constant 0 : i32
        %dma_start3A_234 = tpu.memref_slice %arg9[%select_n3A_203, %dma_start3A_232, %dma_start3A_233] : memref<2x8x128xi32, #tpu.memory_space<vmem>> -> memref<1x8x128xi32, #tpu.memory_space<vmem>>
        %dma_start3A_235 = tpu.memref_squeeze %dma_start3A_234 : memref<1x8x128xi32, #tpu.memory_space<vmem>> -> memref<8x128xi32, #tpu.memory_space<vmem>>
        %dma_start3A_236 = arith.constant 0 : i32
        %dma_start3A_237 = tpu.memref_slice %arg4[%add3A_223, %dma_start3A_236] : memref<2816x128xi32, #tpu.memory_space<hbm>> -> memref<8x128xi32, #tpu.memory_space<hbm>>
        tpu.enqueue_dma source(%dma_start3A_237 : memref<8x128xi32, #tpu.memory_space<hbm>>) target(%dma_start3A_235 : memref<8x128xi32, #tpu.memory_space<vmem>>) target_semaphore(%dma_start3A_231 : memref<!tpu.dma_semaphore, #tpu.memory_space<semaphore_mem>>)
        %mul3A_238 = arith.constant 8 : i32
        %mul3A_239 = arith.muli %add3A_187, %mul3A_238 : i32
        %add3A_240 = arith.addi %mul3A_15, %mul3A_239 : i32
        %dma_start3A_241 = arith.constant 0 : i32
        %dma_start3A_242 = arith.constant 0 : i32
        %dma_start3A_243 = tpu.memref_slice %arg10[%select_n3A_203, %dma_start3A_241, %dma_start3A_242] : memref<2x8x128xf32, #tpu.memory_space<vmem>> -> memref<1x8x128xf32, #tpu.memory_space<vmem>>
        %dma_start3A_244 = tpu.memref_squeeze %dma_start3A_243 : memref<1x8x128xf32, #tpu.memory_space<vmem>> -> memref<8x128xf32, #tpu.memory_space<vmem>>
        %dma_start3A_245 = arith.constant 0 : i32
        %dma_start3A_246 = tpu.memref_slice %arg5[%add3A_240, %dma_start3A_245] : memref<2816x128xf32, #tpu.memory_space<hbm>> -> memref<8x128xf32, #tpu.memory_space<hbm>>
        %dma_start3A_247 = tpu.memref_slice %arg13[%select_n3A_203] : memref<2x!tpu.dma_semaphore, #tpu.memory_space<semaphore_mem>> -> memref<1x!tpu.dma_semaphore, #tpu.memory_space<semaphore_mem>>
        %dma_start3A_248 = tpu.memref_squeeze %dma_start3A_247 : memref<1x!tpu.dma_semaphore, #tpu.memory_space<semaphore_mem>> -> memref<!tpu.dma_semaphore, #tpu.memory_space<semaphore_mem>>
        %dma_start3A_249 = arith.constant 0 : i32
        %dma_start3A_250 = arith.constant 0 : i32
        %dma_start3A_251 = tpu.memref_slice %arg10[%select_n3A_203, %dma_start3A_249, %dma_start3A_250] : memref<2x8x128xf32, #tpu.memory_space<vmem>> -> memref<1x8x128xf32, #tpu.memory_space<vmem>>
        %dma_start3A_252 = tpu.memref_squeeze %dma_start3A_251 : memref<1x8x128xf32, #tpu.memory_space<vmem>> -> memref<8x128xf32, #tpu.memory_space<vmem>>
        %dma_start3A_253 = arith.constant 0 : i32
        %dma_start3A_254 = tpu.memref_slice %arg5[%add3A_240, %dma_start3A_253] : memref<2816x128xf32, #tpu.memory_space<hbm>> -> memref<8x128xf32, #tpu.memory_space<hbm>>
        tpu.enqueue_dma source(%dma_start3A_254 : memref<8x128xf32, #tpu.memory_space<hbm>>) target(%dma_start3A_252 : memref<8x128xf32, #tpu.memory_space<vmem>>) target_semaphore(%dma_start3A_248 : memref<!tpu.dma_semaphore, #tpu.memory_space<semaphore_mem>>)
      } else {
      }
      %parallel_loop3A = arith.constant 0 : i32
      %parallel_loop3A_161 = arith.constant 128 : i32
      %parallel_loop3A_162 = arith.constant 1 : i32
      scf.for %parallel_loop3A_186 = %parallel_loop3A to %parallel_loop3A_161 step %parallel_loop3A_162  : i32 {
        %parallel_loop3A_187 = arith.constant 2 : i32
        %parallel_loop3A_188 = arith.constant 0 : i32
        %parallel_loop3A_189 = arith.cmpi eq, %parallel_loop3A_187, %parallel_loop3A_188 : i32
        %parallel_loop3A_190 = arith.constant 1 : i32
        %parallel_loop3A_191 = arith.select %parallel_loop3A_189, %parallel_loop3A_190, %parallel_loop3A_187 : i32
        %parallel_loop3A_192 = arith.remsi %select_n3A_101, %parallel_loop3A_191 : i32
        %parallel_loop3A_193 = arith.constant 0 : i32
        %parallel_loop3A_194 = arith.cmpi ne, %parallel_loop3A_192, %parallel_loop3A_193 : i32
        %parallel_loop3A_195 = arith.constant 0 : i32
        %parallel_loop3A_196 = arith.cmpi slt, %parallel_loop3A_192, %parallel_loop3A_195 : i32
        %parallel_loop3A_197 = arith.constant 0 : i32
        %parallel_loop3A_198 = arith.cmpi slt, %parallel_loop3A_191, %parallel_loop3A_197 : i32
        %parallel_loop3A_199 = arith.xori %parallel_loop3A_196, %parallel_loop3A_198 : i1
        %parallel_loop3A_200 = arith.andi %parallel_loop3A_199, %parallel_loop3A_194 : i1
        %parallel_loop3A_201 = arith.addi %parallel_loop3A_192, %parallel_loop3A_191 : i32
        %parallel_loop3A_202 = arith.select %parallel_loop3A_200, %parallel_loop3A_201, %parallel_loop3A_192 : i32
        %parallel_loop3A_203 = vector.broadcast %parallel_loop3A_186 : i32 to vector<16xi32>
        %parallel_loop3A_204 = arith.constant 0 : i32
        %parallel_loop3A_205 = tpu.memref_slice %arg10[%parallel_loop3A_202, %select_n3A_80, %parallel_loop3A_204] : memref<2x8x128xf32, #tpu.memory_space<vmem>> -> memref<1x1x128xf32, #tpu.memory_space<vmem>>
        %parallel_loop3A_206 = tpu.memref_squeeze %parallel_loop3A_205 : memref<1x1x128xf32, #tpu.memory_space<vmem>> -> memref<128xf32, #tpu.memory_space<vmem>>
        %parallel_loop3A_207 = tpu.vector_load_idx %parallel_loop3A_206[%parallel_loop3A_203] : memref<128xf32, #tpu.memory_space<vmem>>[vector<16xi32>], vector<16xf32>,
        %parallel_loop3A_208 = arith.index_cast %select_n3A_117 : i32 to index
        %parallel_loop3A_209 = arith.index_cast %parallel_loop3A_186 : i32 to index
        %parallel_loop3A_210 = arith.constant 0 : index
        %parallel_loop3A_211 = tpu.vector_load %arg11[%parallel_loop3A_208, %parallel_loop3A_209, %parallel_loop3A_210] {strides = array<i32>} : memref<3x128x64xi32, #tpu.memory_space<vmem>>, vector<16xi32>,
        %parallel_loop3A_212 = vector.bitcast %parallel_loop3A_211 : vector<16xi32> to vector<32xbf16>
        %parallel_loop3A_213 = tpu.unpack_subelements %parallel_loop3A_212, 0 {pack_format = #tpu.pack_format<interleaved>} : vector<32xbf16> -> vector<16xf32>
        %parallel_loop3A_214 = tpu.unpack_subelements %parallel_loop3A_212, 1 {pack_format = #tpu.pack_format<interleaved>} : vector<32xbf16> -> vector<16xf32>
        %parallel_loop3A_215 = arith.mulf %parallel_loop3A_213, %parallel_loop3A_207 : vector<16xf32>
        %parallel_loop3A_216 = arith.index_cast %parallel_loop3A_186 : i32 to index
        %parallel_loop3A_217 = arith.constant 0 : index
        %parallel_loop3A_218 = tpu.vector_load %arg12[%parallel_loop3A_216, %parallel_loop3A_217] {strides = array<i32>} : memref<128x128xf32, #tpu.memory_space<vmem>>, vector<16xf32>,
        tpu.vector_store %arg12[%parallel_loop3A_216, %parallel_loop3A_217], %parallel_loop3A_215 {strides = array<i32>} : memref<128x128xf32, #tpu.memory_space<vmem>>, vector<16xf32>,
        %parallel_loop3A_219 = arith.mulf %parallel_loop3A_214, %parallel_loop3A_207 : vector<16xf32>
        %parallel_loop3A_220 = arith.index_cast %parallel_loop3A_186 : i32 to index
        %parallel_loop3A_221 = arith.constant 16 : index
        %parallel_loop3A_222 = tpu.vector_load %arg12[%parallel_loop3A_220, %parallel_loop3A_221] {strides = array<i32>} : memref<128x128xf32, #tpu.memory_space<vmem>>, vector<16xf32>,
        tpu.vector_store %arg12[%parallel_loop3A_220, %parallel_loop3A_221], %parallel_loop3A_219 {strides = array<i32>} : memref<128x128xf32, #tpu.memory_space<vmem>>, vector<16xf32>,
        %parallel_loop3A_223 = arith.index_cast %select_n3A_117 : i32 to index
        %parallel_loop3A_224 = arith.index_cast %parallel_loop3A_186 : i32 to index
        %parallel_loop3A_225 = arith.constant 16 : index
        %parallel_loop3A_226 = tpu.vector_load %arg11[%parallel_loop3A_223, %parallel_loop3A_224, %parallel_loop3A_225] {strides = array<i32>} : memref<3x128x64xi32, #tpu.memory_space<vmem>>, vector<16xi32>,
        %parallel_loop3A_227 = vector.bitcast %parallel_loop3A_226 : vector<16xi32> to vector<32xbf16>
        %parallel_loop3A_228 = tpu.unpack_subelements %parallel_loop3A_227, 0 {pack_format = #tpu.pack_format<interleaved>} : vector<32xbf16> -> vector<16xf32>
        %parallel_loop3A_229 = tpu.unpack_subelements %parallel_loop3A_227, 1 {pack_format = #tpu.pack_format<interleaved>} : vector<32xbf16> -> vector<16xf32>
        %parallel_loop3A_230 = arith.mulf %parallel_loop3A_228, %parallel_loop3A_207 : vector<16xf32>
        %parallel_loop3A_231 = arith.index_cast %parallel_loop3A_186 : i32 to index
        %parallel_loop3A_232 = arith.constant 32 : index
        %parallel_loop3A_233 = tpu.vector_load %arg12[%parallel_loop3A_231, %parallel_loop3A_232] {strides = array<i32>} : memref<128x128xf32, #tpu.memory_space<vmem>>, vector<16xf32>,
        tpu.vector_store %arg12[%parallel_loop3A_231, %parallel_loop3A_232], %parallel_loop3A_230 {strides = array<i32>} : memref<128x128xf32, #tpu.memory_space<vmem>>, vector<16xf32>,
        %parallel_loop3A_234 = arith.mulf %parallel_loop3A_229, %parallel_loop3A_207 : vector<16xf32>
        %parallel_loop3A_235 = arith.index_cast %parallel_loop3A_186 : i32 to index
        %parallel_loop3A_236 = arith.constant 48 : index
        %parallel_loop3A_237 = tpu.vector_load %arg12[%parallel_loop3A_235, %parallel_loop3A_236] {strides = array<i32>} : memref<128x128xf32, #tpu.memory_space<vmem>>, vector<16xf32>,
        tpu.vector_store %arg12[%parallel_loop3A_235, %parallel_loop3A_236], %parallel_loop3A_234 {strides = array<i32>} : memref<128x128xf32, #tpu.memory_space<vmem>>, vector<16xf32>,
        %parallel_loop3A_238 = arith.index_cast %select_n3A_117 : i32 to index
        %parallel_loop3A_239 = arith.index_cast %parallel_loop3A_186 : i32 to index
        %parallel_loop3A_240 = arith.constant 32 : index
        %parallel_loop3A_241 = tpu.vector_load %arg11[%parallel_loop3A_238, %parallel_loop3A_239, %parallel_loop3A_240] {strides = array<i32>} : memref<3x128x64xi32, #tpu.memory_space<vmem>>, vector<16xi32>,
        %parallel_loop3A_242 = vector.bitcast %parallel_loop3A_241 : vector<16xi32> to vector<32xbf16>
        %parallel_loop3A_243 = tpu.unpack_subelements %parallel_loop3A_242, 0 {pack_format = #tpu.pack_format<interleaved>} : vector<32xbf16> -> vector<16xf32>
        %parallel_loop3A_244 = tpu.unpack_subelements %parallel_loop3A_242, 1 {pack_format = #tpu.pack_format<interleaved>} : vector<32xbf16> -> vector<16xf32>
        %parallel_loop3A_245 = arith.mulf %parallel_loop3A_243, %parallel_loop3A_207 : vector<16xf32>
        %parallel_loop3A_246 = arith.index_cast %parallel_loop3A_186 : i32 to index
        %parallel_loop3A_247 = arith.constant 64 : index
        %parallel_loop3A_248 = tpu.vector_load %arg12[%parallel_loop3A_246, %parallel_loop3A_247] {strides = array<i32>} : memref<128x128xf32, #tpu.memory_space<vmem>>, vector<16xf32>,
        tpu.vector_store %arg12[%parallel_loop3A_246, %parallel_loop3A_247], %parallel_loop3A_245 {strides = array<i32>} : memref<128x128xf32, #tpu.memory_space<vmem>>, vector<16xf32>,
        %parallel_loop3A_249 = arith.mulf %parallel_loop3A_244, %parallel_loop3A_207 : vector<16xf32>
        %parallel_loop3A_250 = arith.index_cast %parallel_loop3A_186 : i32 to index
        %parallel_loop3A_251 = arith.constant 80 : index
        %parallel_loop3A_252 = tpu.vector_load %arg12[%parallel_loop3A_250, %parallel_loop3A_251] {strides = array<i32>} : memref<128x128xf32, #tpu.memory_space<vmem>>, vector<16xf32>,
        tpu.vector_store %arg12[%parallel_loop3A_250, %parallel_loop3A_251], %parallel_loop3A_249 {strides = array<i32>} : memref<128x128xf32, #tpu.memory_space<vmem>>, vector<16xf32>,
        %parallel_loop3A_253 = arith.index_cast %select_n3A_117 : i32 to index
        %parallel_loop3A_254 = arith.index_cast %parallel_loop3A_186 : i32 to index
        %parallel_loop3A_255 = arith.constant 48 : index
        %parallel_loop3A_256 = tpu.vector_load %arg11[%parallel_loop3A_253, %parallel_loop3A_254, %parallel_loop3A_255] {strides = array<i32>} : memref<3x128x64xi32, #tpu.memory_space<vmem>>, vector<16xi32>,
        %parallel_loop3A_257 = vector.bitcast %parallel_loop3A_256 : vector<16xi32> to vector<32xbf16>
        %parallel_loop3A_258 = tpu.unpack_subelements %parallel_loop3A_257, 0 {pack_format = #tpu.pack_format<interleaved>} : vector<32xbf16> -> vector<16xf32>
        %parallel_loop3A_259 = tpu.unpack_subelements %parallel_loop3A_257, 1 {pack_format = #tpu.pack_format<interleaved>} : vector<32xbf16> -> vector<16xf32>
        %parallel_loop3A_260 = arith.mulf %parallel_loop3A_258, %parallel_loop3A_207 : vector<16xf32>
        %parallel_loop3A_261 = arith.index_cast %parallel_loop3A_186 : i32 to index
        %parallel_loop3A_262 = arith.constant 96 : index
        %parallel_loop3A_263 = tpu.vector_load %arg12[%parallel_loop3A_261, %parallel_loop3A_262] {strides = array<i32>} : memref<128x128xf32, #tpu.memory_space<vmem>>, vector<16xf32>,
        tpu.vector_store %arg12[%parallel_loop3A_261, %parallel_loop3A_262], %parallel_loop3A_260 {strides = array<i32>} : memref<128x128xf32, #tpu.memory_space<vmem>>, vector<16xf32>,
        %parallel_loop3A_264 = arith.mulf %parallel_loop3A_259, %parallel_loop3A_207 : vector<16xf32>
        %parallel_loop3A_265 = arith.index_cast %parallel_loop3A_186 : i32 to index
        %parallel_loop3A_266 = arith.constant 112 : index
        %parallel_loop3A_267 = tpu.vector_load %arg12[%parallel_loop3A_265, %parallel_loop3A_266] {strides = array<i32>} : memref<128x128xf32, #tpu.memory_space<vmem>>, vector<16xf32>,
        tpu.vector_store %arg12[%parallel_loop3A_265, %parallel_loop3A_266], %parallel_loop3A_264 {strides = array<i32>} : memref<128x128xf32, #tpu.memory_space<vmem>>, vector<16xf32>,
      } {sc.loop_unroll_factor = 8 : i64, sc.parallel_access}
      %jit3A_163 = arith.constant 2 : i32
      %eq3A_164 = arith.constant 0 : i32
      %eq3A_165 = arith.cmpi eq, %jit3A_163, %eq3A_164 : i32
      %jit3A_166 = arith.constant 1 : i32
      %select_n3A_167 = arith.select %eq3A_165, %jit3A_166, %jit3A_163 : i32
      %rem3A_168 = arith.remsi %select_n3A_101, %select_n3A_167 : i32
      %ne3A_169 = arith.constant 0 : i32
      %ne3A_170 = arith.cmpi ne, %rem3A_168, %ne3A_169 : i32
      %lt3A_171 = arith.constant 0 : i32
      %lt3A_172 = arith.cmpi slt, %rem3A_168, %lt3A_171 : i32
      %lt3A_173 = arith.constant 0 : i32
      %lt3A_174 = arith.cmpi slt, %select_n3A_167, %lt3A_173 : i32
      %ne3A_175 = arith.xori %lt3A_172, %lt3A_174 : i1
      %and3A_176 = arith.andi %ne3A_175, %ne3A_170 : i1
      %add3A_177 = arith.addi %rem3A_168, %select_n3A_167 : i32
      %select_n3A_178 = arith.select %and3A_176, %add3A_177, %rem3A_168 : i32
      %dma_start3A_179 = arith.constant 0 : i32
      %dma_start3A_180 = tpu.memref_slice %arg9[%select_n3A_178, %select_n3A_80, %dma_start3A_179] : memref<2x8x128xi32, #tpu.memory_space<vmem>> -> memref<1x1x128xi32, #tpu.memory_space<vmem>>
      %dma_start3A_181 = tpu.memref_squeeze %dma_start3A_180 : memref<1x1x128xi32, #tpu.memory_space<vmem>> -> memref<128xi32, #tpu.memory_space<vmem>>
      %dma_start3A_182 = arith.constant 0 : i32
      %dma_start3A_183 = arith.constant 0 : i32
      %dma_start3A_184 = tpu.memref_slice %arg7[%dma_start3A_182, %dma_start3A_183] : memref<10000x128xf32, #tpu.memory_space<vmem_shared>> -> memref<10000x128xf32, #tpu.memory_space<vmem_shared>>
      tpu.enqueue_indirect_dma source(%arg12 : memref<128x128xf32, #tpu.memory_space<vmem>>) target(%dma_start3A_184 : memref<10000x128xf32, #tpu.memory_space<vmem_shared>>) offsets(%dma_start3A_181 : memref<128xi32, #tpu.memory_space<vmem>>) semaphore(%arg15 : memref<!tpu.dma_semaphore, #tpu.memory_space<semaphore_mem>>) {add = true}
      %scan3A_185 = arith.constant 0 : i32
      scf.yield %scan3A_185 : i32
    }
    %scan3A_49 = arith.constant 88 : i32
    %dma_wait3A = arith.constant 0 : i32
    %dma_wait3A_50 = arith.constant 0 : i32
    %dma_wait3A_51 = arith.constant 0 : i32
    %dma_wait3A_52 = tpu.memref_slice %arg9[%dma_wait3A, %dma_wait3A_50, %dma_wait3A_51] : memref<2x8x128xi32, #tpu.memory_space<vmem>> -> memref<1x1x128xi32, #tpu.memory_space<vmem>>
    %dma_wait3A_53 = tpu.memref_squeeze %dma_wait3A_52 : memref<1x1x128xi32, #tpu.memory_space<vmem>> -> memref<128xi32, #tpu.memory_space<vmem>>
    %dma_wait3A_54 = arith.constant 0 : i32
    %dma_wait3A_55 = arith.constant 0 : i32
    %dma_wait3A_56 = tpu.memref_slice %arg7[%dma_wait3A_54, %dma_wait3A_55] : memref<10000x128xf32, #tpu.memory_space<vmem_shared>> -> memref<10000x128xf32, #tpu.memory_space<vmem_shared>>
    tpu.wait_indirect_dma semaphore(%arg15 : memref<!tpu.dma_semaphore, #tpu.memory_space<semaphore_mem>>) src(%arg12 : memref<128x128xf32, #tpu.memory_space<vmem>>) dst(%dma_wait3A_56 : memref<10000x128xf32, #tpu.memory_space<vmem_shared>>)
    %barrier3A_57 = arith.constant 0 : index
    tpu.barrier barrier_id(%barrier3A_57)
    %lt3A_58 = arith.constant 15 : i32
    %lt3A_59 = arith.cmpi slt, %arg1, %lt3A_58 : i32
    %convert_element_type3A_60 = arith.extui %lt3A_59 : i1 to i32
    %cond3A_61 = arith.constant 0 : i32
    %cond3A_62 = arith.cmpi ne, %convert_element_type3A_60, %cond3A_61 : i32
    scf.if %cond3A_62 {
      %mul3A_68 = arith.constant 624 : i32
      %mul3A_69 = arith.muli %arg1, %mul3A_68 : i32
      %mul3A_70 = arith.constant 624 : i32
      %mul3A_71 = arith.muli %arg1, %mul3A_70 : i32
      "tpu.region"() ({
        %run_scoped3A_72 = tpu.sem_alloc : memref<!tpu.dma_semaphore, #tpu.memory_space<semaphore_mem>>
        %dma_start3A_73 = arith.constant 0 : i32
        %dma_start3A_74 = tpu.memref_slice %arg6[%arg0, %mul3A_71, %dma_start3A_73] : memref<2x10000x128xf32, #tpu.memory_space<hbm>> -> memref<1x624x128xf32, #tpu.memory_space<hbm>>
        %dma_start3A_75 = tpu.memref_squeeze %dma_start3A_74 : memref<1x624x128xf32, #tpu.memory_space<hbm>> -> memref<624x128xf32, #tpu.memory_space<hbm>>
        %dma_start3A_76 = arith.constant 0 : i32
        %dma_start3A_77 = tpu.memref_slice %arg7[%mul3A_69, %dma_start3A_76] : memref<10000x128xf32, #tpu.memory_space<vmem_shared>> -> memref<624x128xf32, #tpu.memory_space<vmem_shared>>
        tpu.enqueue_dma source(%dma_start3A_77 : memref<624x128xf32, #tpu.memory_space<vmem_shared>>) target(%dma_start3A_75 : memref<624x128xf32, #tpu.memory_space<hbm>>) target_semaphore(%run_scoped3A_72 : memref<!tpu.dma_semaphore, #tpu.memory_space<semaphore_mem>>)
        %dma_wait3A_78 = arith.constant 0 : i32
        %dma_wait3A_79 = tpu.memref_slice %arg6[%arg0, %mul3A_71, %dma_wait3A_78] : memref<2x10000x128xf32, #tpu.memory_space<hbm>> -> memref<1x624x128xf32, #tpu.memory_space<hbm>>
        %dma_wait3A_80 = tpu.memref_squeeze %dma_wait3A_79 : memref<1x624x128xf32, #tpu.memory_space<hbm>> -> memref<624x128xf32, #tpu.memory_space<hbm>>
        %dma_wait3A_81 = arith.constant 0 : i32
        %dma_wait3A_82 = tpu.memref_slice %arg7[%mul3A_69, %dma_wait3A_81] : memref<10000x128xf32, #tpu.memory_space<vmem_shared>> -> memref<624x128xf32, #tpu.memory_space<vmem_shared>>
        tpu.wait_dma2 semaphore(%run_scoped3A_72 : memref<!tpu.dma_semaphore, #tpu.memory_space<semaphore_mem>>) src(%dma_wait3A_82 : memref<624x128xf32, #tpu.memory_space<vmem_shared>>) dst(%dma_wait3A_80 : memref<624x128xf32, #tpu.memory_space<hbm>>)
        tpu.yield
      }) : () -> ()
    } else {
    }
    %eq3A_63 = arith.constant 15 : i32
    %eq3A_64 = arith.cmpi eq, %arg1, %eq3A_63 : i32
    %convert_element_type3A_65 = arith.extui %eq3A_64 : i1 to i32
    %cond3A_66 = arith.constant 0 : i32
    %cond3A_67 = arith.cmpi ne, %convert_element_type3A_65, %cond3A_66 : i32
    scf.if %cond3A_67 {
      "tpu.region"() ({
        %run_scoped3A_68 = tpu.sem_alloc : memref<!tpu.dma_semaphore, #tpu.memory_space<semaphore_mem>>
        %dma_start3A_69 = arith.constant 9360 : i32
        %dma_start3A_70 = arith.constant 0 : i32
        %dma_start3A_71 = tpu.memref_slice %arg6[%arg0, %dma_start3A_69, %dma_start3A_70] : memref<2x10000x128xf32, #tpu.memory_space<hbm>> -> memref<1x640x128xf32, #tpu.memory_space<hbm>>
        %dma_start3A_72 = tpu.memref_squeeze %dma_start3A_71 : memref<1x640x128xf32, #tpu.memory_space<hbm>> -> memref<640x128xf32, #tpu.memory_space<hbm>>
        %dma_start3A_73 = arith.constant 9360 : i32
        %dma_start3A_74 = arith.constant 0 : i32
        %dma_start3A_75 = tpu.memref_slice %arg7[%dma_start3A_73, %dma_start3A_74] : memref<10000x128xf32, #tpu.memory_space<vmem_shared>> -> memref<640x128xf32, #tpu.memory_space<vmem_shared>>
        tpu.enqueue_dma source(%dma_start3A_75 : memref<640x128xf32, #tpu.memory_space<vmem_shared>>) target(%dma_start3A_72 : memref<640x128xf32, #tpu.memory_space<hbm>>) target_semaphore(%run_scoped3A_68 : memref<!tpu.dma_semaphore, #tpu.memory_space<semaphore_mem>>)
        %dma_wait3A_76 = arith.constant 9360 : i32
        %dma_wait3A_77 = arith.constant 0 : i32
        %dma_wait3A_78 = tpu.memref_slice %arg6[%arg0, %dma_wait3A_76, %dma_wait3A_77] : memref<2x10000x128xf32, #tpu.memory_space<hbm>> -> memref<1x640x128xf32, #tpu.memory_space<hbm>>
        %dma_wait3A_79 = tpu.memref_squeeze %dma_wait3A_78 : memref<1x640x128xf32, #tpu.memory_space<hbm>> -> memref<640x128xf32, #tpu.memory_space<hbm>>
        %dma_wait3A_80 = arith.constant 9360 : i32
        %dma_wait3A_81 = arith.constant 0 : i32
        %dma_wait3A_82 = tpu.memref_slice %arg7[%dma_wait3A_80, %dma_wait3A_81] : memref<10000x128xf32, #tpu.memory_space<vmem_shared>> -> memref<640x128xf32, #tpu.memory_space<vmem_shared>>
        tpu.wait_dma2 semaphore(%run_scoped3A_68 : memref<!tpu.dma_semaphore, #tpu.memory_space<semaphore_mem>>) src(%dma_wait3A_82 : memref<640x128xf32, #tpu.memory_space<vmem_shared>>) dst(%dma_wait3A_79 : memref<640x128xf32, #tpu.memory_space<hbm>>)
        tpu.yield
      }) : () -> ()
    } else {
    }
    return
  }
}

#map = affine_map<(d0, d1) -> (0, 0)>
#map1 = affine_map<(d0, d1) -> (0, 0, 0)>
module attributes {stable_mosaic.version = 14 : i64} {
  func.func @_mp_kernel(%arg0: i32, %arg1: i32, %arg2: memref<10000x64xi32, #tpu.memory_space<hbm>>, %arg3: memref<2816x128xi32, #tpu.memory_space<hbm>>, %arg4: memref<2816x128xi32, #tpu.memory_space<hbm>>, %arg5: memref<2816x128xf32, #tpu.memory_space<hbm>>, %arg6: memref<2x10000x128xf32, #tpu.memory_space<hbm>>, %arg7: memref<10000x128xf32, #tpu.memory_space<vmem_shared>>, %arg8: memref<2x8x128xi32, #tpu.memory_space<vmem>>, %arg9: memref<2x8x128xi32, #tpu.memory_space<vmem>>, %arg10: memref<2x8x128xf32, #tpu.memory_space<vmem>>, %arg11: memref<3x128x64xi32, #tpu.memory_space<vmem>>, %arg12: memref<128x128xf32, #tpu.memory_space<vmem>>, %arg13: memref<2x!tpu.dma_semaphore, #tpu.memory_space<semaphore_mem>>, %arg14: memref<!tpu.dma_semaphore, #tpu.memory_space<semaphore_mem>>, %arg15: memref<!tpu.dma_semaphore, #tpu.memory_space<semaphore_mem>>) attributes {dimension_semantics = [#tpu.dimension_semantics<core_parallel>, #tpu.dimension_semantics<subcore_parallel>], iteration_bounds = array<i64: 2, 16>, scalar_prefetch = 0 : i64, scratch_operands = 9 : i64, tpu.core_type = #tpu.core_type<sc_vector_subcore>, window_params = [{transform_indices = #map}, {transform_indices = #map}, {transform_indices = #map}, {transform_indices = #map}, {transform_indices = #map1}]} {
    %broadcast_in_dim3A = arith.constant 0.000000e+00 : f32
    %broadcast_in_dim3A_0 = vector.broadcast %broadcast_in_dim3A : f32 to vector<16xf32>
    %scan3A = arith.constant 0 : i32
    %scan3A_1 = arith.constant 0 : i32
    %scan3A_2 = arith.constant 1024 : i32
    %scan3A_3 = arith.addi %scan3A_1, %scan3A_2 : i32
    %scan3A_4 = arith.constant 1 : i32
    %scan3A_5 = scf.for %scan3A_68 = %scan3A_1 to %scan3A_3 step %scan3A_4 iter_args(%scan3A_69 = %scan3A) -> (i32)  : i32 {
      %jit3A = arith.constant 8 : i32
      %div3A = arith.divsi %scan3A_68, %jit3A : i32
      %sign3A = arith.constant 0 : i32
      %sign3A_70 = arith.cmpi sgt, %scan3A_68, %sign3A : i32
      %sign3A_71 = arith.extui %sign3A_70 : i1 to i32
      %sign3A_72 = arith.constant 0 : i32
      %sign3A_73 = arith.cmpi slt, %scan3A_68, %sign3A_72 : i32
      %sign3A_74 = arith.extui %sign3A_73 : i1 to i32
      %sign3A_75 = arith.subi %sign3A_71, %sign3A_74 : i32
      %sign3A_76 = arith.constant 0 : i32
      %sign3A_77 = arith.cmpi sgt, %jit3A, %sign3A_76 : i32
      %sign3A_78 = arith.extui %sign3A_77 : i1 to i32
      %sign3A_79 = arith.constant 0 : i32
      %sign3A_80 = arith.cmpi slt, %jit3A, %sign3A_79 : i32
      %sign3A_81 = arith.extui %sign3A_80 : i1 to i32
      %sign3A_82 = arith.subi %sign3A_78, %sign3A_81 : i32
      %ne3A = arith.cmpi ne, %sign3A_75, %sign3A_82 : i32
      %rem3A = arith.remsi %scan3A_68, %jit3A : i32
      %ne3A_83 = arith.constant 0 : i32
      %ne3A_84 = arith.cmpi ne, %rem3A, %ne3A_83 : i32
      %and3A = arith.andi %ne3A, %ne3A_84 : i1
      %sub3A = arith.constant 1 : i32
      %sub3A_85 = arith.subi %div3A, %sub3A : i32
      %select_n3A = arith.select %and3A, %sub3A_85, %div3A : i32
      %jit3A_86 = arith.constant 8 : i32
      %eq3A_87 = arith.constant 0 : i32
      %eq3A_88 = arith.cmpi eq, %jit3A_86, %eq3A_87 : i32
      %jit3A_89 = arith.constant 1 : i32
      %select_n3A_90 = arith.select %eq3A_88, %jit3A_89, %jit3A_86 : i32
      %rem3A_91 = arith.remsi %scan3A_68, %select_n3A_90 : i32
      %ne3A_92 = arith.constant 0 : i32
      %ne3A_93 = arith.cmpi ne, %rem3A_91, %ne3A_92 : i32
      %lt3A_94 = arith.constant 0 : i32
      %lt3A_95 = arith.cmpi slt, %rem3A_91, %lt3A_94 : i32
      %lt3A_96 = arith.constant 0 : i32
      %lt3A_97 = arith.cmpi slt, %select_n3A_90, %lt3A_96 : i32
      %ne3A_98 = arith.xori %lt3A_95, %lt3A_97 : i1
      %and3A_99 = arith.andi %ne3A_98, %ne3A_93 : i1
      %add3A_100 = arith.addi %rem3A_91, %select_n3A_90 : i32
      %select_n3A_101 = arith.select %and3A_99, %add3A_100, %rem3A_91 : i32
      %mul3A_102 = arith.constant 16 : i32
      %mul3A_103 = arith.muli %select_n3A_101, %mul3A_102 : i32
      %multiple_of3A = tpu.assume_multiple %mul3A_103, 16 : i32
      %swap3A = arith.index_cast %select_n3A : i32 to index
      %swap3A_104 = arith.index_cast %multiple_of3A : i32 to index
      %swap3A_105 = tpu.vector_load %arg12[%swap3A, %swap3A_104] {strides = array<i32>} : memref<128x128xf32, #tpu.memory_space<vmem>>, vector<16xf32>,
      tpu.vector_store %arg12[%swap3A, %swap3A_104], %broadcast_in_dim3A_0 {strides = array<i32>} : memref<128x128xf32, #tpu.memory_space<vmem>>, vector<16xf32>,
      %scan3A_106 = arith.constant 0 : i32
      scf.yield %scan3A_106 : i32
    }
    %scan3A_6 = arith.constant 1024 : i32
    %lt3A = arith.constant 15 : i32
    %lt3A_7 = arith.cmpi slt, %arg1, %lt3A : i32
    %convert_element_type3A = arith.extui %lt3A_7 : i1 to i32
    %cond3A = arith.constant 0 : i32
    %cond3A_8 = arith.cmpi ne, %convert_element_type3A, %cond3A : i32
    scf.if %cond3A_8 {
      %mul3A_68 = arith.constant 624 : i32
      %mul3A_69 = arith.muli %arg1, %mul3A_68 : i32
      %add3A_70 = arith.constant 0 : i32
      %add3A_71 = arith.addi %mul3A_69, %add3A_70 : i32
      "tpu.region"() ({
        %run_scoped3A_88 = tpu.sem_alloc : memref<!tpu.dma_semaphore, #tpu.memory_space<semaphore_mem>>
        %dma_start3A_89 = arith.constant 0 : i32
        %dma_start3A_90 = tpu.memref_slice %arg7[%add3A_71, %dma_start3A_89] : memref<10000x128xf32, #tpu.memory_space<vmem_shared>> -> memref<128x128xf32, #tpu.memory_space<vmem_shared>>
        %dma_start3A_91 = arith.constant 0 : i32
        %dma_start3A_92 = tpu.memref_slice %arg7[%add3A_71, %dma_start3A_91] : memref<10000x128xf32, #tpu.memory_space<vmem_shared>> -> memref<128x128xf32, #tpu.memory_space<vmem_shared>>
        tpu.enqueue_dma source(%arg12 : memref<128x128xf32, #tpu.memory_space<vmem>>) target(%dma_start3A_92 : memref<128x128xf32, #tpu.memory_space<vmem_shared>>) target_semaphore(%run_scoped3A_88 : memref<!tpu.dma_semaphore, #tpu.memory_space<semaphore_mem>>)
        %dma_wait3A_93 = arith.constant 0 : i32
        %dma_wait3A_94 = tpu.memref_slice %arg7[%add3A_71, %dma_wait3A_93] : memref<10000x128xf32, #tpu.memory_space<vmem_shared>> -> memref<128x128xf32, #tpu.memory_space<vmem_shared>>
        %dma_wait3A_95 = arith.constant 0 : i32
        %dma_wait3A_96 = tpu.memref_slice %arg7[%add3A_71, %dma_wait3A_95] : memref<10000x128xf32, #tpu.memory_space<vmem_shared>> -> memref<128x128xf32, #tpu.memory_space<vmem_shared>>
        tpu.wait_dma2 semaphore(%run_scoped3A_88 : memref<!tpu.dma_semaphore, #tpu.memory_space<semaphore_mem>>) src(%arg12 : memref<128x128xf32, #tpu.memory_space<vmem>>) dst(%dma_wait3A_96 : memref<128x128xf32, #tpu.memory_space<vmem_shared>>)
        tpu.yield
      }) : () -> ()
      %mul3A_72 = arith.constant 624 : i32
      %mul3A_73 = arith.muli %arg1, %mul3A_72 : i32
      %add3A_74 = arith.constant 128 : i32
      %add3A_75 = arith.addi %mul3A_73, %add3A_74 : i32
      "tpu.region"() ({
        %run_scoped3A_88 = tpu.sem_alloc : memref<!tpu.dma_semaphore, #tpu.memory_space<semaphore_mem>>
        %dma_start3A_89 = arith.constant 0 : i32
        %dma_start3A_90 = tpu.memref_slice %arg7[%add3A_75, %dma_start3A_89] : memref<10000x128xf32, #tpu.memory_space<vmem_shared>> -> memref<128x128xf32, #tpu.memory_space<vmem_shared>>
        %dma_start3A_91 = arith.constant 0 : i32
        %dma_start3A_92 = tpu.memref_slice %arg7[%add3A_75, %dma_start3A_91] : memref<10000x128xf32, #tpu.memory_space<vmem_shared>> -> memref<128x128xf32, #tpu.memory_space<vmem_shared>>
        tpu.enqueue_dma source(%arg12 : memref<128x128xf32, #tpu.memory_space<vmem>>) target(%dma_start3A_92 : memref<128x128xf32, #tpu.memory_space<vmem_shared>>) target_semaphore(%run_scoped3A_88 : memref<!tpu.dma_semaphore, #tpu.memory_space<semaphore_mem>>)
        %dma_wait3A_93 = arith.constant 0 : i32
        %dma_wait3A_94 = tpu.memref_slice %arg7[%add3A_75, %dma_wait3A_93] : memref<10000x128xf32, #tpu.memory_space<vmem_shared>> -> memref<128x128xf32, #tpu.memory_space<vmem_shared>>
        %dma_wait3A_95 = arith.constant 0 : i32
        %dma_wait3A_96 = tpu.memref_slice %arg7[%add3A_75, %dma_wait3A_95] : memref<10000x128xf32, #tpu.memory_space<vmem_shared>> -> memref<128x128xf32, #tpu.memory_space<vmem_shared>>
        tpu.wait_dma2 semaphore(%run_scoped3A_88 : memref<!tpu.dma_semaphore, #tpu.memory_space<semaphore_mem>>) src(%arg12 : memref<128x128xf32, #tpu.memory_space<vmem>>) dst(%dma_wait3A_96 : memref<128x128xf32, #tpu.memory_space<vmem_shared>>)
        tpu.yield
      }) : () -> ()
      %mul3A_76 = arith.constant 624 : i32
      %mul3A_77 = arith.muli %arg1, %mul3A_76 : i32
      %add3A_78 = arith.constant 256 : i32
      %add3A_79 = arith.addi %mul3A_77, %add3A_78 : i32
      "tpu.region"() ({
        %run_scoped3A_88 = tpu.sem_alloc : memref<!tpu.dma_semaphore, #tpu.memory_space<semaphore_mem>>
        %dma_start3A_89 = arith.constant 0 : i32
        %dma_start3A_90 = tpu.memref_slice %arg7[%add3A_79, %dma_start3A_89] : memref<10000x128xf32, #tpu.memory_space<vmem_shared>> -> memref<128x128xf32, #tpu.memory_space<vmem_shared>>
        %dma_start3A_91 = arith.constant 0 : i32
        %dma_start3A_92 = tpu.memref_slice %arg7[%add3A_79, %dma_start3A_91] : memref<10000x128xf32, #tpu.memory_space<vmem_shared>> -> memref<128x128xf32, #tpu.memory_space<vmem_shared>>
        tpu.enqueue_dma source(%arg12 : memref<128x128xf32, #tpu.memory_space<vmem>>) target(%dma_start3A_92 : memref<128x128xf32, #tpu.memory_space<vmem_shared>>) target_semaphore(%run_scoped3A_88 : memref<!tpu.dma_semaphore, #tpu.memory_space<semaphore_mem>>)
        %dma_wait3A_93 = arith.constant 0 : i32
        %dma_wait3A_94 = tpu.memref_slice %arg7[%add3A_79, %dma_wait3A_93] : memref<10000x128xf32, #tpu.memory_space<vmem_shared>> -> memref<128x128xf32, #tpu.memory_space<vmem_shared>>
        %dma_wait3A_95 = arith.constant 0 : i32
        %dma_wait3A_96 = tpu.memref_slice %arg7[%add3A_79, %dma_wait3A_95] : memref<10000x128xf32, #tpu.memory_space<vmem_shared>> -> memref<128x128xf32, #tpu.memory_space<vmem_shared>>
        tpu.wait_dma2 semaphore(%run_scoped3A_88 : memref<!tpu.dma_semaphore, #tpu.memory_space<semaphore_mem>>) src(%arg12 : memref<128x128xf32, #tpu.memory_space<vmem>>) dst(%dma_wait3A_96 : memref<128x128xf32, #tpu.memory_space<vmem_shared>>)
        tpu.yield
      }) : () -> ()
      %mul3A_80 = arith.constant 624 : i32
      %mul3A_81 = arith.muli %arg1, %mul3A_80 : i32
      %add3A_82 = arith.constant 384 : i32
      %add3A_83 = arith.addi %mul3A_81, %add3A_82 : i32
      "tpu.region"() ({
        %run_scoped3A_88 = tpu.sem_alloc : memref<!tpu.dma_semaphore, #tpu.memory_space<semaphore_mem>>
        %dma_start3A_89 = arith.constant 0 : i32
        %dma_start3A_90 = tpu.memref_slice %arg7[%add3A_83, %dma_start3A_89] : memref<10000x128xf32, #tpu.memory_space<vmem_shared>> -> memref<128x128xf32, #tpu.memory_space<vmem_shared>>
        %dma_start3A_91 = arith.constant 0 : i32
        %dma_start3A_92 = tpu.memref_slice %arg7[%add3A_83, %dma_start3A_91] : memref<10000x128xf32, #tpu.memory_space<vmem_shared>> -> memref<128x128xf32, #tpu.memory_space<vmem_shared>>
        tpu.enqueue_dma source(%arg12 : memref<128x128xf32, #tpu.memory_space<vmem>>) target(%dma_start3A_92 : memref<128x128xf32, #tpu.memory_space<vmem_shared>>) target_semaphore(%run_scoped3A_88 : memref<!tpu.dma_semaphore, #tpu.memory_space<semaphore_mem>>)
        %dma_wait3A_93 = arith.constant 0 : i32
        %dma_wait3A_94 = tpu.memref_slice %arg7[%add3A_83, %dma_wait3A_93] : memref<10000x128xf32, #tpu.memory_space<vmem_shared>> -> memref<128x128xf32, #tpu.memory_space<vmem_shared>>
        %dma_wait3A_95 = arith.constant 0 : i32
        %dma_wait3A_96 = tpu.memref_slice %arg7[%add3A_83, %dma_wait3A_95] : memref<10000x128xf32, #tpu.memory_space<vmem_shared>> -> memref<128x128xf32, #tpu.memory_space<vmem_shared>>
        tpu.wait_dma2 semaphore(%run_scoped3A_88 : memref<!tpu.dma_semaphore, #tpu.memory_space<semaphore_mem>>) src(%arg12 : memref<128x128xf32, #tpu.memory_space<vmem>>) dst(%dma_wait3A_96 : memref<128x128xf32, #tpu.memory_space<vmem_shared>>)
        tpu.yield
      }) : () -> ()
      %mul3A_84 = arith.constant 624 : i32
      %mul3A_85 = arith.muli %arg1, %mul3A_84 : i32
      %add3A_86 = arith.constant 512 : i32
      %add3A_87 = arith.addi %mul3A_85, %add3A_86 : i32
      "tpu.region"() ({
        %run_scoped3A_88 = tpu.sem_alloc : memref<!tpu.dma_semaphore, #tpu.memory_space<semaphore_mem>>
        %dma_start3A_89 = arith.constant 0 : i32
        %dma_start3A_90 = arith.constant 0 : i32
        %dma_start3A_91 = tpu.memref_slice %arg12[%dma_start3A_89, %dma_start3A_90] : memref<128x128xf32, #tpu.memory_space<vmem>> -> memref<112x128xf32, #tpu.memory_space<vmem>>
        %dma_start3A_92 = arith.constant 0 : i32
        %dma_start3A_93 = tpu.memref_slice %arg7[%add3A_87, %dma_start3A_92] : memref<10000x128xf32, #tpu.memory_space<vmem_shared>> -> memref<112x128xf32, #tpu.memory_space<vmem_shared>>
        %dma_start3A_94 = arith.constant 0 : i32
        %dma_start3A_95 = tpu.memref_slice %arg7[%add3A_87, %dma_start3A_94] : memref<10000x128xf32, #tpu.memory_space<vmem_shared>> -> memref<112x128xf32, #tpu.memory_space<vmem_shared>>
        %dma_start3A_96 = arith.constant 0 : i32
        %dma_start3A_97 = arith.constant 0 : i32
        %dma_start3A_98 = tpu.memref_slice %arg12[%dma_start3A_96, %dma_start3A_97] : memref<128x128xf32, #tpu.memory_space<vmem>> -> memref<112x128xf32, #tpu.memory_space<vmem>>
        tpu.enqueue_dma source(%dma_start3A_98 : memref<112x128xf32, #tpu.memory_space<vmem>>) target(%dma_start3A_95 : memref<112x128xf32, #tpu.memory_space<vmem_shared>>) target_semaphore(%run_scoped3A_88 : memref<!tpu.dma_semaphore, #tpu.memory_space<semaphore_mem>>)
        %dma_wait3A_99 = arith.constant 0 : i32
        %dma_wait3A_100 = arith.constant 0 : i32
        %dma_wait3A_101 = tpu.memref_slice %arg12[%dma_wait3A_99, %dma_wait3A_100] : memref<128x128xf32, #tpu.memory_space<vmem>> -> memref<112x128xf32, #tpu.memory_space<vmem>>
        %dma_wait3A_102 = arith.constant 0 : i32
        %dma_wait3A_103 = tpu.memref_slice %arg7[%add3A_87, %dma_wait3A_102] : memref<10000x128xf32, #tpu.memory_space<vmem_shared>> -> memref<112x128xf32, #tpu.memory_space<vmem_shared>>
        %dma_wait3A_104 = arith.constant 0 : i32
        %dma_wait3A_105 = tpu.memref_slice %arg7[%add3A_87, %dma_wait3A_104] : memref<10000x128xf32, #tpu.memory_space<vmem_shared>> -> memref<112x128xf32, #tpu.memory_space<vmem_shared>>
        %dma_wait3A_106 = arith.constant 0 : i32
        %dma_wait3A_107 = arith.constant 0 : i32
        %dma_wait3A_108 = tpu.memref_slice %arg12[%dma_wait3A_106, %dma_wait3A_107] : memref<128x128xf32, #tpu.memory_space<vmem>> -> memref<112x128xf32, #tpu.memory_space<vmem>>
        tpu.wait_dma2 semaphore(%run_scoped3A_88 : memref<!tpu.dma_semaphore, #tpu.memory_space<semaphore_mem>>) src(%dma_wait3A_108 : memref<112x128xf32, #tpu.memory_space<vmem>>) dst(%dma_wait3A_105 : memref<112x128xf32, #tpu.memory_space<vmem_shared>>)
        tpu.yield
      }) : () -> ()
    } else {
    }
    %eq3A = arith.constant 15 : i32
    %eq3A_9 = arith.cmpi eq, %arg1, %eq3A : i32
    %convert_element_type3A_10 = arith.extui %eq3A_9 : i1 to i32
    %cond3A_11 = arith.constant 0 : i32
    %cond3A_12 = arith.cmpi ne, %convert_element_type3A_10, %cond3A_11 : i32
    scf.if %cond3A_12 {
      "tpu.region"() ({
        %run_scoped3A_68 = tpu.sem_alloc : memref<!tpu.dma_semaphore, #tpu.memory_space<semaphore_mem>>
        %dma_start3A_69 = arith.constant 9360 : i32
        %dma_start3A_70 = arith.constant 0 : i32
        %dma_start3A_71 = tpu.memref_slice %arg7[%dma_start3A_69, %dma_start3A_70] : memref<10000x128xf32, #tpu.memory_space<vmem_shared>> -> memref<128x128xf32, #tpu.memory_space<vmem_shared>>
        %dma_start3A_72 = arith.constant 9360 : i32
        %dma_start3A_73 = arith.constant 0 : i32
        %dma_start3A_74 = tpu.memref_slice %arg7[%dma_start3A_72, %dma_start3A_73] : memref<10000x128xf32, #tpu.memory_space<vmem_shared>> -> memref<128x128xf32, #tpu.memory_space<vmem_shared>>
        tpu.enqueue_dma source(%arg12 : memref<128x128xf32, #tpu.memory_space<vmem>>) target(%dma_start3A_74 : memref<128x128xf32, #tpu.memory_space<vmem_shared>>) target_semaphore(%run_scoped3A_68 : memref<!tpu.dma_semaphore, #tpu.memory_space<semaphore_mem>>)
        %dma_wait3A_75 = arith.constant 9360 : i32
        %dma_wait3A_76 = arith.constant 0 : i32
        %dma_wait3A_77 = tpu.memref_slice %arg7[%dma_wait3A_75, %dma_wait3A_76] : memref<10000x128xf32, #tpu.memory_space<vmem_shared>> -> memref<128x128xf32, #tpu.memory_space<vmem_shared>>
        %dma_wait3A_78 = arith.constant 9360 : i32
        %dma_wait3A_79 = arith.constant 0 : i32
        %dma_wait3A_80 = tpu.memref_slice %arg7[%dma_wait3A_78, %dma_wait3A_79] : memref<10000x128xf32, #tpu.memory_space<vmem_shared>> -> memref<128x128xf32, #tpu.memory_space<vmem_shared>>
        tpu.wait_dma2 semaphore(%run_scoped3A_68 : memref<!tpu.dma_semaphore, #tpu.memory_space<semaphore_mem>>) src(%arg12 : memref<128x128xf32, #tpu.memory_space<vmem>>) dst(%dma_wait3A_80 : memref<128x128xf32, #tpu.memory_space<vmem_shared>>)
        tpu.yield
      }) : () -> ()
      "tpu.region"() ({
        %run_scoped3A_68 = tpu.sem_alloc : memref<!tpu.dma_semaphore, #tpu.memory_space<semaphore_mem>>
        %dma_start3A_69 = arith.constant 9488 : i32
        %dma_start3A_70 = arith.constant 0 : i32
        %dma_start3A_71 = tpu.memref_slice %arg7[%dma_start3A_69, %dma_start3A_70] : memref<10000x128xf32, #tpu.memory_space<vmem_shared>> -> memref<128x128xf32, #tpu.memory_space<vmem_shared>>
        %dma_start3A_72 = arith.constant 9488 : i32
        %dma_start3A_73 = arith.constant 0 : i32
        %dma_start3A_74 = tpu.memref_slice %arg7[%dma_start3A_72, %dma_start3A_73] : memref<10000x128xf32, #tpu.memory_space<vmem_shared>> -> memref<128x128xf32, #tpu.memory_space<vmem_shared>>
        tpu.enqueue_dma source(%arg12 : memref<128x128xf32, #tpu.memory_space<vmem>>) target(%dma_start3A_74 : memref<128x128xf32, #tpu.memory_space<vmem_shared>>) target_semaphore(%run_scoped3A_68 : memref<!tpu.dma_semaphore, #tpu.memory_space<semaphore_mem>>)
        %dma_wait3A_75 = arith.constant 9488 : i32
        %dma_wait3A_76 = arith.constant 0 : i32
        %dma_wait3A_77 = tpu.memref_slice %arg7[%dma_wait3A_75, %dma_wait3A_76] : memref<10000x128xf32, #tpu.memory_space<vmem_shared>> -> memref<128x128xf32, #tpu.memory_space<vmem_shared>>
        %dma_wait3A_78 = arith.constant 9488 : i32
        %dma_wait3A_79 = arith.constant 0 : i32
        %dma_wait3A_80 = tpu.memref_slice %arg7[%dma_wait3A_78, %dma_wait3A_79] : memref<10000x128xf32, #tpu.memory_space<vmem_shared>> -> memref<128x128xf32, #tpu.memory_space<vmem_shared>>
        tpu.wait_dma2 semaphore(%run_scoped3A_68 : memref<!tpu.dma_semaphore, #tpu.memory_space<semaphore_mem>>) src(%arg12 : memref<128x128xf32, #tpu.memory_space<vmem>>) dst(%dma_wait3A_80 : memref<128x128xf32, #tpu.memory_space<vmem_shared>>)
        tpu.yield
      }) : () -> ()
      "tpu.region"() ({
        %run_scoped3A_68 = tpu.sem_alloc : memref<!tpu.dma_semaphore, #tpu.memory_space<semaphore_mem>>
        %dma_start3A_69 = arith.constant 9616 : i32
        %dma_start3A_70 = arith.constant 0 : i32
        %dma_start3A_71 = tpu.memref_slice %arg7[%dma_start3A_69, %dma_start3A_70] : memref<10000x128xf32, #tpu.memory_space<vmem_shared>> -> memref<128x128xf32, #tpu.memory_space<vmem_shared>>
        %dma_start3A_72 = arith.constant 9616 : i32
        %dma_start3A_73 = arith.constant 0 : i32
        %dma_start3A_74 = tpu.memref_slice %arg7[%dma_start3A_72, %dma_start3A_73] : memref<10000x128xf32, #tpu.memory_space<vmem_shared>> -> memref<128x128xf32, #tpu.memory_space<vmem_shared>>
        tpu.enqueue_dma source(%arg12 : memref<128x128xf32, #tpu.memory_space<vmem>>) target(%dma_start3A_74 : memref<128x128xf32, #tpu.memory_space<vmem_shared>>) target_semaphore(%run_scoped3A_68 : memref<!tpu.dma_semaphore, #tpu.memory_space<semaphore_mem>>)
        %dma_wait3A_75 = arith.constant 9616 : i32
        %dma_wait3A_76 = arith.constant 0 : i32
        %dma_wait3A_77 = tpu.memref_slice %arg7[%dma_wait3A_75, %dma_wait3A_76] : memref<10000x128xf32, #tpu.memory_space<vmem_shared>> -> memref<128x128xf32, #tpu.memory_space<vmem_shared>>
        %dma_wait3A_78 = arith.constant 9616 : i32
        %dma_wait3A_79 = arith.constant 0 : i32
        %dma_wait3A_80 = tpu.memref_slice %arg7[%dma_wait3A_78, %dma_wait3A_79] : memref<10000x128xf32, #tpu.memory_space<vmem_shared>> -> memref<128x128xf32, #tpu.memory_space<vmem_shared>>
        tpu.wait_dma2 semaphore(%run_scoped3A_68 : memref<!tpu.dma_semaphore, #tpu.memory_space<semaphore_mem>>) src(%arg12 : memref<128x128xf32, #tpu.memory_space<vmem>>) dst(%dma_wait3A_80 : memref<128x128xf32, #tpu.memory_space<vmem_shared>>)
        tpu.yield
      }) : () -> ()
      "tpu.region"() ({
        %run_scoped3A_68 = tpu.sem_alloc : memref<!tpu.dma_semaphore, #tpu.memory_space<semaphore_mem>>
        %dma_start3A_69 = arith.constant 9744 : i32
        %dma_start3A_70 = arith.constant 0 : i32
        %dma_start3A_71 = tpu.memref_slice %arg7[%dma_start3A_69, %dma_start3A_70] : memref<10000x128xf32, #tpu.memory_space<vmem_shared>> -> memref<128x128xf32, #tpu.memory_space<vmem_shared>>
        %dma_start3A_72 = arith.constant 9744 : i32
        %dma_start3A_73 = arith.constant 0 : i32
        %dma_start3A_74 = tpu.memref_slice %arg7[%dma_start3A_72, %dma_start3A_73] : memref<10000x128xf32, #tpu.memory_space<vmem_shared>> -> memref<128x128xf32, #tpu.memory_space<vmem_shared>>
        tpu.enqueue_dma source(%arg12 : memref<128x128xf32, #tpu.memory_space<vmem>>) target(%dma_start3A_74 : memref<128x128xf32, #tpu.memory_space<vmem_shared>>) target_semaphore(%run_scoped3A_68 : memref<!tpu.dma_semaphore, #tpu.memory_space<semaphore_mem>>)
        %dma_wait3A_75 = arith.constant 9744 : i32
        %dma_wait3A_76 = arith.constant 0 : i32
        %dma_wait3A_77 = tpu.memref_slice %arg7[%dma_wait3A_75, %dma_wait3A_76] : memref<10000x128xf32, #tpu.memory_space<vmem_shared>> -> memref<128x128xf32, #tpu.memory_space<vmem_shared>>
        %dma_wait3A_78 = arith.constant 9744 : i32
        %dma_wait3A_79 = arith.constant 0 : i32
        %dma_wait3A_80 = tpu.memref_slice %arg7[%dma_wait3A_78, %dma_wait3A_79] : memref<10000x128xf32, #tpu.memory_space<vmem_shared>> -> memref<128x128xf32, #tpu.memory_space<vmem_shared>>
        tpu.wait_dma2 semaphore(%run_scoped3A_68 : memref<!tpu.dma_semaphore, #tpu.memory_space<semaphore_mem>>) src(%arg12 : memref<128x128xf32, #tpu.memory_space<vmem>>) dst(%dma_wait3A_80 : memref<128x128xf32, #tpu.memory_space<vmem_shared>>)
        tpu.yield
      }) : () -> ()
      "tpu.region"() ({
        %run_scoped3A_68 = tpu.sem_alloc : memref<!tpu.dma_semaphore, #tpu.memory_space<semaphore_mem>>
        %dma_start3A_69 = arith.constant 9872 : i32
        %dma_start3A_70 = arith.constant 0 : i32
        %dma_start3A_71 = tpu.memref_slice %arg7[%dma_start3A_69, %dma_start3A_70] : memref<10000x128xf32, #tpu.memory_space<vmem_shared>> -> memref<128x128xf32, #tpu.memory_space<vmem_shared>>
        %dma_start3A_72 = arith.constant 9872 : i32
        %dma_start3A_73 = arith.constant 0 : i32
        %dma_start3A_74 = tpu.memref_slice %arg7[%dma_start3A_72, %dma_start3A_73] : memref<10000x128xf32, #tpu.memory_space<vmem_shared>> -> memref<128x128xf32, #tpu.memory_space<vmem_shared>>
        tpu.enqueue_dma source(%arg12 : memref<128x128xf32, #tpu.memory_space<vmem>>) target(%dma_start3A_74 : memref<128x128xf32, #tpu.memory_space<vmem_shared>>) target_semaphore(%run_scoped3A_68 : memref<!tpu.dma_semaphore, #tpu.memory_space<semaphore_mem>>)
        %dma_wait3A_75 = arith.constant 9872 : i32
        %dma_wait3A_76 = arith.constant 0 : i32
        %dma_wait3A_77 = tpu.memref_slice %arg7[%dma_wait3A_75, %dma_wait3A_76] : memref<10000x128xf32, #tpu.memory_space<vmem_shared>> -> memref<128x128xf32, #tpu.memory_space<vmem_shared>>
        %dma_wait3A_78 = arith.constant 9872 : i32
        %dma_wait3A_79 = arith.constant 0 : i32
        %dma_wait3A_80 = tpu.memref_slice %arg7[%dma_wait3A_78, %dma_wait3A_79] : memref<10000x128xf32, #tpu.memory_space<vmem_shared>> -> memref<128x128xf32, #tpu.memory_space<vmem_shared>>
        tpu.wait_dma2 semaphore(%run_scoped3A_68 : memref<!tpu.dma_semaphore, #tpu.memory_space<semaphore_mem>>) src(%arg12 : memref<128x128xf32, #tpu.memory_space<vmem>>) dst(%dma_wait3A_80 : memref<128x128xf32, #tpu.memory_space<vmem_shared>>)
        tpu.yield
      }) : () -> ()
    } else {
    }
    %barrier3A = arith.constant 0 : index
    tpu.barrier barrier_id(%barrier3A)
    %mul3A = arith.constant 2 : i32
    %mul3A_13 = arith.muli %arg1, %mul3A : i32
    %add3A = arith.addi %mul3A_13, %arg0 : i32
    %mul3A_14 = arith.constant 88 : i32
    %mul3A_15 = arith.muli %add3A, %mul3A_14 : i32
    %run_scoped3A = arith.constant 0 : i32
    "tpu.region"() ({
      %run_scoped3A_68 = tpu.sem_alloc : memref<!tpu.dma_semaphore, #tpu.memory_space<semaphore_mem>>
      %dma_start3A_69 = arith.constant 0 : i32
      %dma_start3A_70 = arith.constant 0 : i32
      %dma_start3A_71 = tpu.memref_slice %arg8[%run_scoped3A, %dma_start3A_69, %dma_start3A_70] : memref<2x8x128xi32, #tpu.memory_space<vmem>> -> memref<1x8x128xi32, #tpu.memory_space<vmem>>
      %dma_start3A_72 = tpu.memref_squeeze %dma_start3A_71 : memref<1x8x128xi32, #tpu.memory_space<vmem>> -> memref<8x128xi32, #tpu.memory_space<vmem>>
      %dma_start3A_73 = arith.constant 0 : i32
      %dma_start3A_74 = tpu.memref_slice %arg3[%mul3A_15, %dma_start3A_73] : memref<2816x128xi32, #tpu.memory_space<hbm>> -> memref<8x128xi32, #tpu.memory_space<hbm>>
      %dma_start3A_75 = arith.constant 0 : i32
      %dma_start3A_76 = arith.constant 0 : i32
      %dma_start3A_77 = tpu.memref_slice %arg8[%run_scoped3A, %dma_start3A_75, %dma_start3A_76] : memref<2x8x128xi32, #tpu.memory_space<vmem>> -> memref<1x8x128xi32, #tpu.memory_space<vmem>>
      %dma_start3A_78 = tpu.memref_squeeze %dma_start3A_77 : memref<1x8x128xi32, #tpu.memory_space<vmem>> -> memref<8x128xi32, #tpu.memory_space<vmem>>
      %dma_start3A_79 = arith.constant 0 : i32
      %dma_start3A_80 = tpu.memref_slice %arg3[%mul3A_15, %dma_start3A_79] : memref<2816x128xi32, #tpu.memory_space<hbm>> -> memref<8x128xi32, #tpu.memory_space<hbm>>
      tpu.enqueue_dma source(%dma_start3A_80 : memref<8x128xi32, #tpu.memory_space<hbm>>) target(%dma_start3A_78 : memref<8x128xi32, #tpu.memory_space<vmem>>) target_semaphore(%run_scoped3A_68 : memref<!tpu.dma_semaphore, #tpu.memory_space<semaphore_mem>>)
      %dma_wait3A_81 = arith.constant 0 : i32
      %dma_wait3A_82 = arith.constant 0 : i32
      %dma_wait3A_83 = tpu.memref_slice %arg8[%run_scoped3A, %dma_wait3A_81, %dma_wait3A_82] : memref<2x8x128xi32, #tpu.memory_space<vmem>> -> memref<1x8x128xi32, #tpu.memory_space<vmem>>
      %dma_wait3A_84 = tpu.memref_squeeze %dma_wait3A_83 : memref<1x8x128xi32, #tpu.memory_space<vmem>> -> memref<8x128xi32, #tpu.memory_space<vmem>>
      %dma_wait3A_85 = arith.constant 0 : i32
      %dma_wait3A_86 = tpu.memref_slice %arg3[%mul3A_15, %dma_wait3A_85] : memref<2816x128xi32, #tpu.memory_space<hbm>> -> memref<8x128xi32, #tpu.memory_space<hbm>>
      %dma_wait3A_87 = arith.constant 0 : i32
      %dma_wait3A_88 = arith.constant 0 : i32
      %dma_wait3A_89 = tpu.memref_slice %arg8[%run_scoped3A, %dma_wait3A_87, %dma_wait3A_88] : memref<2x8x128xi32, #tpu.memory_space<vmem>> -> memref<1x8x128xi32, #tpu.memory_space<vmem>>
      %dma_wait3A_90 = tpu.memref_squeeze %dma_wait3A_89 : memref<1x8x128xi32, #tpu.memory_space<vmem>> -> memref<8x128xi32, #tpu.memory_space<vmem>>
      %dma_wait3A_91 = arith.constant 0 : i32
      %dma_wait3A_92 = tpu.memref_slice %arg3[%mul3A_15, %dma_wait3A_91] : memref<2816x128xi32, #tpu.memory_space<hbm>> -> memref<8x128xi32, #tpu.memory_space<hbm>>
      tpu.wait_dma2 semaphore(%run_scoped3A_68 : memref<!tpu.dma_semaphore, #tpu.memory_space<semaphore_mem>>) src(%dma_wait3A_92 : memref<8x128xi32, #tpu.memory_space<hbm>>) dst(%dma_wait3A_90 : memref<8x128xi32, #tpu.memory_space<vmem>>)
      tpu.yield
    }) : () -> ()
    %run_scoped3A_16 = arith.constant 0 : i32
    "tpu.region"() ({
      %run_scoped3A_68 = tpu.sem_alloc : memref<!tpu.dma_semaphore, #tpu.memory_space<semaphore_mem>>
      %dma_start3A_69 = arith.constant 0 : i32
      %dma_start3A_70 = arith.constant 0 : i32
      %dma_start3A_71 = tpu.memref_slice %arg9[%run_scoped3A_16, %dma_start3A_69, %dma_start3A_70] : memref<2x8x128xi32, #tpu.memory_space<vmem>> -> memref<1x8x128xi32, #tpu.memory_space<vmem>>
      %dma_start3A_72 = tpu.memref_squeeze %dma_start3A_71 : memref<1x8x128xi32, #tpu.memory_space<vmem>> -> memref<8x128xi32, #tpu.memory_space<vmem>>
      %dma_start3A_73 = arith.constant 0 : i32
      %dma_start3A_74 = tpu.memref_slice %arg4[%mul3A_15, %dma_start3A_73] : memref<2816x128xi32, #tpu.memory_space<hbm>> -> memref<8x128xi32, #tpu.memory_space<hbm>>
      %dma_start3A_75 = arith.constant 0 : i32
      %dma_start3A_76 = arith.constant 0 : i32
      %dma_start3A_77 = tpu.memref_slice %arg9[%run_scoped3A_16, %dma_start3A_75, %dma_start3A_76] : memref<2x8x128xi32, #tpu.memory_space<vmem>> -> memref<1x8x128xi32, #tpu.memory_space<vmem>>
      %dma_start3A_78 = tpu.memref_squeeze %dma_start3A_77 : memref<1x8x128xi32, #tpu.memory_space<vmem>> -> memref<8x128xi32, #tpu.memory_space<vmem>>
      %dma_start3A_79 = arith.constant 0 : i32
      %dma_start3A_80 = tpu.memref_slice %arg4[%mul3A_15, %dma_start3A_79] : memref<2816x128xi32, #tpu.memory_space<hbm>> -> memref<8x128xi32, #tpu.memory_space<hbm>>
      tpu.enqueue_dma source(%dma_start3A_80 : memref<8x128xi32, #tpu.memory_space<hbm>>) target(%dma_start3A_78 : memref<8x128xi32, #tpu.memory_space<vmem>>) target_semaphore(%run_scoped3A_68 : memref<!tpu.dma_semaphore, #tpu.memory_space<semaphore_mem>>)
      %dma_wait3A_81 = arith.constant 0 : i32
      %dma_wait3A_82 = arith.constant 0 : i32
      %dma_wait3A_83 = tpu.memref_slice %arg9[%run_scoped3A_16, %dma_wait3A_81, %dma_wait3A_82] : memref<2x8x128xi32, #tpu.memory_space<vmem>> -> memref<1x8x128xi32, #tpu.memory_space<vmem>>
      %dma_wait3A_84 = tpu.memref_squeeze %dma_wait3A_83 : memref<1x8x128xi32, #tpu.memory_space<vmem>> -> memref<8x128xi32, #tpu.memory_space<vmem>>
      %dma_wait3A_85 = arith.constant 0 : i32
      %dma_wait3A_86 = tpu.memref_slice %arg4[%mul3A_15, %dma_wait3A_85] : memref<2816x128xi32, #tpu.memory_space<hbm>> -> memref<8x128xi32, #tpu.memory_space<hbm>>
      %dma_wait3A_87 = arith.constant 0 : i32
      %dma_wait3A_88 = arith.constant 0 : i32
      %dma_wait3A_89 = tpu.memref_slice %arg9[%run_scoped3A_16, %dma_wait3A_87, %dma_wait3A_88] : memref<2x8x128xi32, #tpu.memory_space<vmem>> -> memref<1x8x128xi32, #tpu.memory_space<vmem>>
      %dma_wait3A_90 = tpu.memref_squeeze %dma_wait3A_89 : memref<1x8x128xi32, #tpu.memory_space<vmem>> -> memref<8x128xi32, #tpu.memory_space<vmem>>
      %dma_wait3A_91 = arith.constant 0 : i32
      %dma_wait3A_92 = tpu.memref_slice %arg4[%mul3A_15, %dma_wait3A_91] : memref<2816x128xi32, #tpu.memory_space<hbm>> -> memref<8x128xi32, #tpu.memory_space<hbm>>
      tpu.wait_dma2 semaphore(%run_scoped3A_68 : memref<!tpu.dma_semaphore, #tpu.memory_space<semaphore_mem>>) src(%dma_wait3A_92 : memref<8x128xi32, #tpu.memory_space<hbm>>) dst(%dma_wait3A_90 : memref<8x128xi32, #tpu.memory_space<vmem>>)
      tpu.yield
    }) : () -> ()
    %run_scoped3A_17 = arith.constant 0 : i32
    "tpu.region"() ({
      %run_scoped3A_68 = tpu.sem_alloc : memref<!tpu.dma_semaphore, #tpu.memory_space<semaphore_mem>>
      %dma_start3A_69 = arith.constant 0 : i32
      %dma_start3A_70 = arith.constant 0 : i32
      %dma_start3A_71 = tpu.memref_slice %arg10[%run_scoped3A_17, %dma_start3A_69, %dma_start3A_70] : memref<2x8x128xf32, #tpu.memory_space<vmem>> -> memref<1x8x128xf32, #tpu.memory_space<vmem>>
      %dma_start3A_72 = tpu.memref_squeeze %dma_start3A_71 : memref<1x8x128xf32, #tpu.memory_space<vmem>> -> memref<8x128xf32, #tpu.memory_space<vmem>>
      %dma_start3A_73 = arith.constant 0 : i32
      %dma_start3A_74 = tpu.memref_slice %arg5[%mul3A_15, %dma_start3A_73] : memref<2816x128xf32, #tpu.memory_space<hbm>> -> memref<8x128xf32, #tpu.memory_space<hbm>>
      %dma_start3A_75 = arith.constant 0 : i32
      %dma_start3A_76 = arith.constant 0 : i32
      %dma_start3A_77 = tpu.memref_slice %arg10[%run_scoped3A_17, %dma_start3A_75, %dma_start3A_76] : memref<2x8x128xf32, #tpu.memory_space<vmem>> -> memref<1x8x128xf32, #tpu.memory_space<vmem>>
      %dma_start3A_78 = tpu.memref_squeeze %dma_start3A_77 : memref<1x8x128xf32, #tpu.memory_space<vmem>> -> memref<8x128xf32, #tpu.memory_space<vmem>>
      %dma_start3A_79 = arith.constant 0 : i32
      %dma_start3A_80 = tpu.memref_slice %arg5[%mul3A_15, %dma_start3A_79] : memref<2816x128xf32, #tpu.memory_space<hbm>> -> memref<8x128xf32, #tpu.memory_space<hbm>>
      tpu.enqueue_dma source(%dma_start3A_80 : memref<8x128xf32, #tpu.memory_space<hbm>>) target(%dma_start3A_78 : memref<8x128xf32, #tpu.memory_space<vmem>>) target_semaphore(%run_scoped3A_68 : memref<!tpu.dma_semaphore, #tpu.memory_space<semaphore_mem>>)
      %dma_wait3A_81 = arith.constant 0 : i32
      %dma_wait3A_82 = arith.constant 0 : i32
      %dma_wait3A_83 = tpu.memref_slice %arg10[%run_scoped3A_17, %dma_wait3A_81, %dma_wait3A_82] : memref<2x8x128xf32, #tpu.memory_space<vmem>> -> memref<1x8x128xf32, #tpu.memory_space<vmem>>
      %dma_wait3A_84 = tpu.memref_squeeze %dma_wait3A_83 : memref<1x8x128xf32, #tpu.memory_space<vmem>> -> memref<8x128xf32, #tpu.memory_space<vmem>>
      %dma_wait3A_85 = arith.constant 0 : i32
      %dma_wait3A_86 = tpu.memref_slice %arg5[%mul3A_15, %dma_wait3A_85] : memref<2816x128xf32, #tpu.memory_space<hbm>> -> memref<8x128xf32, #tpu.memory_space<hbm>>
      %dma_wait3A_87 = arith.constant 0 : i32
      %dma_wait3A_88 = arith.constant 0 : i32
      %dma_wait3A_89 = tpu.memref_slice %arg10[%run_scoped3A_17, %dma_wait3A_87, %dma_wait3A_88] : memref<2x8x128xf32, #tpu.memory_space<vmem>> -> memref<1x8x128xf32, #tpu.memory_space<vmem>>
      %dma_wait3A_90 = tpu.memref_squeeze %dma_wait3A_89 : memref<1x8x128xf32, #tpu.memory_space<vmem>> -> memref<8x128xf32, #tpu.memory_space<vmem>>
      %dma_wait3A_91 = arith.constant 0 : i32
      %dma_wait3A_92 = tpu.memref_slice %arg5[%mul3A_15, %dma_wait3A_91] : memref<2816x128xf32, #tpu.memory_space<hbm>> -> memref<8x128xf32, #tpu.memory_space<hbm>>
      tpu.wait_dma2 semaphore(%run_scoped3A_68 : memref<!tpu.dma_semaphore, #tpu.memory_space<semaphore_mem>>) src(%dma_wait3A_92 : memref<8x128xf32, #tpu.memory_space<hbm>>) dst(%dma_wait3A_90 : memref<8x128xf32, #tpu.memory_space<vmem>>)
      tpu.yield
    }) : () -> ()
    %dma_start3A = arith.constant 0 : i32
    %dma_start3A_18 = arith.constant 0 : i32
    %dma_start3A_19 = arith.constant 0 : i32
    %dma_start3A_20 = arith.constant 0 : i32
    %dma_start3A_21 = arith.constant 0 : i32
    %dma_start3A_22 = tpu.memref_slice %arg11[%dma_start3A_19, %dma_start3A_20, %dma_start3A_21] : memref<3x128x64xi32, #tpu.memory_space<vmem>> -> memref<1x128x64xi32, #tpu.memory_space<vmem>>
    %dma_start3A_23 = tpu.memref_squeeze %dma_start3A_22 : memref<1x128x64xi32, #tpu.memory_space<vmem>> -> memref<128x64xi32, #tpu.memory_space<vmem>>
    %dma_start3A_24 = arith.constant 0 : i32
    %dma_start3A_25 = tpu.memref_slice %arg8[%dma_start3A, %dma_start3A_18, %dma_start3A_24] : memref<2x8x128xi32, #tpu.memory_space<vmem>> -> memref<1x1x128xi32, #tpu.memory_space<vmem>>
    %dma_start3A_26 = tpu.memref_squeeze %dma_start3A_25 : memref<1x1x128xi32, #tpu.memory_space<vmem>> -> memref<128xi32, #tpu.memory_space<vmem>>
    %dma_start3A_27 = arith.constant 0 : i32
    %dma_start3A_28 = arith.constant 0 : i32
    %dma_start3A_29 = tpu.memref_slice %arg2[%dma_start3A_27, %dma_start3A_28] : memref<10000x64xi32, #tpu.memory_space<hbm>> -> memref<10000x64xi32, #tpu.memory_space<hbm>>
    tpu.enqueue_indirect_dma source(%dma_start3A_29 : memref<10000x64xi32, #tpu.memory_space<hbm>>) target(%dma_start3A_23 : memref<128x64xi32, #tpu.memory_space<vmem>>) offsets(%dma_start3A_26 : memref<128xi32, #tpu.memory_space<vmem>>) semaphore(%arg14 : memref<!tpu.dma_semaphore, #tpu.memory_space<semaphore_mem>>)
    %dma_start3A_30 = arith.constant 0 : i32
    %dma_start3A_31 = arith.constant 1 : i32
    %dma_start3A_32 = arith.constant 1 : i32
    %dma_start3A_33 = arith.constant 0 : i32
    %dma_start3A_34 = arith.constant 0 : i32
    %dma_start3A_35 = tpu.memref_slice %arg11[%dma_start3A_32, %dma_start3A_33, %dma_start3A_34] : memref<3x128x64xi32, #tpu.memory_space<vmem>> -> memref<1x128x64xi32, #tpu.memory_space<vmem>>
    %dma_start3A_36 = tpu.memref_squeeze %dma_start3A_35 : memref<1x128x64xi32, #tpu.memory_space<vmem>> -> memref<128x64xi32, #tpu.memory_space<vmem>>
    %dma_start3A_37 = arith.constant 0 : i32
    %dma_start3A_38 = tpu.memref_slice %arg8[%dma_start3A_30, %dma_start3A_31, %dma_start3A_37] : memref<2x8x128xi32, #tpu.memory_space<vmem>> -> memref<1x1x128xi32, #tpu.memory_space<vmem>>
    %dma_start3A_39 = tpu.memref_squeeze %dma_start3A_38 : memref<1x1x128xi32, #tpu.memory_space<vmem>> -> memref<128xi32, #tpu.memory_space<vmem>>
    %dma_start3A_40 = arith.constant 0 : i32
    %dma_start3A_41 = arith.constant 0 : i32
    %dma_start3A_42 = tpu.memref_slice %arg2[%dma_start3A_40, %dma_start3A_41] : memref<10000x64xi32, #tpu.memory_space<hbm>> -> memref<10000x64xi32, #tpu.memory_space<hbm>>
    tpu.enqueue_indirect_dma source(%dma_start3A_42 : memref<10000x64xi32, #tpu.memory_space<hbm>>) target(%dma_start3A_36 : memref<128x64xi32, #tpu.memory_space<vmem>>) offsets(%dma_start3A_39 : memref<128xi32, #tpu.memory_space<vmem>>) semaphore(%arg14 : memref<!tpu.dma_semaphore, #tpu.memory_space<semaphore_mem>>)
    %scan3A_43 = arith.constant 0 : i32
    %scan3A_44 = arith.constant 0 : i32
    %scan3A_45 = arith.constant 88 : i32
    %scan3A_46 = arith.addi %scan3A_44, %scan3A_45 : i32
    %scan3A_47 = arith.constant 1 : i32
    %scan3A_48 = scf.for %scan3A_68 = %scan3A_44 to %scan3A_46 step %scan3A_47 iter_args(%scan3A_69 = %scan3A_43) -> (i32)  : i32 {
      %jit3A = arith.constant 8 : i32
      %eq3A_70 = arith.constant 0 : i32
      %eq3A_71 = arith.cmpi eq, %jit3A, %eq3A_70 : i32
      %jit3A_72 = arith.constant 1 : i32
      %select_n3A = arith.select %eq3A_71, %jit3A_72, %jit3A : i32
      %rem3A = arith.remsi %scan3A_68, %select_n3A : i32
      %ne3A = arith.constant 0 : i32
      %ne3A_73 = arith.cmpi ne, %rem3A, %ne3A : i32
      %lt3A_74 = arith.constant 0 : i32
      %lt3A_75 = arith.cmpi slt, %rem3A, %lt3A_74 : i32
      %lt3A_76 = arith.constant 0 : i32
      %lt3A_77 = arith.cmpi slt, %select_n3A, %lt3A_76 : i32
      %ne3A_78 = arith.xori %lt3A_75, %lt3A_77 : i1
      %and3A = arith.andi %ne3A_78, %ne3A_73 : i1
      %add3A_79 = arith.addi %rem3A, %select_n3A : i32
      %select_n3A_80 = arith.select %and3A, %add3A_79, %rem3A : i32
      %jit3A_81 = arith.constant 8 : i32
      %div3A = arith.divsi %scan3A_68, %jit3A_81 : i32
      %sign3A = arith.constant 0 : i32
      %sign3A_82 = arith.cmpi sgt, %scan3A_68, %sign3A : i32
      %sign3A_83 = arith.extui %sign3A_82 : i1 to i32
      %sign3A_84 = arith.constant 0 : i32
      %sign3A_85 = arith.cmpi slt, %scan3A_68, %sign3A_84 : i32
      %sign3A_86 = arith.extui %sign3A_85 : i1 to i32
      %sign3A_87 = arith.subi %sign3A_83, %sign3A_86 : i32
      %sign3A_88 = arith.constant 0 : i32
      %sign3A_89 = arith.cmpi sgt, %jit3A_81, %sign3A_88 : i32
      %sign3A_90 = arith.extui %sign3A_89 : i1 to i32
      %sign3A_91 = arith.constant 0 : i32
      %sign3A_92 = arith.cmpi slt, %jit3A_81, %sign3A_91 : i32
      %sign3A_93 = arith.extui %sign3A_92 : i1 to i32
      %sign3A_94 = arith.subi %sign3A_90, %sign3A_93 : i32
      %ne3A_95 = arith.cmpi ne, %sign3A_87, %sign3A_94 : i32
      %rem3A_96 = arith.remsi %scan3A_68, %jit3A_81 : i32
      %ne3A_97 = arith.constant 0 : i32
      %ne3A_98 = arith.cmpi ne, %rem3A_96, %ne3A_97 : i32
      %and3A_99 = arith.andi %ne3A_95, %ne3A_98 : i1
      %sub3A = arith.constant 1 : i32
      %sub3A_100 = arith.subi %div3A, %sub3A : i32
      %select_n3A_101 = arith.select %and3A_99, %sub3A_100, %div3A : i32
      %jit3A_102 = arith.constant 3 : i32
      %eq3A_103 = arith.constant 0 : i32
      %eq3A_104 = arith.cmpi eq, %jit3A_102, %eq3A_103 : i32
      %jit3A_105 = arith.constant 1 : i32
      %select_n3A_106 = arith.select %eq3A_104, %jit3A_105, %jit3A_102 : i32
      %rem3A_107 = arith.remsi %scan3A_68, %select_n3A_106 : i32
      %ne3A_108 = arith.constant 0 : i32
      %ne3A_109 = arith.cmpi ne, %rem3A_107, %ne3A_108 : i32
      %lt3A_110 = arith.constant 0 : i32
      %lt3A_111 = arith.cmpi slt, %rem3A_107, %lt3A_110 : i32
      %lt3A_112 = arith.constant 0 : i32
      %lt3A_113 = arith.cmpi slt, %select_n3A_106, %lt3A_112 : i32
      %ne3A_114 = arith.xori %lt3A_111, %lt3A_113 : i1
      %and3A_115 = arith.andi %ne3A_114, %ne3A_109 : i1
      %add3A_116 = arith.addi %rem3A_107, %select_n3A_106 : i32
      %select_n3A_117 = arith.select %and3A_115, %add3A_116, %rem3A_107 : i32
      %dma_wait3A_118 = arith.constant 0 : i32
      %dma_wait3A_119 = arith.constant 0 : i32
      %dma_wait3A_120 = arith.constant 0 : i32
      %dma_wait3A_121 = arith.constant 0 : i32
      %dma_wait3A_122 = tpu.memref_slice %arg11[%select_n3A_117, %dma_wait3A_120, %dma_wait3A_121] : memref<3x128x64xi32, #tpu.memory_space<vmem>> -> memref<1x128x64xi32, #tpu.memory_space<vmem>>
      %dma_wait3A_123 = tpu.memref_squeeze %dma_wait3A_122 : memref<1x128x64xi32, #tpu.memory_space<vmem>> -> memref<128x64xi32, #tpu.memory_space<vmem>>
      %dma_wait3A_124 = arith.constant 0 : i32
      %dma_wait3A_125 = tpu.memref_slice %arg8[%dma_wait3A_118, %dma_wait3A_119, %dma_wait3A_124] : memref<2x8x128xi32, #tpu.memory_space<vmem>> -> memref<1x1x128xi32, #tpu.memory_space<vmem>>
      %dma_wait3A_126 = tpu.memref_squeeze %dma_wait3A_125 : memref<1x1x128xi32, #tpu.memory_space<vmem>> -> memref<128xi32, #tpu.memory_space<vmem>>
      %dma_wait3A_127 = arith.constant 0 : i32
      %dma_wait3A_128 = arith.constant 0 : i32
      %dma_wait3A_129 = tpu.memref_slice %arg2[%dma_wait3A_127, %dma_wait3A_128] : memref<10000x64xi32, #tpu.memory_space<hbm>> -> memref<10000x64xi32, #tpu.memory_space<hbm>>
      tpu.wait_indirect_dma semaphore(%arg14 : memref<!tpu.dma_semaphore, #tpu.memory_space<semaphore_mem>>) src(%dma_wait3A_129 : memref<10000x64xi32, #tpu.memory_space<hbm>>) dst(%dma_wait3A_123 : memref<128x64xi32, #tpu.memory_space<vmem>>)
      %add3A_130 = arith.constant 2 : i32
      %add3A_131 = arith.addi %scan3A_68, %add3A_130 : i32
      %lt3A_132 = arith.constant 88 : i32
      %lt3A_133 = arith.cmpi slt, %add3A_131, %lt3A_132 : i32
      %eq3A_134 = arith.constant 6 : i32
      %eq3A_135 = arith.cmpi eq, %select_n3A_80, %eq3A_134 : i32
      %and3A_136 = arith.andi %lt3A_133, %eq3A_135 : i1
      %convert_element_type3A_137 = arith.extui %and3A_136 : i1 to i32
      %cond3A_138 = arith.constant 0 : i32
      %cond3A_139 = arith.cmpi ne, %convert_element_type3A_137, %cond3A_138 : i32
      scf.if %cond3A_139 {
        %add3A_186 = arith.constant 1 : i32
        %add3A_187 = arith.addi %select_n3A_101, %add3A_186 : i32
        %jit3A_188 = arith.constant 2 : i32
        %eq3A_189 = arith.constant 0 : i32
        %eq3A_190 = arith.cmpi eq, %jit3A_188, %eq3A_189 : i32
        %jit3A_191 = arith.constant 1 : i32
        %select_n3A_192 = arith.select %eq3A_190, %jit3A_191, %jit3A_188 : i32
        %rem3A_193 = arith.remsi %add3A_187, %select_n3A_192 : i32
        %ne3A_194 = arith.constant 0 : i32
        %ne3A_195 = arith.cmpi ne, %rem3A_193, %ne3A_194 : i32
        %lt3A_196 = arith.constant 0 : i32
        %lt3A_197 = arith.cmpi slt, %rem3A_193, %lt3A_196 : i32
        %lt3A_198 = arith.constant 0 : i32
        %lt3A_199 = arith.cmpi slt, %select_n3A_192, %lt3A_198 : i32
        %ne3A_200 = arith.xori %lt3A_197, %lt3A_199 : i1
        %and3A_201 = arith.andi %ne3A_200, %ne3A_195 : i1
        %add3A_202 = arith.addi %rem3A_193, %select_n3A_192 : i32
        %select_n3A_203 = arith.select %and3A_201, %add3A_202, %rem3A_193 : i32
        %dma_wait3A_204 = arith.constant 0 : i32
        %dma_wait3A_205 = arith.constant 0 : i32
        %dma_wait3A_206 = tpu.memref_slice %arg8[%select_n3A_203, %dma_wait3A_204, %dma_wait3A_205] : memref<2x8x128xi32, #tpu.memory_space<vmem>> -> memref<1x8x128xi32, #tpu.memory_space<vmem>>
        %dma_wait3A_207 = tpu.memref_squeeze %dma_wait3A_206 : memref<1x8x128xi32, #tpu.memory_space<vmem>> -> memref<8x128xi32, #tpu.memory_space<vmem>>
        %dma_wait3A_208 = arith.constant 0 : i32
        %dma_wait3A_209 = arith.constant 0 : i32
        %dma_wait3A_210 = tpu.memref_slice %arg3[%dma_wait3A_208, %dma_wait3A_209] : memref<2816x128xi32, #tpu.memory_space<hbm>> -> memref<8x128xi32, #tpu.memory_space<hbm>>
        %dma_wait3A_211 = tpu.memref_slice %arg13[%select_n3A_203] : memref<2x!tpu.dma_semaphore, #tpu.memory_space<semaphore_mem>> -> memref<1x!tpu.dma_semaphore, #tpu.memory_space<semaphore_mem>>
        %dma_wait3A_212 = tpu.memref_squeeze %dma_wait3A_211 : memref<1x!tpu.dma_semaphore, #tpu.memory_space<semaphore_mem>> -> memref<!tpu.dma_semaphore, #tpu.memory_space<semaphore_mem>>
        %dma_wait3A_213 = arith.constant 0 : i32
        %dma_wait3A_214 = arith.constant 0 : i32
        %dma_wait3A_215 = tpu.memref_slice %arg8[%select_n3A_203, %dma_wait3A_213, %dma_wait3A_214] : memref<2x8x128xi32, #tpu.memory_space<vmem>> -> memref<1x8x128xi32, #tpu.memory_space<vmem>>
        %dma_wait3A_216 = tpu.memref_squeeze %dma_wait3A_215 : memref<1x8x128xi32, #tpu.memory_space<vmem>> -> memref<8x128xi32, #tpu.memory_space<vmem>>
        %dma_wait3A_217 = arith.constant 0 : i32
        %dma_wait3A_218 = arith.constant 0 : i32
        %dma_wait3A_219 = tpu.memref_slice %arg3[%dma_wait3A_217, %dma_wait3A_218] : memref<2816x128xi32, #tpu.memory_space<hbm>> -> memref<8x128xi32, #tpu.memory_space<hbm>>
        tpu.wait_dma2 semaphore(%dma_wait3A_212 : memref<!tpu.dma_semaphore, #tpu.memory_space<semaphore_mem>>) src(%dma_wait3A_219 : memref<8x128xi32, #tpu.memory_space<hbm>>) dst(%dma_wait3A_216 : memref<8x128xi32, #tpu.memory_space<vmem>>)
        %dma_wait3A_220 = arith.constant 0 : i32
        %dma_wait3A_221 = arith.constant 0 : i32
        %dma_wait3A_222 = tpu.memref_slice %arg9[%select_n3A_203, %dma_wait3A_220, %dma_wait3A_221] : memref<2x8x128xi32, #tpu.memory_space<vmem>> -> memref<1x8x128xi32, #tpu.memory_space<vmem>>
        %dma_wait3A_223 = tpu.memref_squeeze %dma_wait3A_222 : memref<1x8x128xi32, #tpu.memory_space<vmem>> -> memref<8x128xi32, #tpu.memory_space<vmem>>
        %dma_wait3A_224 = arith.constant 0 : i32
        %dma_wait3A_225 = arith.constant 0 : i32
        %dma_wait3A_226 = tpu.memref_slice %arg4[%dma_wait3A_224, %dma_wait3A_225] : memref<2816x128xi32, #tpu.memory_space<hbm>> -> memref<8x128xi32, #tpu.memory_space<hbm>>
        %dma_wait3A_227 = tpu.memref_slice %arg13[%select_n3A_203] : memref<2x!tpu.dma_semaphore, #tpu.memory_space<semaphore_mem>> -> memref<1x!tpu.dma_semaphore, #tpu.memory_space<semaphore_mem>>
        %dma_wait3A_228 = tpu.memref_squeeze %dma_wait3A_227 : memref<1x!tpu.dma_semaphore, #tpu.memory_space<semaphore_mem>> -> memref<!tpu.dma_semaphore, #tpu.memory_space<semaphore_mem>>
        %dma_wait3A_229 = arith.constant 0 : i32
        %dma_wait3A_230 = arith.constant 0 : i32
        %dma_wait3A_231 = tpu.memref_slice %arg9[%select_n3A_203, %dma_wait3A_229, %dma_wait3A_230] : memref<2x8x128xi32, #tpu.memory_space<vmem>> -> memref<1x8x128xi32, #tpu.memory_space<vmem>>
        %dma_wait3A_232 = tpu.memref_squeeze %dma_wait3A_231 : memref<1x8x128xi32, #tpu.memory_space<vmem>> -> memref<8x128xi32, #tpu.memory_space<vmem>>
        %dma_wait3A_233 = arith.constant 0 : i32
        %dma_wait3A_234 = arith.constant 0 : i32
        %dma_wait3A_235 = tpu.memref_slice %arg4[%dma_wait3A_233, %dma_wait3A_234] : memref<2816x128xi32, #tpu.memory_space<hbm>> -> memref<8x128xi32, #tpu.memory_space<hbm>>
        tpu.wait_dma2 semaphore(%dma_wait3A_228 : memref<!tpu.dma_semaphore, #tpu.memory_space<semaphore_mem>>) src(%dma_wait3A_235 : memref<8x128xi32, #tpu.memory_space<hbm>>) dst(%dma_wait3A_232 : memref<8x128xi32, #tpu.memory_space<vmem>>)
        %dma_wait3A_236 = arith.constant 0 : i32
        %dma_wait3A_237 = arith.constant 0 : i32
        %dma_wait3A_238 = tpu.memref_slice %arg10[%select_n3A_203, %dma_wait3A_236, %dma_wait3A_237] : memref<2x8x128xf32, #tpu.memory_space<vmem>> -> memref<1x8x128xf32, #tpu.memory_space<vmem>>
        %dma_wait3A_239 = tpu.memref_squeeze %dma_wait3A_238 : memref<1x8x128xf32, #tpu.memory_space<vmem>> -> memref<8x128xf32, #tpu.memory_space<vmem>>
        %dma_wait3A_240 = arith.constant 0 : i32
        %dma_wait3A_241 = arith.constant 0 : i32
        %dma_wait3A_242 = tpu.memref_slice %arg5[%dma_wait3A_240, %dma_wait3A_241] : memref<2816x128xf32, #tpu.memory_space<hbm>> -> memref<8x128xf32, #tpu.memory_space<hbm>>
        %dma_wait3A_243 = tpu.memref_slice %arg13[%select_n3A_203] : memref<2x!tpu.dma_semaphore, #tpu.memory_space<semaphore_mem>> -> memref<1x!tpu.dma_semaphore, #tpu.memory_space<semaphore_mem>>
        %dma_wait3A_244 = tpu.memref_squeeze %dma_wait3A_243 : memref<1x!tpu.dma_semaphore, #tpu.memory_space<semaphore_mem>> -> memref<!tpu.dma_semaphore, #tpu.memory_space<semaphore_mem>>
        %dma_wait3A_245 = arith.constant 0 : i32
        %dma_wait3A_246 = arith.constant 0 : i32
        %dma_wait3A_247 = tpu.memref_slice %arg10[%select_n3A_203, %dma_wait3A_245, %dma_wait3A_246] : memref<2x8x128xf32, #tpu.memory_space<vmem>> -> memref<1x8x128xf32, #tpu.memory_space<vmem>>
        %dma_wait3A_248 = tpu.memref_squeeze %dma_wait3A_247 : memref<1x8x128xf32, #tpu.memory_space<vmem>> -> memref<8x128xf32, #tpu.memory_space<vmem>>
        %dma_wait3A_249 = arith.constant 0 : i32
        %dma_wait3A_250 = arith.constant 0 : i32
        %dma_wait3A_251 = tpu.memref_slice %arg5[%dma_wait3A_249, %dma_wait3A_250] : memref<2816x128xf32, #tpu.memory_space<hbm>> -> memref<8x128xf32, #tpu.memory_space<hbm>>
        tpu.wait_dma2 semaphore(%dma_wait3A_244 : memref<!tpu.dma_semaphore, #tpu.memory_space<semaphore_mem>>) src(%dma_wait3A_251 : memref<8x128xf32, #tpu.memory_space<hbm>>) dst(%dma_wait3A_248 : memref<8x128xf32, #tpu.memory_space<vmem>>)
      } else {
      }
      %add3A_140 = arith.constant 2 : i32
      %add3A_141 = arith.addi %scan3A_68, %add3A_140 : i32
      %lt3A_142 = arith.constant 88 : i32
      %lt3A_143 = arith.cmpi slt, %add3A_141, %lt3A_142 : i32
      %convert_element_type3A_144 = arith.extui %lt3A_143 : i1 to i32
      %cond3A_145 = arith.constant 0 : i32
      %cond3A_146 = arith.cmpi ne, %convert_element_type3A_144, %cond3A_145 : i32
      scf.if %cond3A_146 {
        %add3A_186 = arith.constant 2 : i32
        %add3A_187 = arith.addi %scan3A_68, %add3A_186 : i32
        %jit3A_188 = arith.constant 8 : i32
        %div3A_189 = arith.divsi %add3A_187, %jit3A_188 : i32
        %sign3A_190 = arith.constant 0 : i32
        %sign3A_191 = arith.cmpi sgt, %add3A_187, %sign3A_190 : i32
        %sign3A_192 = arith.extui %sign3A_191 : i1 to i32
        %sign3A_193 = arith.constant 0 : i32
        %sign3A_194 = arith.cmpi slt, %add3A_187, %sign3A_193 : i32
        %sign3A_195 = arith.extui %sign3A_194 : i1 to i32
        %sign3A_196 = arith.subi %sign3A_192, %sign3A_195 : i32
        %sign3A_197 = arith.constant 0 : i32
        %sign3A_198 = arith.cmpi sgt, %jit3A_188, %sign3A_197 : i32
        %sign3A_199 = arith.extui %sign3A_198 : i1 to i32
        %sign3A_200 = arith.constant 0 : i32
        %sign3A_201 = arith.cmpi slt, %jit3A_188, %sign3A_200 : i32
        %sign3A_202 = arith.extui %sign3A_201 : i1 to i32
        %sign3A_203 = arith.subi %sign3A_199, %sign3A_202 : i32
        %ne3A_204 = arith.cmpi ne, %sign3A_196, %sign3A_203 : i32
        %rem3A_205 = arith.remsi %add3A_187, %jit3A_188 : i32
        %ne3A_206 = arith.constant 0 : i32
        %ne3A_207 = arith.cmpi ne, %rem3A_205, %ne3A_206 : i32
        %and3A_208 = arith.andi %ne3A_204, %ne3A_207 : i1
        %sub3A_209 = arith.constant 1 : i32
        %sub3A_210 = arith.subi %div3A_189, %sub3A_209 : i32
        %select_n3A_211 = arith.select %and3A_208, %sub3A_210, %div3A_189 : i32
        %jit3A_212 = arith.constant 2 : i32
        %eq3A_213 = arith.constant 0 : i32
        %eq3A_214 = arith.cmpi eq, %jit3A_212, %eq3A_213 : i32
        %jit3A_215 = arith.constant 1 : i32
        %select_n3A_216 = arith.select %eq3A_214, %jit3A_215, %jit3A_212 : i32
        %rem3A_217 = arith.remsi %select_n3A_211, %select_n3A_216 : i32
        %ne3A_218 = arith.constant 0 : i32
        %ne3A_219 = arith.cmpi ne, %rem3A_217, %ne3A_218 : i32
        %lt3A_220 = arith.constant 0 : i32
        %lt3A_221 = arith.cmpi slt, %rem3A_217, %lt3A_220 : i32
        %lt3A_222 = arith.constant 0 : i32
        %lt3A_223 = arith.cmpi slt, %select_n3A_216, %lt3A_222 : i32
        %ne3A_224 = arith.xori %lt3A_221, %lt3A_223 : i1
        %and3A_225 = arith.andi %ne3A_224, %ne3A_219 : i1
        %add3A_226 = arith.addi %rem3A_217, %select_n3A_216 : i32
        %select_n3A_227 = arith.select %and3A_225, %add3A_226, %rem3A_217 : i32
        %add3A_228 = arith.constant 2 : i32
        %add3A_229 = arith.addi %scan3A_68, %add3A_228 : i32
        %jit3A_230 = arith.constant 8 : i32
        %eq3A_231 = arith.constant 0 : i32
        %eq3A_232 = arith.cmpi eq, %jit3A_230, %eq3A_231 : i32
        %jit3A_233 = arith.constant 1 : i32
        %select_n3A_234 = arith.select %eq3A_232, %jit3A_233, %jit3A_230 : i32
        %rem3A_235 = arith.remsi %add3A_229, %select_n3A_234 : i32
        %ne3A_236 = arith.constant 0 : i32
        %ne3A_237 = arith.cmpi ne, %rem3A_235, %ne3A_236 : i32
        %lt3A_238 = arith.constant 0 : i32
        %lt3A_239 = arith.cmpi slt, %rem3A_235, %lt3A_238 : i32
        %lt3A_240 = arith.constant 0 : i32
        %lt3A_241 = arith.cmpi slt, %select_n3A_234, %lt3A_240 : i32
        %ne3A_242 = arith.xori %lt3A_239, %lt3A_241 : i1
        %and3A_243 = arith.andi %ne3A_242, %ne3A_237 : i1
        %add3A_244 = arith.addi %rem3A_235, %select_n3A_234 : i32
        %select_n3A_245 = arith.select %and3A_243, %add3A_244, %rem3A_235 : i32
        %add3A_246 = arith.constant 2 : i32
        %add3A_247 = arith.addi %scan3A_68, %add3A_246 : i32
        %jit3A_248 = arith.constant 3 : i32
        %eq3A_249 = arith.constant 0 : i32
        %eq3A_250 = arith.cmpi eq, %jit3A_248, %eq3A_249 : i32
        %jit3A_251 = arith.constant 1 : i32
        %select_n3A_252 = arith.select %eq3A_250, %jit3A_251, %jit3A_248 : i32
        %rem3A_253 = arith.remsi %add3A_247, %select_n3A_252 : i32
        %ne3A_254 = arith.constant 0 : i32
        %ne3A_255 = arith.cmpi ne, %rem3A_253, %ne3A_254 : i32
        %lt3A_256 = arith.constant 0 : i32
        %lt3A_257 = arith.cmpi slt, %rem3A_253, %lt3A_256 : i32
        %lt3A_258 = arith.constant 0 : i32
        %lt3A_259 = arith.cmpi slt, %select_n3A_252, %lt3A_258 : i32
        %ne3A_260 = arith.xori %lt3A_257, %lt3A_259 : i1
        %and3A_261 = arith.andi %ne3A_260, %ne3A_255 : i1
        %add3A_262 = arith.addi %rem3A_253, %select_n3A_252 : i32
        %select_n3A_263 = arith.select %and3A_261, %add3A_262, %rem3A_253 : i32
        %dma_start3A_264 = arith.constant 0 : i32
        %dma_start3A_265 = arith.constant 0 : i32
        %dma_start3A_266 = tpu.memref_slice %arg11[%select_n3A_263, %dma_start3A_264, %dma_start3A_265] : memref<3x128x64xi32, #tpu.memory_space<vmem>> -> memref<1x128x64xi32, #tpu.memory_space<vmem>>
        %dma_start3A_267 = tpu.memref_squeeze %dma_start3A_266 : memref<1x128x64xi32, #tpu.memory_space<vmem>> -> memref<128x64xi32, #tpu.memory_space<vmem>>
        %dma_start3A_268 = arith.constant 0 : i32
        %dma_start3A_269 = tpu.memref_slice %arg8[%select_n3A_227, %select_n3A_245, %dma_start3A_268] : memref<2x8x128xi32, #tpu.memory_space<vmem>> -> memref<1x1x128xi32, #tpu.memory_space<vmem>>
        %dma_start3A_270 = tpu.memref_squeeze %dma_start3A_269 : memref<1x1x128xi32, #tpu.memory_space<vmem>> -> memref<128xi32, #tpu.memory_space<vmem>>
        %dma_start3A_271 = arith.constant 0 : i32
        %dma_start3A_272 = arith.constant 0 : i32
        %dma_start3A_273 = tpu.memref_slice %arg2[%dma_start3A_271, %dma_start3A_272] : memref<10000x64xi32, #tpu.memory_space<hbm>> -> memref<10000x64xi32, #tpu.memory_space<hbm>>
        tpu.enqueue_indirect_dma source(%dma_start3A_273 : memref<10000x64xi32, #tpu.memory_space<hbm>>) target(%dma_start3A_267 : memref<128x64xi32, #tpu.memory_space<vmem>>) offsets(%dma_start3A_270 : memref<128xi32, #tpu.memory_space<vmem>>) semaphore(%arg14 : memref<!tpu.dma_semaphore, #tpu.memory_space<semaphore_mem>>)
      } else {
      }
      %ge3A = arith.constant 1 : i32
      %ge3A_147 = arith.cmpi sge, %scan3A_68, %ge3A : i32
      %convert_element_type3A_148 = arith.extui %ge3A_147 : i1 to i32
      %cond3A_149 = arith.constant 0 : i32
      %cond3A_150 = arith.cmpi ne, %convert_element_type3A_148, %cond3A_149 : i32
      scf.if %cond3A_150 {
        %dma_wait3A_186 = arith.constant 0 : i32
        %dma_wait3A_187 = arith.constant 0 : i32
        %dma_wait3A_188 = arith.constant 0 : i32
        %dma_wait3A_189 = tpu.memref_slice %arg9[%dma_wait3A_186, %dma_wait3A_187, %dma_wait3A_188] : memref<2x8x128xi32, #tpu.memory_space<vmem>> -> memref<1x1x128xi32, #tpu.memory_space<vmem>>
        %dma_wait3A_190 = tpu.memref_squeeze %dma_wait3A_189 : memref<1x1x128xi32, #tpu.memory_space<vmem>> -> memref<128xi32, #tpu.memory_space<vmem>>
        %dma_wait3A_191 = arith.constant 0 : i32
        %dma_wait3A_192 = arith.constant 0 : i32
        %dma_wait3A_193 = tpu.memref_slice %arg7[%dma_wait3A_191, %dma_wait3A_192] : memref<10000x128xf32, #tpu.memory_space<vmem_shared>> -> memref<10000x128xf32, #tpu.memory_space<vmem_shared>>
        tpu.wait_indirect_dma semaphore(%arg15 : memref<!tpu.dma_semaphore, #tpu.memory_space<semaphore_mem>>) src(%arg12 : memref<128x128xf32, #tpu.memory_space<vmem>>) dst(%dma_wait3A_193 : memref<10000x128xf32, #tpu.memory_space<vmem_shared>>)
      } else {
      }
      %eq3A_151 = arith.constant 0 : i32
      %eq3A_152 = arith.cmpi eq, %select_n3A_80, %eq3A_151 : i32
      %add3A_153 = arith.constant 1 : i32
      %add3A_154 = arith.addi %select_n3A_101, %add3A_153 : i32
      %lt3A_155 = arith.constant 11 : i32
      %lt3A_156 = arith.cmpi slt, %add3A_154, %lt3A_155 : i32
      %and3A_157 = arith.andi %eq3A_152, %lt3A_156 : i1
      %convert_element_type3A_158 = arith.extui %and3A_157 : i1 to i32
      %cond3A_159 = arith.constant 0 : i32
      %cond3A_160 = arith.cmpi ne, %convert_element_type3A_158, %cond3A_159 : i32
      scf.if %cond3A_160 {
        %add3A_186 = arith.constant 1 : i32
        %add3A_187 = arith.addi %select_n3A_101, %add3A_186 : i32
        %jit3A_188 = arith.constant 2 : i32
        %eq3A_189 = arith.constant 0 : i32
        %eq3A_190 = arith.cmpi eq, %jit3A_188, %eq3A_189 : i32
        %jit3A_191 = arith.constant 1 : i32
        %select_n3A_192 = arith.select %eq3A_190, %jit3A_191, %jit3A_188 : i32
        %rem3A_193 = arith.remsi %add3A_187, %select_n3A_192 : i32
        %ne3A_194 = arith.constant 0 : i32
        %ne3A_195 = arith.cmpi ne, %rem3A_193, %ne3A_194 : i32
        %lt3A_196 = arith.constant 0 : i32
        %lt3A_197 = arith.cmpi slt, %rem3A_193, %lt3A_196 : i32
        %lt3A_198 = arith.constant 0 : i32
        %lt3A_199 = arith.cmpi slt, %select_n3A_192, %lt3A_198 : i32
        %ne3A_200 = arith.xori %lt3A_197, %lt3A_199 : i1
        %and3A_201 = arith.andi %ne3A_200, %ne3A_195 : i1
        %add3A_202 = arith.addi %rem3A_193, %select_n3A_192 : i32
        %select_n3A_203 = arith.select %and3A_201, %add3A_202, %rem3A_193 : i32
        %mul3A_204 = arith.constant 8 : i32
        %mul3A_205 = arith.muli %add3A_187, %mul3A_204 : i32
        %add3A_206 = arith.addi %mul3A_15, %mul3A_205 : i32
        %dma_start3A_207 = arith.constant 0 : i32
        %dma_start3A_208 = arith.constant 0 : i32
        %dma_start3A_209 = tpu.memref_slice %arg8[%select_n3A_203, %dma_start3A_207, %dma_start3A_208] : memref<2x8x128xi32, #tpu.memory_space<vmem>> -> memref<1x8x128xi32, #tpu.memory_space<vmem>>
        %dma_start3A_210 = tpu.memref_squeeze %dma_start3A_209 : memref<1x8x128xi32, #tpu.memory_space<vmem>> -> memref<8x128xi32, #tpu.memory_space<vmem>>
        %dma_start3A_211 = arith.constant 0 : i32
        %dma_start3A_212 = tpu.memref_slice %arg3[%add3A_206, %dma_start3A_211] : memref<2816x128xi32, #tpu.memory_space<hbm>> -> memref<8x128xi32, #tpu.memory_space<hbm>>
        %dma_start3A_213 = tpu.memref_slice %arg13[%select_n3A_203] : memref<2x!tpu.dma_semaphore, #tpu.memory_space<semaphore_mem>> -> memref<1x!tpu.dma_semaphore, #tpu.memory_space<semaphore_mem>>
        %dma_start3A_214 = tpu.memref_squeeze %dma_start3A_213 : memref<1x!tpu.dma_semaphore, #tpu.memory_space<semaphore_mem>> -> memref<!tpu.dma_semaphore, #tpu.memory_space<semaphore_mem>>
        %dma_start3A_215 = arith.constant 0 : i32
        %dma_start3A_216 = arith.constant 0 : i32
        %dma_start3A_217 = tpu.memref_slice %arg8[%select_n3A_203, %dma_start3A_215, %dma_start3A_216] : memref<2x8x128xi32, #tpu.memory_space<vmem>> -> memref<1x8x128xi32, #tpu.memory_space<vmem>>
        %dma_start3A_218 = tpu.memref_squeeze %dma_start3A_217 : memref<1x8x128xi32, #tpu.memory_space<vmem>> -> memref<8x128xi32, #tpu.memory_space<vmem>>
        %dma_start3A_219 = arith.constant 0 : i32
        %dma_start3A_220 = tpu.memref_slice %arg3[%add3A_206, %dma_start3A_219] : memref<2816x128xi32, #tpu.memory_space<hbm>> -> memref<8x128xi32, #tpu.memory_space<hbm>>
        tpu.enqueue_dma source(%dma_start3A_220 : memref<8x128xi32, #tpu.memory_space<hbm>>) target(%dma_start3A_218 : memref<8x128xi32, #tpu.memory_space<vmem>>) target_semaphore(%dma_start3A_214 : memref<!tpu.dma_semaphore, #tpu.memory_space<semaphore_mem>>)
        %mul3A_221 = arith.constant 8 : i32
        %mul3A_222 = arith.muli %add3A_187, %mul3A_221 : i32
        %add3A_223 = arith.addi %mul3A_15, %mul3A_222 : i32
        %dma_start3A_224 = arith.constant 0 : i32
        %dma_start3A_225 = arith.constant 0 : i32
        %dma_start3A_226 = tpu.memref_slice %arg9[%select_n3A_203, %dma_start3A_224, %dma_start3A_225] : memref<2x8x128xi32, #tpu.memory_space<vmem>> -> memref<1x8x128xi32, #tpu.memory_space<vmem>>
        %dma_start3A_227 = tpu.memref_squeeze %dma_start3A_226 : memref<1x8x128xi32, #tpu.memory_space<vmem>> -> memref<8x128xi32, #tpu.memory_space<vmem>>
        %dma_start3A_228 = arith.constant 0 : i32
        %dma_start3A_229 = tpu.memref_slice %arg4[%add3A_223, %dma_start3A_228] : memref<2816x128xi32, #tpu.memory_space<hbm>> -> memref<8x128xi32, #tpu.memory_space<hbm>>
        %dma_start3A_230 = tpu.memref_slice %arg13[%select_n3A_203] : memref<2x!tpu.dma_semaphore, #tpu.memory_space<semaphore_mem>> -> memref<1x!tpu.dma_semaphore, #tpu.memory_space<semaphore_mem>>
        %dma_start3A_231 = tpu.memref_squeeze %dma_start3A_230 : memref<1x!tpu.dma_semaphore, #tpu.memory_space<semaphore_mem>> -> memref<!tpu.dma_semaphore, #tpu.memory_space<semaphore_mem>>
        %dma_start3A_232 = arith.constant 0 : i32
        %dma_start3A_233 = arith.constant 0 : i32
        %dma_start3A_234 = tpu.memref_slice %arg9[%select_n3A_203, %dma_start3A_232, %dma_start3A_233] : memref<2x8x128xi32, #tpu.memory_space<vmem>> -> memref<1x8x128xi32, #tpu.memory_space<vmem>>
        %dma_start3A_235 = tpu.memref_squeeze %dma_start3A_234 : memref<1x8x128xi32, #tpu.memory_space<vmem>> -> memref<8x128xi32, #tpu.memory_space<vmem>>
        %dma_start3A_236 = arith.constant 0 : i32
        %dma_start3A_237 = tpu.memref_slice %arg4[%add3A_223, %dma_start3A_236] : memref<2816x128xi32, #tpu.memory_space<hbm>> -> memref<8x128xi32, #tpu.memory_space<hbm>>
        tpu.enqueue_dma source(%dma_start3A_237 : memref<8x128xi32, #tpu.memory_space<hbm>>) target(%dma_start3A_235 : memref<8x128xi32, #tpu.memory_space<vmem>>) target_semaphore(%dma_start3A_231 : memref<!tpu.dma_semaphore, #tpu.memory_space<semaphore_mem>>)
        %mul3A_238 = arith.constant 8 : i32
        %mul3A_239 = arith.muli %add3A_187, %mul3A_238 : i32
        %add3A_240 = arith.addi %mul3A_15, %mul3A_239 : i32
        %dma_start3A_241 = arith.constant 0 : i32
        %dma_start3A_242 = arith.constant 0 : i32
        %dma_start3A_243 = tpu.memref_slice %arg10[%select_n3A_203, %dma_start3A_241, %dma_start3A_242] : memref<2x8x128xf32, #tpu.memory_space<vmem>> -> memref<1x8x128xf32, #tpu.memory_space<vmem>>
        %dma_start3A_244 = tpu.memref_squeeze %dma_start3A_243 : memref<1x8x128xf32, #tpu.memory_space<vmem>> -> memref<8x128xf32, #tpu.memory_space<vmem>>
        %dma_start3A_245 = arith.constant 0 : i32
        %dma_start3A_246 = tpu.memref_slice %arg5[%add3A_240, %dma_start3A_245] : memref<2816x128xf32, #tpu.memory_space<hbm>> -> memref<8x128xf32, #tpu.memory_space<hbm>>
        %dma_start3A_247 = tpu.memref_slice %arg13[%select_n3A_203] : memref<2x!tpu.dma_semaphore, #tpu.memory_space<semaphore_mem>> -> memref<1x!tpu.dma_semaphore, #tpu.memory_space<semaphore_mem>>
        %dma_start3A_248 = tpu.memref_squeeze %dma_start3A_247 : memref<1x!tpu.dma_semaphore, #tpu.memory_space<semaphore_mem>> -> memref<!tpu.dma_semaphore, #tpu.memory_space<semaphore_mem>>
        %dma_start3A_249 = arith.constant 0 : i32
        %dma_start3A_250 = arith.constant 0 : i32
        %dma_start3A_251 = tpu.memref_slice %arg10[%select_n3A_203, %dma_start3A_249, %dma_start3A_250] : memref<2x8x128xf32, #tpu.memory_space<vmem>> -> memref<1x8x128xf32, #tpu.memory_space<vmem>>
        %dma_start3A_252 = tpu.memref_squeeze %dma_start3A_251 : memref<1x8x128xf32, #tpu.memory_space<vmem>> -> memref<8x128xf32, #tpu.memory_space<vmem>>
        %dma_start3A_253 = arith.constant 0 : i32
        %dma_start3A_254 = tpu.memref_slice %arg5[%add3A_240, %dma_start3A_253] : memref<2816x128xf32, #tpu.memory_space<hbm>> -> memref<8x128xf32, #tpu.memory_space<hbm>>
        tpu.enqueue_dma source(%dma_start3A_254 : memref<8x128xf32, #tpu.memory_space<hbm>>) target(%dma_start3A_252 : memref<8x128xf32, #tpu.memory_space<vmem>>) target_semaphore(%dma_start3A_248 : memref<!tpu.dma_semaphore, #tpu.memory_space<semaphore_mem>>)
      } else {
      }
      %parallel_loop3A = arith.constant 0 : i32
      %parallel_loop3A_161 = arith.constant 128 : i32
      %parallel_loop3A_162 = arith.constant 1 : i32
      scf.for %parallel_loop3A_186 = %parallel_loop3A to %parallel_loop3A_161 step %parallel_loop3A_162  : i32 {
        %parallel_loop3A_187 = arith.constant 2 : i32
        %parallel_loop3A_188 = arith.constant 0 : i32
        %parallel_loop3A_189 = arith.cmpi eq, %parallel_loop3A_187, %parallel_loop3A_188 : i32
        %parallel_loop3A_190 = arith.constant 1 : i32
        %parallel_loop3A_191 = arith.select %parallel_loop3A_189, %parallel_loop3A_190, %parallel_loop3A_187 : i32
        %parallel_loop3A_192 = arith.remsi %select_n3A_101, %parallel_loop3A_191 : i32
        %parallel_loop3A_193 = arith.constant 0 : i32
        %parallel_loop3A_194 = arith.cmpi ne, %parallel_loop3A_192, %parallel_loop3A_193 : i32
        %parallel_loop3A_195 = arith.constant 0 : i32
        %parallel_loop3A_196 = arith.cmpi slt, %parallel_loop3A_192, %parallel_loop3A_195 : i32
        %parallel_loop3A_197 = arith.constant 0 : i32
        %parallel_loop3A_198 = arith.cmpi slt, %parallel_loop3A_191, %parallel_loop3A_197 : i32
        %parallel_loop3A_199 = arith.xori %parallel_loop3A_196, %parallel_loop3A_198 : i1
        %parallel_loop3A_200 = arith.andi %parallel_loop3A_199, %parallel_loop3A_194 : i1
        %parallel_loop3A_201 = arith.addi %parallel_loop3A_192, %parallel_loop3A_191 : i32
        %parallel_loop3A_202 = arith.select %parallel_loop3A_200, %parallel_loop3A_201, %parallel_loop3A_192 : i32
        %parallel_loop3A_203 = vector.broadcast %parallel_loop3A_186 : i32 to vector<16xi32>
        %parallel_loop3A_204 = arith.constant 0 : i32
        %parallel_loop3A_205 = tpu.memref_slice %arg10[%parallel_loop3A_202, %select_n3A_80, %parallel_loop3A_204] : memref<2x8x128xf32, #tpu.memory_space<vmem>> -> memref<1x1x128xf32, #tpu.memory_space<vmem>>
        %parallel_loop3A_206 = tpu.memref_squeeze %parallel_loop3A_205 : memref<1x1x128xf32, #tpu.memory_space<vmem>> -> memref<128xf32, #tpu.memory_space<vmem>>
        %parallel_loop3A_207 = tpu.vector_load_idx %parallel_loop3A_206[%parallel_loop3A_203] : memref<128xf32, #tpu.memory_space<vmem>>[vector<16xi32>], vector<16xf32>,
        %parallel_loop3A_208 = arith.index_cast %select_n3A_117 : i32 to index
        %parallel_loop3A_209 = arith.index_cast %parallel_loop3A_186 : i32 to index
        %parallel_loop3A_210 = arith.constant 0 : index
        %parallel_loop3A_211 = tpu.vector_load %arg11[%parallel_loop3A_208, %parallel_loop3A_209, %parallel_loop3A_210] {strides = array<i32>} : memref<3x128x64xi32, #tpu.memory_space<vmem>>, vector<16xi32>,
        %parallel_loop3A_212 = vector.bitcast %parallel_loop3A_211 : vector<16xi32> to vector<32xbf16>
        %parallel_loop3A_213 = tpu.unpack_subelements %parallel_loop3A_212, 0 {pack_format = #tpu.pack_format<interleaved>} : vector<32xbf16> -> vector<16xf32>
        %parallel_loop3A_214 = tpu.unpack_subelements %parallel_loop3A_212, 1 {pack_format = #tpu.pack_format<interleaved>} : vector<32xbf16> -> vector<16xf32>
        %parallel_loop3A_215 = arith.mulf %parallel_loop3A_213, %parallel_loop3A_207 : vector<16xf32>
        %parallel_loop3A_216 = arith.index_cast %parallel_loop3A_186 : i32 to index
        %parallel_loop3A_217 = arith.constant 0 : index
        %parallel_loop3A_218 = tpu.vector_load %arg12[%parallel_loop3A_216, %parallel_loop3A_217] {strides = array<i32>} : memref<128x128xf32, #tpu.memory_space<vmem>>, vector<16xf32>,
        tpu.vector_store %arg12[%parallel_loop3A_216, %parallel_loop3A_217], %parallel_loop3A_215 {strides = array<i32>} : memref<128x128xf32, #tpu.memory_space<vmem>>, vector<16xf32>,
        %parallel_loop3A_219 = arith.mulf %parallel_loop3A_214, %parallel_loop3A_207 : vector<16xf32>
        %parallel_loop3A_220 = arith.index_cast %parallel_loop3A_186 : i32 to index
        %parallel_loop3A_221 = arith.constant 16 : index
        %parallel_loop3A_222 = tpu.vector_load %arg12[%parallel_loop3A_220, %parallel_loop3A_221] {strides = array<i32>} : memref<128x128xf32, #tpu.memory_space<vmem>>, vector<16xf32>,
        tpu.vector_store %arg12[%parallel_loop3A_220, %parallel_loop3A_221], %parallel_loop3A_219 {strides = array<i32>} : memref<128x128xf32, #tpu.memory_space<vmem>>, vector<16xf32>,
        %parallel_loop3A_223 = arith.index_cast %select_n3A_117 : i32 to index
        %parallel_loop3A_224 = arith.index_cast %parallel_loop3A_186 : i32 to index
        %parallel_loop3A_225 = arith.constant 16 : index
        %parallel_loop3A_226 = tpu.vector_load %arg11[%parallel_loop3A_223, %parallel_loop3A_224, %parallel_loop3A_225] {strides = array<i32>} : memref<3x128x64xi32, #tpu.memory_space<vmem>>, vector<16xi32>,
        %parallel_loop3A_227 = vector.bitcast %parallel_loop3A_226 : vector<16xi32> to vector<32xbf16>
        %parallel_loop3A_228 = tpu.unpack_subelements %parallel_loop3A_227, 0 {pack_format = #tpu.pack_format<interleaved>} : vector<32xbf16> -> vector<16xf32>
        %parallel_loop3A_229 = tpu.unpack_subelements %parallel_loop3A_227, 1 {pack_format = #tpu.pack_format<interleaved>} : vector<32xbf16> -> vector<16xf32>
        %parallel_loop3A_230 = arith.mulf %parallel_loop3A_228, %parallel_loop3A_207 : vector<16xf32>
        %parallel_loop3A_231 = arith.index_cast %parallel_loop3A_186 : i32 to index
        %parallel_loop3A_232 = arith.constant 32 : index
        %parallel_loop3A_233 = tpu.vector_load %arg12[%parallel_loop3A_231, %parallel_loop3A_232] {strides = array<i32>} : memref<128x128xf32, #tpu.memory_space<vmem>>, vector<16xf32>,
        tpu.vector_store %arg12[%parallel_loop3A_231, %parallel_loop3A_232], %parallel_loop3A_230 {strides = array<i32>} : memref<128x128xf32, #tpu.memory_space<vmem>>, vector<16xf32>,
        %parallel_loop3A_234 = arith.mulf %parallel_loop3A_229, %parallel_loop3A_207 : vector<16xf32>
        %parallel_loop3A_235 = arith.index_cast %parallel_loop3A_186 : i32 to index
        %parallel_loop3A_236 = arith.constant 48 : index
        %parallel_loop3A_237 = tpu.vector_load %arg12[%parallel_loop3A_235, %parallel_loop3A_236] {strides = array<i32>} : memref<128x128xf32, #tpu.memory_space<vmem>>, vector<16xf32>,
        tpu.vector_store %arg12[%parallel_loop3A_235, %parallel_loop3A_236], %parallel_loop3A_234 {strides = array<i32>} : memref<128x128xf32, #tpu.memory_space<vmem>>, vector<16xf32>,
        %parallel_loop3A_238 = arith.index_cast %select_n3A_117 : i32 to index
        %parallel_loop3A_239 = arith.index_cast %parallel_loop3A_186 : i32 to index
        %parallel_loop3A_240 = arith.constant 32 : index
        %parallel_loop3A_241 = tpu.vector_load %arg11[%parallel_loop3A_238, %parallel_loop3A_239, %parallel_loop3A_240] {strides = array<i32>} : memref<3x128x64xi32, #tpu.memory_space<vmem>>, vector<16xi32>,
        %parallel_loop3A_242 = vector.bitcast %parallel_loop3A_241 : vector<16xi32> to vector<32xbf16>
        %parallel_loop3A_243 = tpu.unpack_subelements %parallel_loop3A_242, 0 {pack_format = #tpu.pack_format<interleaved>} : vector<32xbf16> -> vector<16xf32>
        %parallel_loop3A_244 = tpu.unpack_subelements %parallel_loop3A_242, 1 {pack_format = #tpu.pack_format<interleaved>} : vector<32xbf16> -> vector<16xf32>
        %parallel_loop3A_245 = arith.mulf %parallel_loop3A_243, %parallel_loop3A_207 : vector<16xf32>
        %parallel_loop3A_246 = arith.index_cast %parallel_loop3A_186 : i32 to index
        %parallel_loop3A_247 = arith.constant 64 : index
        %parallel_loop3A_248 = tpu.vector_load %arg12[%parallel_loop3A_246, %parallel_loop3A_247] {strides = array<i32>} : memref<128x128xf32, #tpu.memory_space<vmem>>, vector<16xf32>,
        tpu.vector_store %arg12[%parallel_loop3A_246, %parallel_loop3A_247], %parallel_loop3A_245 {strides = array<i32>} : memref<128x128xf32, #tpu.memory_space<vmem>>, vector<16xf32>,
        %parallel_loop3A_249 = arith.mulf %parallel_loop3A_244, %parallel_loop3A_207 : vector<16xf32>
        %parallel_loop3A_250 = arith.index_cast %parallel_loop3A_186 : i32 to index
        %parallel_loop3A_251 = arith.constant 80 : index
        %parallel_loop3A_252 = tpu.vector_load %arg12[%parallel_loop3A_250, %parallel_loop3A_251] {strides = array<i32>} : memref<128x128xf32, #tpu.memory_space<vmem>>, vector<16xf32>,
        tpu.vector_store %arg12[%parallel_loop3A_250, %parallel_loop3A_251], %parallel_loop3A_249 {strides = array<i32>} : memref<128x128xf32, #tpu.memory_space<vmem>>, vector<16xf32>,
        %parallel_loop3A_253 = arith.index_cast %select_n3A_117 : i32 to index
        %parallel_loop3A_254 = arith.index_cast %parallel_loop3A_186 : i32 to index
        %parallel_loop3A_255 = arith.constant 48 : index
        %parallel_loop3A_256 = tpu.vector_load %arg11[%parallel_loop3A_253, %parallel_loop3A_254, %parallel_loop3A_255] {strides = array<i32>} : memref<3x128x64xi32, #tpu.memory_space<vmem>>, vector<16xi32>,
        %parallel_loop3A_257 = vector.bitcast %parallel_loop3A_256 : vector<16xi32> to vector<32xbf16>
        %parallel_loop3A_258 = tpu.unpack_subelements %parallel_loop3A_257, 0 {pack_format = #tpu.pack_format<interleaved>} : vector<32xbf16> -> vector<16xf32>
        %parallel_loop3A_259 = tpu.unpack_subelements %parallel_loop3A_257, 1 {pack_format = #tpu.pack_format<interleaved>} : vector<32xbf16> -> vector<16xf32>
        %parallel_loop3A_260 = arith.mulf %parallel_loop3A_258, %parallel_loop3A_207 : vector<16xf32>
        %parallel_loop3A_261 = arith.index_cast %parallel_loop3A_186 : i32 to index
        %parallel_loop3A_262 = arith.constant 96 : index
        %parallel_loop3A_263 = tpu.vector_load %arg12[%parallel_loop3A_261, %parallel_loop3A_262] {strides = array<i32>} : memref<128x128xf32, #tpu.memory_space<vmem>>, vector<16xf32>,
        tpu.vector_store %arg12[%parallel_loop3A_261, %parallel_loop3A_262], %parallel_loop3A_260 {strides = array<i32>} : memref<128x128xf32, #tpu.memory_space<vmem>>, vector<16xf32>,
        %parallel_loop3A_264 = arith.mulf %parallel_loop3A_259, %parallel_loop3A_207 : vector<16xf32>
        %parallel_loop3A_265 = arith.index_cast %parallel_loop3A_186 : i32 to index
        %parallel_loop3A_266 = arith.constant 112 : index
        %parallel_loop3A_267 = tpu.vector_load %arg12[%parallel_loop3A_265, %parallel_loop3A_266] {strides = array<i32>} : memref<128x128xf32, #tpu.memory_space<vmem>>, vector<16xf32>,
        tpu.vector_store %arg12[%parallel_loop3A_265, %parallel_loop3A_266], %parallel_loop3A_264 {strides = array<i32>} : memref<128x128xf32, #tpu.memory_space<vmem>>, vector<16xf32>,
      } {sc.loop_unroll_factor = 8 : i64, sc.parallel_access}
      %jit3A_163 = arith.constant 2 : i32
      %eq3A_164 = arith.constant 0 : i32
      %eq3A_165 = arith.cmpi eq, %jit3A_163, %eq3A_164 : i32
      %jit3A_166 = arith.constant 1 : i32
      %select_n3A_167 = arith.select %eq3A_165, %jit3A_166, %jit3A_163 : i32
      %rem3A_168 = arith.remsi %select_n3A_101, %select_n3A_167 : i32
      %ne3A_169 = arith.constant 0 : i32
      %ne3A_170 = arith.cmpi ne, %rem3A_168, %ne3A_169 : i32
      %lt3A_171 = arith.constant 0 : i32
      %lt3A_172 = arith.cmpi slt, %rem3A_168, %lt3A_171 : i32
      %lt3A_173 = arith.constant 0 : i32
      %lt3A_174 = arith.cmpi slt, %select_n3A_167, %lt3A_173 : i32
      %ne3A_175 = arith.xori %lt3A_172, %lt3A_174 : i1
      %and3A_176 = arith.andi %ne3A_175, %ne3A_170 : i1
      %add3A_177 = arith.addi %rem3A_168, %select_n3A_167 : i32
      %select_n3A_178 = arith.select %and3A_176, %add3A_177, %rem3A_168 : i32
      %dma_start3A_179 = arith.constant 0 : i32
      %dma_start3A_180 = tpu.memref_slice %arg9[%select_n3A_178, %select_n3A_80, %dma_start3A_179] : memref<2x8x128xi32, #tpu.memory_space<vmem>> -> memref<1x1x128xi32, #tpu.memory_space<vmem>>
      %dma_start3A_181 = tpu.memref_squeeze %dma_start3A_180 : memref<1x1x128xi32, #tpu.memory_space<vmem>> -> memref<128xi32, #tpu.memory_space<vmem>>
      %dma_start3A_182 = arith.constant 0 : i32
      %dma_start3A_183 = arith.constant 0 : i32
      %dma_start3A_184 = tpu.memref_slice %arg7[%dma_start3A_182, %dma_start3A_183] : memref<10000x128xf32, #tpu.memory_space<vmem_shared>> -> memref<10000x128xf32, #tpu.memory_space<vmem_shared>>
      tpu.enqueue_indirect_dma source(%arg12 : memref<128x128xf32, #tpu.memory_space<vmem>>) target(%dma_start3A_184 : memref<10000x128xf32, #tpu.memory_space<vmem_shared>>) offsets(%dma_start3A_181 : memref<128xi32, #tpu.memory_space<vmem>>) semaphore(%arg15 : memref<!tpu.dma_semaphore, #tpu.memory_space<semaphore_mem>>) {add = true}
      %scan3A_185 = arith.constant 0 : i32
      scf.yield %scan3A_185 : i32
    }
    %scan3A_49 = arith.constant 88 : i32
    %dma_wait3A = arith.constant 0 : i32
    %dma_wait3A_50 = arith.constant 0 : i32
    %dma_wait3A_51 = arith.constant 0 : i32
    %dma_wait3A_52 = tpu.memref_slice %arg9[%dma_wait3A, %dma_wait3A_50, %dma_wait3A_51] : memref<2x8x128xi32, #tpu.memory_space<vmem>> -> memref<1x1x128xi32, #tpu.memory_space<vmem>>
    %dma_wait3A_53 = tpu.memref_squeeze %dma_wait3A_52 : memref<1x1x128xi32, #tpu.memory_space<vmem>> -> memref<128xi32, #tpu.memory_space<vmem>>
    %dma_wait3A_54 = arith.constant 0 : i32
    %dma_wait3A_55 = arith.constant 0 : i32
    %dma_wait3A_56 = tpu.memref_slice %arg7[%dma_wait3A_54, %dma_wait3A_55] : memref<10000x128xf32, #tpu.memory_space<vmem_shared>> -> memref<10000x128xf32, #tpu.memory_space<vmem_shared>>
    tpu.wait_indirect_dma semaphore(%arg15 : memref<!tpu.dma_semaphore, #tpu.memory_space<semaphore_mem>>) src(%arg12 : memref<128x128xf32, #tpu.memory_space<vmem>>) dst(%dma_wait3A_56 : memref<10000x128xf32, #tpu.memory_space<vmem_shared>>)
    %barrier3A_57 = arith.constant 0 : index
    tpu.barrier barrier_id(%barrier3A_57)
    %lt3A_58 = arith.constant 15 : i32
    %lt3A_59 = arith.cmpi slt, %arg1, %lt3A_58 : i32
    %convert_element_type3A_60 = arith.extui %lt3A_59 : i1 to i32
    %cond3A_61 = arith.constant 0 : i32
    %cond3A_62 = arith.cmpi ne, %convert_element_type3A_60, %cond3A_61 : i32
    scf.if %cond3A_62 {
      %mul3A_68 = arith.constant 624 : i32
      %mul3A_69 = arith.muli %arg1, %mul3A_68 : i32
      %mul3A_70 = arith.constant 624 : i32
      %mul3A_71 = arith.muli %arg1, %mul3A_70 : i32
      "tpu.region"() ({
        %run_scoped3A_72 = tpu.sem_alloc : memref<!tpu.dma_semaphore, #tpu.memory_space<semaphore_mem>>
        %dma_start3A_73 = arith.constant 0 : i32
        %dma_start3A_74 = tpu.memref_slice %arg6[%arg0, %mul3A_71, %dma_start3A_73] : memref<2x10000x128xf32, #tpu.memory_space<hbm>> -> memref<1x624x128xf32, #tpu.memory_space<hbm>>
        %dma_start3A_75 = tpu.memref_squeeze %dma_start3A_74 : memref<1x624x128xf32, #tpu.memory_space<hbm>> -> memref<624x128xf32, #tpu.memory_space<hbm>>
        %dma_start3A_76 = arith.constant 0 : i32
        %dma_start3A_77 = tpu.memref_slice %arg7[%mul3A_69, %dma_start3A_76] : memref<10000x128xf32, #tpu.memory_space<vmem_shared>> -> memref<624x128xf32, #tpu.memory_space<vmem_shared>>
        tpu.enqueue_dma source(%dma_start3A_77 : memref<624x128xf32, #tpu.memory_space<vmem_shared>>) target(%dma_start3A_75 : memref<624x128xf32, #tpu.memory_space<hbm>>) target_semaphore(%run_scoped3A_72 : memref<!tpu.dma_semaphore, #tpu.memory_space<semaphore_mem>>)
        %dma_wait3A_78 = arith.constant 0 : i32
        %dma_wait3A_79 = tpu.memref_slice %arg6[%arg0, %mul3A_71, %dma_wait3A_78] : memref<2x10000x128xf32, #tpu.memory_space<hbm>> -> memref<1x624x128xf32, #tpu.memory_space<hbm>>
        %dma_wait3A_80 = tpu.memref_squeeze %dma_wait3A_79 : memref<1x624x128xf32, #tpu.memory_space<hbm>> -> memref<624x128xf32, #tpu.memory_space<hbm>>
        %dma_wait3A_81 = arith.constant 0 : i32
        %dma_wait3A_82 = tpu.memref_slice %arg7[%mul3A_69, %dma_wait3A_81] : memref<10000x128xf32, #tpu.memory_space<vmem_shared>> -> memref<624x128xf32, #tpu.memory_space<vmem_shared>>
        tpu.wait_dma2 semaphore(%run_scoped3A_72 : memref<!tpu.dma_semaphore, #tpu.memory_space<semaphore_mem>>) src(%dma_wait3A_82 : memref<624x128xf32, #tpu.memory_space<vmem_shared>>) dst(%dma_wait3A_80 : memref<624x128xf32, #tpu.memory_space<hbm>>)
        tpu.yield
      }) : () -> ()
    } else {
    }
    %eq3A_63 = arith.constant 15 : i32
    %eq3A_64 = arith.cmpi eq, %arg1, %eq3A_63 : i32
    %convert_element_type3A_65 = arith.extui %eq3A_64 : i1 to i32
    %cond3A_66 = arith.constant 0 : i32
    %cond3A_67 = arith.cmpi ne, %convert_element_type3A_65, %cond3A_66 : i32
    scf.if %cond3A_67 {
      "tpu.region"() ({
        %run_scoped3A_68 = tpu.sem_alloc : memref<!tpu.dma_semaphore, #tpu.memory_space<semaphore_mem>>
        %dma_start3A_69 = arith.constant 9360 : i32
        %dma_start3A_70 = arith.constant 0 : i32
        %dma_start3A_71 = tpu.memref_slice %arg6[%arg0, %dma_start3A_69, %dma_start3A_70] : memref<2x10000x128xf32, #tpu.memory_space<hbm>> -> memref<1x640x128xf32, #tpu.memory_space<hbm>>
        %dma_start3A_72 = tpu.memref_squeeze %dma_start3A_71 : memref<1x640x128xf32, #tpu.memory_space<hbm>> -> memref<640x128xf32, #tpu.memory_space<hbm>>
        %dma_start3A_73 = arith.constant 9360 : i32
        %dma_start3A_74 = arith.constant 0 : i32
        %dma_start3A_75 = tpu.memref_slice %arg7[%dma_start3A_73, %dma_start3A_74] : memref<10000x128xf32, #tpu.memory_space<vmem_shared>> -> memref<640x128xf32, #tpu.memory_space<vmem_shared>>
        tpu.enqueue_dma source(%dma_start3A_75 : memref<640x128xf32, #tpu.memory_space<vmem_shared>>) target(%dma_start3A_72 : memref<640x128xf32, #tpu.memory_space<hbm>>) target_semaphore(%run_scoped3A_68 : memref<!tpu.dma_semaphore, #tpu.memory_space<semaphore_mem>>)
        %dma_wait3A_76 = arith.constant 9360 : i32
        %dma_wait3A_77 = arith.constant 0 : i32
        %dma_wait3A_78 = tpu.memref_slice %arg6[%arg0, %dma_wait3A_76, %dma_wait3A_77] : memref<2x10000x128xf32, #tpu.memory_space<hbm>> -> memref<1x640x128xf32, #tpu.memory_space<hbm>>
        %dma_wait3A_79 = tpu.memref_squeeze %dma_wait3A_78 : memref<1x640x128xf32, #tpu.memory_space<hbm>> -> memref<640x128xf32, #tpu.memory_space<hbm>>
        %dma_wait3A_80 = arith.constant 9360 : i32
        %dma_wait3A_81 = arith.constant 0 : i32
        %dma_wait3A_82 = tpu.memref_slice %arg7[%dma_wait3A_80, %dma_wait3A_81] : memref<10000x128xf32, #tpu.memory_space<vmem_shared>> -> memref<640x128xf32, #tpu.memory_space<vmem_shared>>
        tpu.wait_dma2 semaphore(%run_scoped3A_68 : memref<!tpu.dma_semaphore, #tpu.memory_space<semaphore_mem>>) src(%dma_wait3A_82 : memref<640x128xf32, #tpu.memory_space<vmem_shared>>) dst(%dma_wait3A_79 : memref<640x128xf32, #tpu.memory_space<hbm>>)
        tpu.yield
      }) : () -> ()
    } else {
    }
    return
  }
}

module attributes {stable_mosaic.version = 14 : i64} {
  func.func @_mm_body(%arg0: i32, %arg1: memref<1000x128xf32, #tpu.memory_space<vmem>>, %arg2: memref<128x128xf32, #tpu.memory_space<vmem>>, %arg3: memref<1000x128xbf16, #tpu.memory_space<vmem>>) attributes {dimension_semantics = [#tpu.dimension_semantics<arbitrary>], iteration_bounds = array<i64: 10>, scalar_prefetch = 0 : i64, scratch_operands = 0 : i64, tpu.core_type = #tpu.core_type<tc>, window_params = [{transform_indices = @transform_0, window_bounds = array<i64: 1000, 128>}, {pipeline_mode = #tpu.pipeline_mode<synchronous>, transform_indices = @transform_1, window_bounds = array<i64: 128, 128>}, {transform_indices = @transform_2, window_bounds = array<i64: 1000, 128>}]} {
    %get3A = arith.constant 0 : index
    %get3A_0 = arith.constant 0 : index
    %get3A_1 = vector.load %arg1[%get3A, %get3A_0] : memref<1000x128xf32, #tpu.memory_space<vmem>>, vector<1000x128xf32>
    %get3A_2 = arith.constant 0 : index
    %get3A_3 = arith.constant 0 : index
    %get3A_4 = vector.load %arg2[%get3A_2, %get3A_3] : memref<128x128xf32, #tpu.memory_space<vmem>>, vector<128x128xf32>
    %dot_general3A = arith.constant dense<0.000000e+00> : vector<1000x128xf32>
    %dot_general3A_5 = tpu.matmul %get3A_1, %get3A_4, %dot_general3A {dimension_numbers = #tpu.dot_dimension_numbers<[1], [1], [0], [0], [0, 0, 1, 0], [], []>, transpose_lhs_hint = false} : vector<1000x128xf32>, vector<128x128xf32>, vector<1000x128xf32> -> vector<1000x128xf32>
    %convert_element_type3A = arith.truncf %dot_general3A_5 : vector<1000x128xf32> to vector<1000x128xbf16>
    %swap3A = arith.constant 0 : index
    %swap3A_6 = arith.constant 0 : index
    %swap3A_7 = vector.load %arg3[%swap3A, %swap3A_6] : memref<1000x128xbf16, #tpu.memory_space<vmem>>, vector<1000x128xbf16>
    tpu.vector_store %arg3[%swap3A, %swap3A_6], %convert_element_type3A {strides = array<i32>} : memref<1000x128xbf16, #tpu.memory_space<vmem>>, vector<1000x128xbf16>,
    return
  }
  func.func @transform_0(%arg0: i32) -> (i32, i32) {
    %c0_i32 = arith.constant 0 : i32
    %c0_i32_0 = arith.constant 0 : i32
    return %arg0, %c0_i32 : i32, i32
  }
  func.func @transform_1(%arg0: i32) -> (i32, i32) {
    %c0_i32 = arith.constant 0 : i32
    %c0_i32_0 = arith.constant 0 : i32
    %c0_i32_1 = arith.constant 0 : i32
    return %c0_i32, %c0_i32_0 : i32, i32
  }
  func.func @transform_2(%arg0: i32) -> (i32, i32) {
    %c0_i32 = arith.constant 0 : i32
    %c0_i32_0 = arith.constant 0 : i32
    return %arg0, %c0_i32 : i32, i32
  }
}

module attributes {stable_mosaic.version = 14 : i64} {
  func.func @_mm2_body(%arg0: i32, %arg1: memref<2x1000x128xf32, #tpu.memory_space<vmem>>, %arg2: memref<1x128xf32, #tpu.memory_space<vmem>>, %arg3: memref<128x128xf32, #tpu.memory_space<vmem>>, %arg4: memref<1000x128xbf16, #tpu.memory_space<vmem>>) attributes {dimension_semantics = [#tpu.dimension_semantics<arbitrary>], iteration_bounds = array<i64: 10>, scalar_prefetch = 0 : i64, scratch_operands = 0 : i64, tpu.core_type = #tpu.core_type<tc>, window_params = [{transform_indices = @transform_0, window_bounds = array<i64: 2, 1000, 128>}, {pipeline_mode = #tpu.pipeline_mode<synchronous>, transform_indices = @transform_1, window_bounds = array<i64: 1, 128>}, {pipeline_mode = #tpu.pipeline_mode<synchronous>, transform_indices = @transform_2, window_bounds = array<i64: 128, 128>}, {transform_indices = @transform_3, window_bounds = array<i64: 1000, 128>}]} {
    %get3A = arith.constant 0 : index
    %get3A_0 = arith.constant 0 : index
    %get3A_1 = arith.constant 0 : index
    %get3A_2 = vector.load %arg1[%get3A, %get3A_0, %get3A_1] : memref<2x1000x128xf32, #tpu.memory_space<vmem>>, vector<1x1000x128xf32>
    %get3A_3 = vector.shape_cast %get3A_2 : vector<1x1000x128xf32> to vector<1000x128xf32>
    %get3A_4 = arith.constant 1 : index
    %get3A_5 = arith.constant 0 : index
    %get3A_6 = arith.constant 0 : index
    %get3A_7 = vector.load %arg1[%get3A_4, %get3A_5, %get3A_6] : memref<2x1000x128xf32, #tpu.memory_space<vmem>>, vector<1x1000x128xf32>
    %get3A_8 = vector.shape_cast %get3A_7 : vector<1x1000x128xf32> to vector<1000x128xf32>
    %add3A = arith.addf %get3A_3, %get3A_8 : vector<1000x128xf32>
    %get3A_9 = arith.constant 0 : index
    %get3A_10 = arith.constant 0 : index
    %get3A_11 = vector.load %arg2[%get3A_9, %get3A_10] : memref<1x128xf32, #tpu.memory_space<vmem>>, vector<1x128xf32>
    %add3A_12 = vector.broadcast %get3A_11 : vector<1x128xf32> to vector<1000x128xf32>
    %add3A_13 = arith.addf %add3A, %add3A_12 : vector<1000x128xf32>
    %max3A = arith.constant 0.000000e+00 : f32
    %max3A_14 = vector.broadcast %max3A : f32 to vector<1000x128xf32>
    %max3A_15 = arith.maximumf %add3A_13, %max3A_14 : vector<1000x128xf32>
    %get3A_16 = arith.constant 0 : index
    %get3A_17 = arith.constant 0 : index
    %get3A_18 = vector.load %arg3[%get3A_16, %get3A_17] : memref<128x128xf32, #tpu.memory_space<vmem>>, vector<128x128xf32>
    %dot_general3A = arith.constant dense<0.000000e+00> : vector<1000x128xf32>
    %dot_general3A_19 = tpu.matmul %max3A_15, %get3A_18, %dot_general3A {dimension_numbers = #tpu.dot_dimension_numbers<[1], [1], [0], [0], [0, 0, 1, 0], [], []>, transpose_lhs_hint = false} : vector<1000x128xf32>, vector<128x128xf32>, vector<1000x128xf32> -> vector<1000x128xf32>
    %convert_element_type3A = arith.truncf %dot_general3A_19 : vector<1000x128xf32> to vector<1000x128xbf16>
    %swap3A = arith.constant 0 : index
    %swap3A_20 = arith.constant 0 : index
    %swap3A_21 = vector.load %arg4[%swap3A, %swap3A_20] : memref<1000x128xbf16, #tpu.memory_space<vmem>>, vector<1000x128xbf16>
    tpu.vector_store %arg4[%swap3A, %swap3A_20], %convert_element_type3A {strides = array<i32>} : memref<1000x128xbf16, #tpu.memory_space<vmem>>, vector<1000x128xbf16>,
    return
  }
  func.func @transform_0(%arg0: i32) -> (i32, i32, i32) {
    %c0_i32 = arith.constant 0 : i32
    %c0_i32_0 = arith.constant 0 : i32
    %c0_i32_1 = arith.constant 0 : i32
    return %c0_i32, %arg0, %c0_i32_0 : i32, i32, i32
  }
  func.func @transform_1(%arg0: i32) -> (i32, i32) {
    %c0_i32 = arith.constant 0 : i32
    %c0_i32_0 = arith.constant 0 : i32
    %c0_i32_1 = arith.constant 0 : i32
    return %c0_i32, %c0_i32_0 : i32, i32
  }
  func.func @transform_2(%arg0: i32) -> (i32, i32) {
    %c0_i32 = arith.constant 0 : i32
    %c0_i32_0 = arith.constant 0 : i32
    %c0_i32_1 = arith.constant 0 : i32
    return %c0_i32, %c0_i32_0 : i32, i32
  }
  func.func @transform_3(%arg0: i32) -> (i32, i32) {
    %c0_i32 = arith.constant 0 : i32
    %c0_i32_0 = arith.constant 0 : i32
    return %arg0, %c0_i32 : i32, i32
  }
}

module attributes {stable_mosaic.version = 14 : i64} {
  func.func @_fin_body(%arg0: i32, %arg1: memref<2x1000x128xf32, #tpu.memory_space<vmem>>, %arg2: memref<1x128xf32, #tpu.memory_space<vmem>>, %arg3: memref<1000x128xf32, #tpu.memory_space<vmem>>) attributes {dimension_semantics = [#tpu.dimension_semantics<arbitrary>], iteration_bounds = array<i64: 10>, scalar_prefetch = 0 : i64, scratch_operands = 0 : i64, tpu.core_type = #tpu.core_type<tc>, window_params = [{transform_indices = @transform_0, window_bounds = array<i64: 2, 1000, 128>}, {pipeline_mode = #tpu.pipeline_mode<synchronous>, transform_indices = @transform_1, window_bounds = array<i64: 1, 128>}, {transform_indices = @transform_2, window_bounds = array<i64: 1000, 128>}]} {
    %get3A = arith.constant 0 : index
    %get3A_0 = arith.constant 0 : index
    %get3A_1 = arith.constant 0 : index
    %get3A_2 = vector.load %arg1[%get3A, %get3A_0, %get3A_1] : memref<2x1000x128xf32, #tpu.memory_space<vmem>>, vector<1x1000x128xf32>
    %get3A_3 = vector.shape_cast %get3A_2 : vector<1x1000x128xf32> to vector<1000x128xf32>
    %get3A_4 = arith.constant 1 : index
    %get3A_5 = arith.constant 0 : index
    %get3A_6 = arith.constant 0 : index
    %get3A_7 = vector.load %arg1[%get3A_4, %get3A_5, %get3A_6] : memref<2x1000x128xf32, #tpu.memory_space<vmem>>, vector<1x1000x128xf32>
    %get3A_8 = vector.shape_cast %get3A_7 : vector<1x1000x128xf32> to vector<1000x128xf32>
    %add3A = arith.addf %get3A_3, %get3A_8 : vector<1000x128xf32>
    %get3A_9 = arith.constant 0 : index
    %get3A_10 = arith.constant 0 : index
    %get3A_11 = vector.load %arg2[%get3A_9, %get3A_10] : memref<1x128xf32, #tpu.memory_space<vmem>>, vector<1x128xf32>
    %add3A_12 = vector.broadcast %get3A_11 : vector<1x128xf32> to vector<1000x128xf32>
    %add3A_13 = arith.addf %add3A, %add3A_12 : vector<1000x128xf32>
    %max3A = arith.constant 0.000000e+00 : f32
    %max3A_14 = vector.broadcast %max3A : f32 to vector<1000x128xf32>
    %max3A_15 = arith.maximumf %add3A_13, %max3A_14 : vector<1000x128xf32>
    %swap3A = arith.constant 0 : index
    %swap3A_16 = arith.constant 0 : index
    %swap3A_17 = vector.load %arg3[%swap3A, %swap3A_16] : memref<1000x128xf32, #tpu.memory_space<vmem>>, vector<1000x128xf32>
    tpu.vector_store %arg3[%swap3A, %swap3A_16], %max3A_15 {strides = array<i32>} : memref<1000x128xf32, #tpu.memory_space<vmem>>, vector<1000x128xf32>,
    return
  }
  func.func @transform_0(%arg0: i32) -> (i32, i32, i32) {
    %c0_i32 = arith.constant 0 : i32
    %c0_i32_0 = arith.constant 0 : i32
    %c0_i32_1 = arith.constant 0 : i32
    return %c0_i32, %arg0, %c0_i32_0 : i32, i32, i32
  }
  func.func @transform_1(%arg0: i32) -> (i32, i32) {
    %c0_i32 = arith.constant 0 : i32
    %c0_i32_0 = arith.constant 0 : i32
    %c0_i32_1 = arith.constant 0 : i32
    return %c0_i32, %c0_i32_0 : i32, i32
  }
  func.func @transform_2(%arg0: i32) -> (i32, i32) {
    %c0_i32 = arith.constant 0 : i32
    %c0_i32_0 = arith.constant 0 : i32
    return %arg0, %c0_i32 : i32, i32
  }
}

</mosaic_0001>

<sc_bundles>
// kernel: kernel.11.cloned.1.call-start
scs
__scs_entry_jumppad:
0x0: {  	(pc) =	sbr.rel $0x88, $3  }
0x1: {  	(tag) =	ssettag $0x0;
	lr =	simm.s32 $0x1  }
0x2: {  	[smem:$0x3F9A] =	sst lr;
	_ =	strace $0xD0000000  }
0x3: {  	_ = 	snop  }
0x4: {  	_ = 	snop  }
0x5: {  	_ = 	snop  }
0x6: {  	_ = 	snop  }
0x7: {  	_ = 	snop  }
__scs_overlays_trampoline_lowered:
0x8: {  	[smem:$0x3FA9] =	sst s0  }
0x9: {  	[smem:$0x3FAA] =	sst s1  }
0xa: {  	[smem:$0x3FAB] =	sst s2  }
0xb: {  	[smem:$0x3FAC] =	sst s3  }
0xc: {  	[smem:$0x3FAD] =	sst s4  }
0xd: {  	[smem:$0x3FAE] =	sst s5  }
0xe: {  	[smem:$0x3FAF] =	sst s6  }
0xf: {  	[smem:$0x3FB0] =	sst s7  }
0x10: {  	[smem:$0x3FB1] =	sst s8  }
0x11: {  	[smem:$0x3FB2] =	sst s9;
	s0 =	simm.s32 @!p0 $0x0  }
0x12: {  	s1 =	sld [smem:$0x3F98];
	s0 =	simm.s32 @p0 $0x1  }
0x13: {  	[smem:$0x3FB3] =	sst s0;
	s0 =	simm.s32 @!p1 $0x0  }
0x14: {  	s2 =	sld [smem:$0x3F97];
	s0 =	simm.s32 @p1 $0x1  }
0x15: {  	[smem:$0x3FB4] =	sst s0;
	s0 =	simm.s32 @!p2 $0x0  }
0x16: {  	s3 =	sld [smem:$0x3FDB];
	s0 =	simm.s32 @p2 $0x1  }
0x17: {  	s4 =	simm.s32 $0x1BF5;
	[smem:$0x3FB6] =	sst s0  }
0x18: {  	s0 =	sld [smem:$0x3F99];
	_ =	swait.ge [sflag:s4], $0x0  }
0x19: {  	s7 =	sld [smem:$0x3F9A]  }
0x1a: {  	s8 =	sadd.s32 $0xFFFFE003, lr  }
0x1b: {  	s9 =	sadd.s32 $0xFFFFFEF7, lr;
	s5 =	simm.s32 $0xFFFFFFFF;
	p2 =	slt.u32 s8, $0xFFFFF086  }
0x1c: {  	p1 =	slt.u32 s9, $0xF7A;
	s5 =	simm.s32 @!p2 $0x0  }
0x1d: {  	s5 =	simm.s32 @p1 $0x1;
	p0 =	seq.s32 s7, s2  }
0x1e: {  	s7 =	smul.u32 @!p0 $0xF7A, s2;
	p2 =	seq.s32 @!p0 s5, $0x0  }
0x1f: {  	s9 =	smul.u32 $0xF7A, s1;
	s8 =	simm.s32 @!p0 $0x1BF5;
	p2 =	por !p2, p0  }
0x20: {  	[sflag:s8] =	ssyncset.s32 @!p0 $0xFFFFF086;
	s6 =	sadd.s32 @!p0 s3, s7;
	s7 =	simm.s32 @!p0 $0x108  }
0x21: {  	s3 =	sadd.s32 s3, s9;
	s6 =	sadd.s32 @!p0 $0x88, s6;
	s7 =	simm.s32 @p2 $0x1082  }
0x22: {  	[simem:s7], [sflag:s8] =	dma.local @!p0 [hbm:s6], $0xF7A  }
0x23: {  	s9 =	sor.u32 $0xD0000000, s2;
	s6 =	simm.s32 $0x108;
	_ =	swait.ge @!p0 [sflag:s8], $0x0  }
0x24: {  	s3 =	sadd.s32 $0x88, s3;
	s6 =	simm.s32 @!p1 $0x1082;
	[sflag:s4] =	ssyncset.s32 $0xFFFFF086  }
0x25: {  	[simem:s6], [sflag:s4] =	dma.local [hbm:s3], $0xF7A  }
0x26: {  	[smem:$0x3F9A] =	sst s1;
	(tag) =	ssettag s2;
	_ =	strace s9  }
0x27: {  	s1 =	sld [smem:$0x3FAA]  }
0x28: {  	s2 =	sld [smem:$0x3FAB]  }
0x29: {  	s4 =	sld [smem:$0x3FAD]  }
0x2a: {  	p0 =	seq.s32 s5, $0x0;
	s5 =	sld [smem:$0x3FAE]  }
0x2b: {  	s6 =	sld [smem:$0x3FAF]  }
0x2c: {  	s7 =	sld [smem:$0x3FB0]  }
0x2d: {  	s3 =	simm.s32 $0x108;
	s8 =	sld [smem:$0x3FB1]  }
0x2e: {  	s3 =	simm.s32 @!p0 $0x1082;
	s9 =	sld [smem:$0x3FB2]  }
0x2f: {  	lr =	sadd.s32 s0, s3;
	s0 =	sld [smem:$0x3FA9]  }
0x30: {  	s3 =	sld [smem:$0x3FAC]  }
0x31: {  	[smem:$0x3FB5] =	sst s10  }
0x32: {  	s10 =	sld [smem:$0x3FB3];
	_ =	sdelay $0x3  }
0x33: {  	p0 =	seq.s32 s10, $0x1;
	s10 =	sld [smem:$0x3FB5];
	_ =	sdelay $0x3  }
0x34: {  	[smem:$0x3FB5] =	sst s10  }
0x35: {  	s10 =	sld [smem:$0x3FB4];
	_ =	sdelay $0x3  }
0x36: {  	p1 =	seq.s32 s10, $0x1;
	s10 =	sld [smem:$0x3FB5];
	_ =	sdelay $0x3  }
0x37: {  	[smem:$0x3FB5] =	sst s10  }
0x38: {  	s10 =	sld [smem:$0x3FB6]  }
0x39: {  	_ = 	snop;
	(pc) =	sbr.ind lr, $3  }
0x3a: {  	_ = 	snop  }
0x3b: {  	_ = 	snop  }
0x3c: {  	p2 =	seq.s32 s10, $0x1;
	s10 =	sld [smem:$0x3FB5]  }
0x3d: {  	_ =	shalt  }
0x3e: {  	_ =	shalt  }
0x3f: {  	_ =	shalt  }
0x40: {  	_ =	shalt  }
0x41: {  	_ =	shalt  }
0x42: {  	_ =	shalt  }
0x43: {  	_ =	shalt  }
0x44: {  	_ =	shalt  }
0x45: {  	_ =	shalt  }
0x46: {  	_ =	shalt  }
0x47: {  	_ =	shalt  }
0x48: {  	_ =	shalt  }
0x49: {  	_ =	shalt  }
0x4a: {  	_ =	shalt  }
0x4b: {  	_ =	shalt  }
0x4c: {  	_ =	shalt  }
0x4d: {  	_ =	shalt  }
0x4e: {  	_ =	shalt  }
0x4f: {  	_ =	shalt  }
0x50: {  	_ =	shalt  }
0x51: {  	_ =	shalt  }
0x52: {  	_ =	shalt  }
0x53: {  	_ =	shalt  }
0x54: {  	_ =	shalt  }
0x55: {  	_ =	shalt  }
0x56: {  	_ =	shalt  }
0x57: {  	_ =	shalt  }
0x58: {  	_ =	shalt  }
0x59: {  	_ =	shalt  }
0x5a: {  	_ =	shalt  }
0x5b: {  	_ =	shalt  }
0x5c: {  	_ =	shalt  }
0x5d: {  	_ =	shalt  }
0x5e: {  	_ =	shalt  }
0x5f: {  	_ =	shalt  }
0x60: {  	_ =	shalt  }
0x61: {  	_ =	shalt  }
0x62: {  	_ =	shalt  }
0x63: {  	_ =	shalt  }
0x64: {  	_ =	shalt  }
0x65: {  	_ =	shalt  }
0x66: {  	_ =	shalt  }
0x67: {  	_ =	shalt  }
0x68: {  	_ =	shalt  }
0x69: {  	_ =	shalt  }
0x6a: {  	_ =	shalt  }
0x6b: {  	_ =	shalt  }
0x6c: {  	_ =	shalt  }
0x6d: {  	_ =	shalt  }
0x6e: {  	_ =	shalt  }
0x6f: {  	_ =	shalt  }
0x70: {  	_ =	shalt  }
0x71: {  	_ =	shalt  }
0x72: {  	_ =	shalt  }
0x73: {  	_ =	shalt  }
0x74: {  	_ =	shalt  }
0x75: {  	_ =	shalt  }
0x76: {  	_ =	shalt  }
0x77: {  	_ =	shalt  }
0x78: {  	_ =	shalt  }
0x79: {  	_ =	shalt  }
0x7a: {  	_ =	shalt  }
0x7b: {  	_ =	shalt  }
0x7c: {  	_ =	shalt  }
0x7d: {  	_ =	shalt  }
0x7e: {  	_ =	shalt  }
0x7f: {  	_ =	shalt  }
0x80: {  	_ =	shalt  }
0x81: {  	_ =	shalt  }
0x82: {  	_ =	shalt  }
0x83: {  	_ =	shalt  }
0x84: {  	_ =	shalt  }
0x85: {  	_ =	shalt  }
0x86: {  	_ =	shalt  }
0x87: {  	_ =	shalt  }
.Lfunc_end0:
.L_simem_size_0:
called_computation.1_lowered:
.L_overlay_start_0:
0x88: {  	s2 =	sld [smem:$0x3FD9]  }
0x89: {  	s3 =	sld [smem:$0x3FFE];
	_ =	sdelay $0x1  }
0x8a: {  	s1 =	srdreg.scid  }
0x8b: {  	s0 =	sand.u32 $0x1, s1  }
0x8c: {  	s17 =	sshll.u32 s0, $0xA;
	s2 =	sadd.s32 s3, s2  }
0x8d: {  	s2 =	sadd.s32 s2, s17  }
0x8e: {  	[smem:$0x3FC1] =	sst s2  }
0x8f: {  	_ = 	snop  }
0x90: {  	s2 =	sld [smem:$0x3FD0];
	(tm) =	ssettm $0x1  }
0x91: {  	s18 =	sld [smem:$0x3FFB];
	_ =	sdelay $0x3  }
0x92: {  	_ =	strace s18  }
0x93: {  	s3 =	sld [smem:$0x3FFC];
	_ =	sdelay $0x3  }
0x94: {  	_ =	strace s3  }
0x95: {  	s3 =	sld [smem:$0x3FFD];
	_ =	sdelay $0x3  }
0x96: {  	_ =	strace s3  }
0x97: {  	_ =	strace $0x8FFFFFFF  }
0x98: {  	s19 =	sld [smem:$0x3FDB];
	_ =	sdelay $0x1  }
0x99: {  	s4 =	simm.s32 $_scs_section_size  }
0x9a: {  	s5 =	simm.s32 $_size__tile_overlayer_lowered;
	s6 =	simm.s32 $_tile_overlayer_lowered  }
0x9b: {  	s22 =	simm.s32 $0x1BFF;
	s21 =	sshll.u32 s6, $0x1;
	s3 =	sadd.s32 s4, s19  }
0x9c: {  	s7 =	simm.s32 $0x0;
	s20 =	sshll.u32 s5, $0x1;
	s5 =	sadd.s32 s21, s3  }
0x9d: {  	[timem:s7], [sflag:s22] =	dma.local [hbm:s5], s20  }
0x9e: {  	_ =	swait.ge [sflag:s22], s20  }
0x9f: {  	s4 =	ssub.s32 $0x0, s20;
	[sflag:s22] =	ssyncset.done $0x0  }
0xa0: {  	[sflag:s22] =	ssyncadd.s32 s4;
	_ =	sdelay $0x1  }
0xa1: {  	s23 =	simm.s32 $0x1B8B  }
0xa2: {  	_ =	swait.ge [sflag:s23], $0x1  }
0xa3: {  	[sflag:s23] =	ssyncset.done $0x0  }
0xa4: {  	s25 =	simm.s32 $0x1B8E;
	s24 =	sld [smem:$0x3FFE];
	[sflag:s23] =	ssyncadd.s32 $0xFFFFFFFF  }
0xa5: {  	s26 =	simm.s32 $execute0_lowered;
	[smem:$0x3FD2] =	sst s25  }
0xa6: {  	s5 =	sshll.u32 s26, $0x1;
	_ =	strace $0x80000049;
	[dreg:$0x1] =	wrdreg $0xFFFFFFFF  }
0xa7: {  	s28 =	simm.s32 $_size_execute0_lowered;
	s3 =	sadd.s32 s3, s5;
	[dreg:$0x0] =	wrdreg $0x0  }
0xa8: {  	s5 =	sshll.u32 s28, $0x1;
	[dreg:$0x2] =	wrdreg s3  }
0xa9: {  	[dreg:$0x3] =	wrdreg s5  }
0xaa: {  	[dreg:$0x4] =	wrdreg $0xC0  }
0xab: {  	_ =	task [dreg:s7], $0x5FFFF  }
0xac: {  	[dreg:$0x1] =	wrdreg $0xFFFFFFFF  }
0xad: {  	[dreg:$0x0] =	wrdreg $0x60  }
0xae: {  	[dreg:$0x2] =	wrdreg s2  }
0xaf: {  	[dreg:$0x3] =	wrdreg s24  }
0xb0: {  	[dreg:$0x4] =	wrdreg $0x0  }
0xb1: {  	[dreg:$0x5] =	wrdreg $0x9  }
0xb2: {  	_ =	task.clear_ibuf [dreg:s7], $0x6FFFF;
	_ =	strace $0x90000049  }
0xb3: {  	s29 =	simm.s32 $0x9;
	_ =	strace $0x8000004B  }
0xb4: {  	_ =	swait.ge [sflag:s29], $0x1  }
0xb5: {  	[sflag:s29] =	ssyncadd.s32 $0xFFFFFFFF  }
0xb6: {  	_ =	strace $0x9000004B  }
0xb7: {  	_ =	sfence  }
0xb8: {  	s30 =	sld [smem:$0x0];
	_ =	sdelay $0x2  }
0xb9: {  	s31 =	sshll.u32 s1, $0xD;
	s1 =	sshrl.u32 s1, $0x2  }
0xba: {  	s3 =	sand.u32 $0x4000, s31;
	s1 =	sadd.s32 s1, s30  }
0xbb: {  	s0 =	sor.u32 s3, s0;
	s1 =	sshll.u32 s1, $0x11  }
0xbc: {  	s0 =	sor.u32 s1, s0  }
0xbd: {  	s0 =	sadd.s32 $0x8F2B, s0  }
0xbe: {  	[sflag:s0] =	ssyncadd.remote.s32 $0x1  }
0xbf: {  	_ =	sfence.sel $0xFFFF  }
0xc0: {  	[dreg:$0x0] =	wrdreg $0xFFFFFFFF;
	(pc) =	sbr.abs _section_cstart, $3  }
0xc1: {  	[dreg:$0x1] =	wrdreg $0xFFFFFFFF  }
0xc2: {  	_ =	task.clear_ibuf [dreg:s7], $0x2FFFF;
	_ =	strace $0x9FFFFFFF  }
0xc3: {  	(tm) =	ssettm $0x7FFFFFFF  }
tec
execute0_lowered:
.L_overlay_start_1:
0x0: {  	(tag) =	ssettag $0x1  }
0x1: {  	s1 =	rddreg [dreg:$0x0]  }
0x2: {  	s0 =	rddreg [dreg:$0x1]  }
0x3: {  	s3 =	rddreg [dreg:$0x2];
	s2 =	simm.s32 $0x0;
	s14 =	stileid.u32  }
0x4: {  	s13 =	srdreg.scid;
	s28 =	simm.s32 $0x5;
	s31 =	simm.s32 $0x80  }
0x5: {  	s29 =	simm.s32 $0x1B080;
	s30 =	simm.s32 $0x4;
	[smem:$0x7FF] =	sst s2  }
0x6: {  	s4 =	smul.u32 $0x4E000, s14;
	s5 =	sadd.s32 $0x1200, s0;
	s6 =	sadd.s32 $0xC200, s0  }
0x7: {  	s7 =	sadd.s32 $0x22200, s0;
	s0 =	sadd.s32 $0x2D200, s0;
	s11 =	smul.u32 $0x13800, s14  }
0x8: {  	s2 =	sand.u32 $0x1, s13;
	s13 =	sadd.s32 $0x124800, s3;
	s12 =	sadd.s32 $0x128800, s3  }
0x9: {  	s21 =	sshll.u32 s14, $0x1;
	s22 =	sadd.s32 $0x12C800, s3;
	s25 =	sadd.s32 $0x134800, s3  }
0xa: {  	_ =	strace $0x8000004A;
	s9 =	ssub.s32 $0x2, s2;
	[dreg:$0x8] =	wrdreg s12  }
0xb: {  	s18 =	smul.u32 $0x138800, s2;
	s2 =	sor.u32 s2, s21;
	[dreg:$0x9] =	wrdreg s22  }
0xc: {  	p0 =	seq.s32 s14, $0xF;
	[dreg:$0xb] =	wrdreg s25;
	s23 =	smul.u32 $0x580, s2  }
0xd: {  	s4 =	sshrl.u32 s4, $0x2;
	s10 =	sshrl.u32 s9, $0x1;
	s22 =	smul.u32 $0x2C00, s2  }
0xe: {  	s2 =	sadd.s32 s11, s3;
	s8 =	sadd.s32 s4, s3;
	s4 =	ssub.s32 s9, s10  }
0xf: {  	s24 =	sadd.s32 s11, s18;
	s9 =	sshrl.u32 s18, $0x3;
	s15 =	sadd.s32 $0x4000, s8  }
0x10: {  	s25 =	sshrl.u32 @!p0 s2, $0x3;
	s16 =	sadd.s32 $0x8000, s8;
	[dreg:$0x4] =	wrdreg s15  }
0x11: {  	s2 =	simm.s32 $0x0;
	s17 =	sadd.s32 $0xC000, s8;
	[dreg:$0x5] =	wrdreg s16  }
0x12: {  	s20 =	sadd.s32 $0x10000, s8;
	s12 =	sshrl.u32 s24, $0x3;
	[dreg:$0x6] =	wrdreg s17  }
0x13: {  	s26 =	sadd.s32 s5, s23;
	s21 =	sadd.s32 s7, s23;
	[dreg:$0x7] =	wrdreg s20  }
0x14: {  	s24 =	smax.u32 s4, $0x1;
	s15 =	sadd.s32 $0x130800, s3;
	[dreg:$0xc] =	wrdreg s26  }
0x15: {  	v1 =	vimm.s32 $0x0;
	vm0 =	vcmask $0x300;
	s19 =	sadd.s32 s0, s12;
	s0 =	sadd.s32 s0, s9;
	s20 =	sadd.s32 s6, s23  }
0x16: {  	v0 =	vimm.f32 $0.0e+00;
	v1 =	vsel vm0, $0x3, v1;
	[dreg:$0xa] =	wrdreg s15;
	s23 =	sadd.s32 $0x24900, s0;
	s0 =	simm.s32 $0x3  }
.LBB2_1:
0x17: {  	s9 =	simm.s32 $0x0  }
0x18: {  	s4 =	sand.u32 $0xFE00, s9  }
0x19: {  	s9 =	sand.u32 $0x70, s9;
	s10 =	sshrl.u32 s4, $0x2  }
0x1a: {  	s4 =	simm.s32 $0x40;
	s10 =	sor.u32 s9, s10;
	s9 =	simm.s32 $0x0  }
.LBB2_2:
0x1b: {  	p1 =	sne.s32 s4, $0xFFC0  }
0x1c: {  	[tilespmem:s10+$0x1B080] =	vst v0;
	s9 =	sadd.s32 $0x10, s9;
	s10 =	smov.u32 s4;
	s4 =	sadd.s32 $0x40, s4  }
.Ltmp0:
0x1d: {  	(pc) =	sbr.rel @p1 .LBB2_2-.Ltmp0, $4  }
0x1e: {  	_ = 	snop  }
0x1f: {  	s10 =	sand.u32 $0xFE00, s10  }
0x20: {  	s11 =	sand.u32 $0x70, s9;
	s10 =	sshrl.u32 s10, $0x2  }
0x21: {  	s10 =	sor.u32 s11, s10  }
0x22: {  	[tilespmem:s10+$0x1B080] =	vst v0;
	s4 =	simm.s32 @p0 $0x1B080;
	s9 =	simm.s32 @p0 $0x5  }
0x23: {  	[spmem:s13] =	stream.linear.scatter @p0 [tilespmem:s4], [sflag:$0x5], $0x4000, $0x38;
	[tilespmem:$0x1F080] =	vst v63  }
0x24: {  	_ =	swait.ge @p0 [sflag:s9], $0x4000  }
0x25: {  	[sflag:s9] =	ssyncset.done @p0 $0x0  }
0x26: {  	s10 =	rddreg [dreg:$0x8];
	[sflag:s9] =	ssyncadd.s32 @p0 $0xFFFFC000  }
0x27: {  	[spmem:s10] =	stream.linear.scatter @p0 [tilespmem:s4], [sflag:$0x5], $0x4000, $0x38;
	[tilespmem:$0x1F080] =	vst v63  }
0x28: {  	_ =	swait.ge @p0 [sflag:s9], $0x4000  }
0x29: {  	[sflag:s9] =	ssyncset.done @p0 $0x0  }
0x2a: {  	s10 =	rddreg [dreg:$0x9];
	[sflag:s9] =	ssyncadd.s32 @p0 $0xFFFFC000  }
0x2b: {  	[spmem:s10] =	stream.linear.scatter @p0 [tilespmem:s4], [sflag:$0x5], $0x4000, $0x38;
	[tilespmem:$0x1F080] =	vst v63  }
0x2c: {  	_ =	swait.ge @p0 [sflag:s9], $0x4000  }
0x2d: {  	[sflag:s9] =	ssyncset.done @p0 $0x0  }
0x2e: {  	s10 =	rddreg [dreg:$0xa];
	[sflag:s9] =	ssyncadd.s32 @p0 $0xFFFFC000  }
0x2f: {  	[spmem:s10] =	stream.linear.scatter @p0 [tilespmem:s4], [sflag:$0x5], $0x4000, $0x38;
	[tilespmem:$0x1F080] =	vst v63  }
0x30: {  	_ =	swait.ge @p0 [sflag:s9], $0x4000  }
0x31: {  	[sflag:s9] =	ssyncset.done @p0 $0x0  }
0x32: {  	s10 =	rddreg [dreg:$0xb];
	[sflag:s9] =	ssyncadd.s32 @p0 $0xFFFFC000  }
0x33: {  	[spmem:s10] =	stream.linear.scatter @p0 [tilespmem:s4], [sflag:$0x5], $0x4000, $0x38;
	[tilespmem:$0x1F080] =	vst v63  }
0x34: {  	_ =	swait.ge @p0 [sflag:s9], $0x4000  }
0x35: {  	[sflag:s9] =	ssyncset.done @p0 $0x0  }
0x36: {  	s4 =	simm.s32 @!p0 $0x1B080;
	[sflag:s9] =	ssyncadd.s32 @p0 $0xFFFFC000;
	s9 =	simm.s32 @!p0 $0x5  }
0x37: {  	[spmem:s8] =	stream.linear.scatter @!p0 [tilespmem:s4], [sflag:$0x5], $0x4000, $0x38;
	[tilespmem:$0x1F080] =	vst v63  }
0x38: {  	_ =	swait.ge @!p0 [sflag:s9], $0x4000  }
0x39: {  	[sflag:s9] =	ssyncset.done @!p0 $0x0  }
0x3a: {  	s10 =	rddreg [dreg:$0x4];
	[sflag:s9] =	ssyncadd.s32 @!p0 $0xFFFFC000  }
0x3b: {  	[spmem:s10] =	stream.linear.scatter @!p0 [tilespmem:s4], [sflag:$0x5], $0x4000, $0x38;
	[tilespmem:$0x1F080] =	vst v63  }
0x3c: {  	_ =	swait.ge @!p0 [sflag:s9], $0x4000  }
0x3d: {  	[sflag:s9] =	ssyncset.done @!p0 $0x0  }
0x3e: {  	s10 =	rddreg [dreg:$0x5];
	[sflag:s9] =	ssyncadd.s32 @!p0 $0xFFFFC000  }
0x3f: {  	[spmem:s10] =	stream.linear.scatter @!p0 [tilespmem:s4], [sflag:$0x5], $0x4000, $0x38;
	[tilespmem:$0x1F080] =	vst v63  }
0x40: {  	_ =	swait.ge @!p0 [sflag:s9], $0x4000  }
0x41: {  	[sflag:s9] =	ssyncset.done @!p0 $0x0  }
0x42: {  	s10 =	rddreg [dreg:$0x6];
	[sflag:s9] =	ssyncadd.s32 @!p0 $0xFFFFC000  }
0x43: {  	[spmem:s10] =	stream.linear.scatter @!p0 [tilespmem:s4], [sflag:$0x5], $0x4000, $0x38;
	[tilespmem:$0x1F080] =	vst v63  }
0x44: {  	_ =	swait.ge @!p0 [sflag:s9], $0x4000  }
0x45: {  	[sflag:s9] =	ssyncset.done @!p0 $0x0  }
0x46: {  	s10 =	rddreg [dreg:$0x7];
	[sflag:s9] =	ssyncadd.s32 @!p0 $0xFFFFC000  }
0x47: {  	[spmem:s10] =	stream.linear.scatter @!p0 [tilespmem:s4], [sflag:$0x5], $0x3800, $0x38;
	[tilespmem:$0x1F080] =	vst v63  }
0x48: {  	_ =	swait.ge @!p0 [sflag:s9], $0x3800  }
0x49: {  	[sflag:s9] =	ssyncset.done @!p0 $0x0  }
0x4a: {  	[sflag:s9] =	ssyncadd.s32 @!p0 $0xFFFFC800  }
0x4b: {  	[bflag:$0x0] =	sbarrier.arrive $0xFFFF  }
0x4c: {  	s14 =	simm.s32 $0x13880;
	s4 =	simm.s32 $0x0;
	s12 =	rddreg [dreg:$0xc]  }
0x4d: {  	[tilespmem:s14], [sflag:$0x5] =	stream.linear.gather [hbm4b:s12+s4], $0x400, $0x38;
	[tilespmem:$0x1F080] =	vst v63  }
0x4e: {  	_ =	swait.ge [sflag:s28], $0x400  }
0x4f: {  	[sflag:s28] =	ssyncset.done $0x0  }
0x50: {  	s15 =	simm.s32 $0x14080;
	[sflag:s28] =	ssyncadd.s32 $0xFFFFFC00  }
0x51: {  	[tilespmem:s15], [sflag:$0x5] =	stream.linear.gather [hbm4b:s20+s4], $0x400, $0x38;
	[tilespmem:$0x1F080] =	vst v63  }
0x52: {  	_ =	swait.ge [sflag:s28], $0x400  }
0x53: {  	[sflag:s28] =	ssyncset.done $0x0  }
0x54: {  	s16 =	simm.s32 $0x14880;
	[sflag:s28] =	ssyncadd.s32 $0xFFFFFC00  }
0x55: {  	[tilespmem:s16], [sflag:$0x5] =	stream.linear.gather [hbm4b:s21+s4], $0x400, $0x38;
	[tilespmem:$0x1F080] =	vst v63  }
0x56: {  	_ =	swait.ge [sflag:s28], $0x400  }
0x57: {  	[sflag:s28] =	ssyncset.done $0x0  }
0x58: {  	s17 =	simm.s32 $0x15080;
	[sflag:s28] =	ssyncadd.s32 $0xFFFFFC00  }
0x59: {  	[tilespmem:s17], [sflag:$0x3] =	stream.indirect.gather [hbm4b:s1+s31], $0x40, s14, s31, $0xb8;
	[tilespmem:$0x1F080] =	vst v63  }
0x5a: {  	s18 =	simm.s32 $0x13900;
	s26 =	simm.s32 $0x17080  }
0x5b: {  	[tilespmem:s26], [sflag:$0x3] =	stream.indirect.gather [hbm4b:s1+s31], $0x40, s18, s31, $0xb8;
	[tilespmem:$0x1F080] =	vst v63  }
0x5c: {  	s26 =	simm.s32 $0x15270  }
.LBB2_4:
0x5d: {  	s9 =	sand.u32 $0x7, s4;
	p1 =	sgt.u32 s4, $0x55  }
0x5e: {  	p2 =	sne.s32 @!p1 s9, $0x6  }
0x5f: {  	p2 =	por p1, p2  }
.Ltmp1:
0x60: {  	_ = 	snop;
	(pc) =	sbr.rel @p2 .LBB2_6-.Ltmp1, $4  }
0x61: {  	_ = 	snop  }
0x62: {  	_ =	swait.ge [sflag:s0], $0x2000  }
0x63: {  	[sflag:s0] =	ssyncset.done $0x0  }
0x64: {  	s10 =	sshrl.u32 s4, $0x3;
	[sflag:s0] =	ssyncadd.s32 $0xFFFFE000  }
0x65: {  	s11 =	sxor.u32 $0xFFFFFFFF, s10  }
0x66: {  	s11 =	sand.u32 $0x1, s11  }
0x67: {  	s11 =	sadd.s32 $0x1, s11  }
0x68: {  	_ =	swait.ge [sflag:s11], $0x400  }
0x69: {  	[sflag:s11] =	ssyncset.done $0x0  }
0x6a: {  	[sflag:s11] =	ssyncadd.s32 $0xFFFFFC00  }
0x6b: {  	_ =	swait.ge [sflag:s11], $0x400  }
0x6c: {  	[sflag:s11] =	ssyncset.done $0x0  }
0x6d: {  	[sflag:s11] =	ssyncadd.s32 $0xFFFFFC00  }
0x6e: {  	_ =	swait.ge [sflag:s11], $0x400  }
0x6f: {  	[sflag:s11] =	ssyncset.done $0x0  }
0x70: {  	[sflag:s11] =	ssyncadd.s32 $0xFFFFFC00  }
.LBB2_7:
0x71: {  	s11 =	sadd.s32 $0x2, s4  }
0x72: {  	s12 =	smul.u32 $0xAB, s11;
	_ =	sdelay $0x1  }
0x73: {  	s12 =	sshrl.u32 s12, $0x9  }
0x74: {  	s12 =	sand.u32 $0x7F, s12  }
0x75: {  	s12 =	smul.u32 $0x3, s12  }
0x76: {  	p1 =	seq.s32 s4, $0x0  }
.Ltmp2:
0x77: {  	s12 =	ssub.s32 s11, s12;
	(pc) =	sbr.rel @!p1 .LBB2_8-.Ltmp2, $4  }
.Ltmp3:
0x78: {  	s11 =	sshll.u32 s11, $0x7;
	s12 =	sand.u32 $0xFF, s12;
	(pc) =	sbr.rel @p1 .LBB2_9-.Ltmp3, $4  }
0x79: {  	s11 =	sand.u32 $0x780, s11;
	s12 =	sshll.u32 s12, $0xD  }
0x7a: {  	s11 =	sadd.s32 $0x13880, s11;
	s12 =	sadd.s32 $0x15080, s12  }
0x7b: {  	[tilespmem:s12], [sflag:$0x3] =	stream.indirect.gather [hbm4b:s1+s31], $0x40, s11, s31, $0xb8;
	[tilespmem:$0x1F080] =	vst v63  }
0x7c: {  	_ = 	snop  }
.LBB2_6:
.Ltmp4:
0x7d: {  	(pc) =	sbr.rel @!p1 .LBB2_7-.Ltmp4, $1  }
0x7e: {  	_ =	sdelay $0x3  }
.LBB2_8:
0x7f: {  	_ =	swait.ge [sflag:s30], $0x4000  }
0x80: {  	[sflag:s30] =	ssyncset.done $0x0  }
0x81: {  	[sflag:s30] =	ssyncadd.s32 $0xFFFFC000  }
.LBB2_9:
0x82: {  	p1 =	sgt.u32 s4, $0x4F  }
0x83: {  	p2 =	sne.s32 @!p1 s9, $0x0  }
0x84: {  	p1 =	por p2, p1  }
0x85: {  	s11 =	sadd.s32 @!p1 $0x1, s10  }
0x86: {  	s12 =	sshll.u32 @!p1 s11, $0xA  }
0x87: {  	s11 =	sand.u32 @!p1 $0x1, s11;
	s12 =	sadd.s32 @!p1 s22, s12  }
0x88: {  	s14 =	sadd.s32 @!p1 $0x1, s11;
	s11 =	sshll.u32 @!p1 s11, $0xA;
	s12 =	sshrl.u32 @!p1 s12, $0x3  }
0x89: {  	s17 =	simm.s32 @!p1 $0x0;
	s15 =	sor.u32 @!p1 $0x13880, s11;
	s16 =	sadd.s32 @!p1 s5, s12  }
0x8a: {  	[tilespmem:s15], [sflag:s14] =	stream.linear.gather @!p1 [hbm4b:s16+s17], $0x400, $0x38;
	[tilespmem:$0x1F080] =	vst v63  }
0x8b: {  	s18 =	sadd.s32 @!p1 s6, s12;
	s15 =	smulhi.u32 $0xAAAAAAAB, s4;
	s16 =	sor.u32 @!p1 $0x14080, s11  }
0x8c: {  	[tilespmem:s16], [sflag:s14] =	stream.linear.gather @!p1 [hbm4b:s18+s17], $0x400, $0x38;
	[tilespmem:$0x1F080] =	vst v63  }
0x8d: {  	s18 =	simm.s32 $0x0  }
0x8e: {  	s15 =	sshrl.u32 s15, $0x1;
	v2 =	vmov s18;
	s18 =	simm.s32 $0x7  }
0x8f: {  	s12 =	sadd.s32 @!p1 s7, s12;
	s11 =	sor.u32 @!p1 $0x14880, s11;
	s15 =	smul.u32 $0xFFFE8000, s15;
	v2 =	vshrl.u32 v2, $0x3;
	v3 =	vmov s18  }
0x90: {  	[tilespmem:s11], [sflag:s14] =	stream.linear.gather @!p1 [hbm4b:s12+s17], $0x400, $0x38;
	v2 =	vshll.u32 v2, v1;
	v3 =	vshrl.u32 v3, $0x3;
	[tilespmem:$0x1F080] =	vst v63  }
0x91: {  	s12 =	simm.s32 $0x1;
	v4 =	vbroadcast v2, $0x0;
	v2 =	vshll.u32 v3, v1  }
0x92: {  	s14 =	sshra.s32 s15, $0x2;
	v3 =	vmov s12;
	v5 =	vadd.s32 $0x7, v2  }
0x93: {  	s16 =	sshll.u32 s9, $0x9;
	s17 =	simm.s32 $0x2;
	s15 =	sshll.u32 s10, $0xA;
	v2 =	vmov s14;
	v3 =	vshrl.u32 v3, $0x3;
	v5 =	vbroadcast v5, $0x0  }
0x94: {  	s11 =	sshrl.u32 s16, $0x2;
	v6 =	vmov s17;
	s10 =	sand.u32 $0x400, s15;
	v3 =	vshll.u32 v3, v1  }
0x95: {  	s18 =	simm.s32 $0x3;
	v6 =	vshrl.u32 v6, $0x3;
	s9 =	sor.u32 s11, s10;
	v3 =	vadd.s32 $0x1, v3  }
0x96: {  	v7 =	vmov s18;
	v6 =	vshll.u32 v6, v1;
	s12 =	sadd.s32 $0x14880, s9;
	v8 =	vbroadcast v3, $0x0  }
0x97: {  	v7 =	vshrl.u32 v7, $0x3;
	s14 =	simm.s32 $0x4;
	v6 =	vadd.s32 $0x2, v6;
	v3 =	vld.idx.msk [tilespmem:v4+s12+$0x0], $0xffff  }
0x98: {  	v7 =	vshll.u32 v7, v1;
	v6 =	vbroadcast v6, $0x0;
	v4 =	vmov s14;
	v10 =	vld.idx.msk [tilespmem:v2+s26+$0xFFFFFFD0 ss:$0x1], $0xffff  }
0x99: {  	v7 =	vadd.s32 $0x3, v7;
	v4 =	vshrl.u32 v4, $0x3;
	v11 =	vld.idx.msk [tilespmem:v5+s12+$0x0], $0xffff  }
0x9a: {  	s15 =	simm.s32 $0x5;
	v12 =	vld.idx.msk [tilespmem:v2+s26+$0xFFFFFE10 ss:$0x1], $0xffff;
	v4 =	vshll.u32 v4, v1;
	v5 =	vbroadcast v7, $0x0  }
0x9b: {  	s16 =	simm.s32 $0x6;
	v13 =	vld.idx.msk [tilespmem:v2+s26+$0xFFFFFE50 ss:$0x1], $0xffff;
	v7 =	vmov s15;
	v4 =	vadd.s32 $0x4, v4  }
0x9c: {  	v7 =	vshrl.u32 v7, $0x3;
	v4 =	vbroadcast v4, $0x0;
	v9 =	vld.idx.msk [tilespmem:v8+s12+$0x0], $0xffff;
	v8 =	vmov s16  }
0x9d: {  	v15 =	vld.idx.msk [tilespmem:v2+s26+$0xFFFFFE90 ss:$0x1], $0xffff;
	v7 =	vshll.u32 v7, v1;
	v14 =	vshrl.u32 v8, $0x3;
	v16 =	vunpack.i.l.bf16.f32 v10  }
0x9e: {  	v8 =	vld.idx.msk [tilespmem:v6+s12+$0x0], $0xffff;
	v6 =	vadd.s32 $0x5, v7;
	v7 =	vunpack.i.u.bf16.f32 v10;
	v10 =	vmul.f32 v16, v11  }
0x9f: {  	s14 =	simm.s32 $0x1B280;
	v17 =	vunpack.i.l.bf16.f32 v12;
	v14 =	vshll.u32 v14, v1;
	v16 =	vld.idx.msk [tilespmem:v2+s26+$0xFFFFFED0 ss:$0x1], $0xffff;
	v18 =	vmul.f32 v7, v11  }
0xa0: {  	v7 =	vld.idx.msk [tilespmem:v5+s12+$0x0], $0xffff;
	v5 =	vbroadcast v6, $0x0;
	v6 =	vmul.f32 v17, v3;
	v17 =	vunpack.i.l.bf16.f32 v13;
	[tilespmem:s14+$0x180] =	vst v10  }
0xa1: {  	v13 =	vunpack.i.u.bf16.f32 v13;
	v10 =	vadd.s32 $0x6, v14;
	v14 =	vld.idx.msk [tilespmem:v2+s26+$0xFFFFFF10 ss:$0x1], $0xffff;
	v17 =	vmul.f32 v17, v9;
	[tilespmem:s14+$0x190] =	vst v18  }
0xa2: {  	v18 =	vunpack.i.l.bf16.f32 v15;
	v4 =	vld.idx.msk [tilespmem:v4+s12+$0x0], $0xffff;
	v10 =	vbroadcast v10, $0x0;
	[tilespmem:s14+$0xFFFFFE00] =	vst v6;
	v6 =	vmul.f32 v13, v9  }
0xa3: {  	v13 =	vunpack.i.u.bf16.f32 v15;
	v15 =	vld.idx.msk [tilespmem:v2+s26+$0xFFFFFFE0 ss:$0x1], $0xffff;
	[tilespmem:s14+$0xFFFFFE80] =	vst v17;
	v17 =	vmul.f32 v18, v8  }
0xa4: {  	v13 =	vmul.f32 v13, v8;
	v18 =	vunpack.i.l.bf16.f32 v16;
	[tilespmem:s14+$0xFFFFFE90] =	vst v6  }
0xa5: {  	v19 =	vld.idx.msk [tilespmem:v2+s26+$0xFFFFFF50 ss:$0x1], $0xffff;
	v16 =	vunpack.i.u.bf16.f32 v16;
	[tilespmem:s14+$0xFFFFFF00] =	vst v17;
	v17 =	vmul.f32 v18, v7  }
0xa6: {  	[tilespmem:s14+$0xFFFFFF10] =	vst v13;
	v13 =	vmul.f32 v16, v7;
	v6 =	vld.idx.msk [tilespmem:v5+s12+$0x0], $0xffff;
	v5 =	vunpack.i.l.bf16.f32 v14  }
0xa7: {  	v16 =	vld.idx.msk [tilespmem:v2+s26+$0xFFFFFF90 ss:$0x1], $0xffff;
	v14 =	vunpack.i.u.bf16.f32 v14;
	v18 =	vmul.f32 v5, v4;
	[tilespmem:s14+$0xFFFFFF80] =	vst v17  }
0xa8: {  	[tilespmem:s14+$0xFFFFFF90] =	vst v13;
	v13 =	vunpack.i.l.bf16.f32 v15;
	v5 =	vld.idx.msk [tilespmem:v10+s12+$0x0], $0xffff;
	v10 =	vmul.f32 v14, v4  }
0xa9: {  	v15 =	vunpack.i.u.bf16.f32 v15;
	v13 =	vmul.f32 v13, v11;
	[tilespmem:s14+$0x0] =	vst v18  }
0xaa: {  	v17 =	vunpack.i.l.bf16.f32 v19;
	v14 =	vld.idx.msk [tilespmem:v2+s26+$0xFFFFFE60 ss:$0x1], $0xffff;
	[tilespmem:s14+$0x10] =	vst v10;
	v10 =	vmul.f32 v15, v11  }
0xab: {  	v15 =	vunpack.i.u.bf16.f32 v19;
	[tilespmem:s14+$0x1A0] =	vst v13;
	v17 =	vmul.f32 v17, v6  }
0xac: {  	v18 =	vld.idx.msk [tilespmem:v2+s26+$0xFFFFFEA0 ss:$0x1], $0xffff;
	v13 =	vunpack.i.l.bf16.f32 v16;
	v15 =	vmul.f32 v15, v6;
	[tilespmem:s14+$0x1B0] =	vst v10  }
0xad: {  	v10 =	vunpack.i.u.bf16.f32 v12;
	v12 =	vunpack.i.u.bf16.f32 v16;
	v13 =	vmul.f32 v13, v5;
	[tilespmem:s14+$0x80] =	vst v17  }
0xae: {  	v19 =	vld.idx.msk [tilespmem:v2+s26+$0xFFFFFEE0 ss:$0x1], $0xffff;
	v12 =	vmul.f32 v12, v5;
	[tilespmem:s14+$0x90] =	vst v15  }
0xaf: {  	v10 =	vmul.f32 v10, v3;
	v17 =	vunpack.i.l.bf16.f32 v14;
	[tilespmem:s14+$0x100] =	vst v13  }
0xb0: {  	v16 =	vld.idx.msk [tilespmem:v2+s26+$0xFFFFFF20 ss:$0x1], $0xffff;
	v14 =	vunpack.i.u.bf16.f32 v14;
	v15 =	vmul.f32 v17, v9;
	[tilespmem:s14+$0x110] =	vst v12  }
0xb1: {  	v17 =	vunpack.i.l.bf16.f32 v18;
	v13 =	vmul.f32 v14, v9;
	[tilespmem:s14+$0xFFFFFE10] =	vst v10  }
0xb2: {  	v20 =	vld.idx.msk [tilespmem:v2+s26+$0xFFFFFFF0 ss:$0x1], $0xffff;
	v14 =	vunpack.i.u.bf16.f32 v18;
	v17 =	vmul.f32 v17, v8;
	[tilespmem:s14+$0xFFFFFEA0] =	vst v15  }
0xb3: {  	s17 =	simm.s32 $0x9;
	s18 =	simm.s32 $0xA;
	v12 =	vmul.f32 v14, v8;
	v14 =	vunpack.i.u.bf16.f32 v19;
	v19 =	vunpack.i.l.bf16.f32 v19;
	[tilespmem:s14+$0xFFFFFEB0] =	vst v13  }
0xb4: {  	v24 =	vmov s17;
	v25 =	vmov s18;
	s17 =	simm.s32 $0xC;
	v18 =	vld.idx.msk [tilespmem:v2+s26+$0xFFFFFF60 ss:$0x1], $0xffff;
	v10 =	vmul.f32 v19, v7;
	[tilespmem:s14+$0xFFFFFF20] =	vst v17  }
0xb5: {  	v27 =	vmov s17;
	v14 =	vmul.f32 v14, v7;
	v19 =	vunpack.i.l.bf16.f32 v16;
	[tilespmem:s14+$0xFFFFFF30] =	vst v12  }
0xb6: {  	v24 =	vshrl.u32 v24, $0x3;
	v21 =	vld.idx.msk [tilespmem:v2+s26+$0xFFFFFFA0 ss:$0x1], $0xffff;
	v15 =	vunpack.i.u.bf16.f32 v16;
	v19 =	vmul.f32 v19, v4;
	[tilespmem:s14+$0xFFFFFFA0] =	vst v10  }
0xb7: {  	v59 =	vshrl.u32 v27, $0x3;
	s15 =	simm.s32 $0x8;
	v16 =	vld.idx.msk [tilespmem:v2+s26+$0xFFFFFE20 ss:$0x1], $0xffff;
	v13 =	vunpack.i.l.bf16.f32 v20;
	v15 =	vmul.f32 v15, v4;
	[tilespmem:s14+$0xFFFFFFB0] =	vst v14  }
0xb8: {  	v22 =	vmov s15;
	v17 =	vunpack.i.u.bf16.f32 v20;
	v13 =	vmul.f32 v13, v11;
	[tilespmem:s14+$0x20] =	vst v19  }
0xb9: {  	s16 =	simm.s32 $0xB;
	v20 =	vld.idx.msk [tilespmem:v2+s26+$0xFFFFFE70 ss:$0x1], $0xffff;
	v17 =	vmul.f32 v17, v11;
	v12 =	vunpack.i.u.bf16.f32 v18;
	v18 =	vunpack.i.l.bf16.f32 v18;
	[tilespmem:s14+$0x30] =	vst v15  }
0xba: {  	v22 =	vshrl.u32 v22, $0x3;
	v19 =	vld.idx.msk [tilespmem:v2+s26+$0xFFFFFEF0 ss:$0x1], $0xffff;
	v15 =	vmov s16;
	v18 =	vmul.f32 v18, v6;
	[tilespmem:s14+$0x1C0] =	vst v13  }
0xbb: {  	v12 =	vmul.f32 v12, v6;
	v13 =	vld.idx.msk [tilespmem:v2+s26+$0xFFFFFEB0 ss:$0x1], $0xffff;
	v23 =	vunpack.i.u.bf16.f32 v21;
	v21 =	vunpack.i.l.bf16.f32 v21;
	[tilespmem:s14+$0x1D0] =	vst v17  }
0xbc: {  	v17 =	vunpack.i.u.bf16.f32 v16;
	v16 =	vunpack.i.l.bf16.f32 v16;
	v10 =	vmul.f32 v21, v5;
	v21 =	vld.idx.msk [tilespmem:v2+s26+$0x0 ss:$0x1], $0xffff  }
0xbd: {  	v15 =	vshrl.u32 v15, $0x3;
	v14 =	vmul.f32 v23, v5;
	v16 =	vmul.f32 v16, v3;
	[tilespmem:s14+$0xA0] =	vst v18  }
0xbe: {  	v17 =	vmul.f32 v17, v3;
	v23 =	vunpack.i.u.bf16.f32 v20;
	v20 =	vunpack.i.l.bf16.f32 v20;
	v18 =	vld.idx.msk [tilespmem:v2+s26+$0xFFFFFF30 ss:$0x1], $0xffff;
	[tilespmem:s14+$0xB0] =	vst v12  }
0xbf: {  	v12 =	vshll.u32 v22, v1;
	v20 =	vmul.f32 v20, v9;
	v23 =	vmul.f32 v23, v9;
	[tilespmem:s14+$0x120] =	vst v10  }
0xc0: {  	[tilespmem:s14+$0xFFFFFE20] =	vst v16;
	v16 =	vunpack.i.l.bf16.f32 v19;
	v26 =	vunpack.i.u.bf16.f32 v13;
	v13 =	vunpack.i.l.bf16.f32 v13  }
0xc1: {  	[tilespmem:s14+$0x130] =	vst v14;
	v16 =	vmul.f32 v16, v7;
	v13 =	vmul.f32 v13, v8;
	v10 =	vunpack.i.l.bf16.f32 v21  }
0xc2: {  	[tilespmem:s14+$0xFFFFFE30] =	vst v17;
	v26 =	vmul.f32 v26, v8;
	v22 =	vunpack.i.u.bf16.f32 v21;
	v21 =	vld.idx.msk [tilespmem:v2+s26+$0xFFFFFF70 ss:$0x1], $0xffff;
	v10 =	vmul.f32 v10, v11  }
0xc3: {  	[tilespmem:s14+$0xFFFFFEC0] =	vst v20;
	v14 =	vmul.f32 v22, v11;
	v11 =	vbroadcast v12, $0x0;
	v12 =	vunpack.i.u.bf16.f32 v19  }
0xc4: {  	[tilespmem:s14+$0xFFFFFED0] =	vst v23;
	v19 =	vld.idx.msk [tilespmem:v2+s26+$0xFFFFFFB0 ss:$0x1], $0xffff;
	v17 =	vunpack.i.u.bf16.f32 v18;
	v18 =	vunpack.i.l.bf16.f32 v18;
	v12 =	vmul.f32 v12, v7  }
0xc5: {  	v60 =	vld.idx.msk [tilespmem:v2+s26+$0xFFFFFE80 ss:$0x1], $0xffff;
	v22 =	vshrl.u32 v25, $0x3;
	v18 =	vmul.f32 v18, v4;
	v17 =	vmul.f32 v17, v4;
	[tilespmem:s14+$0xFFFFFF40] =	vst v13  }
0xc6: {  	v22 =	vshll.u32 v22, v1;
	v13 =	vshll.u32 v15, v1;
	[tilespmem:s14+$0x1F0] =	vst v14;
	v14 =	vshll.u32 v24, v1  }
0xc7: {  	v20 =	vld.idx.msk [tilespmem:v2+s26+$0xFFFFFE30 ss:$0x1], $0xffff;
	[tilespmem:s14+$0xFFFFFF50] =	vst v26;
	v13 =	vadd.s32 $0x3, v13;
	v23 =	vunpack.i.u.bf16.f32 v21;
	v21 =	vunpack.i.l.bf16.f32 v21  }
0xc8: {  	[tilespmem:s14+$0xFFFFFFC0] =	vst v16;
	v62 =	vld.idx.msk [tilespmem:v2+s26+$0xFFFFFEC0 ss:$0x1], $0xffff;
	v14 =	vadd.s32 $0x1, v14;
	v13 =	vbroadcast v13, $0x0;
	v21 =	vmul.f32 v21, v6  }
0xc9: {  	[tilespmem:s14+$0xFFFFFFD0] =	vst v12;
	v23 =	vmul.f32 v23, v6;
	v15 =	vunpack.i.u.bf16.f32 v19;
	v19 =	vunpack.i.l.bf16.f32 v19  }
0xca: {  	[tilespmem:s14+$0x50] =	vst v17;
	v17 =	vunpack.i.l.bf16.f32 v60;
	v16 =	vmul.f32 v19, v5;
	v61 =	vmul.f32 v15, v5  }
0xcb: {  	v63 =	vld.idx.msk [tilespmem:v2+s26+$0xFFFFFF00 ss:$0x1], $0xffff;
	v15 =	vbroadcast v14, $0x0;
	v14 =	vadd.s32 $0x2, v22;
	v19 =	vshll.u32 v59, v1  }
0xcc: {  	[tilespmem:s14+$0x40] =	vst v18;
	v12 =	vbroadcast v14, $0x0;
	v14 =	vunpack.i.u.bf16.f32 v20;
	v20 =	vunpack.i.l.bf16.f32 v20  }
0xcd: {  	[tilespmem:s14+$0xC0] =	vst v21;
	v21 =	vunpack.i.l.bf16.f32 v62;
	v28 =	vmul.f32 v20, v3;
	v29 =	vmul.f32 v14, v3  }
0xce: {  	s18 =	simm.s32 $0xF;
	v18 =	vld.idx.msk [tilespmem:v2+s26+$0xFFFFFF40 ss:$0x1], $0xffff;
	[tilespmem:s14+$0xD0] =	vst v23;
	v14 =	vunpack.i.u.bf16.f32 v60;
	v20 =	vadd.s32 $0x4, v19;
	v19 =	vmul.f32 v17, v9  }
0xcf: {  	[tilespmem:s14+$0x140] =	vst v16;
	v16 =	vmov s18;
	v22 =	vmul.f32 v21, v8;
	v9 =	vmul.f32 v14, v9  }
0xd0: {  	v17 =	vld.idx.msk [tilespmem:v2+s26+$0xFFFFFF80 ss:$0x1], $0xffff;
	[tilespmem:s14+$0x150] =	vst v61;
	v14 =	vbroadcast v20, $0x0;
	v20 =	vunpack.i.u.bf16.f32 v62;
	v21 =	vunpack.i.u.bf16.f32 v63  }
0xd1: {  	v23 =	vunpack.i.l.bf16.f32 v63;
	v20 =	vmul.f32 v20, v8;
	v8 =	vshrl.u32 v16, $0x3;
	[tilespmem:s14+$0xFFFFFE40] =	vst v28;
	v16 =	vld.idx.msk [tilespmem:v2+s26+$0xFFFFFFC0 ss:$0x1], $0xffff  }
0xd2: {  	s9 =	smov.u32 s26;
	s16 =	simm.s32 $0x10;
	[tilespmem:s14+$0xFFFFFE50] =	vst v29;
	v23 =	vmul.f32 v23, v7;
	v21 =	vmul.f32 v21, v7;
	v8 =	vshll.u32 v8, v1  }
.LBB2_10:
0xd3: {  	p1 =	slt.u32 s16, $0x78;
	v7 =	vadd.s32 $0x7, v8;
	v24 =	vld.idx.msk [tilespmem:v2+s9+$0xFFFFFE40 ss:$0x1], $0xffff;
	[tilespmem:s14+$0xFFFFFEE0] =	vst v19;
	v8 =	vunpack.i.u.bf16.f32 v18;
	v18 =	vunpack.i.l.bf16.f32 v18  }
0xd4: {  	v19 =	vld.idx.msk [tilespmem:v11+s12+$0x0], $0xffff;
	v11 =	vbroadcast v7, $0x0;
	[tilespmem:s14+$0xFFFFFEF0] =	vst v9;
	v18 =	vmul.f32 v18, v4  }
0xd5: {  	s17 =	sadd.s32 $0x5, s15;
	v7 =	vunpack.i.l.bf16.f32 v17;
	v9 =	vld.idx.msk [tilespmem:v15+s12+$0x0], $0xffff;
	[tilespmem:s14+$0xFFFFFF60] =	vst v22;
	v15 =	vmul.f32 v8, v4;
	v4 =	vunpack.i.u.bf16.f32 v17  }
0xd6: {  	v17 =	vmul.f32 v7, v6;
	v8 =	vld.idx.msk [tilespmem:v12+s12+$0x0], $0xffff;
	v12 =	vmov s17;
	s17 =	sadd.s32 $0x6, s15;
	[tilespmem:s14+$0xFFFFFF70] =	vst v20;
	v6 =	vmul.f32 v4, v6;
	s15 =	smov.u32 s16  }
0xd7: {  	v20 =	vunpack.i.u.bf16.f32 v16;
	v16 =	vunpack.i.l.bf16.f32 v16;
	v7 =	vld.idx.msk [tilespmem:v13+s12+$0x0], $0xffff;
	v13 =	vmov s17;
	[tilespmem:s14+$0xFFFFFFE0] =	vst v23  }
0xd8: {  	s9 =	sadd.s32 $0x200, s9;
	v12 =	vshrl.u32 v12, $0x3;
	v4 =	vld.idx.msk [tilespmem:v14+s12+$0x0], $0xffff;
	[tilespmem:s14+$0xFFFFFFF0] =	vst v21;
	v14 =	vmul.f32 v16, v5;
	v5 =	vmul.f32 v20, v5  }
0xd9: {  	v12 =	vshll.u32 v12, v1;
	v20 =	vunpack.i.u.bf16.f32 v24;
	v21 =	vunpack.i.l.bf16.f32 v24;
	v16 =	vld.idx.msk [tilespmem:v2+s9+$0xFFFFFFD0 ss:$0x1], $0xffff;
	[tilespmem:s14+$0x60] =	vst v18  }
0xda: {  	v13 =	vshrl.u32 v13, $0x3;
	v18 =	vmul.f32 v21, v3;
	v20 =	vmul.f32 v20, v3;
	v11 =	vld.idx.msk [tilespmem:v11+s12+$0x0], $0xffff;
	[tilespmem:s14+$0x70] =	vst v15  }
0xdb: {  	v12 =	vadd.s32 $0x5, v12;
	v13 =	vshll.u32 v13, v1;
	v3 =	vmov v19;
	v15 =	vld.idx.msk [tilespmem:v2+s9+$0xFFFFFE10 ss:$0x1], $0xffff;
	[tilespmem:s14+$0xE0] =	vst v17  }
0xdc: {  	v12 =	vbroadcast v12, $0x0;
	v13 =	vadd.s32 $0x6, v13;
	v17 =	vld.idx.msk [tilespmem:v2+s9+$0xFFFFFE50 ss:$0x1], $0xffff;
	[tilespmem:s14+$0xF0] =	vst v6  }
0xdd: {  	v13 =	vbroadcast v13, $0x0;
	v19 =	vld.idx.msk [tilespmem:v2+s9+$0xFFFFFE90 ss:$0x1], $0xffff;
	[tilespmem:s14+$0x160] =	vst v14  }
0xde: {  	v14 =	vld.idx.msk [tilespmem:v2+s9+$0xFFFFFED0 ss:$0x1], $0xffff;
	[tilespmem:s14+$0x170] =	vst v5  }
0xdf: {  	v5 =	vunpack.i.l.bf16.f32 v16;
	v21 =	vld.idx.msk [tilespmem:v2+s9+$0xFFFFFF10 ss:$0x1], $0xffff;
	[tilespmem:s14+$0x1E0] =	vst v10  }
0xe0: {  	v6 =	vunpack.i.u.bf16.f32 v16;
	v5 =	vmul.f32 v5, v11;
	v10 =	vld.idx.msk [tilespmem:v2+s9+$0xFFFFFF50 ss:$0x1], $0xffff;
	[tilespmem:s14+$0xFFFFFE60] =	vst v18  }
0xe1: {  	v22 =	vmul.f32 v6, v11;
	v16 =	vunpack.i.u.bf16.f32 v15;
	v15 =	vunpack.i.l.bf16.f32 v15;
	v18 =	vld.idx.msk [tilespmem:v2+s9+$0xFFFFFF90 ss:$0x1], $0xffff;
	[tilespmem:s14+$0xFFFFFE70] =	vst v20;
	s14 =	sadd.s32 $0x400, s14  }
0xe2: {  	v15 =	vmul.f32 v15, v3;
	v20 =	vunpack.i.u.bf16.f32 v17;
	v17 =	vunpack.i.l.bf16.f32 v17;
	v6 =	vld.idx.msk [tilespmem:v12+s12+$0x0], $0xffff;
	[tilespmem:s14+$0x180] =	vst v5  }
0xe3: {  	v12 =	vmul.f32 v17, v9;
	v17 =	vunpack.i.u.bf16.f32 v19;
	v19 =	vunpack.i.l.bf16.f32 v19;
	v5 =	vld.idx.msk [tilespmem:v13+s12+$0x0], $0xffff;
	[tilespmem:s14+$0x190] =	vst v22  }
0xe4: {  	v13 =	vmul.f32 v20, v9;
	[tilespmem:s14+$0xFFFFFE00] =	vst v15;
	v15 =	vunpack.i.u.bf16.f32 v14;
	v14 =	vunpack.i.l.bf16.f32 v14;
	v20 =	vld.idx.msk [tilespmem:v2+s9+$0xFFFFFFE0 ss:$0x1], $0xffff  }
0xe5: {  	[tilespmem:s14+$0xFFFFFE80] =	vst v12;
	v12 =	vmul.f32 v19, v8;
	v19 =	vunpack.i.u.bf16.f32 v21;
	v21 =	vunpack.i.l.bf16.f32 v21  }
0xe6: {  	[tilespmem:s14+$0xFFFFFE90] =	vst v13;
	v13 =	vmul.f32 v17, v8;
	v17 =	vunpack.i.u.bf16.f32 v10;
	v10 =	vunpack.i.l.bf16.f32 v10  }
0xe7: {  	v22 =	vld.idx.msk [tilespmem:v2+s9+$0xFFFFFE60 ss:$0x1], $0xffff;
	[tilespmem:s14+$0xFFFFFF00] =	vst v12;
	v12 =	vmul.f32 v14, v7;
	v14 =	vunpack.i.u.bf16.f32 v18;
	v18 =	vunpack.i.l.bf16.f32 v18  }
0xe8: {  	[tilespmem:s14+$0xFFFFFF10] =	vst v13;
	v13 =	vmul.f32 v15, v7;
	v15 =	vmul.f32 v21, v4  }
0xe9: {  	v10 =	vmul.f32 v10, v6;
	v21 =	vld.idx.msk [tilespmem:v2+s9+$0xFFFFFEA0 ss:$0x1], $0xffff;
	[tilespmem:s14+$0xFFFFFF80] =	vst v12;
	v12 =	vmul.f32 v19, v4  }
0xea: {  	[tilespmem:s14+$0xFFFFFF90] =	vst v13;
	v13 =	vmul.f32 v17, v6;
	v17 =	vmul.f32 v18, v5;
	v18 =	vunpack.i.l.bf16.f32 v20  }
0xeb: {  	v14 =	vmul.f32 v14, v5;
	v19 =	vld.idx.msk [tilespmem:v2+s9+$0xFFFFFEE0 ss:$0x1], $0xffff;
	[tilespmem:s14+$0x0] =	vst v15;
	v15 =	vunpack.i.u.bf16.f32 v20;
	v18 =	vmul.f32 v18, v11  }
0xec: {  	v16 =	vmul.f32 v16, v3;
	[tilespmem:s14+$0x10] =	vst v12;
	v12 =	vmul.f32 v15, v11  }
0xed: {  	v15 =	vunpack.i.u.bf16.f32 v22;
	v20 =	vunpack.i.l.bf16.f32 v22;
	v22 =	vld.idx.msk [tilespmem:v2+s9+$0xFFFFFF20 ss:$0x1], $0xffff;
	[tilespmem:s14+$0x1A0] =	vst v18  }
0xee: {  	v18 =	vmul.f32 v20, v9;
	v15 =	vmul.f32 v15, v9;
	[tilespmem:s14+$0x1B0] =	vst v12  }
0xef: {  	v12 =	vunpack.i.u.bf16.f32 v21;
	v20 =	vunpack.i.l.bf16.f32 v21;
	[tilespmem:s14+$0x80] =	vst v10;
	v10 =	vld.idx.msk [tilespmem:v2+s9+$0xFFFFFFF0 ss:$0x1], $0xffff  }
0xf0: {  	v20 =	vmul.f32 v20, v8;
	v12 =	vmul.f32 v12, v8;
	[tilespmem:s14+$0x90] =	vst v13  }
0xf1: {  	v13 =	vunpack.i.u.bf16.f32 v19;
	v19 =	vunpack.i.l.bf16.f32 v19;
	v21 =	vld.idx.msk [tilespmem:v2+s9+$0xFFFFFF60 ss:$0x1], $0xffff;
	[tilespmem:s14+$0x100] =	vst v17  }
0xf2: {  	v17 =	vmul.f32 v19, v7;
	v13 =	vmul.f32 v13, v7;
	[tilespmem:s14+$0x110] =	vst v14  }
0xf3: {  	v14 =	vunpack.i.u.bf16.f32 v22;
	[tilespmem:s14+$0xFFFFFE10] =	vst v16;
	v16 =	vunpack.i.l.bf16.f32 v22;
	v19 =	vld.idx.msk [tilespmem:v2+s9+$0xFFFFFFA0 ss:$0x1], $0xffff  }
0xf4: {  	v14 =	vmul.f32 v14, v4;
	v22 =	vld.idx.msk [tilespmem:v2+s9+$0xFFFFFE20 ss:$0x1], $0xffff;
	[tilespmem:s14+$0xFFFFFEA0] =	vst v18;
	v16 =	vmul.f32 v16, v4  }
0xf5: {  	[tilespmem:s14+$0xFFFFFEB0] =	vst v15;
	v15 =	vunpack.i.l.bf16.f32 v10  }
0xf6: {  	v10 =	vunpack.i.u.bf16.f32 v10;
	v18 =	vld.idx.msk [tilespmem:v2+s9+$0xFFFFFE70 ss:$0x1], $0xffff;
	[tilespmem:s14+$0xFFFFFF20] =	vst v20;
	v15 =	vmul.f32 v15, v11  }
0xf7: {  	v20 =	vunpack.i.l.bf16.f32 v21;
	v10 =	vmul.f32 v10, v11;
	[tilespmem:s14+$0xFFFFFF30] =	vst v12;
	v12 =	vunpack.i.u.bf16.f32 v21  }
0xf8: {  	v21 =	vmov s16;
	v20 =	vmul.f32 v20, v6;
	v23 =	vld.idx.msk [tilespmem:v2+s9+$0xFFFFFEB0 ss:$0x1], $0xffff;
	v12 =	vmul.f32 v12, v6;
	[tilespmem:s14+$0x1C0] =	vst v15  }
0xf9: {  	v15 =	vshrl.u32 v21, $0x3;
	v21 =	vunpack.i.u.bf16.f32 v19;
	v19 =	vunpack.i.l.bf16.f32 v19;
	[tilespmem:s14+$0x1D0] =	vst v10  }
0xfa: {  	s17 =	sadd.s32 $0x1, s16;
	v10 =	vunpack.i.u.bf16.f32 v22;
	v22 =	vunpack.i.l.bf16.f32 v22;
	[tilespmem:s14+$0xFFFFFFA0] =	vst v17;
	v17 =	vmul.f32 v19, v5;
	v19 =	vld.idx.msk [tilespmem:v2+s9+$0x0 ss:$0x1], $0xffff  }
0xfb: {  	v24 =	vmov s17;
	v22 =	vmul.f32 v22, v3;
	[tilespmem:s14+$0xFFFFFFB0] =	vst v13;
	v13 =	vmul.f32 v21, v5  }
0xfc: {  	s17 =	sadd.s32 $0x2, s16;
	v21 =	vmul.f32 v10, v3;
	v10 =	vunpack.i.u.bf16.f32 v18;
	v18 =	vunpack.i.l.bf16.f32 v18;
	v25 =	vld.idx.msk [tilespmem:v2+s9+$0xFFFFFEF0 ss:$0x1], $0xffff;
	[tilespmem:s14+$0x20] =	vst v16  }
0xfd: {  	v16 =	vmov s17;
	s17 =	sadd.s32 $0x3, s16;
	v18 =	vmul.f32 v18, v9;
	v26 =	vmul.f32 v10, v9;
	[tilespmem:s14+$0x30] =	vst v14  }
0xfe: {  	v14 =	vmov s17;
	s17 =	sadd.s32 $0x4, s16;
	v10 =	vunpack.i.u.bf16.f32 v23;
	v23 =	vunpack.i.l.bf16.f32 v23;
	v27 =	vld.idx.msk [tilespmem:v2+s9+$0xFFFFFF30 ss:$0x1], $0xffff;
	[tilespmem:s14+$0xA0] =	vst v20  }
0xff: {  	v20 =	vmov s17;
	v23 =	vmul.f32 v23, v8;
	v28 =	vmul.f32 v10, v8;
	[tilespmem:s14+$0xB0] =	vst v12  }
0x100: {  	v12 =	vshll.u32 v15, v1;
	v10 =	vunpack.i.l.bf16.f32 v19;
	v15 =	vld.idx.msk [tilespmem:v2+s9+$0xFFFFFF70 ss:$0x1], $0xffff;
	[tilespmem:s14+$0x120] =	vst v17;
	v17 =	vunpack.i.u.bf16.f32 v19  }
0x101: {  	v19 =	vshrl.u32 v24, $0x3;
	v10 =	vmul.f32 v10, v11;
	[tilespmem:s14+$0x130] =	vst v13;
	v13 =	vmul.f32 v17, v11  }
0x102: {  	v11 =	vbroadcast v12, $0x0;
	v12 =	vunpack.i.u.bf16.f32 v25;
	v17 =	vunpack.i.l.bf16.f32 v25;
	[tilespmem:s14+$0xFFFFFE20] =	vst v22;
	v22 =	vld.idx.msk [tilespmem:v2+s9+$0xFFFFFFB0 ss:$0x1], $0xffff  }
0x103: {  	v16 =	vshrl.u32 v16, $0x3;
	v17 =	vmul.f32 v17, v7;
	v12 =	vmul.f32 v12, v7;
	[tilespmem:s14+$0x1F0] =	vst v13  }
0x104: {  	v13 =	vshll.u32 v19, v1;
	v19 =	vunpack.i.u.bf16.f32 v27;
	[tilespmem:s14+$0xFFFFFE30] =	vst v21;
	v21 =	vunpack.i.l.bf16.f32 v27  }
0x105: {  	v14 =	vshrl.u32 v14, $0x3;
	v19 =	vmul.f32 v19, v4;
	v24 =	vld.idx.msk [tilespmem:v2+s9+$0xFFFFFE30 ss:$0x1], $0xffff;
	[tilespmem:s14+$0xFFFFFEC0] =	vst v18;
	v18 =	vmul.f32 v21, v4  }
0x106: {  	v16 =	vshll.u32 v16, v1;
	v21 =	vunpack.i.u.bf16.f32 v15;
	v15 =	vunpack.i.l.bf16.f32 v15;
	[tilespmem:s14+$0xFFFFFED0] =	vst v26  }
0x107: {  	v20 =	vshrl.u32 v20, $0x3;
	v21 =	vmul.f32 v21, v6;
	v25 =	vld.idx.msk [tilespmem:v2+s9+$0xFFFFFE80 ss:$0x1], $0xffff;
	[tilespmem:s14+$0xFFFFFF40] =	vst v23;
	v23 =	vmul.f32 v15, v6  }
0x108: {  	v14 =	vshll.u32 v14, v1;
	v15 =	vunpack.i.u.bf16.f32 v22;
	v22 =	vunpack.i.l.bf16.f32 v22;
	[tilespmem:s14+$0xFFFFFF50] =	vst v28  }
0x109: {  	v13 =	vadd.s32 $0x1, v13;
	v22 =	vmul.f32 v22, v5;
	v27 =	vmul.f32 v15, v5;
	v26 =	vld.idx.msk [tilespmem:v2+s9+$0xFFFFFEC0 ss:$0x1], $0xffff;
	[tilespmem:s14+$0xFFFFFFC0] =	vst v17  }
0x10a: {  	v15 =	vbroadcast v13, $0x0;
	v13 =	vadd.s32 $0x2, v16;
	v16 =	vshll.u32 v20, v1;
	[tilespmem:s14+$0xFFFFFFD0] =	vst v12  }
0x10b: {  	v12 =	vbroadcast v13, $0x0;
	v13 =	vunpack.i.u.bf16.f32 v24;
	v17 =	vunpack.i.l.bf16.f32 v24;
	v24 =	vld.idx.msk [tilespmem:v2+s9+$0xFFFFFF00 ss:$0x1], $0xffff;
	[tilespmem:s14+$0x40] =	vst v18  }
0x10c: {  	v14 =	vadd.s32 $0x3, v14;
	v28 =	vmul.f32 v17, v3;
	v29 =	vmul.f32 v13, v3;
	[tilespmem:s14+$0x50] =	vst v19  }
0x10d: {  	v13 =	vbroadcast v14, $0x0;
	v14 =	vunpack.i.u.bf16.f32 v25;
	v17 =	vunpack.i.l.bf16.f32 v25;
	v18 =	vld.idx.msk [tilespmem:v2+s9+$0xFFFFFF40 ss:$0x1], $0xffff;
	[tilespmem:s14+$0xC0] =	vst v23  }
.Ltmp5:
0x10e: {  	v16 =	vadd.s32 $0x4, v16;
	v19 =	vmul.f32 v17, v9;
	v9 =	vmul.f32 v14, v9;
	[tilespmem:s14+$0xD0] =	vst v21;
	(pc) =	sbr.rel @p1 .LBB2_10-.Ltmp5, $4  }
0x10f: {  	s17 =	sadd.s32 $0x7, s16;
	v14 =	vbroadcast v16, $0x0;
	v16 =	vunpack.i.u.bf16.f32 v26;
	v20 =	vunpack.i.l.bf16.f32 v26;
	v17 =	vld.idx.msk [tilespmem:v2+s9+$0xFFFFFF80 ss:$0x1], $0xffff;
	[tilespmem:s14+$0x140] =	vst v22  }
0x110: {  	v21 =	vmov s17;
	v22 =	vmul.f32 v20, v8;
	v20 =	vmul.f32 v16, v8;
	[tilespmem:s14+$0x150] =	vst v27  }
0x111: {  	v8 =	vshrl.u32 v21, $0x3;
	v21 =	vunpack.i.u.bf16.f32 v24;
	v23 =	vunpack.i.l.bf16.f32 v24;
	[tilespmem:s14+$0xFFFFFE40] =	vst v28;
	v16 =	vld.idx.msk [tilespmem:v2+s9+$0xFFFFFFC0 ss:$0x1], $0xffff  }
0x112: {  	s16 =	sadd.s32 $0x8, s16;
	v8 =	vshll.u32 v8, v1;
	v23 =	vmul.f32 v23, v7;
	v21 =	vmul.f32 v21, v7;
	[tilespmem:s14+$0xFFFFFE50] =	vst v29  }
0x113: {  	[tilespmem:s14+$0xFFFFFEE0] =	vst v19  }
0x114: {  	[tilespmem:s14+$0xFFFFFEF0] =	vst v9  }
0x115: {  	[tilespmem:s14+$0xFFFFFF60] =	vst v22  }
0x116: {  	[tilespmem:s14+$0xFFFFFF70] =	vst v20  }
0x117: {  	v29 =	vunpack.i.l.bf16.f32 v18;
	[tilespmem:s14+$0x1E0] =	vst v10  }
0x118: {  	v7 =	vadd.s32 $0x7, v8;
	v30 =	vunpack.i.u.bf16.f32 v18;
	v31 =	vld.idx.msk [tilespmem:v2+s9+$0xFFFFFE40 ss:$0x1], $0xffff;
	v8 =	vmul.f32 v29, v4;
	[tilespmem:s14+$0xFFFFFFE0] =	vst v23  }
0x119: {  	s18 =	sadd.s32 $0x200, s9;
	s16 =	sadd.s32 $0x5, s15;
	v7 =	vbroadcast v7, $0x0;
	v9 =	vmul.f32 v30, v4;
	v32 =	vunpack.i.l.bf16.f32 v17;
	[tilespmem:s14+$0xFFFFFFF0] =	vst v21;
	v4 =	vld.idx.msk [tilespmem:v11+s12+$0x0], $0xffff  }
0x11a: {  	v33 =	vunpack.i.u.bf16.f32 v17;
	v40 =	vmov s16;
	s16 =	sadd.s32 $0x6, s15;
	v41 =	vld.idx.msk [tilespmem:v2+s18+$0xFFFFFE10 ss:$0x1], $0xffff;
	v34 =	vmul.f32 v32, v6;
	[tilespmem:s14+$0x60] =	vst v8  }
0x11b: {  	v37 =	vld.idx.msk [tilespmem:v2+s18+$0xFFFFFFD0 ss:$0x1], $0xffff;
	v35 =	vmul.f32 v33, v6;
	v42 =	vmov s16;
	v36 =	vunpack.i.l.bf16.f32 v16;
	[tilespmem:s14+$0x70] =	vst v9  }
0x11c: {  	v44 =	vld.idx.msk [tilespmem:v2+s18+$0xFFFFFE50 ss:$0x1], $0xffff;
	v38 =	vunpack.i.u.bf16.f32 v16;
	v8 =	vshrl.u32 v42, $0x3;
	v39 =	vmul.f32 v36, v5;
	[tilespmem:s14+$0xE0] =	vst v34  }
0x11d: {  	v9 =	vmul.f32 v38, v5;
	[tilespmem:s14+$0xF0] =	vst v35;
	v5 =	vld.idx.msk [tilespmem:v15+s12+$0x0], $0xffff;
	v8 =	vshll.u32 v8, v1;
	v43 =	vunpack.i.l.bf16.f32 v31  }
0x11e: {  	v48 =	vld.idx.msk [tilespmem:v2+s18+$0xFFFFFE90 ss:$0x1], $0xffff;
	v45 =	vunpack.i.u.bf16.f32 v31;
	v59 =	vadd.s32 $0x6, v8;
	[tilespmem:s14+$0x160] =	vst v39;
	v46 =	vmul.f32 v43, v3  }
0x11f: {  	[tilespmem:s14+$0x170] =	vst v9;
	v47 =	vmul.f32 v45, v3;
	v3 =	vld.idx.msk [tilespmem:v12+s12+$0x0], $0xffff;
	v54 =	vunpack.i.l.bf16.f32 v41;
	v11 =	vbroadcast v59, $0x0  }
0x120: {  	v38 =	vunpack.i.u.bf16.f32 v41;
	v6 =	vld.idx.msk [tilespmem:v7+s12+$0x0], $0xffff;
	v7 =	vshrl.u32 v40, $0x3;
	v57 =	vmul.f32 v54, v4;
	[tilespmem:s14+$0xFFFFFE60] =	vst v46  }
0x121: {  	s17 =	sadd.s32 $0x400, s14;
	v60 =	vld.idx.msk [tilespmem:v2+s18+$0xFFFFFF10 ss:$0x1], $0xffff;
	v58 =	vunpack.i.l.bf16.f32 v44;
	v40 =	vmul.f32 v38, v4;
	v7 =	vshll.u32 v7, v1;
	[tilespmem:s14+$0xFFFFFE70] =	vst v47  }
0x122: {  	v61 =	vunpack.i.u.bf16.f32 v44;
	v50 =	vadd.s32 $0x5, v7;
	v7 =	vld.idx.msk [tilespmem:v13+s12+$0x0], $0xffff;
	v13 =	vmul.f32 v58, v5;
	[tilespmem:s17+$0xFFFFFE00] =	vst v57  }
0x123: {  	v8 =	vld.idx.msk [tilespmem:v14+s12+$0x0], $0xffff;
	v62 =	vunpack.i.l.bf16.f32 v48;
	v63 =	vmul.f32 v61, v5;
	[tilespmem:s17+$0xFFFFFE10] =	vst v40  }
0x124: {  	v53 =	vld.idx.msk [tilespmem:v2+s18+$0xFFFFFED0 ss:$0x1], $0xffff;
	v15 =	vunpack.i.u.bf16.f32 v48;
	[tilespmem:s17+$0xFFFFFE80] =	vst v13;
	v21 =	vmul.f32 v62, v3  }
0x125: {  	v27 =	vld.idx.msk [tilespmem:v2+s18+$0xFFFFFF90 ss:$0x1], $0xffff;
	v49 =	vunpack.i.l.bf16.f32 v37;
	[tilespmem:s17+$0xFFFFFE90] =	vst v63;
	v23 =	vmul.f32 v15, v3  }
0x126: {  	v51 =	vunpack.i.u.bf16.f32 v37;
	v52 =	vmul.f32 v49, v6;
	v10 =	vld.idx.msk [tilespmem:v11+s12+$0x0], $0xffff;
	[tilespmem:s17+$0xFFFFFF00] =	vst v21  }
0x127: {  	v26 =	vunpack.i.l.bf16.f32 v60;
	v56 =	vbroadcast v50, $0x0;
	v55 =	vmul.f32 v51, v6;
	v32 =	vld.idx.msk [tilespmem:v2+s18+$0xFFFFFE60 ss:$0x1], $0xffff;
	[tilespmem:s17+$0xFFFFFF10] =	vst v23  }
0x128: {  	v16 =	vunpack.i.u.bf16.f32 v60;
	v14 =	vmul.f32 v26, v8;
	[tilespmem:s17+$0x180] =	vst v52;
	v36 =	vld.idx.msk [tilespmem:v2+s18+$0xFFFFFEA0 ss:$0x1], $0xffff  }
0x129: {  	v22 =	vunpack.i.l.bf16.f32 v53;
	v28 =	vmul.f32 v16, v8;
	[tilespmem:s17+$0x190] =	vst v55  }
0x12a: {  	v12 =	vunpack.i.u.bf16.f32 v53;
	[tilespmem:s17+$0x0] =	vst v14;
	v25 =	vmul.f32 v22, v7;
	v18 =	vld.idx.msk [tilespmem:v2+s18+$0xFFFFFFE0 ss:$0x1], $0xffff  }
0x12b: {  	v37 =	vunpack.i.u.bf16.f32 v27;
	[tilespmem:s17+$0x10] =	vst v28;
	v12 =	vmul.f32 v12, v7  }
0x12c: {  	v24 =	vld.idx.msk [tilespmem:v2+s18+$0xFFFFFF50 ss:$0x1], $0xffff;
	[tilespmem:s17+$0xFFFFFF80] =	vst v25;
	v11 =	vmul.f32 v37, v10;
	v16 =	vunpack.i.u.bf16.f32 v32  }
0x12d: {  	v9 =	vld.idx.msk [tilespmem:v56+s12+$0x0], $0xffff;
	[tilespmem:s17+$0xFFFFFF90] =	vst v12;
	v43 =	vmul.f32 v16, v5;
	v44 =	vunpack.i.l.bf16.f32 v36  }
0x12e: {  	v56 =	vld.idx.msk [tilespmem:v2+s18+$0xFFFFFE20 ss:$0x1], $0xffff;
	[tilespmem:s17+$0x110] =	vst v11;
	v15 =	vunpack.i.u.bf16.f32 v36;
	v16 =	vmul.f32 v44, v3  }
0x12f: {  	v29 =	vunpack.i.l.bf16.f32 v18;
	v46 =	vmul.f32 v15, v3;
	[tilespmem:s17+$0xFFFFFEB0] =	vst v43  }
0x130: {  	v30 =	vunpack.i.u.bf16.f32 v18;
	v12 =	vmul.f32 v29, v6;
	[tilespmem:s17+$0xFFFFFF20] =	vst v16  }
0x131: {  	v31 =	vunpack.i.l.bf16.f32 v24;
	v42 =	vld.idx.msk [tilespmem:v2+s18+$0xFFFFFEE0 ss:$0x1], $0xffff;
	v33 =	vmul.f32 v30, v6;
	[tilespmem:s17+$0xFFFFFF30] =	vst v46  }
0x132: {  	v34 =	vunpack.i.u.bf16.f32 v24;
	v45 =	vld.idx.msk [tilespmem:v2+s18+$0xFFFFFF20 ss:$0x1], $0xffff;
	v14 =	vmul.f32 v31, v9;
	[tilespmem:s17+$0x1A0] =	vst v12  }
0x133: {  	v13 =	vmul.f32 v34, v9;
	v20 =	vunpack.i.l.bf16.f32 v56;
	[tilespmem:s17+$0x1B0] =	vst v33  }
0x134: {  	v35 =	vunpack.i.l.bf16.f32 v27;
	v21 =	vmul.f32 v20, v4;
	[tilespmem:s17+$0x80] =	vst v14  }
0x135: {  	v41 =	vunpack.i.l.bf16.f32 v32;
	v12 =	vmul.f32 v35, v10;
	[tilespmem:s17+$0x90] =	vst v13  }
0x136: {  	v50 =	vunpack.i.l.bf16.f32 v42;
	v14 =	vmul.f32 v41, v5;
	v63 =	vld.idx.msk [tilespmem:v2+s18+$0xFFFFFEB0 ss:$0x1], $0xffff;
	[tilespmem:s17+$0xFFFFFE20] =	vst v21  }
0x137: {  	v52 =	vmul.f32 v50, v7;
	v13 =	vunpack.i.u.bf16.f32 v45;
	v39 =	vld.idx.msk [tilespmem:v2+s18+$0xFFFFFFF0 ss:$0x1], $0xffff;
	[tilespmem:s17+$0x100] =	vst v12  }
0x138: {  	v13 =	vmul.f32 v13, v8;
	[tilespmem:s17+$0xFFFFFEA0] =	vst v14;
	v12 =	vunpack.i.u.bf16.f32 v42  }
0x139: {  	v55 =	vunpack.i.l.bf16.f32 v45;
	v48 =	vld.idx.msk [tilespmem:v2+s18+$0xFFFFFF60 ss:$0x1], $0xffff;
	[tilespmem:s17+$0xFFFFFFA0] =	vst v52;
	v54 =	vmul.f32 v12, v7  }
0x13a: {  	v14 =	vunpack.i.u.bf16.f32 v56;
	v12 =	vmul.f32 v55, v8;
	[tilespmem:s17+$0x30] =	vst v13  }
0x13b: {  	v53 =	vld.idx.msk [tilespmem:v2+s18+$0xFFFFFFA0 ss:$0x1], $0xffff;
	v14 =	vmul.f32 v14, v4;
	[tilespmem:s17+$0xFFFFFFB0] =	vst v54;
	v30 =	vunpack.i.u.bf16.f32 v63  }
0x13c: {  	[tilespmem:s17+$0x20] =	vst v12;
	v47 =	vunpack.i.l.bf16.f32 v39;
	v32 =	vmul.f32 v30, v3  }
0x13d: {  	v60 =	vld.idx.msk [tilespmem:v2+s18+$0xFFFFFE70 ss:$0x1], $0xffff;
	[tilespmem:s17+$0xFFFFFE30] =	vst v14;
	v49 =	vunpack.i.u.bf16.f32 v39;
	v11 =	vmul.f32 v47, v6  }
0x13e: {  	v57 =	vunpack.i.l.bf16.f32 v48;
	v51 =	vmul.f32 v49, v6;
	[tilespmem:s17+$0xFFFFFF50] =	vst v32  }
0x13f: {  	v58 =	vunpack.i.u.bf16.f32 v48;
	v59 =	vmul.f32 v57, v9;
	[tilespmem:s17+$0x1C0] =	vst v11  }
0x140: {  	v23 =	vld.idx.msk [tilespmem:v2+s18+$0xFFFFFEF0 ss:$0x1], $0xffff;
	v61 =	vunpack.i.l.bf16.f32 v53;
	[tilespmem:s17+$0x1D0] =	vst v51;
	v11 =	vmul.f32 v58, v9  }
0x141: {  	v28 =	vld.idx.msk [tilespmem:v2+s18+$0xFFFFFF30 ss:$0x1], $0xffff;
	v62 =	vunpack.i.u.bf16.f32 v53;
	v16 =	vmul.f32 v61, v10;
	[tilespmem:s17+$0xA0] =	vst v59  }
0x142: {  	v25 =	vunpack.i.l.bf16.f32 v60;
	v13 =	vmul.f32 v62, v10;
	[tilespmem:s17+$0xB0] =	vst v11  }
0x143: {  	v26 =	vunpack.i.u.bf16.f32 v60;
	v27 =	vmul.f32 v25, v5;
	[tilespmem:s17+$0x120] =	vst v16  }
0x144: {  	v29 =	vunpack.i.l.bf16.f32 v63;
	v18 =	vld.idx.msk [tilespmem:v2+s18+$0x0 ss:$0x1], $0xffff;
	[tilespmem:s17+$0x130] =	vst v13;
	v11 =	vmul.f32 v26, v5  }
0x145: {  	v13 =	vmul.f32 v29, v3;
	[tilespmem:s17+$0xFFFFFEC0] =	vst v27;
	v33 =	vunpack.i.l.bf16.f32 v23  }
0x146: {  	v37 =	vunpack.i.u.bf16.f32 v28;
	v31 =	vld.idx.msk [tilespmem:v2+s18+$0xFFFFFF70 ss:$0x1], $0xffff;
	v14 =	vmul.f32 v33, v7;
	[tilespmem:s17+$0xFFFFFED0] =	vst v11  }
0x147: {  	v34 =	vunpack.i.u.bf16.f32 v23;
	v12 =	vmul.f32 v37, v8;
	[tilespmem:s17+$0xFFFFFF40] =	vst v13  }
0x148: {  	v36 =	vunpack.i.l.bf16.f32 v28;
	v35 =	vld.idx.msk [tilespmem:v2+s18+$0xFFFFFFB0 ss:$0x1], $0xffff;
	v11 =	vmul.f32 v34, v7;
	[tilespmem:s17+$0xFFFFFFC0] =	vst v14  }
0x149: {  	v13 =	vmul.f32 v36, v8;
	[tilespmem:s17+$0x50] =	vst v12;
	v22 =	vunpack.i.u.bf16.f32 v18  }
0x14a: {  	v38 =	vld.idx.msk [tilespmem:v2+s18+$0xFFFFFE30 ss:$0x1], $0xffff;
	[tilespmem:s17+$0xFFFFFFD0] =	vst v11;
	v61 =	vunpack.i.l.bf16.f32 v18;
	v24 =	vmul.f32 v22, v6  }
0x14b: {  	[tilespmem:s17+$0x40] =	vst v13;
	v62 =	vmul.f32 v61, v6;
	v39 =	vunpack.i.l.bf16.f32 v31  }
0x14c: {  	v41 =	vld.idx.msk [tilespmem:v2+s18+$0xFFFFFE80 ss:$0x1], $0xffff;
	v40 =	vunpack.i.u.bf16.f32 v31;
	[tilespmem:s17+$0x1F0] =	vst v24;
	v14 =	vmul.f32 v39, v9  }
0x14d: {  	v42 =	vunpack.i.l.bf16.f32 v35;
	v11 =	vmul.f32 v40, v9;
	[tilespmem:s17+$0x1E0] =	vst v62  }
0x14e: {  	v44 =	vld.idx.msk [tilespmem:v2+s18+$0xFFFFFEC0 ss:$0x1], $0xffff;
	v43 =	vunpack.i.u.bf16.f32 v35;
	v13 =	vmul.f32 v42, v10;
	[tilespmem:s17+$0xC0] =	vst v14  }
0x14f: {  	v45 =	vunpack.i.l.bf16.f32 v38;
	v12 =	vmul.f32 v43, v10;
	[tilespmem:s17+$0xD0] =	vst v11  }
0x150: {  	v46 =	vunpack.i.u.bf16.f32 v38;
	v47 =	vld.idx.msk [tilespmem:v2+s18+$0xFFFFFF00 ss:$0x1], $0xffff;
	v14 =	vmul.f32 v45, v4;
	[tilespmem:s17+$0x140] =	vst v13  }
0x151: {  	v48 =	vunpack.i.l.bf16.f32 v41;
	v11 =	vmul.f32 v46, v4;
	[tilespmem:s17+$0x150] =	vst v12  }
0x152: {  	v50 =	vld.idx.msk [tilespmem:v2+s18+$0xFFFFFF40 ss:$0x1], $0xffff;
	v49 =	vunpack.i.u.bf16.f32 v41;
	v13 =	vmul.f32 v48, v5;
	[tilespmem:s17+$0xFFFFFE40] =	vst v14  }
0x153: {  	v51 =	vunpack.i.l.bf16.f32 v44;
	v5 =	vmul.f32 v49, v5;
	[tilespmem:s17+$0xFFFFFE50] =	vst v11  }
0x154: {  	v52 =	vunpack.i.u.bf16.f32 v44;
	v12 =	vmul.f32 v51, v3;
	v53 =	vld.idx.msk [tilespmem:v2+s18+$0xFFFFFF80 ss:$0x1], $0xffff;
	[tilespmem:s17+$0xFFFFFEE0] =	vst v13  }
0x155: {  	v3 =	vmul.f32 v52, v3;
	v54 =	vunpack.i.l.bf16.f32 v47;
	[tilespmem:s17+$0xFFFFFEF0] =	vst v5  }
0x156: {  	v55 =	vunpack.i.u.bf16.f32 v47;
	v56 =	vld.idx.msk [tilespmem:v2+s18+$0xFFFFFFC0 ss:$0x1], $0xffff;
	v11 =	vmul.f32 v54, v7;
	[tilespmem:s17+$0xFFFFFF60] =	vst v12  }
0x157: {  	v57 =	vunpack.i.l.bf16.f32 v50;
	v5 =	vmul.f32 v55, v7;
	[tilespmem:s17+$0xFFFFFF70] =	vst v3  }
0x158: {  	v3 =	vunpack.i.u.bf16.f32 v50;
	v7 =	vmul.f32 v57, v8;
	v2 =	vld.idx.msk [tilespmem:v2+s18+$0xFFFFFE40 ss:$0x1], $0xffff;
	[tilespmem:s17+$0xFFFFFFE0] =	vst v11  }
0x159: {  	v3 =	vmul.f32 v3, v8;
	[tilespmem:s17+$0xFFFFFFF0] =	vst v5;
	v58 =	vunpack.i.l.bf16.f32 v53  }
0x15a: {  	[tilespmem:s17+$0x60] =	vst v7;
	v59 =	vunpack.i.u.bf16.f32 v53;
	v8 =	vmul.f32 v58, v9  }
0x15b: {  	[tilespmem:s17+$0x70] =	vst v3;
	v60 =	vunpack.i.l.bf16.f32 v56;
	v5 =	vmul.f32 v59, v9  }
0x15c: {  	s4 =	sadd.s32 $0x1, s4;
	v3 =	vunpack.i.u.bf16.f32 v56;
	v7 =	vmul.f32 v60, v10;
	[tilespmem:s17+$0xE0] =	vst v8  }
0x15d: {  	p1 =	sne.s32 s4, $0x58;
	v3 =	vmul.f32 v3, v10;
	v63 =	vunpack.i.l.bf16.f32 v2;
	[tilespmem:s17+$0xF0] =	vst v5  }
.Ltmp6:
0x15e: {  	v2 =	vunpack.i.u.bf16.f32 v2;
	[tilespmem:s17+$0x160] =	vst v7;
	v6 =	vmul.f32 v63, v4;
	(pc) =	sbr.rel @p1 .LBB2_4-.Ltmp6, $4  }
0x15f: {  	[tilespmem:s17+$0x170] =	vst v3;
	v2 =	vmul.f32 v2, v4  }
0x160: {  	s18 =	sadd.s32 s11, s10;
	[tilespmem:s17+$0xFFFFFE60] =	vst v6  }
0x161: {  	s26 =	sadd.s32 $0x2000, s26;
	s9 =	sadd.s32 $0x14080, s18;
	[tilespmem:s17+$0xFFFFFE70] =	vst v2  }
0x162: {  	[spmem:s3] =	stream.indirect.scatter.add.f32 [tilespmem:s29], [sflag:$0x4], $0x80, s9, s31, $0xb8;
	[tilespmem:$0x1F080] =	vst v63  }
0x163: {  	_ =	swait.ge [sflag:s30], $0x4000  }
0x164: {  	[sflag:s30] =	ssyncset.done $0x0  }
0x165: {  	[sflag:s30] =	ssyncadd.s32 $0xFFFFC000  }
0x166: {  	s4 =	sshrl.u32 @p0 s13, $0x3;
	s9 =	simm.s32 @p0 $0x1FC5;
	[bflag:$0x0] =	sbarrier.arrive $0xFFFF  }
0x167: {  	[hbm:s23], [sflag:s9] =	dma.local @p0 [spmem:s4], $0x2800  }
0x168: {  	s4 =	simm.s32 @p0 $0x5  }
0x169: {  	s9 =	stileid.u32;
	_ =	swait.ge @p0 [sflag:s4], $0x2800  }
0x16a: {  	s2 =	sadd.s32 $0x1, s2;
	s9 =	sshll.u32 @!p0 s9, $0x6;
	[sflag:s4] =	ssyncset.done @p0 $0x0  }
0x16b: {  	p1 =	sne.s32 s2, s24;
	[sflag:s4] =	ssyncadd.s32 @p0 $0xFFFFD800;
	s4 =	sor.u32 @!p0 $0x1C05, s9  }
0x16c: {  	[hbm:s19], [sflag:s4] =	dma.local @!p0 [spmem:s25], $0x2700  }
.Ltmp7:
0x16d: {  	_ = 	snop;
	(pc) =	sbr.rel @p1 .LBB2_1-.Ltmp7, $4  }
0x16e: {  	s4 =	simm.s32 @!p0 $0x5  }
0x16f: {  	_ =	swait.ge @!p0 [sflag:s4], $0x2700  }
0x170: {  	[sflag:s4] =	ssyncset.done @!p0 $0x0  }
0x171: {  	[sflag:s4] =	ssyncadd.s32 @!p0 $0xFFFFD900  }
0x172: {  	_ =	sfence.sel $0x180000  }
0x173: {  	[bflag:$0x0] =	sbarrier.arrive $0xFFFF  }
0x174: {  	_ =	strace $0x9000004A  }
0x175: {  	s0 =	stileid.u32;
	[bflag:$0x2] =	sbarrier.arrive $0xFFFF  }
0x176: {  	p0 =	sne.s32 s0, $0x0;
	s0 =	rddreg [dreg:$0x3]  }
0x177: {  	s0 =	sadd.s32 @!p0 $0x100000, s0  }
0x178: {  	[sflag:s0] =	ssyncadd.tile.s32 @!p0 $0x1;
	_ =	shalt  }
.Lfunc_end2:
_tile_overlayer_lowered:
.L_overlay_start_2:
0x179: {  	(tag) =	ssettag $0x2  }
0x17a: {  	s0 =	rddreg [dreg:$0x0];
	s2 =	stileid.u32  }
0x17b: {  	s1 =	rddreg [dreg:$0x1];
	p0 =	sne.s32 s2, $0x0  }
0x17c: {  	s3 =	rddreg [dreg:$0x2];
	[bflag:$0x3] =	sbarrier.arrive $0xFFFF;
	s2 =	simm.s32 @!p0 $0x1C05  }
0x17d: {  	[timem:s3], [sflag:s2] =	dma.local @!p0 [hbm:s0], s1  }
0x17e: {  	s0 =	simm.s32 @!p0 $0x5  }
0x17f: {  	_ =	swait.ge @!p0 [sflag:s0], s1  }
0x180: {  	s1 =	ssub.s32 @!p0 $0x0, s1;
	[sflag:s0] =	ssyncset.done @!p0 $0x0  }
0x181: {  	[sflag:s0] =	ssyncadd.s32 @!p0 s1  }
0x182: {  	[bflag:$0x3] =	sbarrier.arrive $0xFFFF  }
0x183: {  	_ =	shalt  }

// kernel: kernel.14.cloned.1.call-start
scs
__scs_entry_jumppad:
0x0: {  	(pc) =	sbr.rel $0x88, $3  }
0x1: {  	(tag) =	ssettag $0x0;
	lr =	simm.s32 $0x1  }
0x2: {  	[smem:$0x3F9A] =	sst lr;
	_ =	strace $0xD0000000  }
0x3: {  	_ = 	snop  }
0x4: {  	_ = 	snop  }
0x5: {  	_ = 	snop  }
0x6: {  	_ = 	snop  }
0x7: {  	_ = 	snop  }
__scs_overlays_trampoline_lowered:
0x8: {  	[smem:$0x3FA9] =	sst s0  }
0x9: {  	[smem:$0x3FAA] =	sst s1  }
0xa: {  	[smem:$0x3FAB] =	sst s2  }
0xb: {  	[smem:$0x3FAC] =	sst s3  }
0xc: {  	[smem:$0x3FAD] =	sst s4  }
0xd: {  	[smem:$0x3FAE] =	sst s5  }
0xe: {  	[smem:$0x3FAF] =	sst s6  }
0xf: {  	[smem:$0x3FB0] =	sst s7  }
0x10: {  	[smem:$0x3FB1] =	sst s8  }
0x11: {  	[smem:$0x3FB2] =	sst s9;
	s0 =	simm.s32 @!p0 $0x0  }
0x12: {  	s1 =	sld [smem:$0x3F98];
	s0 =	simm.s32 @p0 $0x1  }
0x13: {  	[smem:$0x3FB3] =	sst s0;
	s0 =	simm.s32 @!p1 $0x0  }
0x14: {  	s2 =	sld [smem:$0x3F97];
	s0 =	simm.s32 @p1 $0x1  }
0x15: {  	[smem:$0x3FB4] =	sst s0;
	s0 =	simm.s32 @!p2 $0x0  }
0x16: {  	s3 =	sld [smem:$0x3FDB];
	s0 =	simm.s32 @p2 $0x1  }
0x17: {  	s4 =	simm.s32 $0x1BF5;
	[smem:$0x3FB6] =	sst s0  }
0x18: {  	s0 =	sld [smem:$0x3F99];
	_ =	swait.ge [sflag:s4], $0x0  }
0x19: {  	s7 =	sld [smem:$0x3F9A]  }
0x1a: {  	s8 =	sadd.s32 $0xFFFFE003, lr  }
0x1b: {  	s9 =	sadd.s32 $0xFFFFFEF7, lr;
	s5 =	simm.s32 $0xFFFFFFFF;
	p2 =	slt.u32 s8, $0xFFFFF086  }
0x1c: {  	p1 =	slt.u32 s9, $0xF7A;
	s5 =	simm.s32 @!p2 $0x0  }
0x1d: {  	s5 =	simm.s32 @p1 $0x1;
	p0 =	seq.s32 s7, s2  }
0x1e: {  	s7 =	smul.u32 @!p0 $0xF7A, s2;
	p2 =	seq.s32 @!p0 s5, $0x0  }
0x1f: {  	s9 =	smul.u32 $0xF7A, s1;
	s8 =	simm.s32 @!p0 $0x1BF5;
	p2 =	por !p2, p0  }
0x20: {  	[sflag:s8] =	ssyncset.s32 @!p0 $0xFFFFF086;
	s6 =	sadd.s32 @!p0 s3, s7;
	s7 =	simm.s32 @!p0 $0x108  }
0x21: {  	s3 =	sadd.s32 s3, s9;
	s6 =	sadd.s32 @!p0 $0x88, s6;
	s7 =	simm.s32 @p2 $0x1082  }
0x22: {  	[simem:s7], [sflag:s8] =	dma.local @!p0 [hbm:s6], $0xF7A  }
0x23: {  	s9 =	sor.u32 $0xD0000000, s2;
	s6 =	simm.s32 $0x108;
	_ =	swait.ge @!p0 [sflag:s8], $0x0  }
0x24: {  	s3 =	sadd.s32 $0x88, s3;
	s6 =	simm.s32 @!p1 $0x1082;
	[sflag:s4] =	ssyncset.s32 $0xFFFFF086  }
0x25: {  	[simem:s6], [sflag:s4] =	dma.local [hbm:s3], $0xF7A  }
0x26: {  	[smem:$0x3F9A] =	sst s1;
	(tag) =	ssettag s2;
	_ =	strace s9  }
0x27: {  	s1 =	sld [smem:$0x3FAA]  }
0x28: {  	s2 =	sld [smem:$0x3FAB]  }
0x29: {  	s4 =	sld [smem:$0x3FAD]  }
0x2a: {  	p0 =	seq.s32 s5, $0x0;
	s5 =	sld [smem:$0x3FAE]  }
0x2b: {  	s6 =	sld [smem:$0x3FAF]  }
0x2c: {  	s7 =	sld [smem:$0x3FB0]  }
0x2d: {  	s3 =	simm.s32 $0x108;
	s8 =	sld [smem:$0x3FB1]  }
0x2e: {  	s3 =	simm.s32 @!p0 $0x1082;
	s9 =	sld [smem:$0x3FB2]  }
0x2f: {  	lr =	sadd.s32 s0, s3;
	s0 =	sld [smem:$0x3FA9]  }
0x30: {  	s3 =	sld [smem:$0x3FAC]  }
0x31: {  	[smem:$0x3FB5] =	sst s10  }
0x32: {  	s10 =	sld [smem:$0x3FB3];
	_ =	sdelay $0x3  }
0x33: {  	p0 =	seq.s32 s10, $0x1;
	s10 =	sld [smem:$0x3FB5];
	_ =	sdelay $0x3  }
0x34: {  	[smem:$0x3FB5] =	sst s10  }
0x35: {  	s10 =	sld [smem:$0x3FB4];
	_ =	sdelay $0x3  }
0x36: {  	p1 =	seq.s32 s10, $0x1;
	s10 =	sld [smem:$0x3FB5];
	_ =	sdelay $0x3  }
0x37: {  	[smem:$0x3FB5] =	sst s10  }
0x38: {  	s10 =	sld [smem:$0x3FB6]  }
0x39: {  	_ = 	snop;
	(pc) =	sbr.ind lr, $3  }
0x3a: {  	_ = 	snop  }
0x3b: {  	_ = 	snop  }
0x3c: {  	p2 =	seq.s32 s10, $0x1;
	s10 =	sld [smem:$0x3FB5]  }
0x3d: {  	_ =	shalt  }
0x3e: {  	_ =	shalt  }
0x3f: {  	_ =	shalt  }
0x40: {  	_ =	shalt  }
0x41: {  	_ =	shalt  }
0x42: {  	_ =	shalt  }
0x43: {  	_ =	shalt  }
0x44: {  	_ =	shalt  }
0x45: {  	_ =	shalt  }
0x46: {  	_ =	shalt  }
0x47: {  	_ =	shalt  }
0x48: {  	_ =	shalt  }
0x49: {  	_ =	shalt  }
0x4a: {  	_ =	shalt  }
0x4b: {  	_ =	shalt  }
0x4c: {  	_ =	shalt  }
0x4d: {  	_ =	shalt  }
0x4e: {  	_ =	shalt  }
0x4f: {  	_ =	shalt  }
0x50: {  	_ =	shalt  }
0x51: {  	_ =	shalt  }
0x52: {  	_ =	shalt  }
0x53: {  	_ =	shalt  }
0x54: {  	_ =	shalt  }
0x55: {  	_ =	shalt  }
0x56: {  	_ =	shalt  }
0x57: {  	_ =	shalt  }
0x58: {  	_ =	shalt  }
0x59: {  	_ =	shalt  }
0x5a: {  	_ =	shalt  }
0x5b: {  	_ =	shalt  }
0x5c: {  	_ =	shalt  }
0x5d: {  	_ =	shalt  }
0x5e: {  	_ =	shalt  }
0x5f: {  	_ =	shalt  }
0x60: {  	_ =	shalt  }
0x61: {  	_ =	shalt  }
0x62: {  	_ =	shalt  }
0x63: {  	_ =	shalt  }
0x64: {  	_ =	shalt  }
0x65: {  	_ =	shalt  }
0x66: {  	_ =	shalt  }
0x67: {  	_ =	shalt  }
0x68: {  	_ =	shalt  }
0x69: {  	_ =	shalt  }
0x6a: {  	_ =	shalt  }
0x6b: {  	_ =	shalt  }
0x6c: {  	_ =	shalt  }
0x6d: {  	_ =	shalt  }
0x6e: {  	_ =	shalt  }
0x6f: {  	_ =	shalt  }
0x70: {  	_ =	shalt  }
0x71: {  	_ =	shalt  }
0x72: {  	_ =	shalt  }
0x73: {  	_ =	shalt  }
0x74: {  	_ =	shalt  }
0x75: {  	_ =	shalt  }
0x76: {  	_ =	shalt  }
0x77: {  	_ =	shalt  }
0x78: {  	_ =	shalt  }
0x79: {  	_ =	shalt  }
0x7a: {  	_ =	shalt  }
0x7b: {  	_ =	shalt  }
0x7c: {  	_ =	shalt  }
0x7d: {  	_ =	shalt  }
0x7e: {  	_ =	shalt  }
0x7f: {  	_ =	shalt  }
0x80: {  	_ =	shalt  }
0x81: {  	_ =	shalt  }
0x82: {  	_ =	shalt  }
0x83: {  	_ =	shalt  }
0x84: {  	_ =	shalt  }
0x85: {  	_ =	shalt  }
0x86: {  	_ =	shalt  }
0x87: {  	_ =	shalt  }
.Lfunc_end0:
.L_simem_size_0:
called_computation.2_lowered:
.L_overlay_start_0:
0x88: {  	s2 =	sld [smem:$0x3FD9]  }
0x89: {  	s3 =	sld [smem:$0x3FFE];
	_ =	sdelay $0x1  }
0x8a: {  	s1 =	srdreg.scid  }
0x8b: {  	s0 =	sand.u32 $0x1, s1  }
0x8c: {  	s17 =	sshll.u32 s0, $0xA;
	s2 =	sadd.s32 s3, s2  }
0x8d: {  	s2 =	sadd.s32 s2, s17  }
0x8e: {  	[smem:$0x3FC1] =	sst s2  }
0x8f: {  	_ = 	snop  }
0x90: {  	s2 =	sld [smem:$0x3FD0];
	(tm) =	ssettm $0x1  }
0x91: {  	s18 =	sld [smem:$0x3FFB];
	_ =	sdelay $0x3  }
0x92: {  	_ =	strace s18  }
0x93: {  	s3 =	sld [smem:$0x3FFC];
	_ =	sdelay $0x3  }
0x94: {  	_ =	strace s3  }
0x95: {  	s3 =	sld [smem:$0x3FFD];
	_ =	sdelay $0x3  }
0x96: {  	_ =	strace s3  }
0x97: {  	_ =	strace $0x8FFFFFFF  }
0x98: {  	s19 =	sld [smem:$0x3FDB];
	_ =	sdelay $0x1  }
0x99: {  	s4 =	simm.s32 $_scs_section_size  }
0x9a: {  	s5 =	simm.s32 $_size__tile_overlayer_lowered;
	s6 =	simm.s32 $_tile_overlayer_lowered  }
0x9b: {  	s22 =	simm.s32 $0x1BFF;
	s21 =	sshll.u32 s6, $0x1;
	s3 =	sadd.s32 s4, s19  }
0x9c: {  	s7 =	simm.s32 $0x0;
	s20 =	sshll.u32 s5, $0x1;
	s5 =	sadd.s32 s21, s3  }
0x9d: {  	[timem:s7], [sflag:s22] =	dma.local [hbm:s5], s20  }
0x9e: {  	_ =	swait.ge [sflag:s22], s20  }
0x9f: {  	s4 =	ssub.s32 $0x0, s20;
	[sflag:s22] =	ssyncset.done $0x0  }
0xa0: {  	[sflag:s22] =	ssyncadd.s32 s4;
	_ =	sdelay $0x1  }
0xa1: {  	s23 =	simm.s32 $0x1B8B  }
0xa2: {  	_ =	swait.ge [sflag:s23], $0x1  }
0xa3: {  	[sflag:s23] =	ssyncset.done $0x0  }
0xa4: {  	s25 =	simm.s32 $0x1B8E;
	s24 =	sld [smem:$0x3FFE];
	[sflag:s23] =	ssyncadd.s32 $0xFFFFFFFF  }
0xa5: {  	s26 =	simm.s32 $execute0_lowered;
	[smem:$0x3FD2] =	sst s25  }
0xa6: {  	s5 =	sshll.u32 s26, $0x1;
	_ =	strace $0x8000004C;
	[dreg:$0x1] =	wrdreg $0xFFFFFFFF  }
0xa7: {  	s28 =	simm.s32 $_size_execute0_lowered;
	s3 =	sadd.s32 s3, s5;
	[dreg:$0x0] =	wrdreg $0x0  }
0xa8: {  	s5 =	sshll.u32 s28, $0x1;
	[dreg:$0x2] =	wrdreg s3  }
0xa9: {  	[dreg:$0x3] =	wrdreg s5  }
0xaa: {  	[dreg:$0x4] =	wrdreg $0xC0  }
0xab: {  	_ =	task [dreg:s7], $0x5FFFF  }
0xac: {  	[dreg:$0x1] =	wrdreg $0xFFFFFFFF  }
0xad: {  	[dreg:$0x0] =	wrdreg $0x60  }
0xae: {  	[dreg:$0x2] =	wrdreg s2  }
0xaf: {  	[dreg:$0x3] =	wrdreg s24  }
0xb0: {  	[dreg:$0x4] =	wrdreg $0x0  }
0xb1: {  	[dreg:$0x5] =	wrdreg $0x9  }
0xb2: {  	_ =	task.clear_ibuf [dreg:s7], $0x6FFFF;
	_ =	strace $0x9000004C  }
0xb3: {  	s29 =	simm.s32 $0x9;
	_ =	strace $0x8000004E  }
0xb4: {  	_ =	swait.ge [sflag:s29], $0x1  }
0xb5: {  	[sflag:s29] =	ssyncadd.s32 $0xFFFFFFFF  }
0xb6: {  	_ =	strace $0x9000004E  }
0xb7: {  	_ =	sfence  }
0xb8: {  	s30 =	sld [smem:$0x0];
	_ =	sdelay $0x2  }
0xb9: {  	s31 =	sshll.u32 s1, $0xD;
	s1 =	sshrl.u32 s1, $0x2  }
0xba: {  	s3 =	sand.u32 $0x4000, s31;
	s1 =	sadd.s32 s1, s30  }
0xbb: {  	s0 =	sor.u32 s3, s0;
	s1 =	sshll.u32 s1, $0x11  }
0xbc: {  	s0 =	sor.u32 s1, s0  }
0xbd: {  	s0 =	sadd.s32 $0x8F2B, s0  }
0xbe: {  	[sflag:s0] =	ssyncadd.remote.s32 $0x1  }
0xbf: {  	_ =	sfence.sel $0xFFFF  }
0xc0: {  	[dreg:$0x0] =	wrdreg $0xFFFFFFFF;
	(pc) =	sbr.abs _section_cstart, $3  }
0xc1: {  	[dreg:$0x1] =	wrdreg $0xFFFFFFFF  }
0xc2: {  	_ =	task.clear_ibuf [dreg:s7], $0x2FFFF;
	_ =	strace $0x9FFFFFFF  }
0xc3: {  	(tm) =	ssettm $0x7FFFFFFF  }
tec
execute0_lowered:
.L_overlay_start_1:
0x0: {  	(tag) =	ssettag $0x1  }
0x1: {  	s1 =	rddreg [dreg:$0x0]  }
0x2: {  	s0 =	rddreg [dreg:$0x1]  }
0x3: {  	s3 =	rddreg [dreg:$0x2];
	s2 =	simm.s32 $0x0;
	s14 =	stileid.u32  }
0x4: {  	s13 =	srdreg.scid;
	s28 =	simm.s32 $0x5;
	s31 =	simm.s32 $0x80  }
0x5: {  	s29 =	simm.s32 $0x1B080;
	s30 =	simm.s32 $0x4;
	[smem:$0x7FF] =	sst s2  }
0x6: {  	s4 =	smul.u32 $0x4E000, s14;
	s5 =	sadd.s32 $0x1200, s0;
	s6 =	sadd.s32 $0xC200, s0  }
0x7: {  	s7 =	sadd.s32 $0x22200, s0;
	s0 =	sadd.s32 $0x2D200, s0;
	s11 =	smul.u32 $0x13800, s14  }
0x8: {  	s2 =	sand.u32 $0x1, s13;
	s13 =	sadd.s32 $0x124800, s3;
	s12 =	sadd.s32 $0x128800, s3  }
0x9: {  	s21 =	sshll.u32 s14, $0x1;
	s22 =	sadd.s32 $0x12C800, s3;
	s25 =	sadd.s32 $0x134800, s3  }
0xa: {  	_ =	strace $0x8000004D;
	s9 =	ssub.s32 $0x2, s2;
	[dreg:$0x8] =	wrdreg s12  }
0xb: {  	s18 =	smul.u32 $0x138800, s2;
	s2 =	sor.u32 s2, s21;
	[dreg:$0x9] =	wrdreg s22  }
0xc: {  	p0 =	seq.s32 s14, $0xF;
	[dreg:$0xb] =	wrdreg s25;
	s23 =	smul.u32 $0x580, s2  }
0xd: {  	s4 =	sshrl.u32 s4, $0x2;
	s10 =	sshrl.u32 s9, $0x1;
	s22 =	smul.u32 $0x2C00, s2  }
0xe: {  	s2 =	sadd.s32 s11, s3;
	s8 =	sadd.s32 s4, s3;
	s4 =	ssub.s32 s9, s10  }
0xf: {  	s24 =	sadd.s32 s11, s18;
	s9 =	sshrl.u32 s18, $0x3;
	s15 =	sadd.s32 $0x4000, s8  }
0x10: {  	s25 =	sshrl.u32 @!p0 s2, $0x3;
	s16 =	sadd.s32 $0x8000, s8;
	[dreg:$0x4] =	wrdreg s15  }
0x11: {  	s2 =	simm.s32 $0x0;
	s17 =	sadd.s32 $0xC000, s8;
	[dreg:$0x5] =	wrdreg s16  }
0x12: {  	s20 =	sadd.s32 $0x10000, s8;
	s12 =	sshrl.u32 s24, $0x3;
	[dreg:$0x6] =	wrdreg s17  }
0x13: {  	s26 =	sadd.s32 s5, s23;
	s21 =	sadd.s32 s7, s23;
	[dreg:$0x7] =	wrdreg s20  }
0x14: {  	s24 =	smax.u32 s4, $0x1;
	s15 =	sadd.s32 $0x130800, s3;
	[dreg:$0xc] =	wrdreg s26  }
0x15: {  	v1 =	vimm.s32 $0x0;
	vm0 =	vcmask $0x300;
	s19 =	sadd.s32 s0, s12;
	s0 =	sadd.s32 s0, s9;
	s20 =	sadd.s32 s6, s23  }
0x16: {  	v0 =	vimm.f32 $0.0e+00;
	v1 =	vsel vm0, $0x3, v1;
	[dreg:$0xa] =	wrdreg s15;
	s23 =	sadd.s32 $0x24900, s0;
	s0 =	simm.s32 $0x3  }
.LBB2_1:
0x17: {  	s9 =	simm.s32 $0x0  }
0x18: {  	s4 =	sand.u32 $0xFE00, s9  }
0x19: {  	s9 =	sand.u32 $0x70, s9;
	s10 =	sshrl.u32 s4, $0x2  }
0x1a: {  	s4 =	simm.s32 $0x40;
	s10 =	sor.u32 s9, s10;
	s9 =	simm.s32 $0x0  }
.LBB2_2:
0x1b: {  	p1 =	sne.s32 s4, $0xFFC0  }
0x1c: {  	[tilespmem:s10+$0x1B080] =	vst v0;
	s9 =	sadd.s32 $0x10, s9;
	s10 =	smov.u32 s4;
	s4 =	sadd.s32 $0x40, s4  }
.Ltmp0:
0x1d: {  	(pc) =	sbr.rel @p1 .LBB2_2-.Ltmp0, $4  }
0x1e: {  	_ = 	snop  }
0x1f: {  	s10 =	sand.u32 $0xFE00, s10  }
0x20: {  	s11 =	sand.u32 $0x70, s9;
	s10 =	sshrl.u32 s10, $0x2  }
0x21: {  	s10 =	sor.u32 s11, s10  }
0x22: {  	[tilespmem:s10+$0x1B080] =	vst v0;
	s4 =	simm.s32 @p0 $0x1B080;
	s9 =	simm.s32 @p0 $0x5  }
0x23: {  	[spmem:s13] =	stream.linear.scatter @p0 [tilespmem:s4], [sflag:$0x5], $0x4000, $0x38;
	[tilespmem:$0x1F080] =	vst v63  }
0x24: {  	_ =	swait.ge @p0 [sflag:s9], $0x4000  }
0x25: {  	[sflag:s9] =	ssyncset.done @p0 $0x0  }
0x26: {  	s10 =	rddreg [dreg:$0x8];
	[sflag:s9] =	ssyncadd.s32 @p0 $0xFFFFC000  }
0x27: {  	[spmem:s10] =	stream.linear.scatter @p0 [tilespmem:s4], [sflag:$0x5], $0x4000, $0x38;
	[tilespmem:$0x1F080] =	vst v63  }
0x28: {  	_ =	swait.ge @p0 [sflag:s9], $0x4000  }
0x29: {  	[sflag:s9] =	ssyncset.done @p0 $0x0  }
0x2a: {  	s10 =	rddreg [dreg:$0x9];
	[sflag:s9] =	ssyncadd.s32 @p0 $0xFFFFC000  }
0x2b: {  	[spmem:s10] =	stream.linear.scatter @p0 [tilespmem:s4], [sflag:$0x5], $0x4000, $0x38;
	[tilespmem:$0x1F080] =	vst v63  }
0x2c: {  	_ =	swait.ge @p0 [sflag:s9], $0x4000  }
0x2d: {  	[sflag:s9] =	ssyncset.done @p0 $0x0  }
0x2e: {  	s10 =	rddreg [dreg:$0xa];
	[sflag:s9] =	ssyncadd.s32 @p0 $0xFFFFC000  }
0x2f: {  	[spmem:s10] =	stream.linear.scatter @p0 [tilespmem:s4], [sflag:$0x5], $0x4000, $0x38;
	[tilespmem:$0x1F080] =	vst v63  }
0x30: {  	_ =	swait.ge @p0 [sflag:s9], $0x4000  }
0x31: {  	[sflag:s9] =	ssyncset.done @p0 $0x0  }
0x32: {  	s10 =	rddreg [dreg:$0xb];
	[sflag:s9] =	ssyncadd.s32 @p0 $0xFFFFC000  }
0x33: {  	[spmem:s10] =	stream.linear.scatter @p0 [tilespmem:s4], [sflag:$0x5], $0x4000, $0x38;
	[tilespmem:$0x1F080] =	vst v63  }
0x34: {  	_ =	swait.ge @p0 [sflag:s9], $0x4000  }
0x35: {  	[sflag:s9] =	ssyncset.done @p0 $0x0  }
0x36: {  	s4 =	simm.s32 @!p0 $0x1B080;
	[sflag:s9] =	ssyncadd.s32 @p0 $0xFFFFC000;
	s9 =	simm.s32 @!p0 $0x5  }
0x37: {  	[spmem:s8] =	stream.linear.scatter @!p0 [tilespmem:s4], [sflag:$0x5], $0x4000, $0x38;
	[tilespmem:$0x1F080] =	vst v63  }
0x38: {  	_ =	swait.ge @!p0 [sflag:s9], $0x4000  }
0x39: {  	[sflag:s9] =	ssyncset.done @!p0 $0x0  }
0x3a: {  	s10 =	rddreg [dreg:$0x4];
	[sflag:s9] =	ssyncadd.s32 @!p0 $0xFFFFC000  }
0x3b: {  	[spmem:s10] =	stream.linear.scatter @!p0 [tilespmem:s4], [sflag:$0x5], $0x4000, $0x38;
	[tilespmem:$0x1F080] =	vst v63  }
0x3c: {  	_ =	swait.ge @!p0 [sflag:s9], $0x4000  }
0x3d: {  	[sflag:s9] =	ssyncset.done @!p0 $0x0  }
0x3e: {  	s10 =	rddreg [dreg:$0x5];
	[sflag:s9] =	ssyncadd.s32 @!p0 $0xFFFFC000  }
0x3f: {  	[spmem:s10] =	stream.linear.scatter @!p0 [tilespmem:s4], [sflag:$0x5], $0x4000, $0x38;
	[tilespmem:$0x1F080] =	vst v63  }
0x40: {  	_ =	swait.ge @!p0 [sflag:s9], $0x4000  }
0x41: {  	[sflag:s9] =	ssyncset.done @!p0 $0x0  }
0x42: {  	s10 =	rddreg [dreg:$0x6];
	[sflag:s9] =	ssyncadd.s32 @!p0 $0xFFFFC000  }
0x43: {  	[spmem:s10] =	stream.linear.scatter @!p0 [tilespmem:s4], [sflag:$0x5], $0x4000, $0x38;
	[tilespmem:$0x1F080] =	vst v63  }
0x44: {  	_ =	swait.ge @!p0 [sflag:s9], $0x4000  }
0x45: {  	[sflag:s9] =	ssyncset.done @!p0 $0x0  }
0x46: {  	s10 =	rddreg [dreg:$0x7];
	[sflag:s9] =	ssyncadd.s32 @!p0 $0xFFFFC000  }
0x47: {  	[spmem:s10] =	stream.linear.scatter @!p0 [tilespmem:s4], [sflag:$0x5], $0x3800, $0x38;
	[tilespmem:$0x1F080] =	vst v63  }
0x48: {  	_ =	swait.ge @!p0 [sflag:s9], $0x3800  }
0x49: {  	[sflag:s9] =	ssyncset.done @!p0 $0x0  }
0x4a: {  	[sflag:s9] =	ssyncadd.s32 @!p0 $0xFFFFC800  }
0x4b: {  	[bflag:$0x0] =	sbarrier.arrive $0xFFFF  }
0x4c: {  	s14 =	simm.s32 $0x13880;
	s4 =	simm.s32 $0x0;
	s12 =	rddreg [dreg:$0xc]  }
0x4d: {  	[tilespmem:s14], [sflag:$0x5] =	stream.linear.gather [hbm4b:s12+s4], $0x400, $0x38;
	[tilespmem:$0x1F080] =	vst v63  }
0x4e: {  	_ =	swait.ge [sflag:s28], $0x400  }
0x4f: {  	[sflag:s28] =	ssyncset.done $0x0  }
0x50: {  	s15 =	simm.s32 $0x14080;
	[sflag:s28] =	ssyncadd.s32 $0xFFFFFC00  }
0x51: {  	[tilespmem:s15], [sflag:$0x5] =	stream.linear.gather [hbm4b:s20+s4], $0x400, $0x38;
	[tilespmem:$0x1F080] =	vst v63  }
0x52: {  	_ =	swait.ge [sflag:s28], $0x400  }
0x53: {  	[sflag:s28] =	ssyncset.done $0x0  }
0x54: {  	s16 =	simm.s32 $0x14880;
	[sflag:s28] =	ssyncadd.s32 $0xFFFFFC00  }
0x55: {  	[tilespmem:s16], [sflag:$0x5] =	stream.linear.gather [hbm4b:s21+s4], $0x400, $0x38;
	[tilespmem:$0x1F080] =	vst v63  }
0x56: {  	_ =	swait.ge [sflag:s28], $0x400  }
0x57: {  	[sflag:s28] =	ssyncset.done $0x0  }
0x58: {  	s17 =	simm.s32 $0x15080;
	[sflag:s28] =	ssyncadd.s32 $0xFFFFFC00  }
0x59: {  	[tilespmem:s17], [sflag:$0x3] =	stream.indirect.gather [hbm4b:s1+s31], $0x40, s14, s31, $0xb8;
	[tilespmem:$0x1F080] =	vst v63  }
0x5a: {  	s18 =	simm.s32 $0x13900;
	s26 =	simm.s32 $0x17080  }
0x5b: {  	[tilespmem:s26], [sflag:$0x3] =	stream.indirect.gather [hbm4b:s1+s31], $0x40, s18, s31, $0xb8;
	[tilespmem:$0x1F080] =	vst v63  }
0x5c: {  	s26 =	simm.s32 $0x15270  }
.LBB2_4:
0x5d: {  	s9 =	sand.u32 $0x7, s4;
	p1 =	sgt.u32 s4, $0x55  }
0x5e: {  	p2 =	sne.s32 @!p1 s9, $0x6  }
0x5f: {  	p2 =	por p1, p2  }
.Ltmp1:
0x60: {  	_ = 	snop;
	(pc) =	sbr.rel @p2 .LBB2_6-.Ltmp1, $4  }
0x61: {  	_ = 	snop  }
0x62: {  	_ =	swait.ge [sflag:s0], $0x2000  }
0x63: {  	[sflag:s0] =	ssyncset.done $0x0  }
0x64: {  	s10 =	sshrl.u32 s4, $0x3;
	[sflag:s0] =	ssyncadd.s32 $0xFFFFE000  }
0x65: {  	s11 =	sxor.u32 $0xFFFFFFFF, s10  }
0x66: {  	s11 =	sand.u32 $0x1, s11  }
0x67: {  	s11 =	sadd.s32 $0x1, s11  }
0x68: {  	_ =	swait.ge [sflag:s11], $0x400  }
0x69: {  	[sflag:s11] =	ssyncset.done $0x0  }
0x6a: {  	[sflag:s11] =	ssyncadd.s32 $0xFFFFFC00  }
0x6b: {  	_ =	swait.ge [sflag:s11], $0x400  }
0x6c: {  	[sflag:s11] =	ssyncset.done $0x0  }
0x6d: {  	[sflag:s11] =	ssyncadd.s32 $0xFFFFFC00  }
0x6e: {  	_ =	swait.ge [sflag:s11], $0x400  }
0x6f: {  	[sflag:s11] =	ssyncset.done $0x0  }
0x70: {  	[sflag:s11] =	ssyncadd.s32 $0xFFFFFC00  }
.LBB2_7:
0x71: {  	s11 =	sadd.s32 $0x2, s4  }
0x72: {  	s12 =	smul.u32 $0xAB, s11;
	_ =	sdelay $0x1  }
0x73: {  	s12 =	sshrl.u32 s12, $0x9  }
0x74: {  	s12 =	sand.u32 $0x7F, s12  }
0x75: {  	s12 =	smul.u32 $0x3, s12  }
0x76: {  	p1 =	seq.s32 s4, $0x0  }
.Ltmp2:
0x77: {  	s12 =	ssub.s32 s11, s12;
	(pc) =	sbr.rel @!p1 .LBB2_8-.Ltmp2, $4  }
.Ltmp3:
0x78: {  	s11 =	sshll.u32 s11, $0x7;
	s12 =	sand.u32 $0xFF, s12;
	(pc) =	sbr.rel @p1 .LBB2_9-.Ltmp3, $4  }
0x79: {  	s11 =	sand.u32 $0x780, s11;
	s12 =	sshll.u32 s12, $0xD  }
0x7a: {  	s11 =	sadd.s32 $0x13880, s11;
	s12 =	sadd.s32 $0x15080, s12  }
0x7b: {  	[tilespmem:s12], [sflag:$0x3] =	stream.indirect.gather [hbm4b:s1+s31], $0x40, s11, s31, $0xb8;
	[tilespmem:$0x1F080] =	vst v63  }
0x7c: {  	_ = 	snop  }
.LBB2_6:
.Ltmp4:
0x7d: {  	(pc) =	sbr.rel @!p1 .LBB2_7-.Ltmp4, $1  }
0x7e: {  	_ =	sdelay $0x3  }
.LBB2_8:
0x7f: {  	_ =	swait.ge [sflag:s30], $0x4000  }
0x80: {  	[sflag:s30] =	ssyncset.done $0x0  }
0x81: {  	[sflag:s30] =	ssyncadd.s32 $0xFFFFC000  }
.LBB2_9:
0x82: {  	p1 =	sgt.u32 s4, $0x4F  }
0x83: {  	p2 =	sne.s32 @!p1 s9, $0x0  }
0x84: {  	p1 =	por p2, p1  }
0x85: {  	s11 =	sadd.s32 @!p1 $0x1, s10  }
0x86: {  	s12 =	sshll.u32 @!p1 s11, $0xA  }
0x87: {  	s11 =	sand.u32 @!p1 $0x1, s11;
	s12 =	sadd.s32 @!p1 s22, s12  }
0x88: {  	s14 =	sadd.s32 @!p1 $0x1, s11;
	s11 =	sshll.u32 @!p1 s11, $0xA;
	s12 =	sshrl.u32 @!p1 s12, $0x3  }
0x89: {  	s17 =	simm.s32 @!p1 $0x0;
	s15 =	sor.u32 @!p1 $0x13880, s11;
	s16 =	sadd.s32 @!p1 s5, s12  }
0x8a: {  	[tilespmem:s15], [sflag:s14] =	stream.linear.gather @!p1 [hbm4b:s16+s17], $0x400, $0x38;
	[tilespmem:$0x1F080] =	vst v63  }
0x8b: {  	s18 =	sadd.s32 @!p1 s6, s12;
	s15 =	smulhi.u32 $0xAAAAAAAB, s4;
	s16 =	sor.u32 @!p1 $0x14080, s11  }
0x8c: {  	[tilespmem:s16], [sflag:s14] =	stream.linear.gather @!p1 [hbm4b:s18+s17], $0x400, $0x38;
	[tilespmem:$0x1F080] =	vst v63  }
0x8d: {  	s18 =	simm.s32 $0x0  }
0x8e: {  	s15 =	sshrl.u32 s15, $0x1;
	v2 =	vmov s18;
	s18 =	simm.s32 $0x7  }
0x8f: {  	s12 =	sadd.s32 @!p1 s7, s12;
	s11 =	sor.u32 @!p1 $0x14880, s11;
	s15 =	smul.u32 $0xFFFE8000, s15;
	v2 =	vshrl.u32 v2, $0x3;
	v3 =	vmov s18  }
0x90: {  	[tilespmem:s11], [sflag:s14] =	stream.linear.gather @!p1 [hbm4b:s12+s17], $0x400, $0x38;
	v2 =	vshll.u32 v2, v1;
	v3 =	vshrl.u32 v3, $0x3;
	[tilespmem:$0x1F080] =	vst v63  }
0x91: {  	s12 =	simm.s32 $0x1;
	v4 =	vbroadcast v2, $0x0;
	v2 =	vshll.u32 v3, v1  }
0x92: {  	s14 =	sshra.s32 s15, $0x2;
	v3 =	vmov s12;
	v5 =	vadd.s32 $0x7, v2  }
0x93: {  	s16 =	sshll.u32 s9, $0x9;
	s17 =	simm.s32 $0x2;
	s15 =	sshll.u32 s10, $0xA;
	v2 =	vmov s14;
	v3 =	vshrl.u32 v3, $0x3;
	v5 =	vbroadcast v5, $0x0  }
0x94: {  	s11 =	sshrl.u32 s16, $0x2;
	v6 =	vmov s17;
	s10 =	sand.u32 $0x400, s15;
	v3 =	vshll.u32 v3, v1  }
0x95: {  	s18 =	simm.s32 $0x3;
	v6 =	vshrl.u32 v6, $0x3;
	s9 =	sor.u32 s11, s10;
	v3 =	vadd.s32 $0x1, v3  }
0x96: {  	v7 =	vmov s18;
	v6 =	vshll.u32 v6, v1;
	s12 =	sadd.s32 $0x14880, s9;
	v8 =	vbroadcast v3, $0x0  }
0x97: {  	v7 =	vshrl.u32 v7, $0x3;
	s14 =	simm.s32 $0x4;
	v6 =	vadd.s32 $0x2, v6;
	v3 =	vld.idx.msk [tilespmem:v4+s12+$0x0], $0xffff  }
0x98: {  	v7 =	vshll.u32 v7, v1;
	v6 =	vbroadcast v6, $0x0;
	v4 =	vmov s14;
	v10 =	vld.idx.msk [tilespmem:v2+s26+$0xFFFFFFD0 ss:$0x1], $0xffff  }
0x99: {  	v7 =	vadd.s32 $0x3, v7;
	v4 =	vshrl.u32 v4, $0x3;
	v11 =	vld.idx.msk [tilespmem:v5+s12+$0x0], $0xffff  }
0x9a: {  	s15 =	simm.s32 $0x5;
	v12 =	vld.idx.msk [tilespmem:v2+s26+$0xFFFFFE10 ss:$0x1], $0xffff;
	v4 =	vshll.u32 v4, v1;
	v5 =	vbroadcast v7, $0x0  }
0x9b: {  	s16 =	simm.s32 $0x6;
	v13 =	vld.idx.msk [tilespmem:v2+s26+$0xFFFFFE50 ss:$0x1], $0xffff;
	v7 =	vmov s15;
	v4 =	vadd.s32 $0x4, v4  }
0x9c: {  	v7 =	vshrl.u32 v7, $0x3;
	v4 =	vbroadcast v4, $0x0;
	v9 =	vld.idx.msk [tilespmem:v8+s12+$0x0], $0xffff;
	v8 =	vmov s16  }
0x9d: {  	v15 =	vld.idx.msk [tilespmem:v2+s26+$0xFFFFFE90 ss:$0x1], $0xffff;
	v7 =	vshll.u32 v7, v1;
	v14 =	vshrl.u32 v8, $0x3;
	v16 =	vunpack.i.l.bf16.f32 v10  }
0x9e: {  	v8 =	vld.idx.msk [tilespmem:v6+s12+$0x0], $0xffff;
	v6 =	vadd.s32 $0x5, v7;
	v7 =	vunpack.i.u.bf16.f32 v10;
	v10 =	vmul.f32 v16, v11  }
0x9f: {  	s14 =	simm.s32 $0x1B280;
	v17 =	vunpack.i.l.bf16.f32 v12;
	v14 =	vshll.u32 v14, v1;
	v16 =	vld.idx.msk [tilespmem:v2+s26+$0xFFFFFED0 ss:$0x1], $0xffff;
	v18 =	vmul.f32 v7, v11  }
0xa0: {  	v7 =	vld.idx.msk [tilespmem:v5+s12+$0x0], $0xffff;
	v5 =	vbroadcast v6, $0x0;
	v6 =	vmul.f32 v17, v3;
	v17 =	vunpack.i.l.bf16.f32 v13;
	[tilespmem:s14+$0x180] =	vst v10  }
0xa1: {  	v13 =	vunpack.i.u.bf16.f32 v13;
	v10 =	vadd.s32 $0x6, v14;
	v14 =	vld.idx.msk [tilespmem:v2+s26+$0xFFFFFF10 ss:$0x1], $0xffff;
	v17 =	vmul.f32 v17, v9;
	[tilespmem:s14+$0x190] =	vst v18  }
0xa2: {  	v18 =	vunpack.i.l.bf16.f32 v15;
	v4 =	vld.idx.msk [tilespmem:v4+s12+$0x0], $0xffff;
	v10 =	vbroadcast v10, $0x0;
	[tilespmem:s14+$0xFFFFFE00] =	vst v6;
	v6 =	vmul.f32 v13, v9  }
0xa3: {  	v13 =	vunpack.i.u.bf16.f32 v15;
	v15 =	vld.idx.msk [tilespmem:v2+s26+$0xFFFFFFE0 ss:$0x1], $0xffff;
	[tilespmem:s14+$0xFFFFFE80] =	vst v17;
	v17 =	vmul.f32 v18, v8  }
0xa4: {  	v13 =	vmul.f32 v13, v8;
	v18 =	vunpack.i.l.bf16.f32 v16;
	[tilespmem:s14+$0xFFFFFE90] =	vst v6  }
0xa5: {  	v19 =	vld.idx.msk [tilespmem:v2+s26+$0xFFFFFF50 ss:$0x1], $0xffff;
	v16 =	vunpack.i.u.bf16.f32 v16;
	[tilespmem:s14+$0xFFFFFF00] =	vst v17;
	v17 =	vmul.f32 v18, v7  }
0xa6: {  	[tilespmem:s14+$0xFFFFFF10] =	vst v13;
	v13 =	vmul.f32 v16, v7;
	v6 =	vld.idx.msk [tilespmem:v5+s12+$0x0], $0xffff;
	v5 =	vunpack.i.l.bf16.f32 v14  }
0xa7: {  	v16 =	vld.idx.msk [tilespmem:v2+s26+$0xFFFFFF90 ss:$0x1], $0xffff;
	v14 =	vunpack.i.u.bf16.f32 v14;
	v18 =	vmul.f32 v5, v4;
	[tilespmem:s14+$0xFFFFFF80] =	vst v17  }
0xa8: {  	[tilespmem:s14+$0xFFFFFF90] =	vst v13;
	v13 =	vunpack.i.l.bf16.f32 v15;
	v5 =	vld.idx.msk [tilespmem:v10+s12+$0x0], $0xffff;
	v10 =	vmul.f32 v14, v4  }
0xa9: {  	v15 =	vunpack.i.u.bf16.f32 v15;
	v13 =	vmul.f32 v13, v11;
	[tilespmem:s14+$0x0] =	vst v18  }
0xaa: {  	v17 =	vunpack.i.l.bf16.f32 v19;
	v14 =	vld.idx.msk [tilespmem:v2+s26+$0xFFFFFE60 ss:$0x1], $0xffff;
	[tilespmem:s14+$0x10] =	vst v10;
	v10 =	vmul.f32 v15, v11  }
0xab: {  	v15 =	vunpack.i.u.bf16.f32 v19;
	[tilespmem:s14+$0x1A0] =	vst v13;
	v17 =	vmul.f32 v17, v6  }
0xac: {  	v18 =	vld.idx.msk [tilespmem:v2+s26+$0xFFFFFEA0 ss:$0x1], $0xffff;
	v13 =	vunpack.i.l.bf16.f32 v16;
	v15 =	vmul.f32 v15, v6;
	[tilespmem:s14+$0x1B0] =	vst v10  }
0xad: {  	v10 =	vunpack.i.u.bf16.f32 v12;
	v12 =	vunpack.i.u.bf16.f32 v16;
	v13 =	vmul.f32 v13, v5;
	[tilespmem:s14+$0x80] =	vst v17  }
0xae: {  	v19 =	vld.idx.msk [tilespmem:v2+s26+$0xFFFFFEE0 ss:$0x1], $0xffff;
	v12 =	vmul.f32 v12, v5;
	[tilespmem:s14+$0x90] =	vst v15  }
0xaf: {  	v10 =	vmul.f32 v10, v3;
	v17 =	vunpack.i.l.bf16.f32 v14;
	[tilespmem:s14+$0x100] =	vst v13  }
0xb0: {  	v16 =	vld.idx.msk [tilespmem:v2+s26+$0xFFFFFF20 ss:$0x1], $0xffff;
	v14 =	vunpack.i.u.bf16.f32 v14;
	v15 =	vmul.f32 v17, v9;
	[tilespmem:s14+$0x110] =	vst v12  }
0xb1: {  	v17 =	vunpack.i.l.bf16.f32 v18;
	v13 =	vmul.f32 v14, v9;
	[tilespmem:s14+$0xFFFFFE10] =	vst v10  }
0xb2: {  	v20 =	vld.idx.msk [tilespmem:v2+s26+$0xFFFFFFF0 ss:$0x1], $0xffff;
	v14 =	vunpack.i.u.bf16.f32 v18;
	v17 =	vmul.f32 v17, v8;
	[tilespmem:s14+$0xFFFFFEA0] =	vst v15  }
0xb3: {  	s17 =	simm.s32 $0x9;
	s18 =	simm.s32 $0xA;
	v12 =	vmul.f32 v14, v8;
	v14 =	vunpack.i.u.bf16.f32 v19;
	v19 =	vunpack.i.l.bf16.f32 v19;
	[tilespmem:s14+$0xFFFFFEB0] =	vst v13  }
0xb4: {  	v24 =	vmov s17;
	v25 =	vmov s18;
	s17 =	simm.s32 $0xC;
	v18 =	vld.idx.msk [tilespmem:v2+s26+$0xFFFFFF60 ss:$0x1], $0xffff;
	v10 =	vmul.f32 v19, v7;
	[tilespmem:s14+$0xFFFFFF20] =	vst v17  }
0xb5: {  	v27 =	vmov s17;
	v14 =	vmul.f32 v14, v7;
	v19 =	vunpack.i.l.bf16.f32 v16;
	[tilespmem:s14+$0xFFFFFF30] =	vst v12  }
0xb6: {  	v24 =	vshrl.u32 v24, $0x3;
	v21 =	vld.idx.msk [tilespmem:v2+s26+$0xFFFFFFA0 ss:$0x1], $0xffff;
	v15 =	vunpack.i.u.bf16.f32 v16;
	v19 =	vmul.f32 v19, v4;
	[tilespmem:s14+$0xFFFFFFA0] =	vst v10  }
0xb7: {  	v59 =	vshrl.u32 v27, $0x3;
	s15 =	simm.s32 $0x8;
	v16 =	vld.idx.msk [tilespmem:v2+s26+$0xFFFFFE20 ss:$0x1], $0xffff;
	v13 =	vunpack.i.l.bf16.f32 v20;
	v15 =	vmul.f32 v15, v4;
	[tilespmem:s14+$0xFFFFFFB0] =	vst v14  }
0xb8: {  	v22 =	vmov s15;
	v17 =	vunpack.i.u.bf16.f32 v20;
	v13 =	vmul.f32 v13, v11;
	[tilespmem:s14+$0x20] =	vst v19  }
0xb9: {  	s16 =	simm.s32 $0xB;
	v20 =	vld.idx.msk [tilespmem:v2+s26+$0xFFFFFE70 ss:$0x1], $0xffff;
	v17 =	vmul.f32 v17, v11;
	v12 =	vunpack.i.u.bf16.f32 v18;
	v18 =	vunpack.i.l.bf16.f32 v18;
	[tilespmem:s14+$0x30] =	vst v15  }
0xba: {  	v22 =	vshrl.u32 v22, $0x3;
	v19 =	vld.idx.msk [tilespmem:v2+s26+$0xFFFFFEF0 ss:$0x1], $0xffff;
	v15 =	vmov s16;
	v18 =	vmul.f32 v18, v6;
	[tilespmem:s14+$0x1C0] =	vst v13  }
0xbb: {  	v12 =	vmul.f32 v12, v6;
	v13 =	vld.idx.msk [tilespmem:v2+s26+$0xFFFFFEB0 ss:$0x1], $0xffff;
	v23 =	vunpack.i.u.bf16.f32 v21;
	v21 =	vunpack.i.l.bf16.f32 v21;
	[tilespmem:s14+$0x1D0] =	vst v17  }
0xbc: {  	v17 =	vunpack.i.u.bf16.f32 v16;
	v16 =	vunpack.i.l.bf16.f32 v16;
	v10 =	vmul.f32 v21, v5;
	v21 =	vld.idx.msk [tilespmem:v2+s26+$0x0 ss:$0x1], $0xffff  }
0xbd: {  	v15 =	vshrl.u32 v15, $0x3;
	v14 =	vmul.f32 v23, v5;
	v16 =	vmul.f32 v16, v3;
	[tilespmem:s14+$0xA0] =	vst v18  }
0xbe: {  	v17 =	vmul.f32 v17, v3;
	v23 =	vunpack.i.u.bf16.f32 v20;
	v20 =	vunpack.i.l.bf16.f32 v20;
	v18 =	vld.idx.msk [tilespmem:v2+s26+$0xFFFFFF30 ss:$0x1], $0xffff;
	[tilespmem:s14+$0xB0] =	vst v12  }
0xbf: {  	v12 =	vshll.u32 v22, v1;
	v20 =	vmul.f32 v20, v9;
	v23 =	vmul.f32 v23, v9;
	[tilespmem:s14+$0x120] =	vst v10  }
0xc0: {  	[tilespmem:s14+$0xFFFFFE20] =	vst v16;
	v16 =	vunpack.i.l.bf16.f32 v19;
	v26 =	vunpack.i.u.bf16.f32 v13;
	v13 =	vunpack.i.l.bf16.f32 v13  }
0xc1: {  	[tilespmem:s14+$0x130] =	vst v14;
	v16 =	vmul.f32 v16, v7;
	v13 =	vmul.f32 v13, v8;
	v10 =	vunpack.i.l.bf16.f32 v21  }
0xc2: {  	[tilespmem:s14+$0xFFFFFE30] =	vst v17;
	v26 =	vmul.f32 v26, v8;
	v22 =	vunpack.i.u.bf16.f32 v21;
	v21 =	vld.idx.msk [tilespmem:v2+s26+$0xFFFFFF70 ss:$0x1], $0xffff;
	v10 =	vmul.f32 v10, v11  }
0xc3: {  	[tilespmem:s14+$0xFFFFFEC0] =	vst v20;
	v14 =	vmul.f32 v22, v11;
	v11 =	vbroadcast v12, $0x0;
	v12 =	vunpack.i.u.bf16.f32 v19  }
0xc4: {  	[tilespmem:s14+$0xFFFFFED0] =	vst v23;
	v19 =	vld.idx.msk [tilespmem:v2+s26+$0xFFFFFFB0 ss:$0x1], $0xffff;
	v17 =	vunpack.i.u.bf16.f32 v18;
	v18 =	vunpack.i.l.bf16.f32 v18;
	v12 =	vmul.f32 v12, v7  }
0xc5: {  	v60 =	vld.idx.msk [tilespmem:v2+s26+$0xFFFFFE80 ss:$0x1], $0xffff;
	v22 =	vshrl.u32 v25, $0x3;
	v18 =	vmul.f32 v18, v4;
	v17 =	vmul.f32 v17, v4;
	[tilespmem:s14+$0xFFFFFF40] =	vst v13  }
0xc6: {  	v22 =	vshll.u32 v22, v1;
	v13 =	vshll.u32 v15, v1;
	[tilespmem:s14+$0x1F0] =	vst v14;
	v14 =	vshll.u32 v24, v1  }
0xc7: {  	v20 =	vld.idx.msk [tilespmem:v2+s26+$0xFFFFFE30 ss:$0x1], $0xffff;
	[tilespmem:s14+$0xFFFFFF50] =	vst v26;
	v13 =	vadd.s32 $0x3, v13;
	v23 =	vunpack.i.u.bf16.f32 v21;
	v21 =	vunpack.i.l.bf16.f32 v21  }
0xc8: {  	[tilespmem:s14+$0xFFFFFFC0] =	vst v16;
	v62 =	vld.idx.msk [tilespmem:v2+s26+$0xFFFFFEC0 ss:$0x1], $0xffff;
	v14 =	vadd.s32 $0x1, v14;
	v13 =	vbroadcast v13, $0x0;
	v21 =	vmul.f32 v21, v6  }
0xc9: {  	[tilespmem:s14+$0xFFFFFFD0] =	vst v12;
	v23 =	vmul.f32 v23, v6;
	v15 =	vunpack.i.u.bf16.f32 v19;
	v19 =	vunpack.i.l.bf16.f32 v19  }
0xca: {  	[tilespmem:s14+$0x50] =	vst v17;
	v17 =	vunpack.i.l.bf16.f32 v60;
	v16 =	vmul.f32 v19, v5;
	v61 =	vmul.f32 v15, v5  }
0xcb: {  	v63 =	vld.idx.msk [tilespmem:v2+s26+$0xFFFFFF00 ss:$0x1], $0xffff;
	v15 =	vbroadcast v14, $0x0;
	v14 =	vadd.s32 $0x2, v22;
	v19 =	vshll.u32 v59, v1  }
0xcc: {  	[tilespmem:s14+$0x40] =	vst v18;
	v12 =	vbroadcast v14, $0x0;
	v14 =	vunpack.i.u.bf16.f32 v20;
	v20 =	vunpack.i.l.bf16.f32 v20  }
0xcd: {  	[tilespmem:s14+$0xC0] =	vst v21;
	v21 =	vunpack.i.l.bf16.f32 v62;
	v28 =	vmul.f32 v20, v3;
	v29 =	vmul.f32 v14, v3  }
0xce: {  	s18 =	simm.s32 $0xF;
	v18 =	vld.idx.msk [tilespmem:v2+s26+$0xFFFFFF40 ss:$0x1], $0xffff;
	[tilespmem:s14+$0xD0] =	vst v23;
	v14 =	vunpack.i.u.bf16.f32 v60;
	v20 =	vadd.s32 $0x4, v19;
	v19 =	vmul.f32 v17, v9  }
0xcf: {  	[tilespmem:s14+$0x140] =	vst v16;
	v16 =	vmov s18;
	v22 =	vmul.f32 v21, v8;
	v9 =	vmul.f32 v14, v9  }
0xd0: {  	v17 =	vld.idx.msk [tilespmem:v2+s26+$0xFFFFFF80 ss:$0x1], $0xffff;
	[tilespmem:s14+$0x150] =	vst v61;
	v14 =	vbroadcast v20, $0x0;
	v20 =	vunpack.i.u.bf16.f32 v62;
	v21 =	vunpack.i.u.bf16.f32 v63  }
0xd1: {  	v23 =	vunpack.i.l.bf16.f32 v63;
	v20 =	vmul.f32 v20, v8;
	v8 =	vshrl.u32 v16, $0x3;
	[tilespmem:s14+$0xFFFFFE40] =	vst v28;
	v16 =	vld.idx.msk [tilespmem:v2+s26+$0xFFFFFFC0 ss:$0x1], $0xffff  }
0xd2: {  	s9 =	smov.u32 s26;
	s16 =	simm.s32 $0x10;
	[tilespmem:s14+$0xFFFFFE50] =	vst v29;
	v23 =	vmul.f32 v23, v7;
	v21 =	vmul.f32 v21, v7;
	v8 =	vshll.u32 v8, v1  }
.LBB2_10:
0xd3: {  	p1 =	slt.u32 s16, $0x78;
	v7 =	vadd.s32 $0x7, v8;
	v24 =	vld.idx.msk [tilespmem:v2+s9+$0xFFFFFE40 ss:$0x1], $0xffff;
	[tilespmem:s14+$0xFFFFFEE0] =	vst v19;
	v8 =	vunpack.i.u.bf16.f32 v18;
	v18 =	vunpack.i.l.bf16.f32 v18  }
0xd4: {  	v19 =	vld.idx.msk [tilespmem:v11+s12+$0x0], $0xffff;
	v11 =	vbroadcast v7, $0x0;
	[tilespmem:s14+$0xFFFFFEF0] =	vst v9;
	v18 =	vmul.f32 v18, v4  }
0xd5: {  	s17 =	sadd.s32 $0x5, s15;
	v7 =	vunpack.i.l.bf16.f32 v17;
	v9 =	vld.idx.msk [tilespmem:v15+s12+$0x0], $0xffff;
	[tilespmem:s14+$0xFFFFFF60] =	vst v22;
	v15 =	vmul.f32 v8, v4;
	v4 =	vunpack.i.u.bf16.f32 v17  }
0xd6: {  	v17 =	vmul.f32 v7, v6;
	v8 =	vld.idx.msk [tilespmem:v12+s12+$0x0], $0xffff;
	v12 =	vmov s17;
	s17 =	sadd.s32 $0x6, s15;
	[tilespmem:s14+$0xFFFFFF70] =	vst v20;
	v6 =	vmul.f32 v4, v6;
	s15 =	smov.u32 s16  }
0xd7: {  	v20 =	vunpack.i.u.bf16.f32 v16;
	v16 =	vunpack.i.l.bf16.f32 v16;
	v7 =	vld.idx.msk [tilespmem:v13+s12+$0x0], $0xffff;
	v13 =	vmov s17;
	[tilespmem:s14+$0xFFFFFFE0] =	vst v23  }
0xd8: {  	s9 =	sadd.s32 $0x200, s9;
	v12 =	vshrl.u32 v12, $0x3;
	v4 =	vld.idx.msk [tilespmem:v14+s12+$0x0], $0xffff;
	[tilespmem:s14+$0xFFFFFFF0] =	vst v21;
	v14 =	vmul.f32 v16, v5;
	v5 =	vmul.f32 v20, v5  }
0xd9: {  	v12 =	vshll.u32 v12, v1;
	v20 =	vunpack.i.u.bf16.f32 v24;
	v21 =	vunpack.i.l.bf16.f32 v24;
	v16 =	vld.idx.msk [tilespmem:v2+s9+$0xFFFFFFD0 ss:$0x1], $0xffff;
	[tilespmem:s14+$0x60] =	vst v18  }
0xda: {  	v13 =	vshrl.u32 v13, $0x3;
	v18 =	vmul.f32 v21, v3;
	v20 =	vmul.f32 v20, v3;
	v11 =	vld.idx.msk [tilespmem:v11+s12+$0x0], $0xffff;
	[tilespmem:s14+$0x70] =	vst v15  }
0xdb: {  	v12 =	vadd.s32 $0x5, v12;
	v13 =	vshll.u32 v13, v1;
	v3 =	vmov v19;
	v15 =	vld.idx.msk [tilespmem:v2+s9+$0xFFFFFE10 ss:$0x1], $0xffff;
	[tilespmem:s14+$0xE0] =	vst v17  }
0xdc: {  	v12 =	vbroadcast v12, $0x0;
	v13 =	vadd.s32 $0x6, v13;
	v17 =	vld.idx.msk [tilespmem:v2+s9+$0xFFFFFE50 ss:$0x1], $0xffff;
	[tilespmem:s14+$0xF0] =	vst v6  }
0xdd: {  	v13 =	vbroadcast v13, $0x0;
	v19 =	vld.idx.msk [tilespmem:v2+s9+$0xFFFFFE90 ss:$0x1], $0xffff;
	[tilespmem:s14+$0x160] =	vst v14  }
0xde: {  	v14 =	vld.idx.msk [tilespmem:v2+s9+$0xFFFFFED0 ss:$0x1], $0xffff;
	[tilespmem:s14+$0x170] =	vst v5  }
0xdf: {  	v5 =	vunpack.i.l.bf16.f32 v16;
	v21 =	vld.idx.msk [tilespmem:v2+s9+$0xFFFFFF10 ss:$0x1], $0xffff;
	[tilespmem:s14+$0x1E0] =	vst v10  }
0xe0: {  	v6 =	vunpack.i.u.bf16.f32 v16;
	v5 =	vmul.f32 v5, v11;
	v10 =	vld.idx.msk [tilespmem:v2+s9+$0xFFFFFF50 ss:$0x1], $0xffff;
	[tilespmem:s14+$0xFFFFFE60] =	vst v18  }
0xe1: {  	v22 =	vmul.f32 v6, v11;
	v16 =	vunpack.i.u.bf16.f32 v15;
	v15 =	vunpack.i.l.bf16.f32 v15;
	v18 =	vld.idx.msk [tilespmem:v2+s9+$0xFFFFFF90 ss:$0x1], $0xffff;
	[tilespmem:s14+$0xFFFFFE70] =	vst v20;
	s14 =	sadd.s32 $0x400, s14  }
0xe2: {  	v15 =	vmul.f32 v15, v3;
	v20 =	vunpack.i.u.bf16.f32 v17;
	v17 =	vunpack.i.l.bf16.f32 v17;
	v6 =	vld.idx.msk [tilespmem:v12+s12+$0x0], $0xffff;
	[tilespmem:s14+$0x180] =	vst v5  }
0xe3: {  	v12 =	vmul.f32 v17, v9;
	v17 =	vunpack.i.u.bf16.f32 v19;
	v19 =	vunpack.i.l.bf16.f32 v19;
	v5 =	vld.idx.msk [tilespmem:v13+s12+$0x0], $0xffff;
	[tilespmem:s14+$0x190] =	vst v22  }
0xe4: {  	v13 =	vmul.f32 v20, v9;
	[tilespmem:s14+$0xFFFFFE00] =	vst v15;
	v15 =	vunpack.i.u.bf16.f32 v14;
	v14 =	vunpack.i.l.bf16.f32 v14;
	v20 =	vld.idx.msk [tilespmem:v2+s9+$0xFFFFFFE0 ss:$0x1], $0xffff  }
0xe5: {  	[tilespmem:s14+$0xFFFFFE80] =	vst v12;
	v12 =	vmul.f32 v19, v8;
	v19 =	vunpack.i.u.bf16.f32 v21;
	v21 =	vunpack.i.l.bf16.f32 v21  }
0xe6: {  	[tilespmem:s14+$0xFFFFFE90] =	vst v13;
	v13 =	vmul.f32 v17, v8;
	v17 =	vunpack.i.u.bf16.f32 v10;
	v10 =	vunpack.i.l.bf16.f32 v10  }
0xe7: {  	v22 =	vld.idx.msk [tilespmem:v2+s9+$0xFFFFFE60 ss:$0x1], $0xffff;
	[tilespmem:s14+$0xFFFFFF00] =	vst v12;
	v12 =	vmul.f32 v14, v7;
	v14 =	vunpack.i.u.bf16.f32 v18;
	v18 =	vunpack.i.l.bf16.f32 v18  }
0xe8: {  	[tilespmem:s14+$0xFFFFFF10] =	vst v13;
	v13 =	vmul.f32 v15, v7;
	v15 =	vmul.f32 v21, v4  }
0xe9: {  	v10 =	vmul.f32 v10, v6;
	v21 =	vld.idx.msk [tilespmem:v2+s9+$0xFFFFFEA0 ss:$0x1], $0xffff;
	[tilespmem:s14+$0xFFFFFF80] =	vst v12;
	v12 =	vmul.f32 v19, v4  }
0xea: {  	[tilespmem:s14+$0xFFFFFF90] =	vst v13;
	v13 =	vmul.f32 v17, v6;
	v17 =	vmul.f32 v18, v5;
	v18 =	vunpack.i.l.bf16.f32 v20  }
0xeb: {  	v14 =	vmul.f32 v14, v5;
	v19 =	vld.idx.msk [tilespmem:v2+s9+$0xFFFFFEE0 ss:$0x1], $0xffff;
	[tilespmem:s14+$0x0] =	vst v15;
	v15 =	vunpack.i.u.bf16.f32 v20;
	v18 =	vmul.f32 v18, v11  }
0xec: {  	v16 =	vmul.f32 v16, v3;
	[tilespmem:s14+$0x10] =	vst v12;
	v12 =	vmul.f32 v15, v11  }
0xed: {  	v15 =	vunpack.i.u.bf16.f32 v22;
	v20 =	vunpack.i.l.bf16.f32 v22;
	v22 =	vld.idx.msk [tilespmem:v2+s9+$0xFFFFFF20 ss:$0x1], $0xffff;
	[tilespmem:s14+$0x1A0] =	vst v18  }
0xee: {  	v18 =	vmul.f32 v20, v9;
	v15 =	vmul.f32 v15, v9;
	[tilespmem:s14+$0x1B0] =	vst v12  }
0xef: {  	v12 =	vunpack.i.u.bf16.f32 v21;
	v20 =	vunpack.i.l.bf16.f32 v21;
	[tilespmem:s14+$0x80] =	vst v10;
	v10 =	vld.idx.msk [tilespmem:v2+s9+$0xFFFFFFF0 ss:$0x1], $0xffff  }
0xf0: {  	v20 =	vmul.f32 v20, v8;
	v12 =	vmul.f32 v12, v8;
	[tilespmem:s14+$0x90] =	vst v13  }
0xf1: {  	v13 =	vunpack.i.u.bf16.f32 v19;
	v19 =	vunpack.i.l.bf16.f32 v19;
	v21 =	vld.idx.msk [tilespmem:v2+s9+$0xFFFFFF60 ss:$0x1], $0xffff;
	[tilespmem:s14+$0x100] =	vst v17  }
0xf2: {  	v17 =	vmul.f32 v19, v7;
	v13 =	vmul.f32 v13, v7;
	[tilespmem:s14+$0x110] =	vst v14  }
0xf3: {  	v14 =	vunpack.i.u.bf16.f32 v22;
	[tilespmem:s14+$0xFFFFFE10] =	vst v16;
	v16 =	vunpack.i.l.bf16.f32 v22;
	v19 =	vld.idx.msk [tilespmem:v2+s9+$0xFFFFFFA0 ss:$0x1], $0xffff  }
0xf4: {  	v14 =	vmul.f32 v14, v4;
	v22 =	vld.idx.msk [tilespmem:v2+s9+$0xFFFFFE20 ss:$0x1], $0xffff;
	[tilespmem:s14+$0xFFFFFEA0] =	vst v18;
	v16 =	vmul.f32 v16, v4  }
0xf5: {  	[tilespmem:s14+$0xFFFFFEB0] =	vst v15;
	v15 =	vunpack.i.l.bf16.f32 v10  }
0xf6: {  	v10 =	vunpack.i.u.bf16.f32 v10;
	v18 =	vld.idx.msk [tilespmem:v2+s9+$0xFFFFFE70 ss:$0x1], $0xffff;
	[tilespmem:s14+$0xFFFFFF20] =	vst v20;
	v15 =	vmul.f32 v15, v11  }
0xf7: {  	v20 =	vunpack.i.l.bf16.f32 v21;
	v10 =	vmul.f32 v10, v11;
	[tilespmem:s14+$0xFFFFFF30] =	vst v12;
	v12 =	vunpack.i.u.bf16.f32 v21  }
0xf8: {  	v21 =	vmov s16;
	v20 =	vmul.f32 v20, v6;
	v23 =	vld.idx.msk [tilespmem:v2+s9+$0xFFFFFEB0 ss:$0x1], $0xffff;
	v12 =	vmul.f32 v12, v6;
	[tilespmem:s14+$0x1C0] =	vst v15  }
0xf9: {  	v15 =	vshrl.u32 v21, $0x3;
	v21 =	vunpack.i.u.bf16.f32 v19;
	v19 =	vunpack.i.l.bf16.f32 v19;
	[tilespmem:s14+$0x1D0] =	vst v10  }
0xfa: {  	s17 =	sadd.s32 $0x1, s16;
	v10 =	vunpack.i.u.bf16.f32 v22;
	v22 =	vunpack.i.l.bf16.f32 v22;
	[tilespmem:s14+$0xFFFFFFA0] =	vst v17;
	v17 =	vmul.f32 v19, v5;
	v19 =	vld.idx.msk [tilespmem:v2+s9+$0x0 ss:$0x1], $0xffff  }
0xfb: {  	v24 =	vmov s17;
	v22 =	vmul.f32 v22, v3;
	[tilespmem:s14+$0xFFFFFFB0] =	vst v13;
	v13 =	vmul.f32 v21, v5  }
0xfc: {  	s17 =	sadd.s32 $0x2, s16;
	v21 =	vmul.f32 v10, v3;
	v10 =	vunpack.i.u.bf16.f32 v18;
	v18 =	vunpack.i.l.bf16.f32 v18;
	v25 =	vld.idx.msk [tilespmem:v2+s9+$0xFFFFFEF0 ss:$0x1], $0xffff;
	[tilespmem:s14+$0x20] =	vst v16  }
0xfd: {  	v16 =	vmov s17;
	s17 =	sadd.s32 $0x3, s16;
	v18 =	vmul.f32 v18, v9;
	v26 =	vmul.f32 v10, v9;
	[tilespmem:s14+$0x30] =	vst v14  }
0xfe: {  	v14 =	vmov s17;
	s17 =	sadd.s32 $0x4, s16;
	v10 =	vunpack.i.u.bf16.f32 v23;
	v23 =	vunpack.i.l.bf16.f32 v23;
	v27 =	vld.idx.msk [tilespmem:v2+s9+$0xFFFFFF30 ss:$0x1], $0xffff;
	[tilespmem:s14+$0xA0] =	vst v20  }
0xff: {  	v20 =	vmov s17;
	v23 =	vmul.f32 v23, v8;
	v28 =	vmul.f32 v10, v8;
	[tilespmem:s14+$0xB0] =	vst v12  }
0x100: {  	v12 =	vshll.u32 v15, v1;
	v10 =	vunpack.i.l.bf16.f32 v19;
	v15 =	vld.idx.msk [tilespmem:v2+s9+$0xFFFFFF70 ss:$0x1], $0xffff;
	[tilespmem:s14+$0x120] =	vst v17;
	v17 =	vunpack.i.u.bf16.f32 v19  }
0x101: {  	v19 =	vshrl.u32 v24, $0x3;
	v10 =	vmul.f32 v10, v11;
	[tilespmem:s14+$0x130] =	vst v13;
	v13 =	vmul.f32 v17, v11  }
0x102: {  	v11 =	vbroadcast v12, $0x0;
	v12 =	vunpack.i.u.bf16.f32 v25;
	v17 =	vunpack.i.l.bf16.f32 v25;
	[tilespmem:s14+$0xFFFFFE20] =	vst v22;
	v22 =	vld.idx.msk [tilespmem:v2+s9+$0xFFFFFFB0 ss:$0x1], $0xffff  }
0x103: {  	v16 =	vshrl.u32 v16, $0x3;
	v17 =	vmul.f32 v17, v7;
	v12 =	vmul.f32 v12, v7;
	[tilespmem:s14+$0x1F0] =	vst v13  }
0x104: {  	v13 =	vshll.u32 v19, v1;
	v19 =	vunpack.i.u.bf16.f32 v27;
	[tilespmem:s14+$0xFFFFFE30] =	vst v21;
	v21 =	vunpack.i.l.bf16.f32 v27  }
0x105: {  	v14 =	vshrl.u32 v14, $0x3;
	v19 =	vmul.f32 v19, v4;
	v24 =	vld.idx.msk [tilespmem:v2+s9+$0xFFFFFE30 ss:$0x1], $0xffff;
	[tilespmem:s14+$0xFFFFFEC0] =	vst v18;
	v18 =	vmul.f32 v21, v4  }
0x106: {  	v16 =	vshll.u32 v16, v1;
	v21 =	vunpack.i.u.bf16.f32 v15;
	v15 =	vunpack.i.l.bf16.f32 v15;
	[tilespmem:s14+$0xFFFFFED0] =	vst v26  }
0x107: {  	v20 =	vshrl.u32 v20, $0x3;
	v21 =	vmul.f32 v21, v6;
	v25 =	vld.idx.msk [tilespmem:v2+s9+$0xFFFFFE80 ss:$0x1], $0xffff;
	[tilespmem:s14+$0xFFFFFF40] =	vst v23;
	v23 =	vmul.f32 v15, v6  }
0x108: {  	v14 =	vshll.u32 v14, v1;
	v15 =	vunpack.i.u.bf16.f32 v22;
	v22 =	vunpack.i.l.bf16.f32 v22;
	[tilespmem:s14+$0xFFFFFF50] =	vst v28  }
0x109: {  	v13 =	vadd.s32 $0x1, v13;
	v22 =	vmul.f32 v22, v5;
	v27 =	vmul.f32 v15, v5;
	v26 =	vld.idx.msk [tilespmem:v2+s9+$0xFFFFFEC0 ss:$0x1], $0xffff;
	[tilespmem:s14+$0xFFFFFFC0] =	vst v17  }
0x10a: {  	v15 =	vbroadcast v13, $0x0;
	v13 =	vadd.s32 $0x2, v16;
	v16 =	vshll.u32 v20, v1;
	[tilespmem:s14+$0xFFFFFFD0] =	vst v12  }
0x10b: {  	v12 =	vbroadcast v13, $0x0;
	v13 =	vunpack.i.u.bf16.f32 v24;
	v17 =	vunpack.i.l.bf16.f32 v24;
	v24 =	vld.idx.msk [tilespmem:v2+s9+$0xFFFFFF00 ss:$0x1], $0xffff;
	[tilespmem:s14+$0x40] =	vst v18  }
0x10c: {  	v14 =	vadd.s32 $0x3, v14;
	v28 =	vmul.f32 v17, v3;
	v29 =	vmul.f32 v13, v3;
	[tilespmem:s14+$0x50] =	vst v19  }
0x10d: {  	v13 =	vbroadcast v14, $0x0;
	v14 =	vunpack.i.u.bf16.f32 v25;
	v17 =	vunpack.i.l.bf16.f32 v25;
	v18 =	vld.idx.msk [tilespmem:v2+s9+$0xFFFFFF40 ss:$0x1], $0xffff;
	[tilespmem:s14+$0xC0] =	vst v23  }
.Ltmp5:
0x10e: {  	v16 =	vadd.s32 $0x4, v16;
	v19 =	vmul.f32 v17, v9;
	v9 =	vmul.f32 v14, v9;
	[tilespmem:s14+$0xD0] =	vst v21;
	(pc) =	sbr.rel @p1 .LBB2_10-.Ltmp5, $4  }
0x10f: {  	s17 =	sadd.s32 $0x7, s16;
	v14 =	vbroadcast v16, $0x0;
	v16 =	vunpack.i.u.bf16.f32 v26;
	v20 =	vunpack.i.l.bf16.f32 v26;
	v17 =	vld.idx.msk [tilespmem:v2+s9+$0xFFFFFF80 ss:$0x1], $0xffff;
	[tilespmem:s14+$0x140] =	vst v22  }
0x110: {  	v21 =	vmov s17;
	v22 =	vmul.f32 v20, v8;
	v20 =	vmul.f32 v16, v8;
	[tilespmem:s14+$0x150] =	vst v27  }
0x111: {  	v8 =	vshrl.u32 v21, $0x3;
	v21 =	vunpack.i.u.bf16.f32 v24;
	v23 =	vunpack.i.l.bf16.f32 v24;
	[tilespmem:s14+$0xFFFFFE40] =	vst v28;
	v16 =	vld.idx.msk [tilespmem:v2+s9+$0xFFFFFFC0 ss:$0x1], $0xffff  }
0x112: {  	s16 =	sadd.s32 $0x8, s16;
	v8 =	vshll.u32 v8, v1;
	v23 =	vmul.f32 v23, v7;
	v21 =	vmul.f32 v21, v7;
	[tilespmem:s14+$0xFFFFFE50] =	vst v29  }
0x113: {  	[tilespmem:s14+$0xFFFFFEE0] =	vst v19  }
0x114: {  	[tilespmem:s14+$0xFFFFFEF0] =	vst v9  }
0x115: {  	[tilespmem:s14+$0xFFFFFF60] =	vst v22  }
0x116: {  	[tilespmem:s14+$0xFFFFFF70] =	vst v20  }
0x117: {  	v29 =	vunpack.i.l.bf16.f32 v18;
	[tilespmem:s14+$0x1E0] =	vst v10  }
0x118: {  	v7 =	vadd.s32 $0x7, v8;
	v30 =	vunpack.i.u.bf16.f32 v18;
	v31 =	vld.idx.msk [tilespmem:v2+s9+$0xFFFFFE40 ss:$0x1], $0xffff;
	v8 =	vmul.f32 v29, v4;
	[tilespmem:s14+$0xFFFFFFE0] =	vst v23  }
0x119: {  	s18 =	sadd.s32 $0x200, s9;
	s16 =	sadd.s32 $0x5, s15;
	v7 =	vbroadcast v7, $0x0;
	v9 =	vmul.f32 v30, v4;
	v32 =	vunpack.i.l.bf16.f32 v17;
	[tilespmem:s14+$0xFFFFFFF0] =	vst v21;
	v4 =	vld.idx.msk [tilespmem:v11+s12+$0x0], $0xffff  }
0x11a: {  	v33 =	vunpack.i.u.bf16.f32 v17;
	v40 =	vmov s16;
	s16 =	sadd.s32 $0x6, s15;
	v41 =	vld.idx.msk [tilespmem:v2+s18+$0xFFFFFE10 ss:$0x1], $0xffff;
	v34 =	vmul.f32 v32, v6;
	[tilespmem:s14+$0x60] =	vst v8  }
0x11b: {  	v37 =	vld.idx.msk [tilespmem:v2+s18+$0xFFFFFFD0 ss:$0x1], $0xffff;
	v35 =	vmul.f32 v33, v6;
	v42 =	vmov s16;
	v36 =	vunpack.i.l.bf16.f32 v16;
	[tilespmem:s14+$0x70] =	vst v9  }
0x11c: {  	v44 =	vld.idx.msk [tilespmem:v2+s18+$0xFFFFFE50 ss:$0x1], $0xffff;
	v38 =	vunpack.i.u.bf16.f32 v16;
	v8 =	vshrl.u32 v42, $0x3;
	v39 =	vmul.f32 v36, v5;
	[tilespmem:s14+$0xE0] =	vst v34  }
0x11d: {  	v9 =	vmul.f32 v38, v5;
	[tilespmem:s14+$0xF0] =	vst v35;
	v5 =	vld.idx.msk [tilespmem:v15+s12+$0x0], $0xffff;
	v8 =	vshll.u32 v8, v1;
	v43 =	vunpack.i.l.bf16.f32 v31  }
0x11e: {  	v48 =	vld.idx.msk [tilespmem:v2+s18+$0xFFFFFE90 ss:$0x1], $0xffff;
	v45 =	vunpack.i.u.bf16.f32 v31;
	v59 =	vadd.s32 $0x6, v8;
	[tilespmem:s14+$0x160] =	vst v39;
	v46 =	vmul.f32 v43, v3  }
0x11f: {  	[tilespmem:s14+$0x170] =	vst v9;
	v47 =	vmul.f32 v45, v3;
	v3 =	vld.idx.msk [tilespmem:v12+s12+$0x0], $0xffff;
	v54 =	vunpack.i.l.bf16.f32 v41;
	v11 =	vbroadcast v59, $0x0  }
0x120: {  	v38 =	vunpack.i.u.bf16.f32 v41;
	v6 =	vld.idx.msk [tilespmem:v7+s12+$0x0], $0xffff;
	v7 =	vshrl.u32 v40, $0x3;
	v57 =	vmul.f32 v54, v4;
	[tilespmem:s14+$0xFFFFFE60] =	vst v46  }
0x121: {  	s17 =	sadd.s32 $0x400, s14;
	v60 =	vld.idx.msk [tilespmem:v2+s18+$0xFFFFFF10 ss:$0x1], $0xffff;
	v58 =	vunpack.i.l.bf16.f32 v44;
	v40 =	vmul.f32 v38, v4;
	v7 =	vshll.u32 v7, v1;
	[tilespmem:s14+$0xFFFFFE70] =	vst v47  }
0x122: {  	v61 =	vunpack.i.u.bf16.f32 v44;
	v50 =	vadd.s32 $0x5, v7;
	v7 =	vld.idx.msk [tilespmem:v13+s12+$0x0], $0xffff;
	v13 =	vmul.f32 v58, v5;
	[tilespmem:s17+$0xFFFFFE00] =	vst v57  }
0x123: {  	v8 =	vld.idx.msk [tilespmem:v14+s12+$0x0], $0xffff;
	v62 =	vunpack.i.l.bf16.f32 v48;
	v63 =	vmul.f32 v61, v5;
	[tilespmem:s17+$0xFFFFFE10] =	vst v40  }
0x124: {  	v53 =	vld.idx.msk [tilespmem:v2+s18+$0xFFFFFED0 ss:$0x1], $0xffff;
	v15 =	vunpack.i.u.bf16.f32 v48;
	[tilespmem:s17+$0xFFFFFE80] =	vst v13;
	v21 =	vmul.f32 v62, v3  }
0x125: {  	v27 =	vld.idx.msk [tilespmem:v2+s18+$0xFFFFFF90 ss:$0x1], $0xffff;
	v49 =	vunpack.i.l.bf16.f32 v37;
	[tilespmem:s17+$0xFFFFFE90] =	vst v63;
	v23 =	vmul.f32 v15, v3  }
0x126: {  	v51 =	vunpack.i.u.bf16.f32 v37;
	v52 =	vmul.f32 v49, v6;
	v10 =	vld.idx.msk [tilespmem:v11+s12+$0x0], $0xffff;
	[tilespmem:s17+$0xFFFFFF00] =	vst v21  }
0x127: {  	v26 =	vunpack.i.l.bf16.f32 v60;
	v56 =	vbroadcast v50, $0x0;
	v55 =	vmul.f32 v51, v6;
	v32 =	vld.idx.msk [tilespmem:v2+s18+$0xFFFFFE60 ss:$0x1], $0xffff;
	[tilespmem:s17+$0xFFFFFF10] =	vst v23  }
0x128: {  	v16 =	vunpack.i.u.bf16.f32 v60;
	v14 =	vmul.f32 v26, v8;
	[tilespmem:s17+$0x180] =	vst v52;
	v36 =	vld.idx.msk [tilespmem:v2+s18+$0xFFFFFEA0 ss:$0x1], $0xffff  }
0x129: {  	v22 =	vunpack.i.l.bf16.f32 v53;
	v28 =	vmul.f32 v16, v8;
	[tilespmem:s17+$0x190] =	vst v55  }
0x12a: {  	v12 =	vunpack.i.u.bf16.f32 v53;
	[tilespmem:s17+$0x0] =	vst v14;
	v25 =	vmul.f32 v22, v7;
	v18 =	vld.idx.msk [tilespmem:v2+s18+$0xFFFFFFE0 ss:$0x1], $0xffff  }
0x12b: {  	v37 =	vunpack.i.u.bf16.f32 v27;
	[tilespmem:s17+$0x10] =	vst v28;
	v12 =	vmul.f32 v12, v7  }
0x12c: {  	v24 =	vld.idx.msk [tilespmem:v2+s18+$0xFFFFFF50 ss:$0x1], $0xffff;
	[tilespmem:s17+$0xFFFFFF80] =	vst v25;
	v11 =	vmul.f32 v37, v10;
	v16 =	vunpack.i.u.bf16.f32 v32  }
0x12d: {  	v9 =	vld.idx.msk [tilespmem:v56+s12+$0x0], $0xffff;
	[tilespmem:s17+$0xFFFFFF90] =	vst v12;
	v43 =	vmul.f32 v16, v5;
	v44 =	vunpack.i.l.bf16.f32 v36  }
0x12e: {  	v56 =	vld.idx.msk [tilespmem:v2+s18+$0xFFFFFE20 ss:$0x1], $0xffff;
	[tilespmem:s17+$0x110] =	vst v11;
	v15 =	vunpack.i.u.bf16.f32 v36;
	v16 =	vmul.f32 v44, v3  }
0x12f: {  	v29 =	vunpack.i.l.bf16.f32 v18;
	v46 =	vmul.f32 v15, v3;
	[tilespmem:s17+$0xFFFFFEB0] =	vst v43  }
0x130: {  	v30 =	vunpack.i.u.bf16.f32 v18;
	v12 =	vmul.f32 v29, v6;
	[tilespmem:s17+$0xFFFFFF20] =	vst v16  }
0x131: {  	v31 =	vunpack.i.l.bf16.f32 v24;
	v42 =	vld.idx.msk [tilespmem:v2+s18+$0xFFFFFEE0 ss:$0x1], $0xffff;
	v33 =	vmul.f32 v30, v6;
	[tilespmem:s17+$0xFFFFFF30] =	vst v46  }
0x132: {  	v34 =	vunpack.i.u.bf16.f32 v24;
	v45 =	vld.idx.msk [tilespmem:v2+s18+$0xFFFFFF20 ss:$0x1], $0xffff;
	v14 =	vmul.f32 v31, v9;
	[tilespmem:s17+$0x1A0] =	vst v12  }
0x133: {  	v13 =	vmul.f32 v34, v9;
	v20 =	vunpack.i.l.bf16.f32 v56;
	[tilespmem:s17+$0x1B0] =	vst v33  }
0x134: {  	v35 =	vunpack.i.l.bf16.f32 v27;
	v21 =	vmul.f32 v20, v4;
	[tilespmem:s17+$0x80] =	vst v14  }
0x135: {  	v41 =	vunpack.i.l.bf16.f32 v32;
	v12 =	vmul.f32 v35, v10;
	[tilespmem:s17+$0x90] =	vst v13  }
0x136: {  	v50 =	vunpack.i.l.bf16.f32 v42;
	v14 =	vmul.f32 v41, v5;
	v63 =	vld.idx.msk [tilespmem:v2+s18+$0xFFFFFEB0 ss:$0x1], $0xffff;
	[tilespmem:s17+$0xFFFFFE20] =	vst v21  }
0x137: {  	v52 =	vmul.f32 v50, v7;
	v13 =	vunpack.i.u.bf16.f32 v45;
	v39 =	vld.idx.msk [tilespmem:v2+s18+$0xFFFFFFF0 ss:$0x1], $0xffff;
	[tilespmem:s17+$0x100] =	vst v12  }
0x138: {  	v13 =	vmul.f32 v13, v8;
	[tilespmem:s17+$0xFFFFFEA0] =	vst v14;
	v12 =	vunpack.i.u.bf16.f32 v42  }
0x139: {  	v55 =	vunpack.i.l.bf16.f32 v45;
	v48 =	vld.idx.msk [tilespmem:v2+s18+$0xFFFFFF60 ss:$0x1], $0xffff;
	[tilespmem:s17+$0xFFFFFFA0] =	vst v52;
	v54 =	vmul.f32 v12, v7  }
0x13a: {  	v14 =	vunpack.i.u.bf16.f32 v56;
	v12 =	vmul.f32 v55, v8;
	[tilespmem:s17+$0x30] =	vst v13  }
0x13b: {  	v53 =	vld.idx.msk [tilespmem:v2+s18+$0xFFFFFFA0 ss:$0x1], $0xffff;
	v14 =	vmul.f32 v14, v4;
	[tilespmem:s17+$0xFFFFFFB0] =	vst v54;
	v30 =	vunpack.i.u.bf16.f32 v63  }
0x13c: {  	[tilespmem:s17+$0x20] =	vst v12;
	v47 =	vunpack.i.l.bf16.f32 v39;
	v32 =	vmul.f32 v30, v3  }
0x13d: {  	v60 =	vld.idx.msk [tilespmem:v2+s18+$0xFFFFFE70 ss:$0x1], $0xffff;
	[tilespmem:s17+$0xFFFFFE30] =	vst v14;
	v49 =	vunpack.i.u.bf16.f32 v39;
	v11 =	vmul.f32 v47, v6  }
0x13e: {  	v57 =	vunpack.i.l.bf16.f32 v48;
	v51 =	vmul.f32 v49, v6;
	[tilespmem:s17+$0xFFFFFF50] =	vst v32  }
0x13f: {  	v58 =	vunpack.i.u.bf16.f32 v48;
	v59 =	vmul.f32 v57, v9;
	[tilespmem:s17+$0x1C0] =	vst v11  }
0x140: {  	v23 =	vld.idx.msk [tilespmem:v2+s18+$0xFFFFFEF0 ss:$0x1], $0xffff;
	v61 =	vunpack.i.l.bf16.f32 v53;
	[tilespmem:s17+$0x1D0] =	vst v51;
	v11 =	vmul.f32 v58, v9  }
0x141: {  	v28 =	vld.idx.msk [tilespmem:v2+s18+$0xFFFFFF30 ss:$0x1], $0xffff;
	v62 =	vunpack.i.u.bf16.f32 v53;
	v16 =	vmul.f32 v61, v10;
	[tilespmem:s17+$0xA0] =	vst v59  }
0x142: {  	v25 =	vunpack.i.l.bf16.f32 v60;
	v13 =	vmul.f32 v62, v10;
	[tilespmem:s17+$0xB0] =	vst v11  }
0x143: {  	v26 =	vunpack.i.u.bf16.f32 v60;
	v27 =	vmul.f32 v25, v5;
	[tilespmem:s17+$0x120] =	vst v16  }
0x144: {  	v29 =	vunpack.i.l.bf16.f32 v63;
	v18 =	vld.idx.msk [tilespmem:v2+s18+$0x0 ss:$0x1], $0xffff;
	[tilespmem:s17+$0x130] =	vst v13;
	v11 =	vmul.f32 v26, v5  }
0x145: {  	v13 =	vmul.f32 v29, v3;
	[tilespmem:s17+$0xFFFFFEC0] =	vst v27;
	v33 =	vunpack.i.l.bf16.f32 v23  }
0x146: {  	v37 =	vunpack.i.u.bf16.f32 v28;
	v31 =	vld.idx.msk [tilespmem:v2+s18+$0xFFFFFF70 ss:$0x1], $0xffff;
	v14 =	vmul.f32 v33, v7;
	[tilespmem:s17+$0xFFFFFED0] =	vst v11  }
0x147: {  	v34 =	vunpack.i.u.bf16.f32 v23;
	v12 =	vmul.f32 v37, v8;
	[tilespmem:s17+$0xFFFFFF40] =	vst v13  }
0x148: {  	v36 =	vunpack.i.l.bf16.f32 v28;
	v35 =	vld.idx.msk [tilespmem:v2+s18+$0xFFFFFFB0 ss:$0x1], $0xffff;
	v11 =	vmul.f32 v34, v7;
	[tilespmem:s17+$0xFFFFFFC0] =	vst v14  }
0x149: {  	v13 =	vmul.f32 v36, v8;
	[tilespmem:s17+$0x50] =	vst v12;
	v22 =	vunpack.i.u.bf16.f32 v18  }
0x14a: {  	v38 =	vld.idx.msk [tilespmem:v2+s18+$0xFFFFFE30 ss:$0x1], $0xffff;
	[tilespmem:s17+$0xFFFFFFD0] =	vst v11;
	v61 =	vunpack.i.l.bf16.f32 v18;
	v24 =	vmul.f32 v22, v6  }
0x14b: {  	[tilespmem:s17+$0x40] =	vst v13;
	v62 =	vmul.f32 v61, v6;
	v39 =	vunpack.i.l.bf16.f32 v31  }
0x14c: {  	v41 =	vld.idx.msk [tilespmem:v2+s18+$0xFFFFFE80 ss:$0x1], $0xffff;
	v40 =	vunpack.i.u.bf16.f32 v31;
	[tilespmem:s17+$0x1F0] =	vst v24;
	v14 =	vmul.f32 v39, v9  }
0x14d: {  	v42 =	vunpack.i.l.bf16.f32 v35;
	v11 =	vmul.f32 v40, v9;
	[tilespmem:s17+$0x1E0] =	vst v62  }
0x14e: {  	v44 =	vld.idx.msk [tilespmem:v2+s18+$0xFFFFFEC0 ss:$0x1], $0xffff;
	v43 =	vunpack.i.u.bf16.f32 v35;
	v13 =	vmul.f32 v42, v10;
	[tilespmem:s17+$0xC0] =	vst v14  }
0x14f: {  	v45 =	vunpack.i.l.bf16.f32 v38;
	v12 =	vmul.f32 v43, v10;
	[tilespmem:s17+$0xD0] =	vst v11  }
0x150: {  	v46 =	vunpack.i.u.bf16.f32 v38;
	v47 =	vld.idx.msk [tilespmem:v2+s18+$0xFFFFFF00 ss:$0x1], $0xffff;
	v14 =	vmul.f32 v45, v4;
	[tilespmem:s17+$0x140] =	vst v13  }
0x151: {  	v48 =	vunpack.i.l.bf16.f32 v41;
	v11 =	vmul.f32 v46, v4;
	[tilespmem:s17+$0x150] =	vst v12  }
0x152: {  	v50 =	vld.idx.msk [tilespmem:v2+s18+$0xFFFFFF40 ss:$0x1], $0xffff;
	v49 =	vunpack.i.u.bf16.f32 v41;
	v13 =	vmul.f32 v48, v5;
	[tilespmem:s17+$0xFFFFFE40] =	vst v14  }
0x153: {  	v51 =	vunpack.i.l.bf16.f32 v44;
	v5 =	vmul.f32 v49, v5;
	[tilespmem:s17+$0xFFFFFE50] =	vst v11  }
0x154: {  	v52 =	vunpack.i.u.bf16.f32 v44;
	v12 =	vmul.f32 v51, v3;
	v53 =	vld.idx.msk [tilespmem:v2+s18+$0xFFFFFF80 ss:$0x1], $0xffff;
	[tilespmem:s17+$0xFFFFFEE0] =	vst v13  }
0x155: {  	v3 =	vmul.f32 v52, v3;
	v54 =	vunpack.i.l.bf16.f32 v47;
	[tilespmem:s17+$0xFFFFFEF0] =	vst v5  }
0x156: {  	v55 =	vunpack.i.u.bf16.f32 v47;
	v56 =	vld.idx.msk [tilespmem:v2+s18+$0xFFFFFFC0 ss:$0x1], $0xffff;
	v11 =	vmul.f32 v54, v7;
	[tilespmem:s17+$0xFFFFFF60] =	vst v12  }
0x157: {  	v57 =	vunpack.i.l.bf16.f32 v50;
	v5 =	vmul.f32 v55, v7;
	[tilespmem:s17+$0xFFFFFF70] =	vst v3  }
0x158: {  	v3 =	vunpack.i.u.bf16.f32 v50;
	v7 =	vmul.f32 v57, v8;
	v2 =	vld.idx.msk [tilespmem:v2+s18+$0xFFFFFE40 ss:$0x1], $0xffff;
	[tilespmem:s17+$0xFFFFFFE0] =	vst v11  }
0x159: {  	v3 =	vmul.f32 v3, v8;
	[tilespmem:s17+$0xFFFFFFF0] =	vst v5;
	v58 =	vunpack.i.l.bf16.f32 v53  }
0x15a: {  	[tilespmem:s17+$0x60] =	vst v7;
	v59 =	vunpack.i.u.bf16.f32 v53;
	v8 =	vmul.f32 v58, v9  }
0x15b: {  	[tilespmem:s17+$0x70] =	vst v3;
	v60 =	vunpack.i.l.bf16.f32 v56;
	v5 =	vmul.f32 v59, v9  }
0x15c: {  	s4 =	sadd.s32 $0x1, s4;
	v3 =	vunpack.i.u.bf16.f32 v56;
	v7 =	vmul.f32 v60, v10;
	[tilespmem:s17+$0xE0] =	vst v8  }
0x15d: {  	p1 =	sne.s32 s4, $0x58;
	v3 =	vmul.f32 v3, v10;
	v63 =	vunpack.i.l.bf16.f32 v2;
	[tilespmem:s17+$0xF0] =	vst v5  }
.Ltmp6:
0x15e: {  	v2 =	vunpack.i.u.bf16.f32 v2;
	[tilespmem:s17+$0x160] =	vst v7;
	v6 =	vmul.f32 v63, v4;
	(pc) =	sbr.rel @p1 .LBB2_4-.Ltmp6, $4  }
0x15f: {  	[tilespmem:s17+$0x170] =	vst v3;
	v2 =	vmul.f32 v2, v4  }
0x160: {  	s18 =	sadd.s32 s11, s10;
	[tilespmem:s17+$0xFFFFFE60] =	vst v6  }
0x161: {  	s26 =	sadd.s32 $0x2000, s26;
	s9 =	sadd.s32 $0x14080, s18;
	[tilespmem:s17+$0xFFFFFE70] =	vst v2  }
0x162: {  	[spmem:s3] =	stream.indirect.scatter.add.f32 [tilespmem:s29], [sflag:$0x4], $0x80, s9, s31, $0xb8;
	[tilespmem:$0x1F080] =	vst v63  }
0x163: {  	_ =	swait.ge [sflag:s30], $0x4000  }
0x164: {  	[sflag:s30] =	ssyncset.done $0x0  }
0x165: {  	[sflag:s30] =	ssyncadd.s32 $0xFFFFC000  }
0x166: {  	s4 =	sshrl.u32 @p0 s13, $0x3;
	s9 =	simm.s32 @p0 $0x1FC5;
	[bflag:$0x0] =	sbarrier.arrive $0xFFFF  }
0x167: {  	[hbm:s23], [sflag:s9] =	dma.local @p0 [spmem:s4], $0x2800  }
0x168: {  	s4 =	simm.s32 @p0 $0x5  }
0x169: {  	s9 =	stileid.u32;
	_ =	swait.ge @p0 [sflag:s4], $0x2800  }
0x16a: {  	s2 =	sadd.s32 $0x1, s2;
	s9 =	sshll.u32 @!p0 s9, $0x6;
	[sflag:s4] =	ssyncset.done @p0 $0x0  }
0x16b: {  	p1 =	sne.s32 s2, s24;
	[sflag:s4] =	ssyncadd.s32 @p0 $0xFFFFD800;
	s4 =	sor.u32 @!p0 $0x1C05, s9  }
0x16c: {  	[hbm:s19], [sflag:s4] =	dma.local @!p0 [spmem:s25], $0x2700  }
.Ltmp7:
0x16d: {  	_ = 	snop;
	(pc) =	sbr.rel @p1 .LBB2_1-.Ltmp7, $4  }
0x16e: {  	s4 =	simm.s32 @!p0 $0x5  }
0x16f: {  	_ =	swait.ge @!p0 [sflag:s4], $0x2700  }
0x170: {  	[sflag:s4] =	ssyncset.done @!p0 $0x0  }
0x171: {  	[sflag:s4] =	ssyncadd.s32 @!p0 $0xFFFFD900  }
0x172: {  	_ =	sfence.sel $0x180000  }
0x173: {  	[bflag:$0x0] =	sbarrier.arrive $0xFFFF  }
0x174: {  	_ =	strace $0x9000004D  }
0x175: {  	s0 =	stileid.u32;
	[bflag:$0x2] =	sbarrier.arrive $0xFFFF  }
0x176: {  	p0 =	sne.s32 s0, $0x0;
	s0 =	rddreg [dreg:$0x3]  }
0x177: {  	s0 =	sadd.s32 @!p0 $0x100000, s0  }
0x178: {  	[sflag:s0] =	ssyncadd.tile.s32 @!p0 $0x1;
	_ =	shalt  }
.Lfunc_end2:
_tile_overlayer_lowered:
.L_overlay_start_2:
0x179: {  	(tag) =	ssettag $0x2  }
0x17a: {  	s0 =	rddreg [dreg:$0x0];
	s2 =	stileid.u32  }
0x17b: {  	s1 =	rddreg [dreg:$0x1];
	p0 =	sne.s32 s2, $0x0  }
0x17c: {  	s3 =	rddreg [dreg:$0x2];
	[bflag:$0x3] =	sbarrier.arrive $0xFFFF;
	s2 =	simm.s32 @!p0 $0x1C05  }
0x17d: {  	[timem:s3], [sflag:s2] =	dma.local @!p0 [hbm:s0], s1  }
0x17e: {  	s0 =	simm.s32 @!p0 $0x5  }
0x17f: {  	_ =	swait.ge @!p0 [sflag:s0], s1  }
0x180: {  	s1 =	ssub.s32 @!p0 $0x0, s1;
	[sflag:s0] =	ssyncset.done @!p0 $0x0  }
0x181: {  	[sflag:s0] =	ssyncadd.s32 @!p0 s1  }
0x182: {  	[bflag:$0x3] =	sbarrier.arrive $0xFFFF  }
0x183: {  	_ =	shalt  }

// kernel: kernel.8.cloned.1.call-start
scs
__scs_entry_jumppad:
0x0: {  	(pc) =	sbr.rel $0x88, $3  }
0x1: {  	(tag) =	ssettag $0x0;
	lr =	simm.s32 $0x1  }
0x2: {  	[smem:$0x3F9A] =	sst lr;
	_ =	strace $0xD0000000  }
0x3: {  	_ = 	snop  }
0x4: {  	_ = 	snop  }
0x5: {  	_ = 	snop  }
0x6: {  	_ = 	snop  }
0x7: {  	_ = 	snop  }
__scs_overlays_trampoline_lowered:
0x8: {  	[smem:$0x3FA9] =	sst s0  }
0x9: {  	[smem:$0x3FAA] =	sst s1  }
0xa: {  	[smem:$0x3FAB] =	sst s2  }
0xb: {  	[smem:$0x3FAC] =	sst s3  }
0xc: {  	[smem:$0x3FAD] =	sst s4  }
0xd: {  	[smem:$0x3FAE] =	sst s5  }
0xe: {  	[smem:$0x3FAF] =	sst s6  }
0xf: {  	[smem:$0x3FB0] =	sst s7  }
0x10: {  	[smem:$0x3FB1] =	sst s8  }
0x11: {  	[smem:$0x3FB2] =	sst s9;
	s0 =	simm.s32 @!p0 $0x0  }
0x12: {  	s1 =	sld [smem:$0x3F98];
	s0 =	simm.s32 @p0 $0x1  }
0x13: {  	[smem:$0x3FB3] =	sst s0;
	s0 =	simm.s32 @!p1 $0x0  }
0x14: {  	s2 =	sld [smem:$0x3F97];
	s0 =	simm.s32 @p1 $0x1  }
0x15: {  	[smem:$0x3FB4] =	sst s0;
	s0 =	simm.s32 @!p2 $0x0  }
0x16: {  	s3 =	sld [smem:$0x3FDB];
	s0 =	simm.s32 @p2 $0x1  }
0x17: {  	s4 =	simm.s32 $0x1BF5;
	[smem:$0x3FB6] =	sst s0  }
0x18: {  	s0 =	sld [smem:$0x3F99];
	_ =	swait.ge [sflag:s4], $0x0  }
0x19: {  	s7 =	sld [smem:$0x3F9A]  }
0x1a: {  	s8 =	sadd.s32 $0xFFFFE003, lr  }
0x1b: {  	s9 =	sadd.s32 $0xFFFFFEF7, lr;
	s5 =	simm.s32 $0xFFFFFFFF;
	p2 =	slt.u32 s8, $0xFFFFF086  }
0x1c: {  	p1 =	slt.u32 s9, $0xF7A;
	s5 =	simm.s32 @!p2 $0x0  }
0x1d: {  	s5 =	simm.s32 @p1 $0x1;
	p0 =	seq.s32 s7, s2  }
0x1e: {  	s7 =	smul.u32 @!p0 $0xF7A, s2;
	p2 =	seq.s32 @!p0 s5, $0x0  }
0x1f: {  	s9 =	smul.u32 $0xF7A, s1;
	s8 =	simm.s32 @!p0 $0x1BF5;
	p2 =	por !p2, p0  }
0x20: {  	[sflag:s8] =	ssyncset.s32 @!p0 $0xFFFFF086;
	s6 =	sadd.s32 @!p0 s3, s7;
	s7 =	simm.s32 @!p0 $0x108  }
0x21: {  	s3 =	sadd.s32 s3, s9;
	s6 =	sadd.s32 @!p0 $0x88, s6;
	s7 =	simm.s32 @p2 $0x1082  }
0x22: {  	[simem:s7], [sflag:s8] =	dma.local @!p0 [hbm:s6], $0xF7A  }
0x23: {  	s9 =	sor.u32 $0xD0000000, s2;
	s6 =	simm.s32 $0x108;
	_ =	swait.ge @!p0 [sflag:s8], $0x0  }
0x24: {  	s3 =	sadd.s32 $0x88, s3;
	s6 =	simm.s32 @!p1 $0x1082;
	[sflag:s4] =	ssyncset.s32 $0xFFFFF086  }
0x25: {  	[simem:s6], [sflag:s4] =	dma.local [hbm:s3], $0xF7A  }
0x26: {  	[smem:$0x3F9A] =	sst s1;
	(tag) =	ssettag s2;
	_ =	strace s9  }
0x27: {  	s1 =	sld [smem:$0x3FAA]  }
0x28: {  	s2 =	sld [smem:$0x3FAB]  }
0x29: {  	s4 =	sld [smem:$0x3FAD]  }
0x2a: {  	p0 =	seq.s32 s5, $0x0;
	s5 =	sld [smem:$0x3FAE]  }
0x2b: {  	s6 =	sld [smem:$0x3FAF]  }
0x2c: {  	s7 =	sld [smem:$0x3FB0]  }
0x2d: {  	s3 =	simm.s32 $0x108;
	s8 =	sld [smem:$0x3FB1]  }
0x2e: {  	s3 =	simm.s32 @!p0 $0x1082;
	s9 =	sld [smem:$0x3FB2]  }
0x2f: {  	lr =	sadd.s32 s0, s3;
	s0 =	sld [smem:$0x3FA9]  }
0x30: {  	s3 =	sld [smem:$0x3FAC]  }
0x31: {  	[smem:$0x3FB5] =	sst s10  }
0x32: {  	s10 =	sld [smem:$0x3FB3];
	_ =	sdelay $0x3  }
0x33: {  	p0 =	seq.s32 s10, $0x1;
	s10 =	sld [smem:$0x3FB5];
	_ =	sdelay $0x3  }
0x34: {  	[smem:$0x3FB5] =	sst s10  }
0x35: {  	s10 =	sld [smem:$0x3FB4];
	_ =	sdelay $0x3  }
0x36: {  	p1 =	seq.s32 s10, $0x1;
	s10 =	sld [smem:$0x3FB5];
	_ =	sdelay $0x3  }
0x37: {  	[smem:$0x3FB5] =	sst s10  }
0x38: {  	s10 =	sld [smem:$0x3FB6]  }
0x39: {  	_ = 	snop;
	(pc) =	sbr.ind lr, $3  }
0x3a: {  	_ = 	snop  }
0x3b: {  	_ = 	snop  }
0x3c: {  	p2 =	seq.s32 s10, $0x1;
	s10 =	sld [smem:$0x3FB5]  }
0x3d: {  	_ =	shalt  }
0x3e: {  	_ =	shalt  }
0x3f: {  	_ =	shalt  }
0x40: {  	_ =	shalt  }
0x41: {  	_ =	shalt  }
0x42: {  	_ =	shalt  }
0x43: {  	_ =	shalt  }
0x44: {  	_ =	shalt  }
0x45: {  	_ =	shalt  }
0x46: {  	_ =	shalt  }
0x47: {  	_ =	shalt  }
0x48: {  	_ =	shalt  }
0x49: {  	_ =	shalt  }
0x4a: {  	_ =	shalt  }
0x4b: {  	_ =	shalt  }
0x4c: {  	_ =	shalt  }
0x4d: {  	_ =	shalt  }
0x4e: {  	_ =	shalt  }
0x4f: {  	_ =	shalt  }
0x50: {  	_ =	shalt  }
0x51: {  	_ =	shalt  }
0x52: {  	_ =	shalt  }
0x53: {  	_ =	shalt  }
0x54: {  	_ =	shalt  }
0x55: {  	_ =	shalt  }
0x56: {  	_ =	shalt  }
0x57: {  	_ =	shalt  }
0x58: {  	_ =	shalt  }
0x59: {  	_ =	shalt  }
0x5a: {  	_ =	shalt  }
0x5b: {  	_ =	shalt  }
0x5c: {  	_ =	shalt  }
0x5d: {  	_ =	shalt  }
0x5e: {  	_ =	shalt  }
0x5f: {  	_ =	shalt  }
0x60: {  	_ =	shalt  }
0x61: {  	_ =	shalt  }
0x62: {  	_ =	shalt  }
0x63: {  	_ =	shalt  }
0x64: {  	_ =	shalt  }
0x65: {  	_ =	shalt  }
0x66: {  	_ =	shalt  }
0x67: {  	_ =	shalt  }
0x68: {  	_ =	shalt  }
0x69: {  	_ =	shalt  }
0x6a: {  	_ =	shalt  }
0x6b: {  	_ =	shalt  }
0x6c: {  	_ =	shalt  }
0x6d: {  	_ =	shalt  }
0x6e: {  	_ =	shalt  }
0x6f: {  	_ =	shalt  }
0x70: {  	_ =	shalt  }
0x71: {  	_ =	shalt  }
0x72: {  	_ =	shalt  }
0x73: {  	_ =	shalt  }
0x74: {  	_ =	shalt  }
0x75: {  	_ =	shalt  }
0x76: {  	_ =	shalt  }
0x77: {  	_ =	shalt  }
0x78: {  	_ =	shalt  }
0x79: {  	_ =	shalt  }
0x7a: {  	_ =	shalt  }
0x7b: {  	_ =	shalt  }
0x7c: {  	_ =	shalt  }
0x7d: {  	_ =	shalt  }
0x7e: {  	_ =	shalt  }
0x7f: {  	_ =	shalt  }
0x80: {  	_ =	shalt  }
0x81: {  	_ =	shalt  }
0x82: {  	_ =	shalt  }
0x83: {  	_ =	shalt  }
0x84: {  	_ =	shalt  }
0x85: {  	_ =	shalt  }
0x86: {  	_ =	shalt  }
0x87: {  	_ =	shalt  }
.Lfunc_end0:
.L_simem_size_0:
called_computation_lowered:
.L_overlay_start_0:
0x88: {  	s2 =	sld [smem:$0x3FD9]  }
0x89: {  	s3 =	sld [smem:$0x3FFE];
	_ =	sdelay $0x1  }
0x8a: {  	s1 =	srdreg.scid  }
0x8b: {  	s0 =	sand.u32 $0x1, s1  }
0x8c: {  	s16 =	sshll.u32 s0, $0xA;
	s2 =	sadd.s32 s3, s2  }
0x8d: {  	s2 =	sadd.s32 s2, s16  }
0x8e: {  	[smem:$0x3FC1] =	sst s2  }
0x8f: {  	_ = 	snop  }
0x90: {  	(tm) =	ssettm $0x1  }
0x91: {  	s17 =	sld [smem:$0x3FFB];
	_ =	sdelay $0x3  }
0x92: {  	_ =	strace s17  }
0x93: {  	s2 =	sld [smem:$0x3FFC];
	_ =	sdelay $0x3  }
0x94: {  	_ =	strace s2  }
0x95: {  	s2 =	sld [smem:$0x3FFD];
	_ =	sdelay $0x3  }
0x96: {  	_ =	strace s2  }
0x97: {  	_ =	strace $0x8FFFFFFF  }
0x98: {  	s18 =	sld [smem:$0x3FDB];
	_ =	sdelay $0x1  }
0x99: {  	s19 =	simm.s32 $_scs_section_size  }
0x9a: {  	s4 =	simm.s32 $_size__tile_overlayer_lowered;
	s5 =	simm.s32 $_tile_overlayer_lowered  }
0x9b: {  	s22 =	simm.s32 $0x1BFF;
	s21 =	sshll.u32 s5, $0x1;
	s2 =	sadd.s32 s19, s18  }
0x9c: {  	s6 =	simm.s32 $0x0;
	s20 =	sshll.u32 s4, $0x1;
	s4 =	sadd.s32 s21, s2  }
0x9d: {  	[timem:s6], [sflag:s22] =	dma.local [hbm:s4], s20  }
0x9e: {  	_ =	swait.ge [sflag:s22], s20  }
0x9f: {  	s3 =	ssub.s32 $0x0, s20;
	[sflag:s22] =	ssyncset.done $0x0  }
0xa0: {  	[sflag:s22] =	ssyncadd.s32 s3;
	_ =	sdelay $0x1  }
0xa1: {  	s23 =	simm.s32 $0x1B8B  }
0xa2: {  	_ =	swait.ge [sflag:s23], $0x1  }
0xa3: {  	[sflag:s23] =	ssyncset.done $0x0  }
0xa4: {  	s25 =	simm.s32 $0x1B8E;
	s24 =	sld [smem:$0x3FFE];
	[sflag:s23] =	ssyncadd.s32 $0xFFFFFFFF  }
0xa5: {  	s26 =	simm.s32 $execute0_lowered;
	[smem:$0x3FD2] =	sst s25  }
0xa6: {  	s4 =	sshll.u32 s26, $0x1;
	_ =	strace $0x80000046;
	[dreg:$0x1] =	wrdreg $0xFFFFFFFF  }
0xa7: {  	s28 =	simm.s32 $_size_execute0_lowered;
	s2 =	sadd.s32 s2, s4;
	[dreg:$0x0] =	wrdreg $0x0  }
0xa8: {  	s4 =	sshll.u32 s28, $0x1;
	[dreg:$0x2] =	wrdreg s2  }
0xa9: {  	[dreg:$0x3] =	wrdreg s4  }
0xaa: {  	[dreg:$0x4] =	wrdreg $0xC0  }
0xab: {  	_ =	task [dreg:s6], $0x5FFFF  }
0xac: {  	[dreg:$0x1] =	wrdreg $0xFFFFFFFF  }
0xad: {  	[dreg:$0x0] =	wrdreg $0x60  }
0xae: {  	[dreg:$0x2] =	wrdreg s24  }
0xaf: {  	[dreg:$0x3] =	wrdreg $0x0  }
0xb0: {  	[dreg:$0x4] =	wrdreg $0x28000  }
0xb1: {  	[dreg:$0x5] =	wrdreg $0x9  }
0xb2: {  	_ =	task.clear_ibuf [dreg:s6], $0x6FFFF;
	_ =	strace $0x90000046  }
0xb3: {  	s29 =	simm.s32 $0x9;
	_ =	strace $0x80000048  }
0xb4: {  	_ =	swait.ge [sflag:s29], $0x1  }
0xb5: {  	[sflag:s29] =	ssyncadd.s32 $0xFFFFFFFF  }
0xb6: {  	_ =	strace $0x90000048  }
0xb7: {  	_ =	sfence  }
0xb8: {  	s30 =	sld [smem:$0x0];
	_ =	sdelay $0x2  }
0xb9: {  	s31 =	sshll.u32 s1, $0xD;
	s1 =	sshrl.u32 s1, $0x2  }
0xba: {  	s3 =	sand.u32 $0x4000, s31;
	s1 =	sadd.s32 s1, s30  }
0xbb: {  	s0 =	sor.u32 s3, s0;
	s1 =	sshll.u32 s1, $0x11  }
0xbc: {  	s0 =	sor.u32 s1, s0  }
0xbd: {  	s0 =	sadd.s32 $0x8F2B, s0  }
0xbe: {  	[sflag:s0] =	ssyncadd.remote.s32 $0x1  }
0xbf: {  	_ =	sfence.sel $0xFFFF  }
0xc0: {  	[dreg:$0x0] =	wrdreg $0xFFFFFFFF;
	(pc) =	sbr.abs _section_cstart, $3  }
0xc1: {  	[dreg:$0x1] =	wrdreg $0xFFFFFFFF  }
0xc2: {  	_ =	task.clear_ibuf [dreg:s6], $0x2FFFF;
	_ =	strace $0x9FFFFFFF  }
0xc3: {  	(tm) =	ssettm $0x7FFFFFFF  }
tec
execute0_lowered:
.L_overlay_start_1:
0x0: {  	(tag) =	ssettag $0x1  }
0x1: {  	s0 =	rddreg [dreg:$0x0]  }
0x2: {  	s1 =	rddreg [dreg:$0x1]  }
0x3: {  	s21 =	rddreg [dreg:$0x2]  }
0x4: {  	s9 =	stileid.u32;
	s2 =	srdreg.scid  }
0x5: {  	s3 =	simm.s32 $0x0;
	s29 =	simm.s32 $0x1;
	s28 =	simm.s32 $0x15A80  }
0x6: {  	s30 =	simm.s32 $0x15D00;
	s31 =	simm.s32 $0x15F80;
	s2 =	sand.u32 $0x1, s2  }
0x7: {  	s4 =	sshll.u32 s9, $0x1;
	[smem:$0x7FF] =	sst s3;
	s5 =	smul.u32 $0xB00, s9  }
0x8: {  	s7 =	sshrl.u32 s9, $0x3;
	s25 =	smul.u32 $0x5000, s9;
	s26 =	sshll.u32 s9, $0x7  }
0x9: {  	s4 =	sor.u32 s2, s4;
	_ =	strace $0x80000047;
	s7 =	smul.u32 $0x50000, s7  }
0xa: {  	s6 =	ssub.s32 $0x2, s2;
	s2 =	smul.u32 $0xB000, s2;
	s5 =	sadd.s32 s5, s0  }
0xb: {  	s4 =	smul.u32 $0x580, s4;
	s23 =	sshrl.u32 s6, $0x1;
	s24 =	sadd.s32 $0xC200, s5  }
0xc: {  	s5 =	sadd.s32 $0x17200, s5;
	s7 =	sshrl.u32 s7, $0x2;
	[dreg:$0x4] =	wrdreg s24  }
0xd: {  	s0 =	sadd.s32 s4, s0;
	s4 =	ssub.s32 s6, s23;
	[dreg:$0x5] =	wrdreg s5  }
0xe: {  	s5 =	sand.u32 $0x380, s26;
	s7 =	sadd.s32 s7, s1;
	s6 =	sshrl.u32 s25, $0x2  }
0xf: {  	s8 =	sadd.s32 $0x1200, s0;
	s5 =	sadd.s32 s5, s7;
	s22 =	sadd.s32 $0x22200, s0  }
0x10: {  	s23 =	smax.u32 s4, $0x1;
	s0 =	simm.s32 $0x2A80;
	[dreg:$0x6] =	wrdreg s8  }
0x11: {  	s4 =	simm.s32 $0x0;
	[dreg:$0x7] =	wrdreg s5;
	s8 =	sadd.s32 s6, s1  }
0x12: {  	s5 =	smul.u32 $0xA00, s9;
	s6 =	sshrl.u32 s2, $0x2;
	s2 =	simm.s32 $0x400  }
0x13: {  	s1 =	sadd.s32 $0x80, s8;
	s10 =	sadd.s32 $0x100, s8;
	s11 =	sadd.s32 $0x180, s8  }
0x14: {  	s12 =	sadd.s32 $0x200, s8;
	s13 =	sadd.s32 $0x280, s8;
	s14 =	sadd.s32 $0x300, s8  }
0x15: {  	s15 =	sadd.s32 $0x380, s8;
	s16 =	sadd.s32 $0x14000, s8;
	s17 =	sadd.s32 $0x14080, s8  }
0x16: {  	s18 =	sadd.s32 $0x14100, s8;
	s19 =	sadd.s32 $0x14180, s8;
	s20 =	sadd.s32 $0x14200, s8  }
0x17: {  	s7 =	sadd.s32 $0xAAC0, s6;
	s9 =	sadd.s32 $0x52C0, s6;
	s24 =	sadd.s32 $0x14280, s8  }
0x18: {  	s25 =	sadd.s32 $0x14300, s8;
	[dreg:$0x8] =	wrdreg s1;
	s1 =	sshrl.u32 s5, $0x2;
	v0 =	vmov s9  }
0x19: {  	v2 =	vimm.f32 $0.0e+00;
	s26 =	sadd.s32 $0x14380, s8;
	v1 =	vmov s7;
	s21 =	sadd.s32 s1, s21;
	s1 =	simm.s32 $0x80  }
.LBB2_1:
0x1a: {  	s5 =	rddreg [dreg:$0x4];
	s6 =	simm.s32 $0x5280  }
0x1b: {  	[tilespmem:s6], [sflag:$0x1] =	stream.linear.gather [hbm4b:s5+s3], $0x5800, $0x38;
	[tilespmem:$0x18780] =	vst v63  }
0x1c: {  	_ =	swait.ge [sflag:s29], $0x5800  }
0x1d: {  	[sflag:s29] =	ssyncset.done $0x0  }
0x1e: {  	s9 =	simm.s32 $0xAA80;
	s7 =	rddreg [dreg:$0x5];
	[sflag:s29] =	ssyncadd.s32 $0xFFFFA800  }
0x1f: {  	[tilespmem:s9], [sflag:$0x1] =	stream.linear.gather [hbm4b:s7+s3], $0x5800, $0x38;
	[tilespmem:$0x18780] =	vst v63  }
0x20: {  	_ =	swait.ge [sflag:s29], $0x5800  }
0x21: {  	[sflag:s29] =	ssyncset.done $0x0  }
0x22: {  	s9 =	simm.s32 $0x10280;
	s7 =	rddreg [dreg:$0x6];
	[sflag:s29] =	ssyncadd.s32 $0xFFFFA800  }
0x23: {  	[tilespmem:s9], [sflag:$0x1] =	stream.linear.gather [hbm4b:s7+s3], $0x2C00, $0x38;
	[tilespmem:$0x18780] =	vst v63  }
0x24: {  	_ =	swait.ge [sflag:s29], $0x2C00  }
0x25: {  	[sflag:s29] =	ssyncset.done $0x0  }
0x26: {  	s5 =	simm.s32 $0x0;
	[sflag:s29] =	ssyncadd.s32 $0xFFFFD400  }
.LBB2_2:
0x27: {  	p0 =	sne.s32 s5, $0x9FC0  }
.Ltmp0:
0x28: {  	_ = 	snop;
	(pc) =	sbr.rel @p0 .LBB2_2-.Ltmp0, $3  }
0x29: {  	_ =	sdelay $0x1  }
0x2a: {  	s6 =	sshra.s32 s5, $0x2  }
0x2b: {  	s5 =	sadd.s32 $0x40, s5;
	[tilespmem:s6+$0x2A80] =	vst v2  }
0x2c: {  	s5 =	simm.s32 $0x0  }
.LBB2_4:
0x2d: {  	s6 =	sshra.s32 s5, $0x2  }
0x2e: {  	v3 =	vld [tilespmem:s6+$0x5280];
	_ =	sdelay $0x2  }
0x2f: {  	v4 =	vld [tilespmem:s6+$0xAA80];
	_ =	sdelay $0x4  }
0x30: {  	[tilespmem:v3+s0+$0x0] =	vst.idx.add.f32.msk $0xffff, v4  }
0x31: {  	v3 =	vld [tilespmem:s6+$0x5290];
	_ =	sdelay $0x2  }
0x32: {  	v4 =	vld [tilespmem:s6+$0xAA90];
	_ =	sdelay $0x4  }
0x33: {  	[tilespmem:v3+s0+$0x0] =	vst.idx.add.f32.msk $0xffff, v4  }
0x34: {  	v3 =	vld [tilespmem:s6+$0x52A0];
	_ =	sdelay $0x2  }
0x35: {  	v4 =	vld [tilespmem:s6+$0xAAA0];
	_ =	sdelay $0x4  }
0x36: {  	[tilespmem:v3+s0+$0x0] =	vst.idx.add.f32.msk $0xffff, v4  }
0x37: {  	v3 =	vld [tilespmem:s6+$0x52B0];
	_ =	sdelay $0x2  }
0x38: {  	v4 =	vld [tilespmem:s6+$0xAAB0];
	_ =	sdelay $0x4  }
0x39: {  	[tilespmem:v3+s0+$0x0] =	vst.idx.add.f32.msk $0xffff, v4  }
0x3a: {  	v3 =	vld [tilespmem:s6+$0x52C0];
	_ =	sdelay $0x2  }
0x3b: {  	v4 =	vld [tilespmem:s6+$0xAAC0];
	_ =	sdelay $0x4  }
0x3c: {  	[tilespmem:v3+s0+$0x0] =	vst.idx.add.f32.msk $0xffff, v4  }
0x3d: {  	v3 =	vld [tilespmem:s6+$0x52D0];
	_ =	sdelay $0x2  }
0x3e: {  	v4 =	vld [tilespmem:s6+$0xAAD0];
	_ =	sdelay $0x4  }
0x3f: {  	[tilespmem:v3+s0+$0x0] =	vst.idx.add.f32.msk $0xffff, v4  }
0x40: {  	v3 =	vld [tilespmem:s6+$0x52E0];
	_ =	sdelay $0x2  }
0x41: {  	v4 =	vld [tilespmem:s6+$0xAAE0];
	_ =	sdelay $0x4  }
0x42: {  	[tilespmem:v3+s0+$0x0] =	vst.idx.add.f32.msk $0xffff, v4  }
0x43: {  	v3 =	vld [tilespmem:s6+$0x52F0];
	_ =	sdelay $0x2  }
0x44: {  	p0 =	sne.s32 s5, $0x15E00;
	v4 =	vld [tilespmem:s6+$0xAAF0]  }
.Ltmp1:
0x45: {  	_ = 	snop;
	(pc) =	sbr.rel @p0 .LBB2_4-.Ltmp1, $2  }
0x46: {  	_ =	sdelay $0x2  }
0x47: {  	s5 =	sadd.s32 $0x200, s5;
	[tilespmem:v3+s0+$0x0] =	vst.idx.add.f32.msk $0xffff, v4  }
0x48: {  	s5 =	rddreg [dreg:$0x7]  }
0x49: {  	[spmem:s5] =	stream.strided.scatter [tilespmem:s0], [sflag:$0x1], $0x2800, s2, s1, $0x38;
	[tilespmem:$0x18780] =	vst v63  }
0x4a: {  	_ =	swait.ge [sflag:s29], $0x2800  }
0x4b: {  	[sflag:s29] =	ssyncset.done $0x0  }
0x4c: {  	[sflag:s29] =	ssyncadd.s32 $0xFFFFD800  }
0x4d: {  	[bflag:$0x0] =	sbarrier.arrive $0xFFFF  }
0x4e: {  	[tilespmem:s28], [sflag:$0x1] =	stream.strided.gather [spmem:s8], $0x280, s2, s1, $0x38;
	[tilespmem:$0x18780] =	vst v63  }
0x4f: {  	_ =	swait.ge [sflag:s29], $0x280  }
0x50: {  	[sflag:s29] =	ssyncset.done $0x0  }
0x51: {  	s9 =	rddreg [dreg:$0x8];
	[sflag:s29] =	ssyncadd.s32 $0xFFFFFD80  }
0x52: {  	[tilespmem:s30], [sflag:$0x1] =	stream.strided.gather [spmem:s9], $0x280, s2, s1, $0x38;
	[tilespmem:$0x18780] =	vst v63  }
0x53: {  	_ =	swait.ge [sflag:s29], $0x280  }
0x54: {  	[sflag:s29] =	ssyncset.done $0x0  }
0x55: {  	s5 =	simm.s32 $0x0;
	[sflag:s29] =	ssyncadd.s32 $0xFFFFFD80  }
0x56: {  	s6 =	simm.s32 $0x40;
	v3 =	vld [tilespmem:s5+$0x15D00]  }
.LBB2_6:
0x57: {  	p0 =	sne.s32 s6, $0x9C0;
	v4 =	vld [tilespmem:s5+$0x15A80];
	_ =	sdelay $0x2  }
.Ltmp2:
0x58: {  	(pc) =	sbr.rel @p0 .LBB2_6-.Ltmp2, $4  }
0x59: {  	_ = 	snop  }
0x5a: {  	v4 =	vadd.f32 v3, v4  }
0x5b: {  	s7 =	sshra.s32 s6, $0x2  }
0x5c: {  	s6 =	sadd.s32 $0x40, s6;
	v3 =	vld [tilespmem:s7+$0x15D00];
	[tilespmem:s5+$0x15A80] =	vst v4;
	s5 =	smov.u32 s7  }
0x5d: {  	v4 =	vld [tilespmem:s5+$0x15A80];
	_ =	sdelay $0x4  }
0x5e: {  	v3 =	vadd.f32 v3, v4;
	_ =	sdelay $0x1  }
0x5f: {  	[tilespmem:s5+$0x15A80] =	vst v3  }
0x60: {  	[tilespmem:s30], [sflag:$0x1] =	stream.strided.gather [spmem:s10], $0x280, s2, s1, $0x38;
	[tilespmem:$0x18780] =	vst v63  }
0x61: {  	_ =	swait.ge [sflag:s29], $0x280  }
0x62: {  	[sflag:s29] =	ssyncset.done $0x0  }
0x63: {  	s5 =	simm.s32 $0x0;
	[sflag:s29] =	ssyncadd.s32 $0xFFFFFD80  }
0x64: {  	s6 =	simm.s32 $0x40;
	v3 =	vld [tilespmem:s5+$0x15D00]  }
.LBB2_8:
0x65: {  	p0 =	sne.s32 s6, $0x9C0;
	v4 =	vld [tilespmem:s5+$0x15A80];
	_ =	sdelay $0x2  }
.Ltmp3:
0x66: {  	(pc) =	sbr.rel @p0 .LBB2_8-.Ltmp3, $4  }
0x67: {  	_ = 	snop  }
0x68: {  	v4 =	vadd.f32 v3, v4  }
0x69: {  	s7 =	sshra.s32 s6, $0x2  }
0x6a: {  	s6 =	sadd.s32 $0x40, s6;
	v3 =	vld [tilespmem:s7+$0x15D00];
	[tilespmem:s5+$0x15A80] =	vst v4;
	s5 =	smov.u32 s7  }
0x6b: {  	v4 =	vld [tilespmem:s5+$0x15A80];
	_ =	sdelay $0x4  }
0x6c: {  	v3 =	vadd.f32 v3, v4;
	_ =	sdelay $0x1  }
0x6d: {  	[tilespmem:s5+$0x15A80] =	vst v3  }
0x6e: {  	[tilespmem:s30], [sflag:$0x1] =	stream.strided.gather [spmem:s11], $0x280, s2, s1, $0x38;
	[tilespmem:$0x18780] =	vst v63  }
0x6f: {  	_ =	swait.ge [sflag:s29], $0x280  }
0x70: {  	[sflag:s29] =	ssyncset.done $0x0  }
0x71: {  	s5 =	simm.s32 $0x0;
	[sflag:s29] =	ssyncadd.s32 $0xFFFFFD80  }
0x72: {  	s6 =	simm.s32 $0x40;
	v3 =	vld [tilespmem:s5+$0x15D00]  }
.LBB2_10:
0x73: {  	p0 =	sne.s32 s6, $0x9C0;
	v4 =	vld [tilespmem:s5+$0x15A80];
	_ =	sdelay $0x2  }
.Ltmp4:
0x74: {  	(pc) =	sbr.rel @p0 .LBB2_10-.Ltmp4, $4  }
0x75: {  	_ = 	snop  }
0x76: {  	v4 =	vadd.f32 v3, v4  }
0x77: {  	s7 =	sshra.s32 s6, $0x2  }
0x78: {  	s6 =	sadd.s32 $0x40, s6;
	v3 =	vld [tilespmem:s7+$0x15D00];
	[tilespmem:s5+$0x15A80] =	vst v4;
	s5 =	smov.u32 s7  }
0x79: {  	v4 =	vld [tilespmem:s5+$0x15A80];
	_ =	sdelay $0x4  }
0x7a: {  	v3 =	vadd.f32 v3, v4;
	_ =	sdelay $0x1  }
0x7b: {  	[tilespmem:s5+$0x15A80] =	vst v3  }
0x7c: {  	[tilespmem:s30], [sflag:$0x1] =	stream.strided.gather [spmem:s12], $0x280, s2, s1, $0x38;
	[tilespmem:$0x18780] =	vst v63  }
0x7d: {  	_ =	swait.ge [sflag:s29], $0x280  }
0x7e: {  	[sflag:s29] =	ssyncset.done $0x0  }
0x7f: {  	s5 =	simm.s32 $0x0;
	[sflag:s29] =	ssyncadd.s32 $0xFFFFFD80  }
0x80: {  	s6 =	simm.s32 $0x40;
	v3 =	vld [tilespmem:s5+$0x15D00]  }
.LBB2_12:
0x81: {  	p0 =	sne.s32 s6, $0x9C0;
	v4 =	vld [tilespmem:s5+$0x15A80];
	_ =	sdelay $0x2  }
.Ltmp5:
0x82: {  	(pc) =	sbr.rel @p0 .LBB2_12-.Ltmp5, $4  }
0x83: {  	_ = 	snop  }
0x84: {  	v4 =	vadd.f32 v3, v4  }
0x85: {  	s7 =	sshra.s32 s6, $0x2  }
0x86: {  	s6 =	sadd.s32 $0x40, s6;
	v3 =	vld [tilespmem:s7+$0x15D00];
	[tilespmem:s5+$0x15A80] =	vst v4;
	s5 =	smov.u32 s7  }
0x87: {  	v4 =	vld [tilespmem:s5+$0x15A80];
	_ =	sdelay $0x4  }
0x88: {  	v3 =	vadd.f32 v3, v4;
	_ =	sdelay $0x1  }
0x89: {  	[tilespmem:s5+$0x15A80] =	vst v3  }
0x8a: {  	[tilespmem:s30], [sflag:$0x1] =	stream.strided.gather [spmem:s13], $0x280, s2, s1, $0x38;
	[tilespmem:$0x18780] =	vst v63  }
0x8b: {  	_ =	swait.ge [sflag:s29], $0x280  }
0x8c: {  	[sflag:s29] =	ssyncset.done $0x0  }
0x8d: {  	s5 =	simm.s32 $0x0;
	[sflag:s29] =	ssyncadd.s32 $0xFFFFFD80  }
0x8e: {  	s6 =	simm.s32 $0x40;
	v3 =	vld [tilespmem:s5+$0x15D00]  }
.LBB2_14:
0x8f: {  	p0 =	sne.s32 s6, $0x9C0;
	v4 =	vld [tilespmem:s5+$0x15A80];
	_ =	sdelay $0x2  }
.Ltmp6:
0x90: {  	(pc) =	sbr.rel @p0 .LBB2_14-.Ltmp6, $4  }
0x91: {  	_ = 	snop  }
0x92: {  	v4 =	vadd.f32 v3, v4  }
0x93: {  	s7 =	sshra.s32 s6, $0x2  }
0x94: {  	s6 =	sadd.s32 $0x40, s6;
	v3 =	vld [tilespmem:s7+$0x15D00];
	[tilespmem:s5+$0x15A80] =	vst v4;
	s5 =	smov.u32 s7  }
0x95: {  	v4 =	vld [tilespmem:s5+$0x15A80];
	_ =	sdelay $0x4  }
0x96: {  	v3 =	vadd.f32 v3, v4;
	_ =	sdelay $0x1  }
0x97: {  	[tilespmem:s5+$0x15A80] =	vst v3  }
0x98: {  	[tilespmem:s30], [sflag:$0x1] =	stream.strided.gather [spmem:s14], $0x280, s2, s1, $0x38;
	[tilespmem:$0x18780] =	vst v63  }
0x99: {  	_ =	swait.ge [sflag:s29], $0x280  }
0x9a: {  	[sflag:s29] =	ssyncset.done $0x0  }
0x9b: {  	s5 =	simm.s32 $0x0;
	[sflag:s29] =	ssyncadd.s32 $0xFFFFFD80  }
0x9c: {  	s6 =	simm.s32 $0x40;
	v3 =	vld [tilespmem:s5+$0x15D00]  }
.LBB2_16:
0x9d: {  	p0 =	sne.s32 s6, $0x9C0;
	v4 =	vld [tilespmem:s5+$0x15A80];
	_ =	sdelay $0x2  }
.Ltmp7:
0x9e: {  	(pc) =	sbr.rel @p0 .LBB2_16-.Ltmp7, $4  }
0x9f: {  	_ = 	snop  }
0xa0: {  	v4 =	vadd.f32 v3, v4  }
0xa1: {  	s7 =	sshra.s32 s6, $0x2  }
0xa2: {  	s6 =	sadd.s32 $0x40, s6;
	v3 =	vld [tilespmem:s7+$0x15D00];
	[tilespmem:s5+$0x15A80] =	vst v4;
	s5 =	smov.u32 s7  }
0xa3: {  	v4 =	vld [tilespmem:s5+$0x15A80];
	_ =	sdelay $0x4  }
0xa4: {  	v3 =	vadd.f32 v3, v4;
	_ =	sdelay $0x1  }
0xa5: {  	[tilespmem:s5+$0x15A80] =	vst v3  }
0xa6: {  	[tilespmem:s30], [sflag:$0x1] =	stream.strided.gather [spmem:s15], $0x280, s2, s1, $0x38;
	[tilespmem:$0x18780] =	vst v63  }
0xa7: {  	_ =	swait.ge [sflag:s29], $0x280  }
0xa8: {  	[sflag:s29] =	ssyncset.done $0x0  }
0xa9: {  	s5 =	simm.s32 $0x0;
	[sflag:s29] =	ssyncadd.s32 $0xFFFFFD80  }
0xaa: {  	s6 =	simm.s32 $0x40;
	v3 =	vld [tilespmem:s5+$0x15D00]  }
.LBB2_18:
0xab: {  	p0 =	sne.s32 s6, $0x9C0;
	v4 =	vld [tilespmem:s5+$0x15A80];
	_ =	sdelay $0x2  }
.Ltmp8:
0xac: {  	(pc) =	sbr.rel @p0 .LBB2_18-.Ltmp8, $4  }
0xad: {  	_ = 	snop  }
0xae: {  	v4 =	vadd.f32 v3, v4  }
0xaf: {  	s7 =	sshra.s32 s6, $0x2  }
0xb0: {  	s6 =	sadd.s32 $0x40, s6;
	v3 =	vld [tilespmem:s7+$0x15D00];
	[tilespmem:s5+$0x15A80] =	vst v4;
	s5 =	smov.u32 s7  }
0xb1: {  	v4 =	vld [tilespmem:s5+$0x15A80];
	_ =	sdelay $0x4  }
0xb2: {  	v3 =	vadd.f32 v3, v4;
	_ =	sdelay $0x1  }
0xb3: {  	[tilespmem:s5+$0x15A80] =	vst v3  }
0xb4: {  	[tilespmem:s30], [sflag:$0x1] =	stream.strided.gather [spmem:s16], $0x280, s2, s1, $0x38;
	[tilespmem:$0x18780] =	vst v63  }
0xb5: {  	_ =	swait.ge [sflag:s29], $0x280  }
0xb6: {  	[sflag:s29] =	ssyncset.done $0x0  }
0xb7: {  	s5 =	simm.s32 $0x0;
	[sflag:s29] =	ssyncadd.s32 $0xFFFFFD80  }
0xb8: {  	s6 =	simm.s32 $0x40;
	v3 =	vld [tilespmem:s5+$0x15D00]  }
.LBB2_20:
0xb9: {  	p0 =	sne.s32 s6, $0x9C0;
	v4 =	vld [tilespmem:s5+$0x15A80];
	_ =	sdelay $0x2  }
.Ltmp9:
0xba: {  	(pc) =	sbr.rel @p0 .LBB2_20-.Ltmp9, $4  }
0xbb: {  	_ = 	snop  }
0xbc: {  	v4 =	vadd.f32 v3, v4  }
0xbd: {  	s7 =	sshra.s32 s6, $0x2  }
0xbe: {  	s6 =	sadd.s32 $0x40, s6;
	v3 =	vld [tilespmem:s7+$0x15D00];
	[tilespmem:s5+$0x15A80] =	vst v4;
	s5 =	smov.u32 s7  }
0xbf: {  	v4 =	vld [tilespmem:s5+$0x15A80];
	_ =	sdelay $0x4  }
0xc0: {  	v3 =	vadd.f32 v3, v4;
	_ =	sdelay $0x1  }
0xc1: {  	[tilespmem:s5+$0x15A80] =	vst v3  }
0xc2: {  	[tilespmem:s30], [sflag:$0x1] =	stream.strided.gather [spmem:s17], $0x280, s2, s1, $0x38;
	[tilespmem:$0x18780] =	vst v63  }
0xc3: {  	_ =	swait.ge [sflag:s29], $0x280  }
0xc4: {  	[sflag:s29] =	ssyncset.done $0x0  }
0xc5: {  	s5 =	simm.s32 $0x0;
	[sflag:s29] =	ssyncadd.s32 $0xFFFFFD80  }
0xc6: {  	s6 =	simm.s32 $0x40;
	v3 =	vld [tilespmem:s5+$0x15D00]  }
.LBB2_22:
0xc7: {  	p0 =	sne.s32 s6, $0x9C0;
	v4 =	vld [tilespmem:s5+$0x15A80];
	_ =	sdelay $0x2  }
.Ltmp10:
0xc8: {  	(pc) =	sbr.rel @p0 .LBB2_22-.Ltmp10, $4  }
0xc9: {  	_ = 	snop  }
0xca: {  	v4 =	vadd.f32 v3, v4  }
0xcb: {  	s7 =	sshra.s32 s6, $0x2  }
0xcc: {  	s6 =	sadd.s32 $0x40, s6;
	v3 =	vld [tilespmem:s7+$0x15D00];
	[tilespmem:s5+$0x15A80] =	vst v4;
	s5 =	smov.u32 s7  }
0xcd: {  	v4 =	vld [tilespmem:s5+$0x15A80];
	_ =	sdelay $0x4  }
0xce: {  	v3 =	vadd.f32 v3, v4;
	_ =	sdelay $0x1  }
0xcf: {  	[tilespmem:s5+$0x15A80] =	vst v3  }
0xd0: {  	[tilespmem:s30], [sflag:$0x1] =	stream.strided.gather [spmem:s18], $0x280, s2, s1, $0x38;
	[tilespmem:$0x18780] =	vst v63  }
0xd1: {  	_ =	swait.ge [sflag:s29], $0x280  }
0xd2: {  	[sflag:s29] =	ssyncset.done $0x0  }
0xd3: {  	s5 =	simm.s32 $0x0;
	[sflag:s29] =	ssyncadd.s32 $0xFFFFFD80  }
0xd4: {  	s6 =	simm.s32 $0x40;
	v3 =	vld [tilespmem:s5+$0x15D00]  }
.LBB2_24:
0xd5: {  	p0 =	sne.s32 s6, $0x9C0;
	v4 =	vld [tilespmem:s5+$0x15A80];
	_ =	sdelay $0x2  }
.Ltmp11:
0xd6: {  	(pc) =	sbr.rel @p0 .LBB2_24-.Ltmp11, $4  }
0xd7: {  	_ = 	snop  }
0xd8: {  	v4 =	vadd.f32 v3, v4  }
0xd9: {  	s7 =	sshra.s32 s6, $0x2  }
0xda: {  	s6 =	sadd.s32 $0x40, s6;
	v3 =	vld [tilespmem:s7+$0x15D00];
	[tilespmem:s5+$0x15A80] =	vst v4;
	s5 =	smov.u32 s7  }
0xdb: {  	v4 =	vld [tilespmem:s5+$0x15A80];
	_ =	sdelay $0x4  }
0xdc: {  	v3 =	vadd.f32 v3, v4;
	_ =	sdelay $0x1  }
0xdd: {  	[tilespmem:s5+$0x15A80] =	vst v3  }
0xde: {  	[tilespmem:s30], [sflag:$0x1] =	stream.strided.gather [spmem:s19], $0x280, s2, s1, $0x38;
	[tilespmem:$0x18780] =	vst v63  }
0xdf: {  	_ =	swait.ge [sflag:s29], $0x280  }
0xe0: {  	[sflag:s29] =	ssyncset.done $0x0  }
0xe1: {  	s5 =	simm.s32 $0x0;
	[sflag:s29] =	ssyncadd.s32 $0xFFFFFD80  }
0xe2: {  	s6 =	simm.s32 $0x40;
	v3 =	vld [tilespmem:s5+$0x15D00]  }
.LBB2_26:
0xe3: {  	p0 =	sne.s32 s6, $0x9C0;
	v4 =	vld [tilespmem:s5+$0x15A80];
	_ =	sdelay $0x2  }
.Ltmp12:
0xe4: {  	(pc) =	sbr.rel @p0 .LBB2_26-.Ltmp12, $4  }
0xe5: {  	_ = 	snop  }
0xe6: {  	v4 =	vadd.f32 v3, v4  }
0xe7: {  	s7 =	sshra.s32 s6, $0x2  }
0xe8: {  	s6 =	sadd.s32 $0x40, s6;
	v3 =	vld [tilespmem:s7+$0x15D00];
	[tilespmem:s5+$0x15A80] =	vst v4;
	s5 =	smov.u32 s7  }
0xe9: {  	v4 =	vld [tilespmem:s5+$0x15A80];
	_ =	sdelay $0x4  }
0xea: {  	v3 =	vadd.f32 v3, v4;
	_ =	sdelay $0x1  }
0xeb: {  	[tilespmem:s5+$0x15A80] =	vst v3  }
0xec: {  	[tilespmem:s30], [sflag:$0x1] =	stream.strided.gather [spmem:s20], $0x280, s2, s1, $0x38;
	[tilespmem:$0x18780] =	vst v63  }
0xed: {  	_ =	swait.ge [sflag:s29], $0x280  }
0xee: {  	[sflag:s29] =	ssyncset.done $0x0  }
0xef: {  	s5 =	simm.s32 $0x0;
	[sflag:s29] =	ssyncadd.s32 $0xFFFFFD80  }
0xf0: {  	s6 =	simm.s32 $0x40;
	v3 =	vld [tilespmem:s5+$0x15D00]  }
.LBB2_28:
0xf1: {  	p0 =	sne.s32 s6, $0x9C0;
	v4 =	vld [tilespmem:s5+$0x15A80];
	_ =	sdelay $0x2  }
.Ltmp13:
0xf2: {  	(pc) =	sbr.rel @p0 .LBB2_28-.Ltmp13, $4  }
0xf3: {  	_ = 	snop  }
0xf4: {  	v4 =	vadd.f32 v3, v4  }
0xf5: {  	s7 =	sshra.s32 s6, $0x2  }
0xf6: {  	s6 =	sadd.s32 $0x40, s6;
	v3 =	vld [tilespmem:s7+$0x15D00];
	[tilespmem:s5+$0x15A80] =	vst v4;
	s5 =	smov.u32 s7  }
0xf7: {  	v4 =	vld [tilespmem:s5+$0x15A80];
	_ =	sdelay $0x4  }
0xf8: {  	v3 =	vadd.f32 v3, v4;
	_ =	sdelay $0x1  }
0xf9: {  	[tilespmem:s5+$0x15A80] =	vst v3  }
0xfa: {  	[tilespmem:s30], [sflag:$0x1] =	stream.strided.gather [spmem:s24], $0x280, s2, s1, $0x38;
	[tilespmem:$0x18780] =	vst v63  }
0xfb: {  	_ =	swait.ge [sflag:s29], $0x280  }
0xfc: {  	[sflag:s29] =	ssyncset.done $0x0  }
0xfd: {  	s5 =	simm.s32 $0x0;
	[sflag:s29] =	ssyncadd.s32 $0xFFFFFD80  }
0xfe: {  	s6 =	simm.s32 $0x40;
	v3 =	vld [tilespmem:s5+$0x15D00]  }
.LBB2_30:
0xff: {  	p0 =	sne.s32 s6, $0x9C0;
	v4 =	vld [tilespmem:s5+$0x15A80];
	_ =	sdelay $0x2  }
.Ltmp14:
0x100: {  	(pc) =	sbr.rel @p0 .LBB2_30-.Ltmp14, $4  }
0x101: {  	_ = 	snop  }
0x102: {  	v4 =	vadd.f32 v3, v4  }
0x103: {  	s7 =	sshra.s32 s6, $0x2  }
0x104: {  	s6 =	sadd.s32 $0x40, s6;
	v3 =	vld [tilespmem:s7+$0x15D00];
	[tilespmem:s5+$0x15A80] =	vst v4;
	s5 =	smov.u32 s7  }
0x105: {  	v4 =	vld [tilespmem:s5+$0x15A80];
	_ =	sdelay $0x4  }
0x106: {  	v3 =	vadd.f32 v3, v4;
	_ =	sdelay $0x1  }
0x107: {  	[tilespmem:s5+$0x15A80] =	vst v3  }
0x108: {  	[tilespmem:s30], [sflag:$0x1] =	stream.strided.gather [spmem:s25], $0x280, s2, s1, $0x38;
	[tilespmem:$0x18780] =	vst v63  }
0x109: {  	_ =	swait.ge [sflag:s29], $0x280  }
0x10a: {  	[sflag:s29] =	ssyncset.done $0x0  }
0x10b: {  	s5 =	simm.s32 $0x0;
	[sflag:s29] =	ssyncadd.s32 $0xFFFFFD80  }
0x10c: {  	s6 =	simm.s32 $0x40;
	v3 =	vld [tilespmem:s5+$0x15D00]  }
.LBB2_32:
0x10d: {  	p0 =	sne.s32 s6, $0x9C0;
	v4 =	vld [tilespmem:s5+$0x15A80];
	_ =	sdelay $0x2  }
.Ltmp15:
0x10e: {  	(pc) =	sbr.rel @p0 .LBB2_32-.Ltmp15, $4  }
0x10f: {  	_ = 	snop  }
0x110: {  	v4 =	vadd.f32 v3, v4  }
0x111: {  	s7 =	sshra.s32 s6, $0x2  }
0x112: {  	s6 =	sadd.s32 $0x40, s6;
	v3 =	vld [tilespmem:s7+$0x15D00];
	[tilespmem:s5+$0x15A80] =	vst v4;
	s5 =	smov.u32 s7  }
0x113: {  	v4 =	vld [tilespmem:s5+$0x15A80];
	_ =	sdelay $0x4  }
0x114: {  	v3 =	vadd.f32 v3, v4;
	_ =	sdelay $0x1  }
0x115: {  	[tilespmem:s5+$0x15A80] =	vst v3  }
0x116: {  	[tilespmem:s30], [sflag:$0x1] =	stream.strided.gather [spmem:s26], $0x280, s2, s1, $0x38;
	[tilespmem:$0x18780] =	vst v63  }
0x117: {  	_ =	swait.ge [sflag:s29], $0x280  }
0x118: {  	[sflag:s29] =	ssyncset.done $0x0  }
0x119: {  	s5 =	simm.s32 $0x0;
	[sflag:s29] =	ssyncadd.s32 $0xFFFFFD80  }
0x11a: {  	s7 =	simm.s32 $0x40;
	s6 =	simm.s32 $0x0;
	v3 =	vld [tilespmem:s5+$0x15D00]  }
.LBB2_34:
0x11b: {  	p0 =	sne.s32 s7, $0x9C0;
	v4 =	vld [tilespmem:s6+$0x15A80];
	_ =	sdelay $0x2  }
.Ltmp16:
0x11c: {  	(pc) =	sbr.rel @p0 .LBB2_34-.Ltmp16, $4  }
0x11d: {  	_ = 	snop  }
0x11e: {  	v4 =	vadd.f32 v3, v4  }
0x11f: {  	s9 =	sshra.s32 s7, $0x2  }
0x120: {  	s7 =	sadd.s32 $0x40, s7;
	v3 =	vld [tilespmem:s9+$0x15D00];
	[tilespmem:s6+$0x15A80] =	vst v4;
	s6 =	smov.u32 s9  }
0x121: {  	v4 =	vld [tilespmem:s6+$0x15A80];
	_ =	sdelay $0x4  }
0x122: {  	v3 =	vadd.f32 v3, v4;
	_ =	sdelay $0x1  }
0x123: {  	[tilespmem:s6+$0x15A80] =	vst v3;
	s6 =	simm.s32 $0x40  }
.LBB2_36:
0x124: {  	p0 =	sne.s32 s6, $0x9C0;
	v3 =	vld [tilespmem:s5+$0x15A80];
	_ =	sdelay $0x4  }
0x125: {  	v3 =	vmax.f32 v3, $1.000000000e+00  }
0x126: {  	(erf) = vrcp.f32 v3;
	_ =	sdelay $0x7  }
0x127: {  	v3 =	vmul.f32 $5.000000000e-01, v3  }
0x128: {  	v4 =	vpop (erf)  }
0x129: {  	v5 =	vmul.f32 v4, v3;
	_ =	sdelay $0x1  }
0x12a: {  	v5 =	vmul.f32 v5, v4;
	_ =	sdelay $0x1  }
0x12b: {  	v5 =	vsub.f32 $1.500000000e+00, v5;
	_ =	sdelay $0x1  }
0x12c: {  	v4 =	vmul.f32 v5, v4;
	_ =	sdelay $0x1  }
0x12d: {  	v5 =	vmul.f32 v4, v3;
	_ =	sdelay $0x1  }
0x12e: {  	v5 =	vmul.f32 v5, v4;
	_ =	sdelay $0x1  }
0x12f: {  	v5 =	vsub.f32 $1.500000000e+00, v5;
	_ =	sdelay $0x1  }
0x130: {  	v4 =	vmul.f32 v5, v4;
	_ =	sdelay $0x1  }
0x131: {  	v5 =	vmul.f32 v4, v3;
	_ =	sdelay $0x1  }
0x132: {  	v5 =	vmul.f32 v5, v4;
	_ =	sdelay $0x1  }
0x133: {  	v5 =	vsub.f32 $1.500000000e+00, v5;
	_ =	sdelay $0x1  }
0x134: {  	v4 =	vmul.f32 v5, v4;
	_ =	sdelay $0x1  }
0x135: {  	v5 =	vmul.f32 v4, v3;
	_ =	sdelay $0x1  }
0x136: {  	v5 =	vmul.f32 v5, v4;
	_ =	sdelay $0x1  }
0x137: {  	v5 =	vsub.f32 $1.500000000e+00, v5;
	_ =	sdelay $0x1  }
0x138: {  	v4 =	vmul.f32 v5, v4;
	_ =	sdelay $0x1  }
0x139: {  	v5 =	vmul.f32 v4, v3;
	_ =	sdelay $0x1  }
0x13a: {  	v5 =	vmul.f32 v5, v4;
	_ =	sdelay $0x1  }
0x13b: {  	v5 =	vsub.f32 $1.500000000e+00, v5;
	_ =	sdelay $0x1  }
0x13c: {  	v4 =	vmul.f32 v5, v4;
	_ =	sdelay $0x1  }
0x13d: {  	v5 =	vmul.f32 v4, v3;
	_ =	sdelay $0x1  }
0x13e: {  	v5 =	vmul.f32 v5, v4;
	_ =	sdelay $0x1  }
0x13f: {  	v5 =	vsub.f32 $1.500000000e+00, v5;
	_ =	sdelay $0x1  }
0x140: {  	v4 =	vmul.f32 v5, v4;
	_ =	sdelay $0x1  }
0x141: {  	v5 =	vmul.f32 v4, v3;
	_ =	sdelay $0x1  }
0x142: {  	v5 =	vmul.f32 v5, v4;
	_ =	sdelay $0x1  }
0x143: {  	v5 =	vsub.f32 $1.500000000e+00, v5;
	_ =	sdelay $0x1  }
0x144: {  	v4 =	vmul.f32 v5, v4;
	_ =	sdelay $0x1  }
0x145: {  	v5 =	vmul.f32 v4, v3;
	_ =	sdelay $0x1  }
0x146: {  	v5 =	vmul.f32 v5, v4;
	_ =	sdelay $0x1  }
0x147: {  	v5 =	vsub.f32 $1.500000000e+00, v5;
	_ =	sdelay $0x1  }
0x148: {  	v4 =	vmul.f32 v5, v4;
	_ =	sdelay $0x1  }
0x149: {  	v5 =	vmul.f32 v4, v3;
	_ =	sdelay $0x1  }
0x14a: {  	v5 =	vmul.f32 v5, v4;
	_ =	sdelay $0x1  }
0x14b: {  	v5 =	vsub.f32 $1.500000000e+00, v5;
	_ =	sdelay $0x1  }
0x14c: {  	v4 =	vmul.f32 v5, v4;
	_ =	sdelay $0x1  }
0x14d: {  	v5 =	vmul.f32 v4, v3;
	_ =	sdelay $0x1  }
0x14e: {  	v5 =	vmul.f32 v5, v4;
	_ =	sdelay $0x1  }
0x14f: {  	v5 =	vsub.f32 $1.500000000e+00, v5;
	_ =	sdelay $0x1  }
0x150: {  	v4 =	vmul.f32 v5, v4;
	_ =	sdelay $0x1  }
0x151: {  	v5 =	vmul.f32 v4, v3;
	_ =	sdelay $0x1  }
0x152: {  	v5 =	vmul.f32 v5, v4;
	_ =	sdelay $0x1  }
0x153: {  	v5 =	vsub.f32 $1.500000000e+00, v5;
	_ =	sdelay $0x1  }
0x154: {  	v4 =	vmul.f32 v5, v4;
	_ =	sdelay $0x1  }
0x155: {  	v5 =	vmul.f32 v4, v3;
	_ =	sdelay $0x1  }
0x156: {  	v5 =	vmul.f32 v5, v4;
	_ =	sdelay $0x1  }
0x157: {  	v5 =	vsub.f32 $1.500000000e+00, v5;
	_ =	sdelay $0x1  }
0x158: {  	v4 =	vmul.f32 v5, v4;
	_ =	sdelay $0x1  }
0x159: {  	v5 =	vmul.f32 v4, v3;
	_ =	sdelay $0x1  }
0x15a: {  	v5 =	vmul.f32 v5, v4;
	_ =	sdelay $0x1  }
0x15b: {  	v5 =	vsub.f32 $1.500000000e+00, v5;
	_ =	sdelay $0x1  }
0x15c: {  	v4 =	vmul.f32 v5, v4;
	_ =	sdelay $0x1  }
0x15d: {  	v5 =	vmul.f32 v4, v3;
	_ =	sdelay $0x1  }
0x15e: {  	v5 =	vmul.f32 v5, v4;
	_ =	sdelay $0x1  }
0x15f: {  	v5 =	vsub.f32 $1.500000000e+00, v5;
	_ =	sdelay $0x1  }
0x160: {  	v4 =	vmul.f32 v5, v4;
	_ =	sdelay $0x1  }
0x161: {  	v5 =	vmul.f32 v4, v3;
	_ =	sdelay $0x1  }
0x162: {  	v5 =	vmul.f32 v5, v4;
	_ =	sdelay $0x1  }
0x163: {  	v5 =	vsub.f32 $1.500000000e+00, v5;
	_ =	sdelay $0x1  }
0x164: {  	v4 =	vmul.f32 v5, v4;
	_ =	sdelay $0x1  }
0x165: {  	v5 =	vmul.f32 v4, v3;
	_ =	sdelay $0x1  }
0x166: {  	v5 =	vmul.f32 v5, v4;
	_ =	sdelay $0x1  }
0x167: {  	v5 =	vsub.f32 $1.500000000e+00, v5;
	_ =	sdelay $0x1  }
0x168: {  	v4 =	vmul.f32 v5, v4;
	_ =	sdelay $0x1  }
0x169: {  	v5 =	vmul.f32 v4, v3;
	_ =	sdelay $0x1  }
0x16a: {  	v5 =	vmul.f32 v5, v4;
	_ =	sdelay $0x1  }
0x16b: {  	v5 =	vsub.f32 $1.500000000e+00, v5;
	_ =	sdelay $0x1  }
0x16c: {  	v4 =	vmul.f32 v5, v4;
	_ =	sdelay $0x1  }
0x16d: {  	v5 =	vmul.f32 v4, v3;
	_ =	sdelay $0x1  }
0x16e: {  	v5 =	vmul.f32 v5, v4;
	_ =	sdelay $0x1  }
0x16f: {  	v5 =	vsub.f32 $1.500000000e+00, v5;
	_ =	sdelay $0x1  }
0x170: {  	v4 =	vmul.f32 v5, v4;
	_ =	sdelay $0x1  }
0x171: {  	v5 =	vmul.f32 v4, v3;
	_ =	sdelay $0x1  }
0x172: {  	v5 =	vmul.f32 v5, v4;
	_ =	sdelay $0x1  }
0x173: {  	v5 =	vsub.f32 $1.500000000e+00, v5;
	_ =	sdelay $0x1  }
0x174: {  	v4 =	vmul.f32 v5, v4;
	_ =	sdelay $0x1  }
0x175: {  	v5 =	vmul.f32 v4, v3;
	_ =	sdelay $0x1  }
0x176: {  	v5 =	vmul.f32 v5, v4;
	_ =	sdelay $0x1  }
0x177: {  	v5 =	vsub.f32 $1.500000000e+00, v5;
	_ =	sdelay $0x1  }
0x178: {  	v4 =	vmul.f32 v5, v4;
	_ =	sdelay $0x1  }
0x179: {  	v5 =	vmul.f32 v4, v3;
	_ =	sdelay $0x1  }
0x17a: {  	v5 =	vmul.f32 v5, v4;
	_ =	sdelay $0x1  }
0x17b: {  	v5 =	vsub.f32 $1.500000000e+00, v5;
	_ =	sdelay $0x1  }
0x17c: {  	v4 =	vmul.f32 v5, v4;
	_ =	sdelay $0x1  }
0x17d: {  	v5 =	vmul.f32 v4, v3;
	_ =	sdelay $0x1  }
0x17e: {  	v5 =	vmul.f32 v5, v4;
	_ =	sdelay $0x1  }
0x17f: {  	v5 =	vsub.f32 $1.500000000e+00, v5;
	_ =	sdelay $0x1  }
0x180: {  	v4 =	vmul.f32 v5, v4;
	_ =	sdelay $0x1  }
0x181: {  	v5 =	vmul.f32 v4, v3;
	_ =	sdelay $0x1  }
0x182: {  	v5 =	vmul.f32 v5, v4;
	_ =	sdelay $0x1  }
0x183: {  	v5 =	vsub.f32 $1.500000000e+00, v5;
	_ =	sdelay $0x1  }
0x184: {  	v4 =	vmul.f32 v5, v4;
	_ =	sdelay $0x1  }
0x185: {  	v3 =	vmul.f32 v4, v3;
	_ =	sdelay $0x1  }
0x186: {  	v3 =	vmul.f32 v3, v4;
	_ =	sdelay $0x1  }
.Ltmp17:
0x187: {  	v3 =	vsub.f32 $1.500000000e+00, v3;
	(pc) =	sbr.rel @p0 .LBB2_36-.Ltmp17, $3  }
0x188: {  	_ = 	snop  }
0x189: {  	v3 =	vmul.f32 v3, v4;
	_ =	sdelay $0x1  }
0x18a: {  	[tilespmem:s5+$0x15A80] =	vst v3;
	s5 =	sshra.s32 s6, $0x2;
	s6 =	sadd.s32 $0x40, s6  }
0x18b: {  	v3 =	vld [tilespmem:s5+$0x15A80];
	_ =	sdelay $0x4  }
0x18c: {  	v3 =	vmax.f32 v3, $1.000000000e+00  }
0x18d: {  	(erf) = vrcp.f32 v3;
	_ =	sdelay $0x7  }
0x18e: {  	v3 =	vmul.f32 $5.000000000e-01, v3  }
0x18f: {  	v4 =	vpop (erf)  }
0x190: {  	v5 =	vmul.f32 v4, v3;
	_ =	sdelay $0x1  }
0x191: {  	v5 =	vmul.f32 v5, v4;
	_ =	sdelay $0x1  }
0x192: {  	v5 =	vsub.f32 $1.500000000e+00, v5;
	_ =	sdelay $0x1  }
0x193: {  	v4 =	vmul.f32 v5, v4;
	_ =	sdelay $0x1  }
0x194: {  	v5 =	vmul.f32 v4, v3;
	_ =	sdelay $0x1  }
0x195: {  	v5 =	vmul.f32 v5, v4;
	_ =	sdelay $0x1  }
0x196: {  	v5 =	vsub.f32 $1.500000000e+00, v5;
	_ =	sdelay $0x1  }
0x197: {  	v4 =	vmul.f32 v5, v4;
	_ =	sdelay $0x1  }
0x198: {  	v5 =	vmul.f32 v4, v3;
	_ =	sdelay $0x1  }
0x199: {  	v5 =	vmul.f32 v5, v4;
	_ =	sdelay $0x1  }
0x19a: {  	v5 =	vsub.f32 $1.500000000e+00, v5;
	_ =	sdelay $0x1  }
0x19b: {  	v4 =	vmul.f32 v5, v4;
	_ =	sdelay $0x1  }
0x19c: {  	v5 =	vmul.f32 v4, v3;
	_ =	sdelay $0x1  }
0x19d: {  	v5 =	vmul.f32 v5, v4;
	_ =	sdelay $0x1  }
0x19e: {  	v5 =	vsub.f32 $1.500000000e+00, v5;
	_ =	sdelay $0x1  }
0x19f: {  	v4 =	vmul.f32 v5, v4;
	_ =	sdelay $0x1  }
0x1a0: {  	v5 =	vmul.f32 v4, v3;
	_ =	sdelay $0x1  }
0x1a1: {  	v5 =	vmul.f32 v5, v4;
	_ =	sdelay $0x1  }
0x1a2: {  	v5 =	vsub.f32 $1.500000000e+00, v5;
	_ =	sdelay $0x1  }
0x1a3: {  	v4 =	vmul.f32 v5, v4;
	_ =	sdelay $0x1  }
0x1a4: {  	v5 =	vmul.f32 v4, v3;
	_ =	sdelay $0x1  }
0x1a5: {  	v5 =	vmul.f32 v5, v4;
	_ =	sdelay $0x1  }
0x1a6: {  	v5 =	vsub.f32 $1.500000000e+00, v5;
	_ =	sdelay $0x1  }
0x1a7: {  	v4 =	vmul.f32 v5, v4;
	_ =	sdelay $0x1  }
0x1a8: {  	v5 =	vmul.f32 v4, v3;
	_ =	sdelay $0x1  }
0x1a9: {  	v5 =	vmul.f32 v5, v4;
	_ =	sdelay $0x1  }
0x1aa: {  	v5 =	vsub.f32 $1.500000000e+00, v5;
	_ =	sdelay $0x1  }
0x1ab: {  	v4 =	vmul.f32 v5, v4;
	_ =	sdelay $0x1  }
0x1ac: {  	v5 =	vmul.f32 v4, v3;
	_ =	sdelay $0x1  }
0x1ad: {  	v5 =	vmul.f32 v5, v4;
	_ =	sdelay $0x1  }
0x1ae: {  	v5 =	vsub.f32 $1.500000000e+00, v5;
	_ =	sdelay $0x1  }
0x1af: {  	v4 =	vmul.f32 v5, v4;
	_ =	sdelay $0x1  }
0x1b0: {  	v5 =	vmul.f32 v4, v3;
	_ =	sdelay $0x1  }
0x1b1: {  	v5 =	vmul.f32 v5, v4;
	_ =	sdelay $0x1  }
0x1b2: {  	v5 =	vsub.f32 $1.500000000e+00, v5;
	_ =	sdelay $0x1  }
0x1b3: {  	v4 =	vmul.f32 v5, v4;
	_ =	sdelay $0x1  }
0x1b4: {  	v5 =	vmul.f32 v4, v3;
	_ =	sdelay $0x1  }
0x1b5: {  	v5 =	vmul.f32 v5, v4;
	_ =	sdelay $0x1  }
0x1b6: {  	v5 =	vsub.f32 $1.500000000e+00, v5;
	_ =	sdelay $0x1  }
0x1b7: {  	v4 =	vmul.f32 v5, v4;
	_ =	sdelay $0x1  }
0x1b8: {  	v5 =	vmul.f32 v4, v3;
	_ =	sdelay $0x1  }
0x1b9: {  	v5 =	vmul.f32 v5, v4;
	_ =	sdelay $0x1  }
0x1ba: {  	v5 =	vsub.f32 $1.500000000e+00, v5;
	_ =	sdelay $0x1  }
0x1bb: {  	v4 =	vmul.f32 v5, v4;
	_ =	sdelay $0x1  }
0x1bc: {  	v5 =	vmul.f32 v4, v3;
	_ =	sdelay $0x1  }
0x1bd: {  	v5 =	vmul.f32 v5, v4;
	_ =	sdelay $0x1  }
0x1be: {  	v5 =	vsub.f32 $1.500000000e+00, v5;
	_ =	sdelay $0x1  }
0x1bf: {  	v4 =	vmul.f32 v5, v4;
	_ =	sdelay $0x1  }
0x1c0: {  	v5 =	vmul.f32 v4, v3;
	_ =	sdelay $0x1  }
0x1c1: {  	v5 =	vmul.f32 v5, v4;
	_ =	sdelay $0x1  }
0x1c2: {  	v5 =	vsub.f32 $1.500000000e+00, v5;
	_ =	sdelay $0x1  }
0x1c3: {  	v4 =	vmul.f32 v5, v4;
	_ =	sdelay $0x1  }
0x1c4: {  	v5 =	vmul.f32 v4, v3;
	_ =	sdelay $0x1  }
0x1c5: {  	v5 =	vmul.f32 v5, v4;
	_ =	sdelay $0x1  }
0x1c6: {  	v5 =	vsub.f32 $1.500000000e+00, v5;
	_ =	sdelay $0x1  }
0x1c7: {  	v4 =	vmul.f32 v5, v4;
	_ =	sdelay $0x1  }
0x1c8: {  	v5 =	vmul.f32 v4, v3;
	_ =	sdelay $0x1  }
0x1c9: {  	v5 =	vmul.f32 v5, v4;
	_ =	sdelay $0x1  }
0x1ca: {  	v5 =	vsub.f32 $1.500000000e+00, v5;
	_ =	sdelay $0x1  }
0x1cb: {  	v4 =	vmul.f32 v5, v4;
	_ =	sdelay $0x1  }
0x1cc: {  	v5 =	vmul.f32 v4, v3;
	_ =	sdelay $0x1  }
0x1cd: {  	v5 =	vmul.f32 v5, v4;
	_ =	sdelay $0x1  }
0x1ce: {  	v5 =	vsub.f32 $1.500000000e+00, v5;
	_ =	sdelay $0x1  }
0x1cf: {  	v4 =	vmul.f32 v5, v4;
	_ =	sdelay $0x1  }
0x1d0: {  	v5 =	vmul.f32 v4, v3;
	_ =	sdelay $0x1  }
0x1d1: {  	v5 =	vmul.f32 v5, v4;
	_ =	sdelay $0x1  }
0x1d2: {  	v5 =	vsub.f32 $1.500000000e+00, v5;
	_ =	sdelay $0x1  }
0x1d3: {  	v4 =	vmul.f32 v5, v4;
	_ =	sdelay $0x1  }
0x1d4: {  	v5 =	vmul.f32 v4, v3;
	_ =	sdelay $0x1  }
0x1d5: {  	v5 =	vmul.f32 v5, v4;
	_ =	sdelay $0x1  }
0x1d6: {  	v5 =	vsub.f32 $1.500000000e+00, v5;
	_ =	sdelay $0x1  }
0x1d7: {  	v4 =	vmul.f32 v5, v4;
	_ =	sdelay $0x1  }
0x1d8: {  	v5 =	vmul.f32 v4, v3;
	_ =	sdelay $0x1  }
0x1d9: {  	v5 =	vmul.f32 v5, v4;
	_ =	sdelay $0x1  }
0x1da: {  	v5 =	vsub.f32 $1.500000000e+00, v5;
	_ =	sdelay $0x1  }
0x1db: {  	v4 =	vmul.f32 v5, v4;
	_ =	sdelay $0x1  }
0x1dc: {  	v5 =	vmul.f32 v4, v3;
	_ =	sdelay $0x1  }
0x1dd: {  	v5 =	vmul.f32 v5, v4;
	_ =	sdelay $0x1  }
0x1de: {  	v5 =	vsub.f32 $1.500000000e+00, v5;
	_ =	sdelay $0x1  }
0x1df: {  	v4 =	vmul.f32 v5, v4;
	_ =	sdelay $0x1  }
0x1e0: {  	v5 =	vmul.f32 v4, v3;
	_ =	sdelay $0x1  }
0x1e1: {  	v5 =	vmul.f32 v5, v4;
	_ =	sdelay $0x1  }
0x1e2: {  	v5 =	vsub.f32 $1.500000000e+00, v5;
	_ =	sdelay $0x1  }
0x1e3: {  	v4 =	vmul.f32 v5, v4;
	_ =	sdelay $0x1  }
0x1e4: {  	v5 =	vmul.f32 v4, v3;
	_ =	sdelay $0x1  }
0x1e5: {  	v5 =	vmul.f32 v5, v4;
	_ =	sdelay $0x1  }
0x1e6: {  	v5 =	vsub.f32 $1.500000000e+00, v5;
	_ =	sdelay $0x1  }
0x1e7: {  	v4 =	vmul.f32 v5, v4;
	_ =	sdelay $0x1  }
0x1e8: {  	v5 =	vmul.f32 v4, v3;
	_ =	sdelay $0x1  }
0x1e9: {  	v5 =	vmul.f32 v5, v4;
	_ =	sdelay $0x1  }
0x1ea: {  	v5 =	vsub.f32 $1.500000000e+00, v5;
	_ =	sdelay $0x1  }
0x1eb: {  	v4 =	vmul.f32 v5, v4;
	_ =	sdelay $0x1  }
0x1ec: {  	v3 =	vmul.f32 v4, v3;
	_ =	sdelay $0x1  }
0x1ed: {  	v3 =	vmul.f32 v3, v4;
	_ =	sdelay $0x1  }
0x1ee: {  	v3 =	vsub.f32 $1.500000000e+00, v3;
	_ =	sdelay $0x1  }
0x1ef: {  	v3 =	vmul.f32 v3, v4;
	_ =	sdelay $0x1  }
0x1f0: {  	[tilespmem:s5+$0x15A80] =	vst v3  }
0x1f1: {  	[spmem:s21] =	stream.linear.scatter [tilespmem:s28], [sflag:$0x1], $0x280, $0x38;
	[tilespmem:$0x18780] =	vst v63  }
0x1f2: {  	_ =	swait.ge [sflag:s29], $0x280  }
0x1f3: {  	[sflag:s29] =	ssyncset.done $0x0  }
0x1f4: {  	[sflag:s29] =	ssyncadd.s32 $0xFFFFFD80  }
0x1f5: {  	[bflag:$0x0] =	sbarrier.arrive $0xFFFF  }
0x1f6: {  	s9 =	rddreg [dreg:$0x2]  }
0x1f7: {  	[tilespmem:s31], [sflag:$0x1] =	stream.linear.gather [spmem:s9], $0x2800, $0x38;
	[tilespmem:$0x18780] =	vst v63  }
0x1f8: {  	_ =	swait.ge [sflag:s29], $0x2800  }
0x1f9: {  	[sflag:s29] =	ssyncset.done $0x0  }
0x1fa: {  	s5 =	simm.s32 $0x0;
	[sflag:s29] =	ssyncadd.s32 $0xFFFFD800  }
.LBB2_38:
0x1fb: {  	s6 =	sshra.s32 s5, $0x2  }
0x1fc: {  	v3 =	vld [tilespmem:s6+$0x10280];
	_ =	sdelay $0x1  }
0x1fd: {  	v4 =	vld.idx.msk [tilespmem:v0+s6+$0xFFFFFFC0 ss:$0x1], $0xffff;
	_ =	sdelay $0x4  }
0x1fe: {  	v5 =	vld.idx.msk [tilespmem:v1+s6+$0xFFFFFFC0 ss:$0x1], $0xffff  }
0x1ff: {  	v3 =	vld.idx.msk [tilespmem:v3+s31+$0x0], $0xffff;
	_ =	sdelay $0x1  }
0x200: {  	v4 =	vld.idx.msk [tilespmem:v4+s31+$0x0], $0xffff;
	_ =	sdelay $0x2  }
0x201: {  	v3 =	vmul.f32 v5, v3;
	_ =	sdelay $0x1  }
0x202: {  	v50 =	vld [tilespmem:s6+$0x10290];
	v3 =	vmul.f32 v3, v4;
	_ =	sdelay $0x1  }
0x203: {  	[tilespmem:s6+$0x12E80] =	vst v3  }
0x204: {  	v3 =	vld.idx.msk [tilespmem:v0+s6+$0xFFFFFFD0 ss:$0x1], $0xffff;
	_ =	sdelay $0x4  }
0x205: {  	v4 =	vld.idx.msk [tilespmem:v50+s31+$0x0], $0xffff  }
0x206: {  	v51 =	vld.idx.msk [tilespmem:v1+s6+$0xFFFFFFD0 ss:$0x1], $0xffff;
	_ =	sdelay $0x1  }
0x207: {  	v3 =	vld.idx.msk [tilespmem:v3+s31+$0x0], $0xffff;
	_ =	sdelay $0x2  }
0x208: {  	v4 =	vmul.f32 v51, v4;
	_ =	sdelay $0x1  }
0x209: {  	v52 =	vld [tilespmem:s6+$0x102A0];
	v3 =	vmul.f32 v4, v3;
	_ =	sdelay $0x1  }
0x20a: {  	[tilespmem:s6+$0x12E90] =	vst v3  }
0x20b: {  	v3 =	vld.idx.msk [tilespmem:v0+s6+$0xFFFFFFE0 ss:$0x1], $0xffff;
	_ =	sdelay $0x4  }
0x20c: {  	v4 =	vld.idx.msk [tilespmem:v52+s31+$0x0], $0xffff  }
0x20d: {  	v53 =	vld.idx.msk [tilespmem:v1+s6+$0xFFFFFFE0 ss:$0x1], $0xffff;
	_ =	sdelay $0x1  }
0x20e: {  	v3 =	vld.idx.msk [tilespmem:v3+s31+$0x0], $0xffff;
	_ =	sdelay $0x2  }
0x20f: {  	v4 =	vmul.f32 v53, v4;
	_ =	sdelay $0x1  }
0x210: {  	v54 =	vld [tilespmem:s6+$0x102B0];
	v3 =	vmul.f32 v4, v3;
	_ =	sdelay $0x1  }
0x211: {  	[tilespmem:s6+$0x12EA0] =	vst v3  }
0x212: {  	v3 =	vld.idx.msk [tilespmem:v0+s6+$0xFFFFFFF0 ss:$0x1], $0xffff;
	_ =	sdelay $0x4  }
0x213: {  	v4 =	vld.idx.msk [tilespmem:v54+s31+$0x0], $0xffff  }
0x214: {  	v55 =	vld.idx.msk [tilespmem:v1+s6+$0xFFFFFFF0 ss:$0x1], $0xffff;
	_ =	sdelay $0x1  }
0x215: {  	v3 =	vld.idx.msk [tilespmem:v3+s31+$0x0], $0xffff;
	_ =	sdelay $0x2  }
0x216: {  	v4 =	vmul.f32 v55, v4;
	_ =	sdelay $0x1  }
0x217: {  	v56 =	vld [tilespmem:s6+$0x102C0];
	v3 =	vmul.f32 v4, v3;
	_ =	sdelay $0x1  }
0x218: {  	[tilespmem:s6+$0x12EB0] =	vst v3  }
0x219: {  	v3 =	vld.idx.msk [tilespmem:v0+s6+$0x0 ss:$0x1], $0xffff;
	_ =	sdelay $0x4  }
0x21a: {  	v4 =	vld.idx.msk [tilespmem:v56+s31+$0x0], $0xffff  }
0x21b: {  	v57 =	vld.idx.msk [tilespmem:v1+s6+$0x0 ss:$0x1], $0xffff;
	_ =	sdelay $0x1  }
0x21c: {  	v3 =	vld.idx.msk [tilespmem:v3+s31+$0x0], $0xffff;
	_ =	sdelay $0x2  }
0x21d: {  	v4 =	vmul.f32 v57, v4;
	_ =	sdelay $0x1  }
0x21e: {  	v58 =	vld [tilespmem:s6+$0x102D0];
	v3 =	vmul.f32 v4, v3;
	_ =	sdelay $0x1  }
0x21f: {  	[tilespmem:s6+$0x12EC0] =	vst v3  }
0x220: {  	v3 =	vld.idx.msk [tilespmem:v0+s6+$0x10 ss:$0x1], $0xffff;
	_ =	sdelay $0x4  }
0x221: {  	v4 =	vld.idx.msk [tilespmem:v58+s31+$0x0], $0xffff  }
0x222: {  	v59 =	vld.idx.msk [tilespmem:v1+s6+$0x10 ss:$0x1], $0xffff;
	_ =	sdelay $0x1  }
0x223: {  	v3 =	vld.idx.msk [tilespmem:v3+s31+$0x0], $0xffff;
	_ =	sdelay $0x2  }
0x224: {  	v4 =	vmul.f32 v59, v4;
	_ =	sdelay $0x1  }
0x225: {  	v60 =	vld [tilespmem:s6+$0x102E0];
	v3 =	vmul.f32 v4, v3;
	_ =	sdelay $0x1  }
0x226: {  	[tilespmem:s6+$0x12ED0] =	vst v3  }
0x227: {  	v3 =	vld.idx.msk [tilespmem:v0+s6+$0x20 ss:$0x1], $0xffff;
	_ =	sdelay $0x4  }
0x228: {  	v4 =	vld.idx.msk [tilespmem:v60+s31+$0x0], $0xffff  }
0x229: {  	v61 =	vld.idx.msk [tilespmem:v1+s6+$0x20 ss:$0x1], $0xffff;
	_ =	sdelay $0x1  }
0x22a: {  	v3 =	vld.idx.msk [tilespmem:v3+s31+$0x0], $0xffff;
	_ =	sdelay $0x2  }
0x22b: {  	v4 =	vmul.f32 v61, v4;
	_ =	sdelay $0x1  }
0x22c: {  	v62 =	vld [tilespmem:s6+$0x102F0];
	v3 =	vmul.f32 v4, v3;
	_ =	sdelay $0x1  }
0x22d: {  	[tilespmem:s6+$0x12EE0] =	vst v3  }
0x22e: {  	v3 =	vld.idx.msk [tilespmem:v0+s6+$0x30 ss:$0x1], $0xffff;
	_ =	sdelay $0x4  }
0x22f: {  	v4 =	vld.idx.msk [tilespmem:v62+s31+$0x0], $0xffff  }
0x230: {  	v63 =	vld.idx.msk [tilespmem:v1+s6+$0x30 ss:$0x1], $0xffff;
	_ =	sdelay $0x1  }
0x231: {  	v3 =	vld.idx.msk [tilespmem:v3+s31+$0x0], $0xffff;
	_ =	sdelay $0x1  }
0x232: {  	p0 =	sne.s32 s5, $0xAE00  }
.Ltmp18:
0x233: {  	v4 =	vmul.f32 v63, v4;
	(pc) =	sbr.rel @p0 .LBB2_38-.Ltmp18, $3  }
0x234: {  	_ = 	snop  }
0x235: {  	v3 =	vmul.f32 v4, v3;
	_ =	sdelay $0x1  }
0x236: {  	s5 =	sadd.s32 $0x200, s5;
	[tilespmem:s6+$0x12EF0] =	vst v3  }
0x237: {  	s4 =	sadd.s32 $0x1, s4  }
0x238: {  	p0 =	sne.s32 s4, s23  }
.Ltmp19:
0x239: {  	s5 =	simm.s32 $0x12E80;
	(pc) =	sbr.rel @p0 .LBB2_1-.Ltmp19, $4  }
0x23a: {  	[hbm4b:s22+s3] =	stream.linear.scatter [tilespmem:s5], [sflag:$0x1], $0x2C00, $0x38;
	[tilespmem:$0x18780] =	vst v63  }
0x23b: {  	_ =	swait.ge [sflag:s29], $0x2C00  }
0x23c: {  	[sflag:s29] =	ssyncset.done $0x0  }
0x23d: {  	[sflag:s29] =	ssyncadd.s32 $0xFFFFD400  }
0x23e: {  	_ =	sfence.sel $0x180000  }
0x23f: {  	[bflag:$0x0] =	sbarrier.arrive $0xFFFF  }
0x240: {  	_ =	strace $0x90000047  }
0x241: {  	s0 =	stileid.u32;
	[bflag:$0x2] =	sbarrier.arrive $0xFFFF  }
0x242: {  	p0 =	sne.s32 s0, $0x0;
	s0 =	rddreg [dreg:$0x3]  }
0x243: {  	s0 =	sadd.s32 @!p0 $0x100000, s0  }
0x244: {  	[sflag:s0] =	ssyncadd.tile.s32 @!p0 $0x1;
	_ =	shalt  }
.Lfunc_end2:
_tile_overlayer_lowered:
.L_overlay_start_2:
0x245: {  	(tag) =	ssettag $0x2  }
0x246: {  	s0 =	rddreg [dreg:$0x0];
	s2 =	stileid.u32  }
0x247: {  	s1 =	rddreg [dreg:$0x1];
	p0 =	sne.s32 s2, $0x0  }
0x248: {  	s3 =	rddreg [dreg:$0x2];
	[bflag:$0x3] =	sbarrier.arrive $0xFFFF;
	s2 =	simm.s32 @!p0 $0x1C01  }
0x249: {  	[timem:s3], [sflag:s2] =	dma.local @!p0 [hbm:s0], s1  }
0x24a: {  	s0 =	simm.s32 @!p0 $0x1  }
0x24b: {  	_ =	swait.ge @!p0 [sflag:s0], s1  }
0x24c: {  	s1 =	ssub.s32 @!p0 $0x0, s1;
	[sflag:s0] =	ssyncset.done @!p0 $0x0  }
0x24d: {  	[sflag:s0] =	ssyncadd.s32 @!p0 s1  }
0x24e: {  	[bflag:$0x3] =	sbarrier.arrive $0xFFFF  }
0x24f: {  	_ =	shalt  }

</sc_bundles>
